<compile_context>
chip_gen: v7x
topology: tpu7x:2x2x1
jax: 0.10.2.dev20260603
libtpu: 0.0.44.dev20260713+nightly
codegen_flags: <defaults>
</compile_context>

<pallas_src>
import jax
import jax.numpy as jnp
from jax import lax
from jax.experimental import pallas as pl
from jax.experimental.pallas import tpu as pltpu
from jax.experimental.pallas import tpu_sc as plsc

DIM = 64
BATCH = 16384

_INFO = plsc.get_sparse_core_info()
_NC, _NS, _L = _INFO.num_cores, _INFO.num_subcores, _INFO.num_lanes
_NW = _NC * _NS
_BW = BATCH // _NW
_NR = 4
_NSUB = DIM // _L


def _rsqrt(x):
    i = plsc.bitcast(x, jnp.int32)
    i = jnp.int32(0x5F3759DF) - (i >> 1)
    y = plsc.bitcast(i, jnp.float32)
    for _ in range(3):
        y = y * (1.5 - 0.5 * x * y * y)
    return y


def _body(mentors_t, mentees_t, o_idx, e_idx, out, o_id_v, e_id_v,
          o_blk, e_blk, out_v, tb_d, tb_o, tb_e, sem):
    wid = lax.axis_index("s") * _NC + lax.axis_index("c")
    pltpu.sync_copy(o_idx.at[wid], o_id_v)
    pltpu.sync_copy(e_idx.at[wid], e_id_v)

    iota = lax.iota(jnp.int32, _L)

    def load_ids(base):
        pos = (jnp.full((_L,), base, jnp.int32) + iota) & (_BW - 1)
        r, c = pos >> 7, pos & 127
        return (plsc.load_gather(o_id_v, [r, c]),
                plsc.load_gather(e_id_v, [r, c]))

    def fire(o_id, e_id, slot):
        oc = pl.multiple_of((o_id >> 7) * 128, 128)
        ec = pl.multiple_of((e_id >> 7) * 128, 128)
        pltpu.async_copy(mentors_t.at[:, pl.ds(oc, 128)], o_blk.at[slot], sem)
        pltpu.async_copy(mentees_t.at[:, pl.ds(ec, 128)], e_blk.at[slot], sem)

    ov0, ev0 = load_ids(0)
    for b in range(_NR):
        fire(ov0[b], ev0[b], b)

    def drain_one():
        pltpu.make_async_copy(
            mentors_t.at[:, pl.ds(0, 128)], o_blk.at[0], sem).wait()
        pltpu.make_async_copy(
            mentees_t.at[:, pl.ds(0, 128)], e_blk.at[0], sem).wait()

    def round_(r, _):
        base = r * _L
        ovc, evc = load_ids(base)
        ovn, evn = load_ids(base + _L)
        for u in range(_L):
            slot = u % _NR
            drain_one()
            ocv = jnp.full((_L,), ovc[u] & 127, dtype=jnp.int32)
            ecv = jnp.full((_L,), evc[u] & 127, dtype=jnp.int32)
            sd = jnp.zeros((_L,), jnp.float32)
            so = jnp.zeros((_L,), jnp.float32)
            se = jnp.zeros((_L,), jnp.float32)
            for c in range(_NSUB):
                rows = iota + (c * _L)
                o = plsc.load_gather(o_blk.at[slot], [rows, ocv])
                e = plsc.load_gather(e_blk.at[slot], [rows, ecv])
                sd = sd + o * e
                so = so + o * o
                se = se + e * e
            plsc.store_scatter(tb_d, [iota + (u * 17)], sd)
            plsc.store_scatter(tb_o, [iota + (u * 17)], so)
            plsc.store_scatter(tb_e, [iota + (u * 17)], se)
            if u + _NR < _L:
                fire(ovc[u + _NR], evc[u + _NR], slot)
            else:
                fire(ovn[u + _NR - _L], evn[u + _NR - _L], slot)
        cols = iota * 17
        dot = jnp.zeros((_L,), jnp.float32)
        oo = jnp.zeros((_L,), jnp.float32)
        ee = jnp.zeros((_L,), jnp.float32)
        for c in range(_L):
            idx = cols + jnp.full((_L,), c, dtype=jnp.int32)
            dot = dot + plsc.load_gather(tb_d, [idx])
            oo = oo + plsc.load_gather(tb_o, [idx])
            ee = ee + plsc.load_gather(tb_e, [idx])
        res = dot * _rsqrt(oo * ee)
        pos = jnp.full((_L,), base, jnp.int32) + iota
        plsc.store_scatter(out_v, [pos >> 7, pos & 127], res)
        return _

    lax.fori_loop(0, _BW // _L, round_, None)
    for _i in range(_NR):
        drain_one()
    pltpu.sync_copy(out_v, out.at[wid])


@jax.jit
def kernel(o_id, e_id, mentors, mentees):
    sc = pl.kernel(
        _body,
        out_type=jax.ShapeDtypeStruct((_NW, _BW // 128, 128), jnp.float32),
        mesh=plsc.VectorSubcoreMesh(core_axis_name="c", subcore_axis_name="s"),
        compiler_params=pltpu.CompilerParams(needs_layout_passes=False),
        scratch_types=[
            pltpu.VMEM((_BW // 128, 128), jnp.int32),
            pltpu.VMEM((_BW // 128, 128), jnp.int32),
            pltpu.VMEM((_NR, DIM, 128), jnp.float32),
            pltpu.VMEM((_NR, DIM, 128), jnp.float32),
            pltpu.VMEM((_BW // 128, 128), jnp.float32),
            pltpu.VMEM((17 * _L,), jnp.float32),
            pltpu.VMEM((17 * _L,), jnp.float32),
            pltpu.VMEM((17 * _L,), jnp.float32),
            pltpu.SemaphoreType.DMA,
        ],
    )
    res = sc(mentors.T, mentees.T,
             o_id.reshape(_NW, _BW // 128, 128),
             e_id.reshape(_NW, _BW // 128, 128))
    return res.reshape(BATCH)

# --- scband reference (transcript-rebuilt; emitter-appended) ---
"""Pipeline reference for scband-embedding-generation-model-31086973289068 (READ-ONLY COPY).

The authoritative reference and input builder live on the scoring server;
editing this copy changes nothing except your own understanding.
"""

import jax, jax.numpy as jnp
import numpy as np

NUM_MENTORS = 1000000
NUM_MENTEES = 1000000
DIM = 64
BATCH = 16384

def setup_inputs(seed: int = 0) -> dict:
    key = jax.random.key(seed)
    k1, k2, k3, k4 = jax.random.split(key, 4)
    o_id = jax.random.randint(k1, (BATCH,), 0, NUM_MENTORS, dtype=jnp.int64 if jax.config.jax_enable_x64 else jnp.int32).astype(jnp.int32)
    e_id = jax.random.randint(k2, (BATCH,), 0, NUM_MENTEES, dtype=jnp.int64 if jax.config.jax_enable_x64 else jnp.int32).astype(jnp.int32)
    mentors = jax.random.normal(k3, (NUM_MENTORS, DIM), dtype=jnp.float32)
    mentees = jax.random.normal(k4, (NUM_MENTEES, DIM), dtype=jnp.float32)
    return {"o_id": o_id, "e_id": e_id, "mentors": mentors, "mentees": mentees}

def reference(o_id, e_id, mentors, mentees):
    # embedding lookups (gather)
    o_vec = jnp.take(mentors, o_id, axis=0)  # [B, DIM]
    e_vec = jnp.take(mentees, e_id, axis=0)  # [B, DIM]
    o_norm = jnp.linalg.norm(o_vec, axis=1)
    e_norm = jnp.linalg.norm(e_vec, axis=1)
    return jnp.sum(o_vec * e_vec, axis=1) / (o_norm * e_norm)

if __name__ == "__main__":
    import jax
    _d = setup_inputs()
    print(jax.jit(kernel)(*tuple(_d.values())))

</pallas_src>

<mosaic_0001>
#map = affine_map<(d0, d1) -> (0, 0)>
#map1 = affine_map<(d0, d1) -> (0, 0, 0)>
module attributes {stable_mosaic.version = 14 : i64} {
  func.func @_body(%arg0: i32, %arg1: i32, %arg2: memref<64x1000000xf32, #tpu.memory_space<hbm>>, %arg3: memref<64x1000000xf32, #tpu.memory_space<hbm>>, %arg4: memref<32x4x128xi32, #tpu.memory_space<hbm>>, %arg5: memref<32x4x128xi32, #tpu.memory_space<hbm>>, %arg6: memref<32x4x128xf32, #tpu.memory_space<hbm>>, %arg7: memref<4x128xi32, #tpu.memory_space<vmem>>, %arg8: memref<4x128xi32, #tpu.memory_space<vmem>>, %arg9: memref<4x64x128xf32, #tpu.memory_space<vmem>>, %arg10: memref<4x64x128xf32, #tpu.memory_space<vmem>>, %arg11: memref<4x128xf32, #tpu.memory_space<vmem>>, %arg12: memref<272xf32, #tpu.memory_space<vmem>>, %arg13: memref<272xf32, #tpu.memory_space<vmem>>, %arg14: memref<272xf32, #tpu.memory_space<vmem>>, %arg15: memref<!tpu.dma_semaphore, #tpu.memory_space<semaphore_mem>>) attributes {dimension_semantics = [#tpu.dimension_semantics<core_parallel>, #tpu.dimension_semantics<subcore_parallel>], iteration_bounds = array<i64: 2, 16>, scalar_prefetch = 0 : i64, scratch_operands = 9 : i64, tpu.core_type = #tpu.core_type<sc_vector_subcore>, window_params = [{transform_indices = #map}, {transform_indices = #map}, {transform_indices = #map1}, {transform_indices = #map1}, {transform_indices = #map1}]} {
    %mul3A = arith.constant 2 : i32
    %mul3A_0 = arith.muli %arg1, %mul3A : i32
    %add3A = arith.addi %mul3A_0, %arg0 : i32
    "tpu.region"() ({
      %run_scoped3A = tpu.sem_alloc : memref<!tpu.dma_semaphore, #tpu.memory_space<semaphore_mem>>
      %dma_start3A_290 = arith.constant 0 : i32
      %dma_start3A_291 = arith.constant 0 : i32
      %dma_start3A_292 = tpu.memref_slice %arg4[%add3A, %dma_start3A_290, %dma_start3A_291] : memref<32x4x128xi32, #tpu.memory_space<hbm>> -> memref<1x4x128xi32, #tpu.memory_space<hbm>>
      %dma_start3A_293 = tpu.memref_squeeze %dma_start3A_292 : memref<1x4x128xi32, #tpu.memory_space<hbm>> -> memref<4x128xi32, #tpu.memory_space<hbm>>
      %dma_start3A_294 = arith.constant 0 : i32
      %dma_start3A_295 = arith.constant 0 : i32
      %dma_start3A_296 = tpu.memref_slice %arg4[%add3A, %dma_start3A_294, %dma_start3A_295] : memref<32x4x128xi32, #tpu.memory_space<hbm>> -> memref<1x4x128xi32, #tpu.memory_space<hbm>>
      %dma_start3A_297 = tpu.memref_squeeze %dma_start3A_296 : memref<1x4x128xi32, #tpu.memory_space<hbm>> -> memref<4x128xi32, #tpu.memory_space<hbm>>
      tpu.enqueue_dma source(%dma_start3A_297 : memref<4x128xi32, #tpu.memory_space<hbm>>) target(%arg7 : memref<4x128xi32, #tpu.memory_space<vmem>>) target_semaphore(%run_scoped3A : memref<!tpu.dma_semaphore, #tpu.memory_space<semaphore_mem>>)
      %dma_wait3A_298 = arith.constant 0 : i32
      %dma_wait3A_299 = arith.constant 0 : i32
      %dma_wait3A_300 = tpu.memref_slice %arg4[%add3A, %dma_wait3A_298, %dma_wait3A_299] : memref<32x4x128xi32, #tpu.memory_space<hbm>> -> memref<1x4x128xi32, #tpu.memory_space<hbm>>
      %dma_wait3A_301 = tpu.memref_squeeze %dma_wait3A_300 : memref<1x4x128xi32, #tpu.memory_space<hbm>> -> memref<4x128xi32, #tpu.memory_space<hbm>>
      %dma_wait3A_302 = arith.constant 0 : i32
      %dma_wait3A_303 = arith.constant 0 : i32
      %dma_wait3A_304 = tpu.memref_slice %arg4[%add3A, %dma_wait3A_302, %dma_wait3A_303] : memref<32x4x128xi32, #tpu.memory_space<hbm>> -> memref<1x4x128xi32, #tpu.memory_space<hbm>>
      %dma_wait3A_305 = tpu.memref_squeeze %dma_wait3A_304 : memref<1x4x128xi32, #tpu.memory_space<hbm>> -> memref<4x128xi32, #tpu.memory_space<hbm>>
      tpu.wait_dma2 semaphore(%run_scoped3A : memref<!tpu.dma_semaphore, #tpu.memory_space<semaphore_mem>>) src(%dma_wait3A_305 : memref<4x128xi32, #tpu.memory_space<hbm>>) dst(%arg7 : memref<4x128xi32, #tpu.memory_space<vmem>>)
      tpu.yield
    }) : () -> ()
    "tpu.region"() ({
      %run_scoped3A = tpu.sem_alloc : memref<!tpu.dma_semaphore, #tpu.memory_space<semaphore_mem>>
      %dma_start3A_290 = arith.constant 0 : i32
      %dma_start3A_291 = arith.constant 0 : i32
      %dma_start3A_292 = tpu.memref_slice %arg5[%add3A, %dma_start3A_290, %dma_start3A_291] : memref<32x4x128xi32, #tpu.memory_space<hbm>> -> memref<1x4x128xi32, #tpu.memory_space<hbm>>
      %dma_start3A_293 = tpu.memref_squeeze %dma_start3A_292 : memref<1x4x128xi32, #tpu.memory_space<hbm>> -> memref<4x128xi32, #tpu.memory_space<hbm>>
      %dma_start3A_294 = arith.constant 0 : i32
      %dma_start3A_295 = arith.constant 0 : i32
      %dma_start3A_296 = tpu.memref_slice %arg5[%add3A, %dma_start3A_294, %dma_start3A_295] : memref<32x4x128xi32, #tpu.memory_space<hbm>> -> memref<1x4x128xi32, #tpu.memory_space<hbm>>
      %dma_start3A_297 = tpu.memref_squeeze %dma_start3A_296 : memref<1x4x128xi32, #tpu.memory_space<hbm>> -> memref<4x128xi32, #tpu.memory_space<hbm>>
      tpu.enqueue_dma source(%dma_start3A_297 : memref<4x128xi32, #tpu.memory_space<hbm>>) target(%arg8 : memref<4x128xi32, #tpu.memory_space<vmem>>) target_semaphore(%run_scoped3A : memref<!tpu.dma_semaphore, #tpu.memory_space<semaphore_mem>>)
      %dma_wait3A_298 = arith.constant 0 : i32
      %dma_wait3A_299 = arith.constant 0 : i32
      %dma_wait3A_300 = tpu.memref_slice %arg5[%add3A, %dma_wait3A_298, %dma_wait3A_299] : memref<32x4x128xi32, #tpu.memory_space<hbm>> -> memref<1x4x128xi32, #tpu.memory_space<hbm>>
      %dma_wait3A_301 = tpu.memref_squeeze %dma_wait3A_300 : memref<1x4x128xi32, #tpu.memory_space<hbm>> -> memref<4x128xi32, #tpu.memory_space<hbm>>
      %dma_wait3A_302 = arith.constant 0 : i32
      %dma_wait3A_303 = arith.constant 0 : i32
      %dma_wait3A_304 = tpu.memref_slice %arg5[%add3A, %dma_wait3A_302, %dma_wait3A_303] : memref<32x4x128xi32, #tpu.memory_space<hbm>> -> memref<1x4x128xi32, #tpu.memory_space<hbm>>
      %dma_wait3A_305 = tpu.memref_squeeze %dma_wait3A_304 : memref<1x4x128xi32, #tpu.memory_space<hbm>> -> memref<4x128xi32, #tpu.memory_space<hbm>>
      tpu.wait_dma2 semaphore(%run_scoped3A : memref<!tpu.dma_semaphore, #tpu.memory_space<semaphore_mem>>) src(%dma_wait3A_305 : memref<4x128xi32, #tpu.memory_space<hbm>>) dst(%arg8 : memref<4x128xi32, #tpu.memory_space<vmem>>)
      tpu.yield
    }) : () -> ()
    %iota3A = tpu.iota {dimensions = array<i32: 0>} : vector<16xi32>
    %broadcast_in_dim3A = arith.constant 0 : i32
    %broadcast_in_dim3A_1 = vector.broadcast %broadcast_in_dim3A : i32 to vector<16xi32>
    %add3A_2 = arith.addi %broadcast_in_dim3A_1, %iota3A : vector<16xi32>
    %and3A = arith.constant 511 : i32
    %and3A_3 = vector.broadcast %and3A : i32 to vector<16xi32>
    %and3A_4 = arith.andi %add3A_2, %and3A_3 : vector<16xi32>
    %shift_right_arithmetic3A = arith.constant 7 : i32
    %shift_right_arithmetic3A_5 = vector.broadcast %shift_right_arithmetic3A : i32 to vector<16xi32>
    %shift_right_arithmetic3A_6 = arith.shrsi %and3A_4, %shift_right_arithmetic3A_5 : vector<16xi32>
    %and3A_7 = arith.constant 127 : i32
    %and3A_8 = vector.broadcast %and3A_7 : i32 to vector<16xi32>
    %and3A_9 = arith.andi %and3A_4, %and3A_8 : vector<16xi32>
    %gather3A = tpu.vector_load_idx %arg7[%shift_right_arithmetic3A_6, %and3A_9] : memref<4x128xi32, #tpu.memory_space<vmem>>[vector<16xi32>, vector<16xi32>], vector<16xi32>,
    %gather3A_10 = tpu.vector_load_idx %arg8[%shift_right_arithmetic3A_6, %and3A_9] : memref<4x128xi32, #tpu.memory_space<vmem>>[vector<16xi32>, vector<16xi32>], vector<16xi32>,
    %slice3A = vector.extract_strided_slice %gather3A {offsets = [0], sizes = [1], strides = [1]} : vector<16xi32> to vector<1xi32>
    %squeeze3A = vector.extract %slice3A[0] : i32 from vector<1xi32>
    %slice3A_11 = vector.extract_strided_slice %gather3A_10 {offsets = [0], sizes = [1], strides = [1]} : vector<16xi32> to vector<1xi32>
    %squeeze3A_12 = vector.extract %slice3A_11[0] : i32 from vector<1xi32>
    %shift_right_arithmetic3A_13 = arith.constant 7 : i32
    %shift_right_arithmetic3A_14 = arith.shrsi %squeeze3A, %shift_right_arithmetic3A_13 : i32
    %mul3A_15 = arith.constant 128 : i32
    %mul3A_16 = arith.muli %shift_right_arithmetic3A_14, %mul3A_15 : i32
    %multiple_of3A = tpu.assume_multiple %mul3A_16, 128 : i32
    %shift_right_arithmetic3A_17 = arith.constant 7 : i32
    %shift_right_arithmetic3A_18 = arith.shrsi %squeeze3A_12, %shift_right_arithmetic3A_17 : i32
    %mul3A_19 = arith.constant 128 : i32
    %mul3A_20 = arith.muli %shift_right_arithmetic3A_18, %mul3A_19 : i32
    %multiple_of3A_21 = tpu.assume_multiple %mul3A_20, 128 : i32
    %dma_start3A = arith.constant 0 : i32
    %dma_start3A_22 = arith.constant 0 : i32
    %dma_start3A_23 = arith.constant 0 : i32
    %dma_start3A_24 = tpu.memref_slice %arg9[%dma_start3A, %dma_start3A_22, %dma_start3A_23] : memref<4x64x128xf32, #tpu.memory_space<vmem>> -> memref<1x64x128xf32, #tpu.memory_space<vmem>>
    %dma_start3A_25 = tpu.memref_squeeze %dma_start3A_24 : memref<1x64x128xf32, #tpu.memory_space<vmem>> -> memref<64x128xf32, #tpu.memory_space<vmem>>
    %dma_start3A_26 = arith.constant 0 : i32
    %dma_start3A_27 = tpu.memref_slice %arg2[%dma_start3A_26, %multiple_of3A] : memref<64x1000000xf32, #tpu.memory_space<hbm>> -> memref<64x128xf32, #tpu.memory_space<hbm>>
    %dma_start3A_28 = arith.constant 0 : i32
    %dma_start3A_29 = arith.constant 0 : i32
    %dma_start3A_30 = tpu.memref_slice %arg9[%dma_start3A, %dma_start3A_28, %dma_start3A_29] : memref<4x64x128xf32, #tpu.memory_space<vmem>> -> memref<1x64x128xf32, #tpu.memory_space<vmem>>
    %dma_start3A_31 = tpu.memref_squeeze %dma_start3A_30 : memref<1x64x128xf32, #tpu.memory_space<vmem>> -> memref<64x128xf32, #tpu.memory_space<vmem>>
    %dma_start3A_32 = arith.constant 0 : i32
    %dma_start3A_33 = tpu.memref_slice %arg2[%dma_start3A_32, %multiple_of3A] : memref<64x1000000xf32, #tpu.memory_space<hbm>> -> memref<64x128xf32, #tpu.memory_space<hbm>>
    tpu.enqueue_dma source(%dma_start3A_33 : memref<64x128xf32, #tpu.memory_space<hbm>>) target(%dma_start3A_31 : memref<64x128xf32, #tpu.memory_space<vmem>>) target_semaphore(%arg15 : memref<!tpu.dma_semaphore, #tpu.memory_space<semaphore_mem>>)
    %dma_start3A_34 = arith.constant 0 : i32
    %dma_start3A_35 = arith.constant 0 : i32
    %dma_start3A_36 = arith.constant 0 : i32
    %dma_start3A_37 = tpu.memref_slice %arg10[%dma_start3A_34, %dma_start3A_35, %dma_start3A_36] : memref<4x64x128xf32, #tpu.memory_space<vmem>> -> memref<1x64x128xf32, #tpu.memory_space<vmem>>
    %dma_start3A_38 = tpu.memref_squeeze %dma_start3A_37 : memref<1x64x128xf32, #tpu.memory_space<vmem>> -> memref<64x128xf32, #tpu.memory_space<vmem>>
    %dma_start3A_39 = arith.constant 0 : i32
    %dma_start3A_40 = tpu.memref_slice %arg3[%dma_start3A_39, %multiple_of3A_21] : memref<64x1000000xf32, #tpu.memory_space<hbm>> -> memref<64x128xf32, #tpu.memory_space<hbm>>
    %dma_start3A_41 = arith.constant 0 : i32
    %dma_start3A_42 = arith.constant 0 : i32
    %dma_start3A_43 = tpu.memref_slice %arg10[%dma_start3A_34, %dma_start3A_41, %dma_start3A_42] : memref<4x64x128xf32, #tpu.memory_space<vmem>> -> memref<1x64x128xf32, #tpu.memory_space<vmem>>
    %dma_start3A_44 = tpu.memref_squeeze %dma_start3A_43 : memref<1x64x128xf32, #tpu.memory_space<vmem>> -> memref<64x128xf32, #tpu.memory_space<vmem>>
    %dma_start3A_45 = arith.constant 0 : i32
    %dma_start3A_46 = tpu.memref_slice %arg3[%dma_start3A_45, %multiple_of3A_21] : memref<64x1000000xf32, #tpu.memory_space<hbm>> -> memref<64x128xf32, #tpu.memory_space<hbm>>
    tpu.enqueue_dma source(%dma_start3A_46 : memref<64x128xf32, #tpu.memory_space<hbm>>) target(%dma_start3A_44 : memref<64x128xf32, #tpu.memory_space<vmem>>) target_semaphore(%arg15 : memref<!tpu.dma_semaphore, #tpu.memory_space<semaphore_mem>>)
    %slice3A_47 = vector.extract_strided_slice %gather3A {offsets = [1], sizes = [1], strides = [1]} : vector<16xi32> to vector<1xi32>
    %squeeze3A_48 = vector.extract %slice3A_47[0] : i32 from vector<1xi32>
    %slice3A_49 = vector.extract_strided_slice %gather3A_10 {offsets = [1], sizes = [1], strides = [1]} : vector<16xi32> to vector<1xi32>
    %squeeze3A_50 = vector.extract %slice3A_49[0] : i32 from vector<1xi32>
    %shift_right_arithmetic3A_51 = arith.constant 7 : i32
    %shift_right_arithmetic3A_52 = arith.shrsi %squeeze3A_48, %shift_right_arithmetic3A_51 : i32
    %mul3A_53 = arith.constant 128 : i32
    %mul3A_54 = arith.muli %shift_right_arithmetic3A_52, %mul3A_53 : i32
    %multiple_of3A_55 = tpu.assume_multiple %mul3A_54, 128 : i32
    %shift_right_arithmetic3A_56 = arith.constant 7 : i32
    %shift_right_arithmetic3A_57 = arith.shrsi %squeeze3A_50, %shift_right_arithmetic3A_56 : i32
    %mul3A_58 = arith.constant 128 : i32
    %mul3A_59 = arith.muli %shift_right_arithmetic3A_57, %mul3A_58 : i32
    %multiple_of3A_60 = tpu.assume_multiple %mul3A_59, 128 : i32
    %dma_start3A_61 = arith.constant 1 : i32
    %dma_start3A_62 = arith.constant 0 : i32
    %dma_start3A_63 = arith.constant 0 : i32
    %dma_start3A_64 = tpu.memref_slice %arg9[%dma_start3A_61, %dma_start3A_62, %dma_start3A_63] : memref<4x64x128xf32, #tpu.memory_space<vmem>> -> memref<1x64x128xf32, #tpu.memory_space<vmem>>
    %dma_start3A_65 = tpu.memref_squeeze %dma_start3A_64 : memref<1x64x128xf32, #tpu.memory_space<vmem>> -> memref<64x128xf32, #tpu.memory_space<vmem>>
    %dma_start3A_66 = arith.constant 0 : i32
    %dma_start3A_67 = tpu.memref_slice %arg2[%dma_start3A_66, %multiple_of3A_55] : memref<64x1000000xf32, #tpu.memory_space<hbm>> -> memref<64x128xf32, #tpu.memory_space<hbm>>
    %dma_start3A_68 = arith.constant 0 : i32
    %dma_start3A_69 = arith.constant 0 : i32
    %dma_start3A_70 = tpu.memref_slice %arg9[%dma_start3A_61, %dma_start3A_68, %dma_start3A_69] : memref<4x64x128xf32, #tpu.memory_space<vmem>> -> memref<1x64x128xf32, #tpu.memory_space<vmem>>
    %dma_start3A_71 = tpu.memref_squeeze %dma_start3A_70 : memref<1x64x128xf32, #tpu.memory_space<vmem>> -> memref<64x128xf32, #tpu.memory_space<vmem>>
    %dma_start3A_72 = arith.constant 0 : i32
    %dma_start3A_73 = tpu.memref_slice %arg2[%dma_start3A_72, %multiple_of3A_55] : memref<64x1000000xf32, #tpu.memory_space<hbm>> -> memref<64x128xf32, #tpu.memory_space<hbm>>
    tpu.enqueue_dma source(%dma_start3A_73 : memref<64x128xf32, #tpu.memory_space<hbm>>) target(%dma_start3A_71 : memref<64x128xf32, #tpu.memory_space<vmem>>) target_semaphore(%arg15 : memref<!tpu.dma_semaphore, #tpu.memory_space<semaphore_mem>>)
    %dma_start3A_74 = arith.constant 1 : i32
    %dma_start3A_75 = arith.constant 0 : i32
    %dma_start3A_76 = arith.constant 0 : i32
    %dma_start3A_77 = tpu.memref_slice %arg10[%dma_start3A_74, %dma_start3A_75, %dma_start3A_76] : memref<4x64x128xf32, #tpu.memory_space<vmem>> -> memref<1x64x128xf32, #tpu.memory_space<vmem>>
    %dma_start3A_78 = tpu.memref_squeeze %dma_start3A_77 : memref<1x64x128xf32, #tpu.memory_space<vmem>> -> memref<64x128xf32, #tpu.memory_space<vmem>>
    %dma_start3A_79 = arith.constant 0 : i32
    %dma_start3A_80 = tpu.memref_slice %arg3[%dma_start3A_79, %multiple_of3A_60] : memref<64x1000000xf32, #tpu.memory_space<hbm>> -> memref<64x128xf32, #tpu.memory_space<hbm>>
    %dma_start3A_81 = arith.constant 0 : i32
    %dma_start3A_82 = arith.constant 0 : i32
    %dma_start3A_83 = tpu.memref_slice %arg10[%dma_start3A_74, %dma_start3A_81, %dma_start3A_82] : memref<4x64x128xf32, #tpu.memory_space<vmem>> -> memref<1x64x128xf32, #tpu.memory_space<vmem>>
    %dma_start3A_84 = tpu.memref_squeeze %dma_start3A_83 : memref<1x64x128xf32, #tpu.memory_space<vmem>> -> memref<64x128xf32, #tpu.memory_space<vmem>>
    %dma_start3A_85 = arith.constant 0 : i32
    %dma_start3A_86 = tpu.memref_slice %arg3[%dma_start3A_85, %multiple_of3A_60] : memref<64x1000000xf32, #tpu.memory_space<hbm>> -> memref<64x128xf32, #tpu.memory_space<hbm>>
    tpu.enqueue_dma source(%dma_start3A_86 : memref<64x128xf32, #tpu.memory_space<hbm>>) target(%dma_start3A_84 : memref<64x128xf32, #tpu.memory_space<vmem>>) target_semaphore(%arg15 : memref<!tpu.dma_semaphore, #tpu.memory_space<semaphore_mem>>)
    %slice3A_87 = vector.extract_strided_slice %gather3A {offsets = [2], sizes = [1], strides = [1]} : vector<16xi32> to vector<1xi32>
    %squeeze3A_88 = vector.extract %slice3A_87[0] : i32 from vector<1xi32>
    %slice3A_89 = vector.extract_strided_slice %gather3A_10 {offsets = [2], sizes = [1], strides = [1]} : vector<16xi32> to vector<1xi32>
    %squeeze3A_90 = vector.extract %slice3A_89[0] : i32 from vector<1xi32>
    %shift_right_arithmetic3A_91 = arith.constant 7 : i32
    %shift_right_arithmetic3A_92 = arith.shrsi %squeeze3A_88, %shift_right_arithmetic3A_91 : i32
    %mul3A_93 = arith.constant 128 : i32
    %mul3A_94 = arith.muli %shift_right_arithmetic3A_92, %mul3A_93 : i32
    %multiple_of3A_95 = tpu.assume_multiple %mul3A_94, 128 : i32
    %shift_right_arithmetic3A_96 = arith.constant 7 : i32
    %shift_right_arithmetic3A_97 = arith.shrsi %squeeze3A_90, %shift_right_arithmetic3A_96 : i32
    %mul3A_98 = arith.constant 128 : i32
    %mul3A_99 = arith.muli %shift_right_arithmetic3A_97, %mul3A_98 : i32
    %multiple_of3A_100 = tpu.assume_multiple %mul3A_99, 128 : i32
    %dma_start3A_101 = arith.constant 2 : i32
    %dma_start3A_102 = arith.constant 0 : i32
    %dma_start3A_103 = arith.constant 0 : i32
    %dma_start3A_104 = tpu.memref_slice %arg9[%dma_start3A_101, %dma_start3A_102, %dma_start3A_103] : memref<4x64x128xf32, #tpu.memory_space<vmem>> -> memref<1x64x128xf32, #tpu.memory_space<vmem>>
    %dma_start3A_105 = tpu.memref_squeeze %dma_start3A_104 : memref<1x64x128xf32, #tpu.memory_space<vmem>> -> memref<64x128xf32, #tpu.memory_space<vmem>>
    %dma_start3A_106 = arith.constant 0 : i32
    %dma_start3A_107 = tpu.memref_slice %arg2[%dma_start3A_106, %multiple_of3A_95] : memref<64x1000000xf32, #tpu.memory_space<hbm>> -> memref<64x128xf32, #tpu.memory_space<hbm>>
    %dma_start3A_108 = arith.constant 0 : i32
    %dma_start3A_109 = arith.constant 0 : i32
    %dma_start3A_110 = tpu.memref_slice %arg9[%dma_start3A_101, %dma_start3A_108, %dma_start3A_109] : memref<4x64x128xf32, #tpu.memory_space<vmem>> -> memref<1x64x128xf32, #tpu.memory_space<vmem>>
    %dma_start3A_111 = tpu.memref_squeeze %dma_start3A_110 : memref<1x64x128xf32, #tpu.memory_space<vmem>> -> memref<64x128xf32, #tpu.memory_space<vmem>>
    %dma_start3A_112 = arith.constant 0 : i32
    %dma_start3A_113 = tpu.memref_slice %arg2[%dma_start3A_112, %multiple_of3A_95] : memref<64x1000000xf32, #tpu.memory_space<hbm>> -> memref<64x128xf32, #tpu.memory_space<hbm>>
    tpu.enqueue_dma source(%dma_start3A_113 : memref<64x128xf32, #tpu.memory_space<hbm>>) target(%dma_start3A_111 : memref<64x128xf32, #tpu.memory_space<vmem>>) target_semaphore(%arg15 : memref<!tpu.dma_semaphore, #tpu.memory_space<semaphore_mem>>)
    %dma_start3A_114 = arith.constant 2 : i32
    %dma_start3A_115 = arith.constant 0 : i32
    %dma_start3A_116 = arith.constant 0 : i32
    %dma_start3A_117 = tpu.memref_slice %arg10[%dma_start3A_114, %dma_start3A_115, %dma_start3A_116] : memref<4x64x128xf32, #tpu.memory_space<vmem>> -> memref<1x64x128xf32, #tpu.memory_space<vmem>>
    %dma_start3A_118 = tpu.memref_squeeze %dma_start3A_117 : memref<1x64x128xf32, #tpu.memory_space<vmem>> -> memref<64x128xf32, #tpu.memory_space<vmem>>
    %dma_start3A_119 = arith.constant 0 : i32
    %dma_start3A_120 = tpu.memref_slice %arg3[%dma_start3A_119, %multiple_of3A_100] : memref<64x1000000xf32, #tpu.memory_space<hbm>> -> memref<64x128xf32, #tpu.memory_space<hbm>>
    %dma_start3A_121 = arith.constant 0 : i32
    %dma_start3A_122 = arith.constant 0 : i32
    %dma_start3A_123 = tpu.memref_slice %arg10[%dma_start3A_114, %dma_start3A_121, %dma_start3A_122] : memref<4x64x128xf32, #tpu.memory_space<vmem>> -> memref<1x64x128xf32, #tpu.memory_space<vmem>>
    %dma_start3A_124 = tpu.memref_squeeze %dma_start3A_123 : memref<1x64x128xf32, #tpu.memory_space<vmem>> -> memref<64x128xf32, #tpu.memory_space<vmem>>
    %dma_start3A_125 = arith.constant 0 : i32
    %dma_start3A_126 = tpu.memref_slice %arg3[%dma_start3A_125, %multiple_of3A_100] : memref<64x1000000xf32, #tpu.memory_space<hbm>> -> memref<64x128xf32, #tpu.memory_space<hbm>>
    tpu.enqueue_dma source(%dma_start3A_126 : memref<64x128xf32, #tpu.memory_space<hbm>>) target(%dma_start3A_124 : memref<64x128xf32, #tpu.memory_space<vmem>>) target_semaphore(%arg15 : memref<!tpu.dma_semaphore, #tpu.memory_space<semaphore_mem>>)
    %slice3A_127 = vector.extract_strided_slice %gather3A {offsets = [3], sizes = [1], strides = [1]} : vector<16xi32> to vector<1xi32>
    %squeeze3A_128 = vector.extract %slice3A_127[0] : i32 from vector<1xi32>
    %slice3A_129 = vector.extract_strided_slice %gather3A_10 {offsets = [3], sizes = [1], strides = [1]} : vector<16xi32> to vector<1xi32>
    %squeeze3A_130 = vector.extract %slice3A_129[0] : i32 from vector<1xi32>
    %shift_right_arithmetic3A_131 = arith.constant 7 : i32
    %shift_right_arithmetic3A_132 = arith.shrsi %squeeze3A_128, %shift_right_arithmetic3A_131 : i32
    %mul3A_133 = arith.constant 128 : i32
    %mul3A_134 = arith.muli %shift_right_arithmetic3A_132, %mul3A_133 : i32
    %multiple_of3A_135 = tpu.assume_multiple %mul3A_134, 128 : i32
    %shift_right_arithmetic3A_136 = arith.constant 7 : i32
    %shift_right_arithmetic3A_137 = arith.shrsi %squeeze3A_130, %shift_right_arithmetic3A_136 : i32
    %mul3A_138 = arith.constant 128 : i32
    %mul3A_139 = arith.muli %shift_right_arithmetic3A_137, %mul3A_138 : i32
    %multiple_of3A_140 = tpu.assume_multiple %mul3A_139, 128 : i32
    %dma_start3A_141 = arith.constant 3 : i32
    %dma_start3A_142 = arith.constant 0 : i32
    %dma_start3A_143 = arith.constant 0 : i32
    %dma_start3A_144 = tpu.memref_slice %arg9[%dma_start3A_141, %dma_start3A_142, %dma_start3A_143] : memref<4x64x128xf32, #tpu.memory_space<vmem>> -> memref<1x64x128xf32, #tpu.memory_space<vmem>>
    %dma_start3A_145 = tpu.memref_squeeze %dma_start3A_144 : memref<1x64x128xf32, #tpu.memory_space<vmem>> -> memref<64x128xf32, #tpu.memory_space<vmem>>
    %dma_start3A_146 = arith.constant 0 : i32
    %dma_start3A_147 = tpu.memref_slice %arg2[%dma_start3A_146, %multiple_of3A_135] : memref<64x1000000xf32, #tpu.memory_space<hbm>> -> memref<64x128xf32, #tpu.memory_space<hbm>>
    %dma_start3A_148 = arith.constant 0 : i32
    %dma_start3A_149 = arith.constant 0 : i32
    %dma_start3A_150 = tpu.memref_slice %arg9[%dma_start3A_141, %dma_start3A_148, %dma_start3A_149] : memref<4x64x128xf32, #tpu.memory_space<vmem>> -> memref<1x64x128xf32, #tpu.memory_space<vmem>>
    %dma_start3A_151 = tpu.memref_squeeze %dma_start3A_150 : memref<1x64x128xf32, #tpu.memory_space<vmem>> -> memref<64x128xf32, #tpu.memory_space<vmem>>
    %dma_start3A_152 = arith.constant 0 : i32
    %dma_start3A_153 = tpu.memref_slice %arg2[%dma_start3A_152, %multiple_of3A_135] : memref<64x1000000xf32, #tpu.memory_space<hbm>> -> memref<64x128xf32, #tpu.memory_space<hbm>>
    tpu.enqueue_dma source(%dma_start3A_153 : memref<64x128xf32, #tpu.memory_space<hbm>>) target(%dma_start3A_151 : memref<64x128xf32, #tpu.memory_space<vmem>>) target_semaphore(%arg15 : memref<!tpu.dma_semaphore, #tpu.memory_space<semaphore_mem>>)
    %dma_start3A_154 = arith.constant 3 : i32
    %dma_start3A_155 = arith.constant 0 : i32
    %dma_start3A_156 = arith.constant 0 : i32
    %dma_start3A_157 = tpu.memref_slice %arg10[%dma_start3A_154, %dma_start3A_155, %dma_start3A_156] : memref<4x64x128xf32, #tpu.memory_space<vmem>> -> memref<1x64x128xf32, #tpu.memory_space<vmem>>
    %dma_start3A_158 = tpu.memref_squeeze %dma_start3A_157 : memref<1x64x128xf32, #tpu.memory_space<vmem>> -> memref<64x128xf32, #tpu.memory_space<vmem>>
    %dma_start3A_159 = arith.constant 0 : i32
    %dma_start3A_160 = tpu.memref_slice %arg3[%dma_start3A_159, %multiple_of3A_140] : memref<64x1000000xf32, #tpu.memory_space<hbm>> -> memref<64x128xf32, #tpu.memory_space<hbm>>
    %dma_start3A_161 = arith.constant 0 : i32
    %dma_start3A_162 = arith.constant 0 : i32
    %dma_start3A_163 = tpu.memref_slice %arg10[%dma_start3A_154, %dma_start3A_161, %dma_start3A_162] : memref<4x64x128xf32, #tpu.memory_space<vmem>> -> memref<1x64x128xf32, #tpu.memory_space<vmem>>
    %dma_start3A_164 = tpu.memref_squeeze %dma_start3A_163 : memref<1x64x128xf32, #tpu.memory_space<vmem>> -> memref<64x128xf32, #tpu.memory_space<vmem>>
    %dma_start3A_165 = arith.constant 0 : i32
    %dma_start3A_166 = tpu.memref_slice %arg3[%dma_start3A_165, %multiple_of3A_140] : memref<64x1000000xf32, #tpu.memory_space<hbm>> -> memref<64x128xf32, #tpu.memory_space<hbm>>
    tpu.enqueue_dma source(%dma_start3A_166 : memref<64x128xf32, #tpu.memory_space<hbm>>) target(%dma_start3A_164 : memref<64x128xf32, #tpu.memory_space<vmem>>) target_semaphore(%arg15 : memref<!tpu.dma_semaphore, #tpu.memory_space<semaphore_mem>>)
    %scan3A = arith.constant 0 : i32
    %scan3A_167 = arith.constant 32 : i32
    %scan3A_168 = arith.addi %scan3A, %scan3A_167 : i32
    %scan3A_169 = arith.constant 1 : i32
    scf.for %scan3A_290 = %scan3A to %scan3A_168 step %scan3A_169  : i32 {
      %mul3A_291 = arith.constant 16 : i32
      %mul3A_292 = arith.muli %scan3A_290, %mul3A_291 : i32
      %broadcast_in_dim3A_293 = vector.broadcast %mul3A_292 : i32 to vector<16xi32>
      %add3A_294 = arith.addi %broadcast_in_dim3A_293, %iota3A : vector<16xi32>
      %and3A_295 = arith.constant 511 : i32
      %and3A_296 = vector.broadcast %and3A_295 : i32 to vector<16xi32>
      %and3A_297 = arith.andi %add3A_294, %and3A_296 : vector<16xi32>
      %shift_right_arithmetic3A_298 = arith.constant 7 : i32
      %shift_right_arithmetic3A_299 = vector.broadcast %shift_right_arithmetic3A_298 : i32 to vector<16xi32>
      %shift_right_arithmetic3A_300 = arith.shrsi %and3A_297, %shift_right_arithmetic3A_299 : vector<16xi32>
      %and3A_301 = arith.constant 127 : i32
      %and3A_302 = vector.broadcast %and3A_301 : i32 to vector<16xi32>
      %and3A_303 = arith.andi %and3A_297, %and3A_302 : vector<16xi32>
      %gather3A_304 = tpu.vector_load_idx %arg7[%shift_right_arithmetic3A_300, %and3A_303] : memref<4x128xi32, #tpu.memory_space<vmem>>[vector<16xi32>, vector<16xi32>], vector<16xi32>,
      %gather3A_305 = tpu.vector_load_idx %arg8[%shift_right_arithmetic3A_300, %and3A_303] : memref<4x128xi32, #tpu.memory_space<vmem>>[vector<16xi32>, vector<16xi32>], vector<16xi32>,
      %add3A_306 = arith.constant 16 : i32
      %add3A_307 = arith.addi %mul3A_292, %add3A_306 : i32
      %broadcast_in_dim3A_308 = vector.broadcast %add3A_307 : i32 to vector<16xi32>
      %add3A_309 = arith.addi %broadcast_in_dim3A_308, %iota3A : vector<16xi32>
      %and3A_310 = arith.constant 511 : i32
      %and3A_311 = vector.broadcast %and3A_310 : i32 to vector<16xi32>
      %and3A_312 = arith.andi %add3A_309, %and3A_311 : vector<16xi32>
      %shift_right_arithmetic3A_313 = arith.constant 7 : i32
      %shift_right_arithmetic3A_314 = vector.broadcast %shift_right_arithmetic3A_313 : i32 to vector<16xi32>
      %shift_right_arithmetic3A_315 = arith.shrsi %and3A_312, %shift_right_arithmetic3A_314 : vector<16xi32>
      %and3A_316 = arith.constant 127 : i32
      %and3A_317 = vector.broadcast %and3A_316 : i32 to vector<16xi32>
      %and3A_318 = arith.andi %and3A_312, %and3A_317 : vector<16xi32>
      %gather3A_319 = tpu.vector_load_idx %arg7[%shift_right_arithmetic3A_315, %and3A_318] : memref<4x128xi32, #tpu.memory_space<vmem>>[vector<16xi32>, vector<16xi32>], vector<16xi32>,
      %gather3A_320 = tpu.vector_load_idx %arg8[%shift_right_arithmetic3A_315, %and3A_318] : memref<4x128xi32, #tpu.memory_space<vmem>>[vector<16xi32>, vector<16xi32>], vector<16xi32>,
      %dma_wait3A_321 = arith.constant 0 : i32
      %dma_wait3A_322 = arith.constant 0 : i32
      %dma_wait3A_323 = arith.constant 0 : i32
      %dma_wait3A_324 = tpu.memref_slice %arg9[%dma_wait3A_321, %dma_wait3A_322, %dma_wait3A_323] : memref<4x64x128xf32, #tpu.memory_space<vmem>> -> memref<1x64x128xf32, #tpu.memory_space<vmem>>
      %dma_wait3A_325 = tpu.memref_squeeze %dma_wait3A_324 : memref<1x64x128xf32, #tpu.memory_space<vmem>> -> memref<64x128xf32, #tpu.memory_space<vmem>>
      %dma_wait3A_326 = arith.constant 0 : i32
      %dma_wait3A_327 = arith.constant 0 : i32
      %dma_wait3A_328 = tpu.memref_slice %arg2[%dma_wait3A_326, %dma_wait3A_327] : memref<64x1000000xf32, #tpu.memory_space<hbm>> -> memref<64x128xf32, #tpu.memory_space<hbm>>
      %dma_wait3A_329 = arith.constant 0 : i32
      %dma_wait3A_330 = arith.constant 0 : i32
      %dma_wait3A_331 = tpu.memref_slice %arg9[%dma_wait3A_321, %dma_wait3A_329, %dma_wait3A_330] : memref<4x64x128xf32, #tpu.memory_space<vmem>> -> memref<1x64x128xf32, #tpu.memory_space<vmem>>
      %dma_wait3A_332 = tpu.memref_squeeze %dma_wait3A_331 : memref<1x64x128xf32, #tpu.memory_space<vmem>> -> memref<64x128xf32, #tpu.memory_space<vmem>>
      %dma_wait3A_333 = arith.constant 0 : i32
      %dma_wait3A_334 = arith.constant 0 : i32
      %dma_wait3A_335 = tpu.memref_slice %arg2[%dma_wait3A_333, %dma_wait3A_334] : memref<64x1000000xf32, #tpu.memory_space<hbm>> -> memref<64x128xf32, #tpu.memory_space<hbm>>
      tpu.wait_dma2 semaphore(%arg15 : memref<!tpu.dma_semaphore, #tpu.memory_space<semaphore_mem>>) src(%dma_wait3A_335 : memref<64x128xf32, #tpu.memory_space<hbm>>) dst(%dma_wait3A_332 : memref<64x128xf32, #tpu.memory_space<vmem>>)
      %dma_wait3A_336 = arith.constant 0 : i32
      %dma_wait3A_337 = arith.constant 0 : i32
      %dma_wait3A_338 = arith.constant 0 : i32
      %dma_wait3A_339 = tpu.memref_slice %arg10[%dma_wait3A_336, %dma_wait3A_337, %dma_wait3A_338] : memref<4x64x128xf32, #tpu.memory_space<vmem>> -> memref<1x64x128xf32, #tpu.memory_space<vmem>>
      %dma_wait3A_340 = tpu.memref_squeeze %dma_wait3A_339 : memref<1x64x128xf32, #tpu.memory_space<vmem>> -> memref<64x128xf32, #tpu.memory_space<vmem>>
      %dma_wait3A_341 = arith.constant 0 : i32
      %dma_wait3A_342 = arith.constant 0 : i32
      %dma_wait3A_343 = tpu.memref_slice %arg3[%dma_wait3A_341, %dma_wait3A_342] : memref<64x1000000xf32, #tpu.memory_space<hbm>> -> memref<64x128xf32, #tpu.memory_space<hbm>>
      %dma_wait3A_344 = arith.constant 0 : i32
      %dma_wait3A_345 = arith.constant 0 : i32
      %dma_wait3A_346 = tpu.memref_slice %arg10[%dma_wait3A_336, %dma_wait3A_344, %dma_wait3A_345] : memref<4x64x128xf32, #tpu.memory_space<vmem>> -> memref<1x64x128xf32, #tpu.memory_space<vmem>>
      %dma_wait3A_347 = tpu.memref_squeeze %dma_wait3A_346 : memref<1x64x128xf32, #tpu.memory_space<vmem>> -> memref<64x128xf32, #tpu.memory_space<vmem>>
      %dma_wait3A_348 = arith.constant 0 : i32
      %dma_wait3A_349 = arith.constant 0 : i32
      %dma_wait3A_350 = tpu.memref_slice %arg3[%dma_wait3A_348, %dma_wait3A_349] : memref<64x1000000xf32, #tpu.memory_space<hbm>> -> memref<64x128xf32, #tpu.memory_space<hbm>>
      tpu.wait_dma2 semaphore(%arg15 : memref<!tpu.dma_semaphore, #tpu.memory_space<semaphore_mem>>) src(%dma_wait3A_350 : memref<64x128xf32, #tpu.memory_space<hbm>>) dst(%dma_wait3A_347 : memref<64x128xf32, #tpu.memory_space<vmem>>)
      %slice3A_351 = vector.extract_strided_slice %gather3A_304 {offsets = [0], sizes = [1], strides = [1]} : vector<16xi32> to vector<1xi32>
      %squeeze3A_352 = vector.extract %slice3A_351[0] : i32 from vector<1xi32>
      %and3A_353 = arith.constant 127 : i32
      %and3A_354 = arith.andi %squeeze3A_352, %and3A_353 : i32
      %broadcast_in_dim3A_355 = vector.broadcast %and3A_354 : i32 to vector<16xi32>
      %slice3A_356 = vector.extract_strided_slice %gather3A_305 {offsets = [0], sizes = [1], strides = [1]} : vector<16xi32> to vector<1xi32>
      %squeeze3A_357 = vector.extract %slice3A_356[0] : i32 from vector<1xi32>
      %and3A_358 = arith.constant 127 : i32
      %and3A_359 = arith.andi %squeeze3A_357, %and3A_358 : i32
      %broadcast_in_dim3A_360 = vector.broadcast %and3A_359 : i32 to vector<16xi32>
      %broadcast_in_dim3A_361 = arith.constant 0.000000e+00 : f32
      %broadcast_in_dim3A_362 = vector.broadcast %broadcast_in_dim3A_361 : f32 to vector<16xf32>
      %broadcast_in_dim3A_363 = arith.constant 0.000000e+00 : f32
      %broadcast_in_dim3A_364 = vector.broadcast %broadcast_in_dim3A_363 : f32 to vector<16xf32>
      %broadcast_in_dim3A_365 = arith.constant 0.000000e+00 : f32
      %broadcast_in_dim3A_366 = vector.broadcast %broadcast_in_dim3A_365 : f32 to vector<16xf32>
      %add3A_367 = arith.constant 0 : i32
      %add3A_368 = vector.broadcast %add3A_367 : i32 to vector<16xi32>
      %add3A_369 = arith.addi %iota3A, %add3A_368 : vector<16xi32>
      %gather3A_370 = arith.constant 0 : i32
      %gather3A_371 = arith.constant 0 : i32
      %gather3A_372 = arith.constant 0 : i32
      %gather3A_373 = tpu.memref_slice %arg9[%gather3A_370, %gather3A_371, %gather3A_372] : memref<4x64x128xf32, #tpu.memory_space<vmem>> -> memref<1x64x128xf32, #tpu.memory_space<vmem>>
      %gather3A_374 = tpu.memref_squeeze %gather3A_373 : memref<1x64x128xf32, #tpu.memory_space<vmem>> -> memref<64x128xf32, #tpu.memory_space<vmem>>
      %gather3A_375 = tpu.vector_load_idx %gather3A_374[%add3A_369, %broadcast_in_dim3A_355] : memref<64x128xf32, #tpu.memory_space<vmem>>[vector<16xi32>, vector<16xi32>], vector<16xf32>,
      %gather3A_376 = arith.constant 0 : i32
      %gather3A_377 = arith.constant 0 : i32
      %gather3A_378 = arith.constant 0 : i32
      %gather3A_379 = tpu.memref_slice %arg10[%gather3A_376, %gather3A_377, %gather3A_378] : memref<4x64x128xf32, #tpu.memory_space<vmem>> -> memref<1x64x128xf32, #tpu.memory_space<vmem>>
      %gather3A_380 = tpu.memref_squeeze %gather3A_379 : memref<1x64x128xf32, #tpu.memory_space<vmem>> -> memref<64x128xf32, #tpu.memory_space<vmem>>
      %gather3A_381 = tpu.vector_load_idx %gather3A_380[%add3A_369, %broadcast_in_dim3A_360] : memref<64x128xf32, #tpu.memory_space<vmem>>[vector<16xi32>, vector<16xi32>], vector<16xf32>,
      %mul3A_382 = arith.mulf %gather3A_375, %gather3A_381 : vector<16xf32>
      %add3A_383 = arith.addf %broadcast_in_dim3A_362, %mul3A_382 : vector<16xf32>
      %mul3A_384 = arith.mulf %gather3A_375, %gather3A_375 : vector<16xf32>
      %add3A_385 = arith.addf %broadcast_in_dim3A_364, %mul3A_384 : vector<16xf32>
      %mul3A_386 = arith.mulf %gather3A_381, %gather3A_381 : vector<16xf32>
      %add3A_387 = arith.addf %broadcast_in_dim3A_366, %mul3A_386 : vector<16xf32>
      %add3A_388 = arith.constant 16 : i32
      %add3A_389 = vector.broadcast %add3A_388 : i32 to vector<16xi32>
      %add3A_390 = arith.addi %iota3A, %add3A_389 : vector<16xi32>
      %gather3A_391 = arith.constant 0 : i32
      %gather3A_392 = arith.constant 0 : i32
      %gather3A_393 = arith.constant 0 : i32
      %gather3A_394 = tpu.memref_slice %arg9[%gather3A_391, %gather3A_392, %gather3A_393] : memref<4x64x128xf32, #tpu.memory_space<vmem>> -> memref<1x64x128xf32, #tpu.memory_space<vmem>>
      %gather3A_395 = tpu.memref_squeeze %gather3A_394 : memref<1x64x128xf32, #tpu.memory_space<vmem>> -> memref<64x128xf32, #tpu.memory_space<vmem>>
      %gather3A_396 = tpu.vector_load_idx %gather3A_395[%add3A_390, %broadcast_in_dim3A_355] : memref<64x128xf32, #tpu.memory_space<vmem>>[vector<16xi32>, vector<16xi32>], vector<16xf32>,
      %gather3A_397 = arith.constant 0 : i32
      %gather3A_398 = arith.constant 0 : i32
      %gather3A_399 = arith.constant 0 : i32
      %gather3A_400 = tpu.memref_slice %arg10[%gather3A_397, %gather3A_398, %gather3A_399] : memref<4x64x128xf32, #tpu.memory_space<vmem>> -> memref<1x64x128xf32, #tpu.memory_space<vmem>>
      %gather3A_401 = tpu.memref_squeeze %gather3A_400 : memref<1x64x128xf32, #tpu.memory_space<vmem>> -> memref<64x128xf32, #tpu.memory_space<vmem>>
      %gather3A_402 = tpu.vector_load_idx %gather3A_401[%add3A_390, %broadcast_in_dim3A_360] : memref<64x128xf32, #tpu.memory_space<vmem>>[vector<16xi32>, vector<16xi32>], vector<16xf32>,
      %mul3A_403 = arith.mulf %gather3A_396, %gather3A_402 : vector<16xf32>
      %add3A_404 = arith.addf %add3A_383, %mul3A_403 : vector<16xf32>
      %mul3A_405 = arith.mulf %gather3A_396, %gather3A_396 : vector<16xf32>
      %add3A_406 = arith.addf %add3A_385, %mul3A_405 : vector<16xf32>
      %mul3A_407 = arith.mulf %gather3A_402, %gather3A_402 : vector<16xf32>
      %add3A_408 = arith.addf %add3A_387, %mul3A_407 : vector<16xf32>
      %add3A_409 = arith.constant 32 : i32
      %add3A_410 = vector.broadcast %add3A_409 : i32 to vector<16xi32>
      %add3A_411 = arith.addi %iota3A, %add3A_410 : vector<16xi32>
      %gather3A_412 = arith.constant 0 : i32
      %gather3A_413 = arith.constant 0 : i32
      %gather3A_414 = arith.constant 0 : i32
      %gather3A_415 = tpu.memref_slice %arg9[%gather3A_412, %gather3A_413, %gather3A_414] : memref<4x64x128xf32, #tpu.memory_space<vmem>> -> memref<1x64x128xf32, #tpu.memory_space<vmem>>
      %gather3A_416 = tpu.memref_squeeze %gather3A_415 : memref<1x64x128xf32, #tpu.memory_space<vmem>> -> memref<64x128xf32, #tpu.memory_space<vmem>>
      %gather3A_417 = tpu.vector_load_idx %gather3A_416[%add3A_411, %broadcast_in_dim3A_355] : memref<64x128xf32, #tpu.memory_space<vmem>>[vector<16xi32>, vector<16xi32>], vector<16xf32>,
      %gather3A_418 = arith.constant 0 : i32
      %gather3A_419 = arith.constant 0 : i32
      %gather3A_420 = arith.constant 0 : i32
      %gather3A_421 = tpu.memref_slice %arg10[%gather3A_418, %gather3A_419, %gather3A_420] : memref<4x64x128xf32, #tpu.memory_space<vmem>> -> memref<1x64x128xf32, #tpu.memory_space<vmem>>
      %gather3A_422 = tpu.memref_squeeze %gather3A_421 : memref<1x64x128xf32, #tpu.memory_space<vmem>> -> memref<64x128xf32, #tpu.memory_space<vmem>>
      %gather3A_423 = tpu.vector_load_idx %gather3A_422[%add3A_411, %broadcast_in_dim3A_360] : memref<64x128xf32, #tpu.memory_space<vmem>>[vector<16xi32>, vector<16xi32>], vector<16xf32>,
      %mul3A_424 = arith.mulf %gather3A_417, %gather3A_423 : vector<16xf32>
      %add3A_425 = arith.addf %add3A_404, %mul3A_424 : vector<16xf32>
      %mul3A_426 = arith.mulf %gather3A_417, %gather3A_417 : vector<16xf32>
      %add3A_427 = arith.addf %add3A_406, %mul3A_426 : vector<16xf32>
      %mul3A_428 = arith.mulf %gather3A_423, %gather3A_423 : vector<16xf32>
      %add3A_429 = arith.addf %add3A_408, %mul3A_428 : vector<16xf32>
      %add3A_430 = arith.constant 48 : i32
      %add3A_431 = vector.broadcast %add3A_430 : i32 to vector<16xi32>
      %add3A_432 = arith.addi %iota3A, %add3A_431 : vector<16xi32>
      %gather3A_433 = arith.constant 0 : i32
      %gather3A_434 = arith.constant 0 : i32
      %gather3A_435 = arith.constant 0 : i32
      %gather3A_436 = tpu.memref_slice %arg9[%gather3A_433, %gather3A_434, %gather3A_435] : memref<4x64x128xf32, #tpu.memory_space<vmem>> -> memref<1x64x128xf32, #tpu.memory_space<vmem>>
      %gather3A_437 = tpu.memref_squeeze %gather3A_436 : memref<1x64x128xf32, #tpu.memory_space<vmem>> -> memref<64x128xf32, #tpu.memory_space<vmem>>
      %gather3A_438 = tpu.vector_load_idx %gather3A_437[%add3A_432, %broadcast_in_dim3A_355] : memref<64x128xf32, #tpu.memory_space<vmem>>[vector<16xi32>, vector<16xi32>], vector<16xf32>,
      %gather3A_439 = arith.constant 0 : i32
      %gather3A_440 = arith.constant 0 : i32
      %gather3A_441 = arith.constant 0 : i32
      %gather3A_442 = tpu.memref_slice %arg10[%gather3A_439, %gather3A_440, %gather3A_441] : memref<4x64x128xf32, #tpu.memory_space<vmem>> -> memref<1x64x128xf32, #tpu.memory_space<vmem>>
      %gather3A_443 = tpu.memref_squeeze %gather3A_442 : memref<1x64x128xf32, #tpu.memory_space<vmem>> -> memref<64x128xf32, #tpu.memory_space<vmem>>
      %gather3A_444 = tpu.vector_load_idx %gather3A_443[%add3A_432, %broadcast_in_dim3A_360] : memref<64x128xf32, #tpu.memory_space<vmem>>[vector<16xi32>, vector<16xi32>], vector<16xf32>,
      %mul3A_445 = arith.mulf %gather3A_438, %gather3A_444 : vector<16xf32>
      %add3A_446 = arith.addf %add3A_425, %mul3A_445 : vector<16xf32>
      %mul3A_447 = arith.mulf %gather3A_438, %gather3A_438 : vector<16xf32>
      %add3A_448 = arith.addf %add3A_427, %mul3A_447 : vector<16xf32>
      %mul3A_449 = arith.mulf %gather3A_444, %gather3A_444 : vector<16xf32>
      %add3A_450 = arith.addf %add3A_429, %mul3A_449 : vector<16xf32>
      %add3A_451 = arith.constant 0 : i32
      %add3A_452 = vector.broadcast %add3A_451 : i32 to vector<16xi32>
      %add3A_453 = arith.addi %iota3A, %add3A_452 : vector<16xi32>
      tpu.vector_store_idx %arg12[%add3A_453], %add3A_446 : memref<272xf32, #tpu.memory_space<vmem>>[vector<16xi32>], vector<16xf32>,
      %add3A_454 = arith.constant 0 : i32
      %add3A_455 = vector.broadcast %add3A_454 : i32 to vector<16xi32>
      %add3A_456 = arith.addi %iota3A, %add3A_455 : vector<16xi32>
      tpu.vector_store_idx %arg13[%add3A_456], %add3A_448 : memref<272xf32, #tpu.memory_space<vmem>>[vector<16xi32>], vector<16xf32>,
      %add3A_457 = arith.constant 0 : i32
      %add3A_458 = vector.broadcast %add3A_457 : i32 to vector<16xi32>
      %add3A_459 = arith.addi %iota3A, %add3A_458 : vector<16xi32>
      tpu.vector_store_idx %arg14[%add3A_459], %add3A_450 : memref<272xf32, #tpu.memory_space<vmem>>[vector<16xi32>], vector<16xf32>,
      %slice3A_460 = vector.extract_strided_slice %gather3A_304 {offsets = [4], sizes = [1], strides = [1]} : vector<16xi32> to vector<1xi32>
      %squeeze3A_461 = vector.extract %slice3A_460[0] : i32 from vector<1xi32>
      %slice3A_462 = vector.extract_strided_slice %gather3A_305 {offsets = [4], sizes = [1], strides = [1]} : vector<16xi32> to vector<1xi32>
      %squeeze3A_463 = vector.extract %slice3A_462[0] : i32 from vector<1xi32>
      %shift_right_arithmetic3A_464 = arith.constant 7 : i32
      %shift_right_arithmetic3A_465 = arith.shrsi %squeeze3A_461, %shift_right_arithmetic3A_464 : i32
      %mul3A_466 = arith.constant 128 : i32
      %mul3A_467 = arith.muli %shift_right_arithmetic3A_465, %mul3A_466 : i32
      %multiple_of3A_468 = tpu.assume_multiple %mul3A_467, 128 : i32
      %shift_right_arithmetic3A_469 = arith.constant 7 : i32
      %shift_right_arithmetic3A_470 = arith.shrsi %squeeze3A_463, %shift_right_arithmetic3A_469 : i32
      %mul3A_471 = arith.constant 128 : i32
      %mul3A_472 = arith.muli %shift_right_arithmetic3A_470, %mul3A_471 : i32
      %multiple_of3A_473 = tpu.assume_multiple %mul3A_472, 128 : i32
      %dma_start3A_474 = arith.constant 0 : i32
      %dma_start3A_475 = arith.constant 0 : i32
      %dma_start3A_476 = arith.constant 0 : i32
      %dma_start3A_477 = tpu.memref_slice %arg9[%dma_start3A_474, %dma_start3A_475, %dma_start3A_476] : memref<4x64x128xf32, #tpu.memory_space<vmem>> -> memref<1x64x128xf32, #tpu.memory_space<vmem>>
      %dma_start3A_478 = tpu.memref_squeeze %dma_start3A_477 : memref<1x64x128xf32, #tpu.memory_space<vmem>> -> memref<64x128xf32, #tpu.memory_space<vmem>>
      %dma_start3A_479 = arith.constant 0 : i32
      %dma_start3A_480 = tpu.memref_slice %arg2[%dma_start3A_479, %multiple_of3A_468] : memref<64x1000000xf32, #tpu.memory_space<hbm>> -> memref<64x128xf32, #tpu.memory_space<hbm>>
      %dma_start3A_481 = arith.constant 0 : i32
      %dma_start3A_482 = arith.constant 0 : i32
      %dma_start3A_483 = tpu.memref_slice %arg9[%dma_start3A_474, %dma_start3A_481, %dma_start3A_482] : memref<4x64x128xf32, #tpu.memory_space<vmem>> -> memref<1x64x128xf32, #tpu.memory_space<vmem>>
      %dma_start3A_484 = tpu.memref_squeeze %dma_start3A_483 : memref<1x64x128xf32, #tpu.memory_space<vmem>> -> memref<64x128xf32, #tpu.memory_space<vmem>>
      %dma_start3A_485 = arith.constant 0 : i32
      %dma_start3A_486 = tpu.memref_slice %arg2[%dma_start3A_485, %multiple_of3A_468] : memref<64x1000000xf32, #tpu.memory_space<hbm>> -> memref<64x128xf32, #tpu.memory_space<hbm>>
      tpu.enqueue_dma source(%dma_start3A_486 : memref<64x128xf32, #tpu.memory_space<hbm>>) target(%dma_start3A_484 : memref<64x128xf32, #tpu.memory_space<vmem>>) target_semaphore(%arg15 : memref<!tpu.dma_semaphore, #tpu.memory_space<semaphore_mem>>)
      %dma_start3A_487 = arith.constant 0 : i32
      %dma_start3A_488 = arith.constant 0 : i32
      %dma_start3A_489 = arith.constant 0 : i32
      %dma_start3A_490 = tpu.memref_slice %arg10[%dma_start3A_487, %dma_start3A_488, %dma_start3A_489] : memref<4x64x128xf32, #tpu.memory_space<vmem>> -> memref<1x64x128xf32, #tpu.memory_space<vmem>>
      %dma_start3A_491 = tpu.memref_squeeze %dma_start3A_490 : memref<1x64x128xf32, #tpu.memory_space<vmem>> -> memref<64x128xf32, #tpu.memory_space<vmem>>
      %dma_start3A_492 = arith.constant 0 : i32
      %dma_start3A_493 = tpu.memref_slice %arg3[%dma_start3A_492, %multiple_of3A_473] : memref<64x1000000xf32, #tpu.memory_space<hbm>> -> memref<64x128xf32, #tpu.memory_space<hbm>>
      %dma_start3A_494 = arith.constant 0 : i32
      %dma_start3A_495 = arith.constant 0 : i32
      %dma_start3A_496 = tpu.memref_slice %arg10[%dma_start3A_487, %dma_start3A_494, %dma_start3A_495] : memref<4x64x128xf32, #tpu.memory_space<vmem>> -> memref<1x64x128xf32, #tpu.memory_space<vmem>>
      %dma_start3A_497 = tpu.memref_squeeze %dma_start3A_496 : memref<1x64x128xf32, #tpu.memory_space<vmem>> -> memref<64x128xf32, #tpu.memory_space<vmem>>
      %dma_start3A_498 = arith.constant 0 : i32
      %dma_start3A_499 = tpu.memref_slice %arg3[%dma_start3A_498, %multiple_of3A_473] : memref<64x1000000xf32, #tpu.memory_space<hbm>> -> memref<64x128xf32, #tpu.memory_space<hbm>>
      tpu.enqueue_dma source(%dma_start3A_499 : memref<64x128xf32, #tpu.memory_space<hbm>>) target(%dma_start3A_497 : memref<64x128xf32, #tpu.memory_space<vmem>>) target_semaphore(%arg15 : memref<!tpu.dma_semaphore, #tpu.memory_space<semaphore_mem>>)
      %dma_wait3A_500 = arith.constant 0 : i32
      %dma_wait3A_501 = arith.constant 0 : i32
      %dma_wait3A_502 = arith.constant 0 : i32
      %dma_wait3A_503 = tpu.memref_slice %arg9[%dma_wait3A_500, %dma_wait3A_501, %dma_wait3A_502] : memref<4x64x128xf32, #tpu.memory_space<vmem>> -> memref<1x64x128xf32, #tpu.memory_space<vmem>>
      %dma_wait3A_504 = tpu.memref_squeeze %dma_wait3A_503 : memref<1x64x128xf32, #tpu.memory_space<vmem>> -> memref<64x128xf32, #tpu.memory_space<vmem>>
      %dma_wait3A_505 = arith.constant 0 : i32
      %dma_wait3A_506 = arith.constant 0 : i32
      %dma_wait3A_507 = tpu.memref_slice %arg2[%dma_wait3A_505, %dma_wait3A_506] : memref<64x1000000xf32, #tpu.memory_space<hbm>> -> memref<64x128xf32, #tpu.memory_space<hbm>>
      %dma_wait3A_508 = arith.constant 0 : i32
      %dma_wait3A_509 = arith.constant 0 : i32
      %dma_wait3A_510 = tpu.memref_slice %arg9[%dma_wait3A_500, %dma_wait3A_508, %dma_wait3A_509] : memref<4x64x128xf32, #tpu.memory_space<vmem>> -> memref<1x64x128xf32, #tpu.memory_space<vmem>>
      %dma_wait3A_511 = tpu.memref_squeeze %dma_wait3A_510 : memref<1x64x128xf32, #tpu.memory_space<vmem>> -> memref<64x128xf32, #tpu.memory_space<vmem>>
      %dma_wait3A_512 = arith.constant 0 : i32
      %dma_wait3A_513 = arith.constant 0 : i32
      %dma_wait3A_514 = tpu.memref_slice %arg2[%dma_wait3A_512, %dma_wait3A_513] : memref<64x1000000xf32, #tpu.memory_space<hbm>> -> memref<64x128xf32, #tpu.memory_space<hbm>>
      tpu.wait_dma2 semaphore(%arg15 : memref<!tpu.dma_semaphore, #tpu.memory_space<semaphore_mem>>) src(%dma_wait3A_514 : memref<64x128xf32, #tpu.memory_space<hbm>>) dst(%dma_wait3A_511 : memref<64x128xf32, #tpu.memory_space<vmem>>)
      %dma_wait3A_515 = arith.constant 0 : i32
      %dma_wait3A_516 = arith.constant 0 : i32
      %dma_wait3A_517 = arith.constant 0 : i32
      %dma_wait3A_518 = tpu.memref_slice %arg10[%dma_wait3A_515, %dma_wait3A_516, %dma_wait3A_517] : memref<4x64x128xf32, #tpu.memory_space<vmem>> -> memref<1x64x128xf32, #tpu.memory_space<vmem>>
      %dma_wait3A_519 = tpu.memref_squeeze %dma_wait3A_518 : memref<1x64x128xf32, #tpu.memory_space<vmem>> -> memref<64x128xf32, #tpu.memory_space<vmem>>
      %dma_wait3A_520 = arith.constant 0 : i32
      %dma_wait3A_521 = arith.constant 0 : i32
      %dma_wait3A_522 = tpu.memref_slice %arg3[%dma_wait3A_520, %dma_wait3A_521] : memref<64x1000000xf32, #tpu.memory_space<hbm>> -> memref<64x128xf32, #tpu.memory_space<hbm>>
      %dma_wait3A_523 = arith.constant 0 : i32
      %dma_wait3A_524 = arith.constant 0 : i32
      %dma_wait3A_525 = tpu.memref_slice %arg10[%dma_wait3A_515, %dma_wait3A_523, %dma_wait3A_524] : memref<4x64x128xf32, #tpu.memory_space<vmem>> -> memref<1x64x128xf32, #tpu.memory_space<vmem>>
      %dma_wait3A_526 = tpu.memref_squeeze %dma_wait3A_525 : memref<1x64x128xf32, #tpu.memory_space<vmem>> -> memref<64x128xf32, #tpu.memory_space<vmem>>
      %dma_wait3A_527 = arith.constant 0 : i32
      %dma_wait3A_528 = arith.constant 0 : i32
      %dma_wait3A_529 = tpu.memref_slice %arg3[%dma_wait3A_527, %dma_wait3A_528] : memref<64x1000000xf32, #tpu.memory_space<hbm>> -> memref<64x128xf32, #tpu.memory_space<hbm>>
      tpu.wait_dma2 semaphore(%arg15 : memref<!tpu.dma_semaphore, #tpu.memory_space<semaphore_mem>>) src(%dma_wait3A_529 : memref<64x128xf32, #tpu.memory_space<hbm>>) dst(%dma_wait3A_526 : memref<64x128xf32, #tpu.memory_space<vmem>>)
      %slice3A_530 = vector.extract_strided_slice %gather3A_304 {offsets = [1], sizes = [1], strides = [1]} : vector<16xi32> to vector<1xi32>
      %squeeze3A_531 = vector.extract %slice3A_530[0] : i32 from vector<1xi32>
      %and3A_532 = arith.constant 127 : i32
      %and3A_533 = arith.andi %squeeze3A_531, %and3A_532 : i32
      %broadcast_in_dim3A_534 = vector.broadcast %and3A_533 : i32 to vector<16xi32>
      %slice3A_535 = vector.extract_strided_slice %gather3A_305 {offsets = [1], sizes = [1], strides = [1]} : vector<16xi32> to vector<1xi32>
      %squeeze3A_536 = vector.extract %slice3A_535[0] : i32 from vector<1xi32>
      %and3A_537 = arith.constant 127 : i32
      %and3A_538 = arith.andi %squeeze3A_536, %and3A_537 : i32
      %broadcast_in_dim3A_539 = vector.broadcast %and3A_538 : i32 to vector<16xi32>
      %broadcast_in_dim3A_540 = arith.constant 0.000000e+00 : f32
      %broadcast_in_dim3A_541 = vector.broadcast %broadcast_in_dim3A_540 : f32 to vector<16xf32>
      %broadcast_in_dim3A_542 = arith.constant 0.000000e+00 : f32
      %broadcast_in_dim3A_543 = vector.broadcast %broadcast_in_dim3A_542 : f32 to vector<16xf32>
      %broadcast_in_dim3A_544 = arith.constant 0.000000e+00 : f32
      %broadcast_in_dim3A_545 = vector.broadcast %broadcast_in_dim3A_544 : f32 to vector<16xf32>
      %add3A_546 = arith.constant 0 : i32
      %add3A_547 = vector.broadcast %add3A_546 : i32 to vector<16xi32>
      %add3A_548 = arith.addi %iota3A, %add3A_547 : vector<16xi32>
      %gather3A_549 = arith.constant 1 : i32
      %gather3A_550 = arith.constant 0 : i32
      %gather3A_551 = arith.constant 0 : i32
      %gather3A_552 = tpu.memref_slice %arg9[%gather3A_549, %gather3A_550, %gather3A_551] : memref<4x64x128xf32, #tpu.memory_space<vmem>> -> memref<1x64x128xf32, #tpu.memory_space<vmem>>
      %gather3A_553 = tpu.memref_squeeze %gather3A_552 : memref<1x64x128xf32, #tpu.memory_space<vmem>> -> memref<64x128xf32, #tpu.memory_space<vmem>>
      %gather3A_554 = tpu.vector_load_idx %gather3A_553[%add3A_548, %broadcast_in_dim3A_534] : memref<64x128xf32, #tpu.memory_space<vmem>>[vector<16xi32>, vector<16xi32>], vector<16xf32>,
      %gather3A_555 = arith.constant 1 : i32
      %gather3A_556 = arith.constant 0 : i32
      %gather3A_557 = arith.constant 0 : i32
      %gather3A_558 = tpu.memref_slice %arg10[%gather3A_555, %gather3A_556, %gather3A_557] : memref<4x64x128xf32, #tpu.memory_space<vmem>> -> memref<1x64x128xf32, #tpu.memory_space<vmem>>
      %gather3A_559 = tpu.memref_squeeze %gather3A_558 : memref<1x64x128xf32, #tpu.memory_space<vmem>> -> memref<64x128xf32, #tpu.memory_space<vmem>>
      %gather3A_560 = tpu.vector_load_idx %gather3A_559[%add3A_548, %broadcast_in_dim3A_539] : memref<64x128xf32, #tpu.memory_space<vmem>>[vector<16xi32>, vector<16xi32>], vector<16xf32>,
      %mul3A_561 = arith.mulf %gather3A_554, %gather3A_560 : vector<16xf32>
      %add3A_562 = arith.addf %broadcast_in_dim3A_541, %mul3A_561 : vector<16xf32>
      %mul3A_563 = arith.mulf %gather3A_554, %gather3A_554 : vector<16xf32>
      %add3A_564 = arith.addf %broadcast_in_dim3A_543, %mul3A_563 : vector<16xf32>
      %mul3A_565 = arith.mulf %gather3A_560, %gather3A_560 : vector<16xf32>
      %add3A_566 = arith.addf %broadcast_in_dim3A_545, %mul3A_565 : vector<16xf32>
      %add3A_567 = arith.constant 16 : i32
      %add3A_568 = vector.broadcast %add3A_567 : i32 to vector<16xi32>
      %add3A_569 = arith.addi %iota3A, %add3A_568 : vector<16xi32>
      %gather3A_570 = arith.constant 1 : i32
      %gather3A_571 = arith.constant 0 : i32
      %gather3A_572 = arith.constant 0 : i32
      %gather3A_573 = tpu.memref_slice %arg9[%gather3A_570, %gather3A_571, %gather3A_572] : memref<4x64x128xf32, #tpu.memory_space<vmem>> -> memref<1x64x128xf32, #tpu.memory_space<vmem>>
      %gather3A_574 = tpu.memref_squeeze %gather3A_573 : memref<1x64x128xf32, #tpu.memory_space<vmem>> -> memref<64x128xf32, #tpu.memory_space<vmem>>
      %gather3A_575 = tpu.vector_load_idx %gather3A_574[%add3A_569, %broadcast_in_dim3A_534] : memref<64x128xf32, #tpu.memory_space<vmem>>[vector<16xi32>, vector<16xi32>], vector<16xf32>,
      %gather3A_576 = arith.constant 1 : i32
      %gather3A_577 = arith.constant 0 : i32
      %gather3A_578 = arith.constant 0 : i32
      %gather3A_579 = tpu.memref_slice %arg10[%gather3A_576, %gather3A_577, %gather3A_578] : memref<4x64x128xf32, #tpu.memory_space<vmem>> -> memref<1x64x128xf32, #tpu.memory_space<vmem>>
      %gather3A_580 = tpu.memref_squeeze %gather3A_579 : memref<1x64x128xf32, #tpu.memory_space<vmem>> -> memref<64x128xf32, #tpu.memory_space<vmem>>
      %gather3A_581 = tpu.vector_load_idx %gather3A_580[%add3A_569, %broadcast_in_dim3A_539] : memref<64x128xf32, #tpu.memory_space<vmem>>[vector<16xi32>, vector<16xi32>], vector<16xf32>,
      %mul3A_582 = arith.mulf %gather3A_575, %gather3A_581 : vector<16xf32>
      %add3A_583 = arith.addf %add3A_562, %mul3A_582 : vector<16xf32>
      %mul3A_584 = arith.mulf %gather3A_575, %gather3A_575 : vector<16xf32>
      %add3A_585 = arith.addf %add3A_564, %mul3A_584 : vector<16xf32>
      %mul3A_586 = arith.mulf %gather3A_581, %gather3A_581 : vector<16xf32>
      %add3A_587 = arith.addf %add3A_566, %mul3A_586 : vector<16xf32>
      %add3A_588 = arith.constant 32 : i32
      %add3A_589 = vector.broadcast %add3A_588 : i32 to vector<16xi32>
      %add3A_590 = arith.addi %iota3A, %add3A_589 : vector<16xi32>
      %gather3A_591 = arith.constant 1 : i32
      %gather3A_592 = arith.constant 0 : i32
      %gather3A_593 = arith.constant 0 : i32
      %gather3A_594 = tpu.memref_slice %arg9[%gather3A_591, %gather3A_592, %gather3A_593] : memref<4x64x128xf32, #tpu.memory_space<vmem>> -> memref<1x64x128xf32, #tpu.memory_space<vmem>>
      %gather3A_595 = tpu.memref_squeeze %gather3A_594 : memref<1x64x128xf32, #tpu.memory_space<vmem>> -> memref<64x128xf32, #tpu.memory_space<vmem>>
      %gather3A_596 = tpu.vector_load_idx %gather3A_595[%add3A_590, %broadcast_in_dim3A_534] : memref<64x128xf32, #tpu.memory_space<vmem>>[vector<16xi32>, vector<16xi32>], vector<16xf32>,
      %gather3A_597 = arith.constant 1 : i32
      %gather3A_598 = arith.constant 0 : i32
      %gather3A_599 = arith.constant 0 : i32
      %gather3A_600 = tpu.memref_slice %arg10[%gather3A_597, %gather3A_598, %gather3A_599] : memref<4x64x128xf32, #tpu.memory_space<vmem>> -> memref<1x64x128xf32, #tpu.memory_space<vmem>>
      %gather3A_601 = tpu.memref_squeeze %gather3A_600 : memref<1x64x128xf32, #tpu.memory_space<vmem>> -> memref<64x128xf32, #tpu.memory_space<vmem>>
      %gather3A_602 = tpu.vector_load_idx %gather3A_601[%add3A_590, %broadcast_in_dim3A_539] : memref<64x128xf32, #tpu.memory_space<vmem>>[vector<16xi32>, vector<16xi32>], vector<16xf32>,
      %mul3A_603 = arith.mulf %gather3A_596, %gather3A_602 : vector<16xf32>
      %add3A_604 = arith.addf %add3A_583, %mul3A_603 : vector<16xf32>
      %mul3A_605 = arith.mulf %gather3A_596, %gather3A_596 : vector<16xf32>
      %add3A_606 = arith.addf %add3A_585, %mul3A_605 : vector<16xf32>
      %mul3A_607 = arith.mulf %gather3A_602, %gather3A_602 : vector<16xf32>
      %add3A_608 = arith.addf %add3A_587, %mul3A_607 : vector<16xf32>
      %add3A_609 = arith.constant 48 : i32
      %add3A_610 = vector.broadcast %add3A_609 : i32 to vector<16xi32>
      %add3A_611 = arith.addi %iota3A, %add3A_610 : vector<16xi32>
      %gather3A_612 = arith.constant 1 : i32
      %gather3A_613 = arith.constant 0 : i32
      %gather3A_614 = arith.constant 0 : i32
      %gather3A_615 = tpu.memref_slice %arg9[%gather3A_612, %gather3A_613, %gather3A_614] : memref<4x64x128xf32, #tpu.memory_space<vmem>> -> memref<1x64x128xf32, #tpu.memory_space<vmem>>
      %gather3A_616 = tpu.memref_squeeze %gather3A_615 : memref<1x64x128xf32, #tpu.memory_space<vmem>> -> memref<64x128xf32, #tpu.memory_space<vmem>>
      %gather3A_617 = tpu.vector_load_idx %gather3A_616[%add3A_611, %broadcast_in_dim3A_534] : memref<64x128xf32, #tpu.memory_space<vmem>>[vector<16xi32>, vector<16xi32>], vector<16xf32>,
      %gather3A_618 = arith.constant 1 : i32
      %gather3A_619 = arith.constant 0 : i32
      %gather3A_620 = arith.constant 0 : i32
      %gather3A_621 = tpu.memref_slice %arg10[%gather3A_618, %gather3A_619, %gather3A_620] : memref<4x64x128xf32, #tpu.memory_space<vmem>> -> memref<1x64x128xf32, #tpu.memory_space<vmem>>
      %gather3A_622 = tpu.memref_squeeze %gather3A_621 : memref<1x64x128xf32, #tpu.memory_space<vmem>> -> memref<64x128xf32, #tpu.memory_space<vmem>>
      %gather3A_623 = tpu.vector_load_idx %gather3A_622[%add3A_611, %broadcast_in_dim3A_539] : memref<64x128xf32, #tpu.memory_space<vmem>>[vector<16xi32>, vector<16xi32>], vector<16xf32>,
      %mul3A_624 = arith.mulf %gather3A_617, %gather3A_623 : vector<16xf32>
      %add3A_625 = arith.addf %add3A_604, %mul3A_624 : vector<16xf32>
      %mul3A_626 = arith.mulf %gather3A_617, %gather3A_617 : vector<16xf32>
      %add3A_627 = arith.addf %add3A_606, %mul3A_626 : vector<16xf32>
      %mul3A_628 = arith.mulf %gather3A_623, %gather3A_623 : vector<16xf32>
      %add3A_629 = arith.addf %add3A_608, %mul3A_628 : vector<16xf32>
      %add3A_630 = arith.constant 17 : i32
      %add3A_631 = vector.broadcast %add3A_630 : i32 to vector<16xi32>
      %add3A_632 = arith.addi %iota3A, %add3A_631 : vector<16xi32>
      tpu.vector_store_idx %arg12[%add3A_632], %add3A_625 : memref<272xf32, #tpu.memory_space<vmem>>[vector<16xi32>], vector<16xf32>,
      %add3A_633 = arith.constant 17 : i32
      %add3A_634 = vector.broadcast %add3A_633 : i32 to vector<16xi32>
      %add3A_635 = arith.addi %iota3A, %add3A_634 : vector<16xi32>
      tpu.vector_store_idx %arg13[%add3A_635], %add3A_627 : memref<272xf32, #tpu.memory_space<vmem>>[vector<16xi32>], vector<16xf32>,
      %add3A_636 = arith.constant 17 : i32
      %add3A_637 = vector.broadcast %add3A_636 : i32 to vector<16xi32>
      %add3A_638 = arith.addi %iota3A, %add3A_637 : vector<16xi32>
      tpu.vector_store_idx %arg14[%add3A_638], %add3A_629 : memref<272xf32, #tpu.memory_space<vmem>>[vector<16xi32>], vector<16xf32>,
      %slice3A_639 = vector.extract_strided_slice %gather3A_304 {offsets = [5], sizes = [1], strides = [1]} : vector<16xi32> to vector<1xi32>
      %squeeze3A_640 = vector.extract %slice3A_639[0] : i32 from vector<1xi32>
      %slice3A_641 = vector.extract_strided_slice %gather3A_305 {offsets = [5], sizes = [1], strides = [1]} : vector<16xi32> to vector<1xi32>
      %squeeze3A_642 = vector.extract %slice3A_641[0] : i32 from vector<1xi32>
      %shift_right_arithmetic3A_643 = arith.constant 7 : i32
      %shift_right_arithmetic3A_644 = arith.shrsi %squeeze3A_640, %shift_right_arithmetic3A_643 : i32
      %mul3A_645 = arith.constant 128 : i32
      %mul3A_646 = arith.muli %shift_right_arithmetic3A_644, %mul3A_645 : i32
      %multiple_of3A_647 = tpu.assume_multiple %mul3A_646, 128 : i32
      %shift_right_arithmetic3A_648 = arith.constant 7 : i32
      %shift_right_arithmetic3A_649 = arith.shrsi %squeeze3A_642, %shift_right_arithmetic3A_648 : i32
      %mul3A_650 = arith.constant 128 : i32
      %mul3A_651 = arith.muli %shift_right_arithmetic3A_649, %mul3A_650 : i32
      %multiple_of3A_652 = tpu.assume_multiple %mul3A_651, 128 : i32
      %dma_start3A_653 = arith.constant 1 : i32
      %dma_start3A_654 = arith.constant 0 : i32
      %dma_start3A_655 = arith.constant 0 : i32
      %dma_start3A_656 = tpu.memref_slice %arg9[%dma_start3A_653, %dma_start3A_654, %dma_start3A_655] : memref<4x64x128xf32, #tpu.memory_space<vmem>> -> memref<1x64x128xf32, #tpu.memory_space<vmem>>
      %dma_start3A_657 = tpu.memref_squeeze %dma_start3A_656 : memref<1x64x128xf32, #tpu.memory_space<vmem>> -> memref<64x128xf32, #tpu.memory_space<vmem>>
      %dma_start3A_658 = arith.constant 0 : i32
      %dma_start3A_659 = tpu.memref_slice %arg2[%dma_start3A_658, %multiple_of3A_647] : memref<64x1000000xf32, #tpu.memory_space<hbm>> -> memref<64x128xf32, #tpu.memory_space<hbm>>
      %dma_start3A_660 = arith.constant 0 : i32
      %dma_start3A_661 = arith.constant 0 : i32
      %dma_start3A_662 = tpu.memref_slice %arg9[%dma_start3A_653, %dma_start3A_660, %dma_start3A_661] : memref<4x64x128xf32, #tpu.memory_space<vmem>> -> memref<1x64x128xf32, #tpu.memory_space<vmem>>
      %dma_start3A_663 = tpu.memref_squeeze %dma_start3A_662 : memref<1x64x128xf32, #tpu.memory_space<vmem>> -> memref<64x128xf32, #tpu.memory_space<vmem>>
      %dma_start3A_664 = arith.constant 0 : i32
      %dma_start3A_665 = tpu.memref_slice %arg2[%dma_start3A_664, %multiple_of3A_647] : memref<64x1000000xf32, #tpu.memory_space<hbm>> -> memref<64x128xf32, #tpu.memory_space<hbm>>
      tpu.enqueue_dma source(%dma_start3A_665 : memref<64x128xf32, #tpu.memory_space<hbm>>) target(%dma_start3A_663 : memref<64x128xf32, #tpu.memory_space<vmem>>) target_semaphore(%arg15 : memref<!tpu.dma_semaphore, #tpu.memory_space<semaphore_mem>>)
      %dma_start3A_666 = arith.constant 1 : i32
      %dma_start3A_667 = arith.constant 0 : i32
      %dma_start3A_668 = arith.constant 0 : i32
      %dma_start3A_669 = tpu.memref_slice %arg10[%dma_start3A_666, %dma_start3A_667, %dma_start3A_668] : memref<4x64x128xf32, #tpu.memory_space<vmem>> -> memref<1x64x128xf32, #tpu.memory_space<vmem>>
      %dma_start3A_670 = tpu.memref_squeeze %dma_start3A_669 : memref<1x64x128xf32, #tpu.memory_space<vmem>> -> memref<64x128xf32, #tpu.memory_space<vmem>>
      %dma_start3A_671 = arith.constant 0 : i32
      %dma_start3A_672 = tpu.memref_slice %arg3[%dma_start3A_671, %multiple_of3A_652] : memref<64x1000000xf32, #tpu.memory_space<hbm>> -> memref<64x128xf32, #tpu.memory_space<hbm>>
      %dma_start3A_673 = arith.constant 0 : i32
      %dma_start3A_674 = arith.constant 0 : i32
      %dma_start3A_675 = tpu.memref_slice %arg10[%dma_start3A_666, %dma_start3A_673, %dma_start3A_674] : memref<4x64x128xf32, #tpu.memory_space<vmem>> -> memref<1x64x128xf32, #tpu.memory_space<vmem>>
      %dma_start3A_676 = tpu.memref_squeeze %dma_start3A_675 : memref<1x64x128xf32, #tpu.memory_space<vmem>> -> memref<64x128xf32, #tpu.memory_space<vmem>>
      %dma_start3A_677 = arith.constant 0 : i32
      %dma_start3A_678 = tpu.memref_slice %arg3[%dma_start3A_677, %multiple_of3A_652] : memref<64x1000000xf32, #tpu.memory_space<hbm>> -> memref<64x128xf32, #tpu.memory_space<hbm>>
      tpu.enqueue_dma source(%dma_start3A_678 : memref<64x128xf32, #tpu.memory_space<hbm>>) target(%dma_start3A_676 : memref<64x128xf32, #tpu.memory_space<vmem>>) target_semaphore(%arg15 : memref<!tpu.dma_semaphore, #tpu.memory_space<semaphore_mem>>)
      %dma_wait3A_679 = arith.constant 0 : i32
      %dma_wait3A_680 = arith.constant 0 : i32
      %dma_wait3A_681 = arith.constant 0 : i32
      %dma_wait3A_682 = tpu.memref_slice %arg9[%dma_wait3A_679, %dma_wait3A_680, %dma_wait3A_681] : memref<4x64x128xf32, #tpu.memory_space<vmem>> -> memref<1x64x128xf32, #tpu.memory_space<vmem>>
      %dma_wait3A_683 = tpu.memref_squeeze %dma_wait3A_682 : memref<1x64x128xf32, #tpu.memory_space<vmem>> -> memref<64x128xf32, #tpu.memory_space<vmem>>
      %dma_wait3A_684 = arith.constant 0 : i32
      %dma_wait3A_685 = arith.constant 0 : i32
      %dma_wait3A_686 = tpu.memref_slice %arg2[%dma_wait3A_684, %dma_wait3A_685] : memref<64x1000000xf32, #tpu.memory_space<hbm>> -> memref<64x128xf32, #tpu.memory_space<hbm>>
      %dma_wait3A_687 = arith.constant 0 : i32
      %dma_wait3A_688 = arith.constant 0 : i32
      %dma_wait3A_689 = tpu.memref_slice %arg9[%dma_wait3A_679, %dma_wait3A_687, %dma_wait3A_688] : memref<4x64x128xf32, #tpu.memory_space<vmem>> -> memref<1x64x128xf32, #tpu.memory_space<vmem>>
      %dma_wait3A_690 = tpu.memref_squeeze %dma_wait3A_689 : memref<1x64x128xf32, #tpu.memory_space<vmem>> -> memref<64x128xf32, #tpu.memory_space<vmem>>
      %dma_wait3A_691 = arith.constant 0 : i32
      %dma_wait3A_692 = arith.constant 0 : i32
      %dma_wait3A_693 = tpu.memref_slice %arg2[%dma_wait3A_691, %dma_wait3A_692] : memref<64x1000000xf32, #tpu.memory_space<hbm>> -> memref<64x128xf32, #tpu.memory_space<hbm>>
      tpu.wait_dma2 semaphore(%arg15 : memref<!tpu.dma_semaphore, #tpu.memory_space<semaphore_mem>>) src(%dma_wait3A_693 : memref<64x128xf32, #tpu.memory_space<hbm>>) dst(%dma_wait3A_690 : memref<64x128xf32, #tpu.memory_space<vmem>>)
      %dma_wait3A_694 = arith.constant 0 : i32
      %dma_wait3A_695 = arith.constant 0 : i32
      %dma_wait3A_696 = arith.constant 0 : i32
      %dma_wait3A_697 = tpu.memref_slice %arg10[%dma_wait3A_694, %dma_wait3A_695, %dma_wait3A_696] : memref<4x64x128xf32, #tpu.memory_space<vmem>> -> memref<1x64x128xf32, #tpu.memory_space<vmem>>
      %dma_wait3A_698 = tpu.memref_squeeze %dma_wait3A_697 : memref<1x64x128xf32, #tpu.memory_space<vmem>> -> memref<64x128xf32, #tpu.memory_space<vmem>>
      %dma_wait3A_699 = arith.constant 0 : i32
      %dma_wait3A_700 = arith.constant 0 : i32
      %dma_wait3A_701 = tpu.memref_slice %arg3[%dma_wait3A_699, %dma_wait3A_700] : memref<64x1000000xf32, #tpu.memory_space<hbm>> -> memref<64x128xf32, #tpu.memory_space<hbm>>
      %dma_wait3A_702 = arith.constant 0 : i32
      %dma_wait3A_703 = arith.constant 0 : i32
      %dma_wait3A_704 = tpu.memref_slice %arg10[%dma_wait3A_694, %dma_wait3A_702, %dma_wait3A_703] : memref<4x64x128xf32, #tpu.memory_space<vmem>> -> memref<1x64x128xf32, #tpu.memory_space<vmem>>
      %dma_wait3A_705 = tpu.memref_squeeze %dma_wait3A_704 : memref<1x64x128xf32, #tpu.memory_space<vmem>> -> memref<64x128xf32, #tpu.memory_space<vmem>>
      %dma_wait3A_706 = arith.constant 0 : i32
      %dma_wait3A_707 = arith.constant 0 : i32
      %dma_wait3A_708 = tpu.memref_slice %arg3[%dma_wait3A_706, %dma_wait3A_707] : memref<64x1000000xf32, #tpu.memory_space<hbm>> -> memref<64x128xf32, #tpu.memory_space<hbm>>
      tpu.wait_dma2 semaphore(%arg15 : memref<!tpu.dma_semaphore, #tpu.memory_space<semaphore_mem>>) src(%dma_wait3A_708 : memref<64x128xf32, #tpu.memory_space<hbm>>) dst(%dma_wait3A_705 : memref<64x128xf32, #tpu.memory_space<vmem>>)
      %slice3A_709 = vector.extract_strided_slice %gather3A_304 {offsets = [2], sizes = [1], strides = [1]} : vector<16xi32> to vector<1xi32>
      %squeeze3A_710 = vector.extract %slice3A_709[0] : i32 from vector<1xi32>
      %and3A_711 = arith.constant 127 : i32
      %and3A_712 = arith.andi %squeeze3A_710, %and3A_711 : i32
      %broadcast_in_dim3A_713 = vector.broadcast %and3A_712 : i32 to vector<16xi32>
      %slice3A_714 = vector.extract_strided_slice %gather3A_305 {offsets = [2], sizes = [1], strides = [1]} : vector<16xi32> to vector<1xi32>
      %squeeze3A_715 = vector.extract %slice3A_714[0] : i32 from vector<1xi32>
      %and3A_716 = arith.constant 127 : i32
      %and3A_717 = arith.andi %squeeze3A_715, %and3A_716 : i32
      %broadcast_in_dim3A_718 = vector.broadcast %and3A_717 : i32 to vector<16xi32>
      %broadcast_in_dim3A_719 = arith.constant 0.000000e+00 : f32
      %broadcast_in_dim3A_720 = vector.broadcast %broadcast_in_dim3A_719 : f32 to vector<16xf32>
      %broadcast_in_dim3A_721 = arith.constant 0.000000e+00 : f32
      %broadcast_in_dim3A_722 = vector.broadcast %broadcast_in_dim3A_721 : f32 to vector<16xf32>
      %broadcast_in_dim3A_723 = arith.constant 0.000000e+00 : f32
      %broadcast_in_dim3A_724 = vector.broadcast %broadcast_in_dim3A_723 : f32 to vector<16xf32>
      %add3A_725 = arith.constant 0 : i32
      %add3A_726 = vector.broadcast %add3A_725 : i32 to vector<16xi32>
      %add3A_727 = arith.addi %iota3A, %add3A_726 : vector<16xi32>
      %gather3A_728 = arith.constant 2 : i32
      %gather3A_729 = arith.constant 0 : i32
      %gather3A_730 = arith.constant 0 : i32
      %gather3A_731 = tpu.memref_slice %arg9[%gather3A_728, %gather3A_729, %gather3A_730] : memref<4x64x128xf32, #tpu.memory_space<vmem>> -> memref<1x64x128xf32, #tpu.memory_space<vmem>>
      %gather3A_732 = tpu.memref_squeeze %gather3A_731 : memref<1x64x128xf32, #tpu.memory_space<vmem>> -> memref<64x128xf32, #tpu.memory_space<vmem>>
      %gather3A_733 = tpu.vector_load_idx %gather3A_732[%add3A_727, %broadcast_in_dim3A_713] : memref<64x128xf32, #tpu.memory_space<vmem>>[vector<16xi32>, vector<16xi32>], vector<16xf32>,
      %gather3A_734 = arith.constant 2 : i32
      %gather3A_735 = arith.constant 0 : i32
      %gather3A_736 = arith.constant 0 : i32
      %gather3A_737 = tpu.memref_slice %arg10[%gather3A_734, %gather3A_735, %gather3A_736] : memref<4x64x128xf32, #tpu.memory_space<vmem>> -> memref<1x64x128xf32, #tpu.memory_space<vmem>>
      %gather3A_738 = tpu.memref_squeeze %gather3A_737 : memref<1x64x128xf32, #tpu.memory_space<vmem>> -> memref<64x128xf32, #tpu.memory_space<vmem>>
      %gather3A_739 = tpu.vector_load_idx %gather3A_738[%add3A_727, %broadcast_in_dim3A_718] : memref<64x128xf32, #tpu.memory_space<vmem>>[vector<16xi32>, vector<16xi32>], vector<16xf32>,
      %mul3A_740 = arith.mulf %gather3A_733, %gather3A_739 : vector<16xf32>
      %add3A_741 = arith.addf %broadcast_in_dim3A_720, %mul3A_740 : vector<16xf32>
      %mul3A_742 = arith.mulf %gather3A_733, %gather3A_733 : vector<16xf32>
      %add3A_743 = arith.addf %broadcast_in_dim3A_722, %mul3A_742 : vector<16xf32>
      %mul3A_744 = arith.mulf %gather3A_739, %gather3A_739 : vector<16xf32>
      %add3A_745 = arith.addf %broadcast_in_dim3A_724, %mul3A_744 : vector<16xf32>
      %add3A_746 = arith.constant 16 : i32
      %add3A_747 = vector.broadcast %add3A_746 : i32 to vector<16xi32>
      %add3A_748 = arith.addi %iota3A, %add3A_747 : vector<16xi32>
      %gather3A_749 = arith.constant 2 : i32
      %gather3A_750 = arith.constant 0 : i32
      %gather3A_751 = arith.constant 0 : i32
      %gather3A_752 = tpu.memref_slice %arg9[%gather3A_749, %gather3A_750, %gather3A_751] : memref<4x64x128xf32, #tpu.memory_space<vmem>> -> memref<1x64x128xf32, #tpu.memory_space<vmem>>
      %gather3A_753 = tpu.memref_squeeze %gather3A_752 : memref<1x64x128xf32, #tpu.memory_space<vmem>> -> memref<64x128xf32, #tpu.memory_space<vmem>>
      %gather3A_754 = tpu.vector_load_idx %gather3A_753[%add3A_748, %broadcast_in_dim3A_713] : memref<64x128xf32, #tpu.memory_space<vmem>>[vector<16xi32>, vector<16xi32>], vector<16xf32>,
      %gather3A_755 = arith.constant 2 : i32
      %gather3A_756 = arith.constant 0 : i32
      %gather3A_757 = arith.constant 0 : i32
      %gather3A_758 = tpu.memref_slice %arg10[%gather3A_755, %gather3A_756, %gather3A_757] : memref<4x64x128xf32, #tpu.memory_space<vmem>> -> memref<1x64x128xf32, #tpu.memory_space<vmem>>
      %gather3A_759 = tpu.memref_squeeze %gather3A_758 : memref<1x64x128xf32, #tpu.memory_space<vmem>> -> memref<64x128xf32, #tpu.memory_space<vmem>>
      %gather3A_760 = tpu.vector_load_idx %gather3A_759[%add3A_748, %broadcast_in_dim3A_718] : memref<64x128xf32, #tpu.memory_space<vmem>>[vector<16xi32>, vector<16xi32>], vector<16xf32>,
      %mul3A_761 = arith.mulf %gather3A_754, %gather3A_760 : vector<16xf32>
      %add3A_762 = arith.addf %add3A_741, %mul3A_761 : vector<16xf32>
      %mul3A_763 = arith.mulf %gather3A_754, %gather3A_754 : vector<16xf32>
      %add3A_764 = arith.addf %add3A_743, %mul3A_763 : vector<16xf32>
      %mul3A_765 = arith.mulf %gather3A_760, %gather3A_760 : vector<16xf32>
      %add3A_766 = arith.addf %add3A_745, %mul3A_765 : vector<16xf32>
      %add3A_767 = arith.constant 32 : i32
      %add3A_768 = vector.broadcast %add3A_767 : i32 to vector<16xi32>
      %add3A_769 = arith.addi %iota3A, %add3A_768 : vector<16xi32>
      %gather3A_770 = arith.constant 2 : i32
      %gather3A_771 = arith.constant 0 : i32
      %gather3A_772 = arith.constant 0 : i32
      %gather3A_773 = tpu.memref_slice %arg9[%gather3A_770, %gather3A_771, %gather3A_772] : memref<4x64x128xf32, #tpu.memory_space<vmem>> -> memref<1x64x128xf32, #tpu.memory_space<vmem>>
      %gather3A_774 = tpu.memref_squeeze %gather3A_773 : memref<1x64x128xf32, #tpu.memory_space<vmem>> -> memref<64x128xf32, #tpu.memory_space<vmem>>
      %gather3A_775 = tpu.vector_load_idx %gather3A_774[%add3A_769, %broadcast_in_dim3A_713] : memref<64x128xf32, #tpu.memory_space<vmem>>[vector<16xi32>, vector<16xi32>], vector<16xf32>,
      %gather3A_776 = arith.constant 2 : i32
      %gather3A_777 = arith.constant 0 : i32
      %gather3A_778 = arith.constant 0 : i32
      %gather3A_779 = tpu.memref_slice %arg10[%gather3A_776, %gather3A_777, %gather3A_778] : memref<4x64x128xf32, #tpu.memory_space<vmem>> -> memref<1x64x128xf32, #tpu.memory_space<vmem>>
      %gather3A_780 = tpu.memref_squeeze %gather3A_779 : memref<1x64x128xf32, #tpu.memory_space<vmem>> -> memref<64x128xf32, #tpu.memory_space<vmem>>
      %gather3A_781 = tpu.vector_load_idx %gather3A_780[%add3A_769, %broadcast_in_dim3A_718] : memref<64x128xf32, #tpu.memory_space<vmem>>[vector<16xi32>, vector<16xi32>], vector<16xf32>,
      %mul3A_782 = arith.mulf %gather3A_775, %gather3A_781 : vector<16xf32>
      %add3A_783 = arith.addf %add3A_762, %mul3A_782 : vector<16xf32>
      %mul3A_784 = arith.mulf %gather3A_775, %gather3A_775 : vector<16xf32>
      %add3A_785 = arith.addf %add3A_764, %mul3A_784 : vector<16xf32>
      %mul3A_786 = arith.mulf %gather3A_781, %gather3A_781 : vector<16xf32>
      %add3A_787 = arith.addf %add3A_766, %mul3A_786 : vector<16xf32>
      %add3A_788 = arith.constant 48 : i32
      %add3A_789 = vector.broadcast %add3A_788 : i32 to vector<16xi32>
      %add3A_790 = arith.addi %iota3A, %add3A_789 : vector<16xi32>
      %gather3A_791 = arith.constant 2 : i32
      %gather3A_792 = arith.constant 0 : i32
      %gather3A_793 = arith.constant 0 : i32
      %gather3A_794 = tpu.memref_slice %arg9[%gather3A_791, %gather3A_792, %gather3A_793] : memref<4x64x128xf32, #tpu.memory_space<vmem>> -> memref<1x64x128xf32, #tpu.memory_space<vmem>>
      %gather3A_795 = tpu.memref_squeeze %gather3A_794 : memref<1x64x128xf32, #tpu.memory_space<vmem>> -> memref<64x128xf32, #tpu.memory_space<vmem>>
      %gather3A_796 = tpu.vector_load_idx %gather3A_795[%add3A_790, %broadcast_in_dim3A_713] : memref<64x128xf32, #tpu.memory_space<vmem>>[vector<16xi32>, vector<16xi32>], vector<16xf32>,
      %gather3A_797 = arith.constant 2 : i32
      %gather3A_798 = arith.constant 0 : i32
      %gather3A_799 = arith.constant 0 : i32
      %gather3A_800 = tpu.memref_slice %arg10[%gather3A_797, %gather3A_798, %gather3A_799] : memref<4x64x128xf32, #tpu.memory_space<vmem>> -> memref<1x64x128xf32, #tpu.memory_space<vmem>>
      %gather3A_801 = tpu.memref_squeeze %gather3A_800 : memref<1x64x128xf32, #tpu.memory_space<vmem>> -> memref<64x128xf32, #tpu.memory_space<vmem>>
      %gather3A_802 = tpu.vector_load_idx %gather3A_801[%add3A_790, %broadcast_in_dim3A_718] : memref<64x128xf32, #tpu.memory_space<vmem>>[vector<16xi32>, vector<16xi32>], vector<16xf32>,
      %mul3A_803 = arith.mulf %gather3A_796, %gather3A_802 : vector<16xf32>
      %add3A_804 = arith.addf %add3A_783, %mul3A_803 : vector<16xf32>
      %mul3A_805 = arith.mulf %gather3A_796, %gather3A_796 : vector<16xf32>
      %add3A_806 = arith.addf %add3A_785, %mul3A_805 : vector<16xf32>
      %mul3A_807 = arith.mulf %gather3A_802, %gather3A_802 : vector<16xf32>
      %add3A_808 = arith.addf %add3A_787, %mul3A_807 : vector<16xf32>
      %add3A_809 = arith.constant 34 : i32
      %add3A_810 = vector.broadcast %add3A_809 : i32 to vector<16xi32>
      %add3A_811 = arith.addi %iota3A, %add3A_810 : vector<16xi32>
      tpu.vector_store_idx %arg12[%add3A_811], %add3A_804 : memref<272xf32, #tpu.memory_space<vmem>>[vector<16xi32>], vector<16xf32>,
      %add3A_812 = arith.constant 34 : i32
      %add3A_813 = vector.broadcast %add3A_812 : i32 to vector<16xi32>
      %add3A_814 = arith.addi %iota3A, %add3A_813 : vector<16xi32>
      tpu.vector_store_idx %arg13[%add3A_814], %add3A_806 : memref<272xf32, #tpu.memory_space<vmem>>[vector<16xi32>], vector<16xf32>,
      %add3A_815 = arith.constant 34 : i32
      %add3A_816 = vector.broadcast %add3A_815 : i32 to vector<16xi32>
      %add3A_817 = arith.addi %iota3A, %add3A_816 : vector<16xi32>
      tpu.vector_store_idx %arg14[%add3A_817], %add3A_808 : memref<272xf32, #tpu.memory_space<vmem>>[vector<16xi32>], vector<16xf32>,
      %slice3A_818 = vector.extract_strided_slice %gather3A_304 {offsets = [6], sizes = [1], strides = [1]} : vector<16xi32> to vector<1xi32>
      %squeeze3A_819 = vector.extract %slice3A_818[0] : i32 from vector<1xi32>
      %slice3A_820 = vector.extract_strided_slice %gather3A_305 {offsets = [6], sizes = [1], strides = [1]} : vector<16xi32> to vector<1xi32>
      %squeeze3A_821 = vector.extract %slice3A_820[0] : i32 from vector<1xi32>
      %shift_right_arithmetic3A_822 = arith.constant 7 : i32
      %shift_right_arithmetic3A_823 = arith.shrsi %squeeze3A_819, %shift_right_arithmetic3A_822 : i32
      %mul3A_824 = arith.constant 128 : i32
      %mul3A_825 = arith.muli %shift_right_arithmetic3A_823, %mul3A_824 : i32
      %multiple_of3A_826 = tpu.assume_multiple %mul3A_825, 128 : i32
      %shift_right_arithmetic3A_827 = arith.constant 7 : i32
      %shift_right_arithmetic3A_828 = arith.shrsi %squeeze3A_821, %shift_right_arithmetic3A_827 : i32
      %mul3A_829 = arith.constant 128 : i32
      %mul3A_830 = arith.muli %shift_right_arithmetic3A_828, %mul3A_829 : i32
      %multiple_of3A_831 = tpu.assume_multiple %mul3A_830, 128 : i32
      %dma_start3A_832 = arith.constant 2 : i32
      %dma_start3A_833 = arith.constant 0 : i32
      %dma_start3A_834 = arith.constant 0 : i32
      %dma_start3A_835 = tpu.memref_slice %arg9[%dma_start3A_832, %dma_start3A_833, %dma_start3A_834] : memref<4x64x128xf32, #tpu.memory_space<vmem>> -> memref<1x64x128xf32, #tpu.memory_space<vmem>>
      %dma_start3A_836 = tpu.memref_squeeze %dma_start3A_835 : memref<1x64x128xf32, #tpu.memory_space<vmem>> -> memref<64x128xf32, #tpu.memory_space<vmem>>
      %dma_start3A_837 = arith.constant 0 : i32
      %dma_start3A_838 = tpu.memref_slice %arg2[%dma_start3A_837, %multiple_of3A_826] : memref<64x1000000xf32, #tpu.memory_space<hbm>> -> memref<64x128xf32, #tpu.memory_space<hbm>>
      %dma_start3A_839 = arith.constant 0 : i32
      %dma_start3A_840 = arith.constant 0 : i32
      %dma_start3A_841 = tpu.memref_slice %arg9[%dma_start3A_832, %dma_start3A_839, %dma_start3A_840] : memref<4x64x128xf32, #tpu.memory_space<vmem>> -> memref<1x64x128xf32, #tpu.memory_space<vmem>>
      %dma_start3A_842 = tpu.memref_squeeze %dma_start3A_841 : memref<1x64x128xf32, #tpu.memory_space<vmem>> -> memref<64x128xf32, #tpu.memory_space<vmem>>
      %dma_start3A_843 = arith.constant 0 : i32
      %dma_start3A_844 = tpu.memref_slice %arg2[%dma_start3A_843, %multiple_of3A_826] : memref<64x1000000xf32, #tpu.memory_space<hbm>> -> memref<64x128xf32, #tpu.memory_space<hbm>>
      tpu.enqueue_dma source(%dma_start3A_844 : memref<64x128xf32, #tpu.memory_space<hbm>>) target(%dma_start3A_842 : memref<64x128xf32, #tpu.memory_space<vmem>>) target_semaphore(%arg15 : memref<!tpu.dma_semaphore, #tpu.memory_space<semaphore_mem>>)
      %dma_start3A_845 = arith.constant 2 : i32
      %dma_start3A_846 = arith.constant 0 : i32
      %dma_start3A_847 = arith.constant 0 : i32
      %dma_start3A_848 = tpu.memref_slice %arg10[%dma_start3A_845, %dma_start3A_846, %dma_start3A_847] : memref<4x64x128xf32, #tpu.memory_space<vmem>> -> memref<1x64x128xf32, #tpu.memory_space<vmem>>
      %dma_start3A_849 = tpu.memref_squeeze %dma_start3A_848 : memref<1x64x128xf32, #tpu.memory_space<vmem>> -> memref<64x128xf32, #tpu.memory_space<vmem>>
      %dma_start3A_850 = arith.constant 0 : i32
      %dma_start3A_851 = tpu.memref_slice %arg3[%dma_start3A_850, %multiple_of3A_831] : memref<64x1000000xf32, #tpu.memory_space<hbm>> -> memref<64x128xf32, #tpu.memory_space<hbm>>
      %dma_start3A_852 = arith.constant 0 : i32
      %dma_start3A_853 = arith.constant 0 : i32
      %dma_start3A_854 = tpu.memref_slice %arg10[%dma_start3A_845, %dma_start3A_852, %dma_start3A_853] : memref<4x64x128xf32, #tpu.memory_space<vmem>> -> memref<1x64x128xf32, #tpu.memory_space<vmem>>
      %dma_start3A_855 = tpu.memref_squeeze %dma_start3A_854 : memref<1x64x128xf32, #tpu.memory_space<vmem>> -> memref<64x128xf32, #tpu.memory_space<vmem>>
      %dma_start3A_856 = arith.constant 0 : i32
      %dma_start3A_857 = tpu.memref_slice %arg3[%dma_start3A_856, %multiple_of3A_831] : memref<64x1000000xf32, #tpu.memory_space<hbm>> -> memref<64x128xf32, #tpu.memory_space<hbm>>
      tpu.enqueue_dma source(%dma_start3A_857 : memref<64x128xf32, #tpu.memory_space<hbm>>) target(%dma_start3A_855 : memref<64x128xf32, #tpu.memory_space<vmem>>) target_semaphore(%arg15 : memref<!tpu.dma_semaphore, #tpu.memory_space<semaphore_mem>>)
      %dma_wait3A_858 = arith.constant 0 : i32
      %dma_wait3A_859 = arith.constant 0 : i32
      %dma_wait3A_860 = arith.constant 0 : i32
      %dma_wait3A_861 = tpu.memref_slice %arg9[%dma_wait3A_858, %dma_wait3A_859, %dma_wait3A_860] : memref<4x64x128xf32, #tpu.memory_space<vmem>> -> memref<1x64x128xf32, #tpu.memory_space<vmem>>
      %dma_wait3A_862 = tpu.memref_squeeze %dma_wait3A_861 : memref<1x64x128xf32, #tpu.memory_space<vmem>> -> memref<64x128xf32, #tpu.memory_space<vmem>>
      %dma_wait3A_863 = arith.constant 0 : i32
      %dma_wait3A_864 = arith.constant 0 : i32
      %dma_wait3A_865 = tpu.memref_slice %arg2[%dma_wait3A_863, %dma_wait3A_864] : memref<64x1000000xf32, #tpu.memory_space<hbm>> -> memref<64x128xf32, #tpu.memory_space<hbm>>
      %dma_wait3A_866 = arith.constant 0 : i32
      %dma_wait3A_867 = arith.constant 0 : i32
      %dma_wait3A_868 = tpu.memref_slice %arg9[%dma_wait3A_858, %dma_wait3A_866, %dma_wait3A_867] : memref<4x64x128xf32, #tpu.memory_space<vmem>> -> memref<1x64x128xf32, #tpu.memory_space<vmem>>
      %dma_wait3A_869 = tpu.memref_squeeze %dma_wait3A_868 : memref<1x64x128xf32, #tpu.memory_space<vmem>> -> memref<64x128xf32, #tpu.memory_space<vmem>>
      %dma_wait3A_870 = arith.constant 0 : i32
      %dma_wait3A_871 = arith.constant 0 : i32
      %dma_wait3A_872 = tpu.memref_slice %arg2[%dma_wait3A_870, %dma_wait3A_871] : memref<64x1000000xf32, #tpu.memory_space<hbm>> -> memref<64x128xf32, #tpu.memory_space<hbm>>
      tpu.wait_dma2 semaphore(%arg15 : memref<!tpu.dma_semaphore, #tpu.memory_space<semaphore_mem>>) src(%dma_wait3A_872 : memref<64x128xf32, #tpu.memory_space<hbm>>) dst(%dma_wait3A_869 : memref<64x128xf32, #tpu.memory_space<vmem>>)
      %dma_wait3A_873 = arith.constant 0 : i32
      %dma_wait3A_874 = arith.constant 0 : i32
      %dma_wait3A_875 = arith.constant 0 : i32
      %dma_wait3A_876 = tpu.memref_slice %arg10[%dma_wait3A_873, %dma_wait3A_874, %dma_wait3A_875] : memref<4x64x128xf32, #tpu.memory_space<vmem>> -> memref<1x64x128xf32, #tpu.memory_space<vmem>>
      %dma_wait3A_877 = tpu.memref_squeeze %dma_wait3A_876 : memref<1x64x128xf32, #tpu.memory_space<vmem>> -> memref<64x128xf32, #tpu.memory_space<vmem>>
      %dma_wait3A_878 = arith.constant 0 : i32
      %dma_wait3A_879 = arith.constant 0 : i32
      %dma_wait3A_880 = tpu.memref_slice %arg3[%dma_wait3A_878, %dma_wait3A_879] : memref<64x1000000xf32, #tpu.memory_space<hbm>> -> memref<64x128xf32, #tpu.memory_space<hbm>>
      %dma_wait3A_881 = arith.constant 0 : i32
      %dma_wait3A_882 = arith.constant 0 : i32
      %dma_wait3A_883 = tpu.memref_slice %arg10[%dma_wait3A_873, %dma_wait3A_881, %dma_wait3A_882] : memref<4x64x128xf32, #tpu.memory_space<vmem>> -> memref<1x64x128xf32, #tpu.memory_space<vmem>>
      %dma_wait3A_884 = tpu.memref_squeeze %dma_wait3A_883 : memref<1x64x128xf32, #tpu.memory_space<vmem>> -> memref<64x128xf32, #tpu.memory_space<vmem>>
      %dma_wait3A_885 = arith.constant 0 : i32
      %dma_wait3A_886 = arith.constant 0 : i32
      %dma_wait3A_887 = tpu.memref_slice %arg3[%dma_wait3A_885, %dma_wait3A_886] : memref<64x1000000xf32, #tpu.memory_space<hbm>> -> memref<64x128xf32, #tpu.memory_space<hbm>>
      tpu.wait_dma2 semaphore(%arg15 : memref<!tpu.dma_semaphore, #tpu.memory_space<semaphore_mem>>) src(%dma_wait3A_887 : memref<64x128xf32, #tpu.memory_space<hbm>>) dst(%dma_wait3A_884 : memref<64x128xf32, #tpu.memory_space<vmem>>)
      %slice3A_888 = vector.extract_strided_slice %gather3A_304 {offsets = [3], sizes = [1], strides = [1]} : vector<16xi32> to vector<1xi32>
      %squeeze3A_889 = vector.extract %slice3A_888[0] : i32 from vector<1xi32>
      %and3A_890 = arith.constant 127 : i32
      %and3A_891 = arith.andi %squeeze3A_889, %and3A_890 : i32
      %broadcast_in_dim3A_892 = vector.broadcast %and3A_891 : i32 to vector<16xi32>
      %slice3A_893 = vector.extract_strided_slice %gather3A_305 {offsets = [3], sizes = [1], strides = [1]} : vector<16xi32> to vector<1xi32>
      %squeeze3A_894 = vector.extract %slice3A_893[0] : i32 from vector<1xi32>
      %and3A_895 = arith.constant 127 : i32
      %and3A_896 = arith.andi %squeeze3A_894, %and3A_895 : i32
      %broadcast_in_dim3A_897 = vector.broadcast %and3A_896 : i32 to vector<16xi32>
      %broadcast_in_dim3A_898 = arith.constant 0.000000e+00 : f32
      %broadcast_in_dim3A_899 = vector.broadcast %broadcast_in_dim3A_898 : f32 to vector<16xf32>
      %broadcast_in_dim3A_900 = arith.constant 0.000000e+00 : f32
      %broadcast_in_dim3A_901 = vector.broadcast %broadcast_in_dim3A_900 : f32 to vector<16xf32>
      %broadcast_in_dim3A_902 = arith.constant 0.000000e+00 : f32
      %broadcast_in_dim3A_903 = vector.broadcast %broadcast_in_dim3A_902 : f32 to vector<16xf32>
      %add3A_904 = arith.constant 0 : i32
      %add3A_905 = vector.broadcast %add3A_904 : i32 to vector<16xi32>
      %add3A_906 = arith.addi %iota3A, %add3A_905 : vector<16xi32>
      %gather3A_907 = arith.constant 3 : i32
      %gather3A_908 = arith.constant 0 : i32
      %gather3A_909 = arith.constant 0 : i32
      %gather3A_910 = tpu.memref_slice %arg9[%gather3A_907, %gather3A_908, %gather3A_909] : memref<4x64x128xf32, #tpu.memory_space<vmem>> -> memref<1x64x128xf32, #tpu.memory_space<vmem>>
      %gather3A_911 = tpu.memref_squeeze %gather3A_910 : memref<1x64x128xf32, #tpu.memory_space<vmem>> -> memref<64x128xf32, #tpu.memory_space<vmem>>
      %gather3A_912 = tpu.vector_load_idx %gather3A_911[%add3A_906, %broadcast_in_dim3A_892] : memref<64x128xf32, #tpu.memory_space<vmem>>[vector<16xi32>, vector<16xi32>], vector<16xf32>,
      %gather3A_913 = arith.constant 3 : i32
      %gather3A_914 = arith.constant 0 : i32
      %gather3A_915 = arith.constant 0 : i32
      %gather3A_916 = tpu.memref_slice %arg10[%gather3A_913, %gather3A_914, %gather3A_915] : memref<4x64x128xf32, #tpu.memory_space<vmem>> -> memref<1x64x128xf32, #tpu.memory_space<vmem>>
      %gather3A_917 = tpu.memref_squeeze %gather3A_916 : memref<1x64x128xf32, #tpu.memory_space<vmem>> -> memref<64x128xf32, #tpu.memory_space<vmem>>
      %gather3A_918 = tpu.vector_load_idx %gather3A_917[%add3A_906, %broadcast_in_dim3A_897] : memref<64x128xf32, #tpu.memory_space<vmem>>[vector<16xi32>, vector<16xi32>], vector<16xf32>,
      %mul3A_919 = arith.mulf %gather3A_912, %gather3A_918 : vector<16xf32>
      %add3A_920 = arith.addf %broadcast_in_dim3A_899, %mul3A_919 : vector<16xf32>
      %mul3A_921 = arith.mulf %gather3A_912, %gather3A_912 : vector<16xf32>
      %add3A_922 = arith.addf %broadcast_in_dim3A_901, %mul3A_921 : vector<16xf32>
      %mul3A_923 = arith.mulf %gather3A_918, %gather3A_918 : vector<16xf32>
      %add3A_924 = arith.addf %broadcast_in_dim3A_903, %mul3A_923 : vector<16xf32>
      %add3A_925 = arith.constant 16 : i32
      %add3A_926 = vector.broadcast %add3A_925 : i32 to vector<16xi32>
      %add3A_927 = arith.addi %iota3A, %add3A_926 : vector<16xi32>
      %gather3A_928 = arith.constant 3 : i32
      %gather3A_929 = arith.constant 0 : i32
      %gather3A_930 = arith.constant 0 : i32
      %gather3A_931 = tpu.memref_slice %arg9[%gather3A_928, %gather3A_929, %gather3A_930] : memref<4x64x128xf32, #tpu.memory_space<vmem>> -> memref<1x64x128xf32, #tpu.memory_space<vmem>>
      %gather3A_932 = tpu.memref_squeeze %gather3A_931 : memref<1x64x128xf32, #tpu.memory_space<vmem>> -> memref<64x128xf32, #tpu.memory_space<vmem>>
      %gather3A_933 = tpu.vector_load_idx %gather3A_932[%add3A_927, %broadcast_in_dim3A_892] : memref<64x128xf32, #tpu.memory_space<vmem>>[vector<16xi32>, vector<16xi32>], vector<16xf32>,
      %gather3A_934 = arith.constant 3 : i32
      %gather3A_935 = arith.constant 0 : i32
      %gather3A_936 = arith.constant 0 : i32
      %gather3A_937 = tpu.memref_slice %arg10[%gather3A_934, %gather3A_935, %gather3A_936] : memref<4x64x128xf32, #tpu.memory_space<vmem>> -> memref<1x64x128xf32, #tpu.memory_space<vmem>>
      %gather3A_938 = tpu.memref_squeeze %gather3A_937 : memref<1x64x128xf32, #tpu.memory_space<vmem>> -> memref<64x128xf32, #tpu.memory_space<vmem>>
      %gather3A_939 = tpu.vector_load_idx %gather3A_938[%add3A_927, %broadcast_in_dim3A_897] : memref<64x128xf32, #tpu.memory_space<vmem>>[vector<16xi32>, vector<16xi32>], vector<16xf32>,
      %mul3A_940 = arith.mulf %gather3A_933, %gather3A_939 : vector<16xf32>
      %add3A_941 = arith.addf %add3A_920, %mul3A_940 : vector<16xf32>
      %mul3A_942 = arith.mulf %gather3A_933, %gather3A_933 : vector<16xf32>
      %add3A_943 = arith.addf %add3A_922, %mul3A_942 : vector<16xf32>
      %mul3A_944 = arith.mulf %gather3A_939, %gather3A_939 : vector<16xf32>
      %add3A_945 = arith.addf %add3A_924, %mul3A_944 : vector<16xf32>
      %add3A_946 = arith.constant 32 : i32
      %add3A_947 = vector.broadcast %add3A_946 : i32 to vector<16xi32>
      %add3A_948 = arith.addi %iota3A, %add3A_947 : vector<16xi32>
      %gather3A_949 = arith.constant 3 : i32
      %gather3A_950 = arith.constant 0 : i32
      %gather3A_951 = arith.constant 0 : i32
      %gather3A_952 = tpu.memref_slice %arg9[%gather3A_949, %gather3A_950, %gather3A_951] : memref<4x64x128xf32, #tpu.memory_space<vmem>> -> memref<1x64x128xf32, #tpu.memory_space<vmem>>
      %gather3A_953 = tpu.memref_squeeze %gather3A_952 : memref<1x64x128xf32, #tpu.memory_space<vmem>> -> memref<64x128xf32, #tpu.memory_space<vmem>>
      %gather3A_954 = tpu.vector_load_idx %gather3A_953[%add3A_948, %broadcast_in_dim3A_892] : memref<64x128xf32, #tpu.memory_space<vmem>>[vector<16xi32>, vector<16xi32>], vector<16xf32>,
      %gather3A_955 = arith.constant 3 : i32
      %gather3A_956 = arith.constant 0 : i32
      %gather3A_957 = arith.constant 0 : i32
      %gather3A_958 = tpu.memref_slice %arg10[%gather3A_955, %gather3A_956, %gather3A_957] : memref<4x64x128xf32, #tpu.memory_space<vmem>> -> memref<1x64x128xf32, #tpu.memory_space<vmem>>
      %gather3A_959 = tpu.memref_squeeze %gather3A_958 : memref<1x64x128xf32, #tpu.memory_space<vmem>> -> memref<64x128xf32, #tpu.memory_space<vmem>>
      %gather3A_960 = tpu.vector_load_idx %gather3A_959[%add3A_948, %broadcast_in_dim3A_897] : memref<64x128xf32, #tpu.memory_space<vmem>>[vector<16xi32>, vector<16xi32>], vector<16xf32>,
      %mul3A_961 = arith.mulf %gather3A_954, %gather3A_960 : vector<16xf32>
      %add3A_962 = arith.addf %add3A_941, %mul3A_961 : vector<16xf32>
      %mul3A_963 = arith.mulf %gather3A_954, %gather3A_954 : vector<16xf32>
      %add3A_964 = arith.addf %add3A_943, %mul3A_963 : vector<16xf32>
      %mul3A_965 = arith.mulf %gather3A_960, %gather3A_960 : vector<16xf32>
      %add3A_966 = arith.addf %add3A_945, %mul3A_965 : vector<16xf32>
      %add3A_967 = arith.constant 48 : i32
      %add3A_968 = vector.broadcast %add3A_967 : i32 to vector<16xi32>
      %add3A_969 = arith.addi %iota3A, %add3A_968 : vector<16xi32>
      %gather3A_970 = arith.constant 3 : i32
      %gather3A_971 = arith.constant 0 : i32
      %gather3A_972 = arith.constant 0 : i32
      %gather3A_973 = tpu.memref_slice %arg9[%gather3A_970, %gather3A_971, %gather3A_972] : memref<4x64x128xf32, #tpu.memory_space<vmem>> -> memref<1x64x128xf32, #tpu.memory_space<vmem>>
      %gather3A_974 = tpu.memref_squeeze %gather3A_973 : memref<1x64x128xf32, #tpu.memory_space<vmem>> -> memref<64x128xf32, #tpu.memory_space<vmem>>
      %gather3A_975 = tpu.vector_load_idx %gather3A_974[%add3A_969, %broadcast_in_dim3A_892] : memref<64x128xf32, #tpu.memory_space<vmem>>[vector<16xi32>, vector<16xi32>], vector<16xf32>,
      %gather3A_976 = arith.constant 3 : i32
      %gather3A_977 = arith.constant 0 : i32
      %gather3A_978 = arith.constant 0 : i32
      %gather3A_979 = tpu.memref_slice %arg10[%gather3A_976, %gather3A_977, %gather3A_978] : memref<4x64x128xf32, #tpu.memory_space<vmem>> -> memref<1x64x128xf32, #tpu.memory_space<vmem>>
      %gather3A_980 = tpu.memref_squeeze %gather3A_979 : memref<1x64x128xf32, #tpu.memory_space<vmem>> -> memref<64x128xf32, #tpu.memory_space<vmem>>
      %gather3A_981 = tpu.vector_load_idx %gather3A_980[%add3A_969, %broadcast_in_dim3A_897] : memref<64x128xf32, #tpu.memory_space<vmem>>[vector<16xi32>, vector<16xi32>], vector<16xf32>,
      %mul3A_982 = arith.mulf %gather3A_975, %gather3A_981 : vector<16xf32>
      %add3A_983 = arith.addf %add3A_962, %mul3A_982 : vector<16xf32>
      %mul3A_984 = arith.mulf %gather3A_975, %gather3A_975 : vector<16xf32>
      %add3A_985 = arith.addf %add3A_964, %mul3A_984 : vector<16xf32>
      %mul3A_986 = arith.mulf %gather3A_981, %gather3A_981 : vector<16xf32>
      %add3A_987 = arith.addf %add3A_966, %mul3A_986 : vector<16xf32>
      %add3A_988 = arith.constant 51 : i32
      %add3A_989 = vector.broadcast %add3A_988 : i32 to vector<16xi32>
      %add3A_990 = arith.addi %iota3A, %add3A_989 : vector<16xi32>
      tpu.vector_store_idx %arg12[%add3A_990], %add3A_983 : memref<272xf32, #tpu.memory_space<vmem>>[vector<16xi32>], vector<16xf32>,
      %add3A_991 = arith.constant 51 : i32
      %add3A_992 = vector.broadcast %add3A_991 : i32 to vector<16xi32>
      %add3A_993 = arith.addi %iota3A, %add3A_992 : vector<16xi32>
      tpu.vector_store_idx %arg13[%add3A_993], %add3A_985 : memref<272xf32, #tpu.memory_space<vmem>>[vector<16xi32>], vector<16xf32>,
      %add3A_994 = arith.constant 51 : i32
      %add3A_995 = vector.broadcast %add3A_994 : i32 to vector<16xi32>
      %add3A_996 = arith.addi %iota3A, %add3A_995 : vector<16xi32>
      tpu.vector_store_idx %arg14[%add3A_996], %add3A_987 : memref<272xf32, #tpu.memory_space<vmem>>[vector<16xi32>], vector<16xf32>,
      %slice3A_997 = vector.extract_strided_slice %gather3A_304 {offsets = [7], sizes = [1], strides = [1]} : vector<16xi32> to vector<1xi32>
      %squeeze3A_998 = vector.extract %slice3A_997[0] : i32 from vector<1xi32>
      %slice3A_999 = vector.extract_strided_slice %gather3A_305 {offsets = [7], sizes = [1], strides = [1]} : vector<16xi32> to vector<1xi32>
      %squeeze3A_1000 = vector.extract %slice3A_999[0] : i32 from vector<1xi32>
      %shift_right_arithmetic3A_1001 = arith.constant 7 : i32
      %shift_right_arithmetic3A_1002 = arith.shrsi %squeeze3A_998, %shift_right_arithmetic3A_1001 : i32
      %mul3A_1003 = arith.constant 128 : i32
      %mul3A_1004 = arith.muli %shift_right_arithmetic3A_1002, %mul3A_1003 : i32
      %multiple_of3A_1005 = tpu.assume_multiple %mul3A_1004, 128 : i32
      %shift_right_arithmetic3A_1006 = arith.constant 7 : i32
      %shift_right_arithmetic3A_1007 = arith.shrsi %squeeze3A_1000, %shift_right_arithmetic3A_1006 : i32
      %mul3A_1008 = arith.constant 128 : i32
      %mul3A_1009 = arith.muli %shift_right_arithmetic3A_1007, %mul3A_1008 : i32
      %multiple_of3A_1010 = tpu.assume_multiple %mul3A_1009, 128 : i32
      %dma_start3A_1011 = arith.constant 3 : i32
      %dma_start3A_1012 = arith.constant 0 : i32
      %dma_start3A_1013 = arith.constant 0 : i32
      %dma_start3A_1014 = tpu.memref_slice %arg9[%dma_start3A_1011, %dma_start3A_1012, %dma_start3A_1013] : memref<4x64x128xf32, #tpu.memory_space<vmem>> -> memref<1x64x128xf32, #tpu.memory_space<vmem>>
      %dma_start3A_1015 = tpu.memref_squeeze %dma_start3A_1014 : memref<1x64x128xf32, #tpu.memory_space<vmem>> -> memref<64x128xf32, #tpu.memory_space<vmem>>
      %dma_start3A_1016 = arith.constant 0 : i32
      %dma_start3A_1017 = tpu.memref_slice %arg2[%dma_start3A_1016, %multiple_of3A_1005] : memref<64x1000000xf32, #tpu.memory_space<hbm>> -> memref<64x128xf32, #tpu.memory_space<hbm>>
      %dma_start3A_1018 = arith.constant 0 : i32
      %dma_start3A_1019 = arith.constant 0 : i32
      %dma_start3A_1020 = tpu.memref_slice %arg9[%dma_start3A_1011, %dma_start3A_1018, %dma_start3A_1019] : memref<4x64x128xf32, #tpu.memory_space<vmem>> -> memref<1x64x128xf32, #tpu.memory_space<vmem>>
      %dma_start3A_1021 = tpu.memref_squeeze %dma_start3A_1020 : memref<1x64x128xf32, #tpu.memory_space<vmem>> -> memref<64x128xf32, #tpu.memory_space<vmem>>
      %dma_start3A_1022 = arith.constant 0 : i32
      %dma_start3A_1023 = tpu.memref_slice %arg2[%dma_start3A_1022, %multiple_of3A_1005] : memref<64x1000000xf32, #tpu.memory_space<hbm>> -> memref<64x128xf32, #tpu.memory_space<hbm>>
      tpu.enqueue_dma source(%dma_start3A_1023 : memref<64x128xf32, #tpu.memory_space<hbm>>) target(%dma_start3A_1021 : memref<64x128xf32, #tpu.memory_space<vmem>>) target_semaphore(%arg15 : memref<!tpu.dma_semaphore, #tpu.memory_space<semaphore_mem>>)
      %dma_start3A_1024 = arith.constant 3 : i32
      %dma_start3A_1025 = arith.constant 0 : i32
      %dma_start3A_1026 = arith.constant 0 : i32
      %dma_start3A_1027 = tpu.memref_slice %arg10[%dma_start3A_1024, %dma_start3A_1025, %dma_start3A_1026] : memref<4x64x128xf32, #tpu.memory_space<vmem>> -> memref<1x64x128xf32, #tpu.memory_space<vmem>>
      %dma_start3A_1028 = tpu.memref_squeeze %dma_start3A_1027 : memref<1x64x128xf32, #tpu.memory_space<vmem>> -> memref<64x128xf32, #tpu.memory_space<vmem>>
      %dma_start3A_1029 = arith.constant 0 : i32
      %dma_start3A_1030 = tpu.memref_slice %arg3[%dma_start3A_1029, %multiple_of3A_1010] : memref<64x1000000xf32, #tpu.memory_space<hbm>> -> memref<64x128xf32, #tpu.memory_space<hbm>>
      %dma_start3A_1031 = arith.constant 0 : i32
      %dma_start3A_1032 = arith.constant 0 : i32
      %dma_start3A_1033 = tpu.memref_slice %arg10[%dma_start3A_1024, %dma_start3A_1031, %dma_start3A_1032] : memref<4x64x128xf32, #tpu.memory_space<vmem>> -> memref<1x64x128xf32, #tpu.memory_space<vmem>>
      %dma_start3A_1034 = tpu.memref_squeeze %dma_start3A_1033 : memref<1x64x128xf32, #tpu.memory_space<vmem>> -> memref<64x128xf32, #tpu.memory_space<vmem>>
      %dma_start3A_1035 = arith.constant 0 : i32
      %dma_start3A_1036 = tpu.memref_slice %arg3[%dma_start3A_1035, %multiple_of3A_1010] : memref<64x1000000xf32, #tpu.memory_space<hbm>> -> memref<64x128xf32, #tpu.memory_space<hbm>>
      tpu.enqueue_dma source(%dma_start3A_1036 : memref<64x128xf32, #tpu.memory_space<hbm>>) target(%dma_start3A_1034 : memref<64x128xf32, #tpu.memory_space<vmem>>) target_semaphore(%arg15 : memref<!tpu.dma_semaphore, #tpu.memory_space<semaphore_mem>>)
      %dma_wait3A_1037 = arith.constant 0 : i32
      %dma_wait3A_1038 = arith.constant 0 : i32
      %dma_wait3A_1039 = arith.constant 0 : i32
      %dma_wait3A_1040 = tpu.memref_slice %arg9[%dma_wait3A_1037, %dma_wait3A_1038, %dma_wait3A_1039] : memref<4x64x128xf32, #tpu.memory_space<vmem>> -> memref<1x64x128xf32, #tpu.memory_space<vmem>>
      %dma_wait3A_1041 = tpu.memref_squeeze %dma_wait3A_1040 : memref<1x64x128xf32, #tpu.memory_space<vmem>> -> memref<64x128xf32, #tpu.memory_space<vmem>>
      %dma_wait3A_1042 = arith.constant 0 : i32
      %dma_wait3A_1043 = arith.constant 0 : i32
      %dma_wait3A_1044 = tpu.memref_slice %arg2[%dma_wait3A_1042, %dma_wait3A_1043] : memref<64x1000000xf32, #tpu.memory_space<hbm>> -> memref<64x128xf32, #tpu.memory_space<hbm>>
      %dma_wait3A_1045 = arith.constant 0 : i32
      %dma_wait3A_1046 = arith.constant 0 : i32
      %dma_wait3A_1047 = tpu.memref_slice %arg9[%dma_wait3A_1037, %dma_wait3A_1045, %dma_wait3A_1046] : memref<4x64x128xf32, #tpu.memory_space<vmem>> -> memref<1x64x128xf32, #tpu.memory_space<vmem>>
      %dma_wait3A_1048 = tpu.memref_squeeze %dma_wait3A_1047 : memref<1x64x128xf32, #tpu.memory_space<vmem>> -> memref<64x128xf32, #tpu.memory_space<vmem>>
      %dma_wait3A_1049 = arith.constant 0 : i32
      %dma_wait3A_1050 = arith.constant 0 : i32
      %dma_wait3A_1051 = tpu.memref_slice %arg2[%dma_wait3A_1049, %dma_wait3A_1050] : memref<64x1000000xf32, #tpu.memory_space<hbm>> -> memref<64x128xf32, #tpu.memory_space<hbm>>
      tpu.wait_dma2 semaphore(%arg15 : memref<!tpu.dma_semaphore, #tpu.memory_space<semaphore_mem>>) src(%dma_wait3A_1051 : memref<64x128xf32, #tpu.memory_space<hbm>>) dst(%dma_wait3A_1048 : memref<64x128xf32, #tpu.memory_space<vmem>>)
      %dma_wait3A_1052 = arith.constant 0 : i32
      %dma_wait3A_1053 = arith.constant 0 : i32
      %dma_wait3A_1054 = arith.constant 0 : i32
      %dma_wait3A_1055 = tpu.memref_slice %arg10[%dma_wait3A_1052, %dma_wait3A_1053, %dma_wait3A_1054] : memref<4x64x128xf32, #tpu.memory_space<vmem>> -> memref<1x64x128xf32, #tpu.memory_space<vmem>>
      %dma_wait3A_1056 = tpu.memref_squeeze %dma_wait3A_1055 : memref<1x64x128xf32, #tpu.memory_space<vmem>> -> memref<64x128xf32, #tpu.memory_space<vmem>>
      %dma_wait3A_1057 = arith.constant 0 : i32
      %dma_wait3A_1058 = arith.constant 0 : i32
      %dma_wait3A_1059 = tpu.memref_slice %arg3[%dma_wait3A_1057, %dma_wait3A_1058] : memref<64x1000000xf32, #tpu.memory_space<hbm>> -> memref<64x128xf32, #tpu.memory_space<hbm>>
      %dma_wait3A_1060 = arith.constant 0 : i32
      %dma_wait3A_1061 = arith.constant 0 : i32
      %dma_wait3A_1062 = tpu.memref_slice %arg10[%dma_wait3A_1052, %dma_wait3A_1060, %dma_wait3A_1061] : memref<4x64x128xf32, #tpu.memory_space<vmem>> -> memref<1x64x128xf32, #tpu.memory_space<vmem>>
      %dma_wait3A_1063 = tpu.memref_squeeze %dma_wait3A_1062 : memref<1x64x128xf32, #tpu.memory_space<vmem>> -> memref<64x128xf32, #tpu.memory_space<vmem>>
      %dma_wait3A_1064 = arith.constant 0 : i32
      %dma_wait3A_1065 = arith.constant 0 : i32
      %dma_wait3A_1066 = tpu.memref_slice %arg3[%dma_wait3A_1064, %dma_wait3A_1065] : memref<64x1000000xf32, #tpu.memory_space<hbm>> -> memref<64x128xf32, #tpu.memory_space<hbm>>
      tpu.wait_dma2 semaphore(%arg15 : memref<!tpu.dma_semaphore, #tpu.memory_space<semaphore_mem>>) src(%dma_wait3A_1066 : memref<64x128xf32, #tpu.memory_space<hbm>>) dst(%dma_wait3A_1063 : memref<64x128xf32, #tpu.memory_space<vmem>>)
      %slice3A_1067 = vector.extract_strided_slice %gather3A_304 {offsets = [4], sizes = [1], strides = [1]} : vector<16xi32> to vector<1xi32>
      %squeeze3A_1068 = vector.extract %slice3A_1067[0] : i32 from vector<1xi32>
      %and3A_1069 = arith.constant 127 : i32
      %and3A_1070 = arith.andi %squeeze3A_1068, %and3A_1069 : i32
      %broadcast_in_dim3A_1071 = vector.broadcast %and3A_1070 : i32 to vector<16xi32>
      %slice3A_1072 = vector.extract_strided_slice %gather3A_305 {offsets = [4], sizes = [1], strides = [1]} : vector<16xi32> to vector<1xi32>
      %squeeze3A_1073 = vector.extract %slice3A_1072[0] : i32 from vector<1xi32>
      %and3A_1074 = arith.constant 127 : i32
      %and3A_1075 = arith.andi %squeeze3A_1073, %and3A_1074 : i32
      %broadcast_in_dim3A_1076 = vector.broadcast %and3A_1075 : i32 to vector<16xi32>
      %broadcast_in_dim3A_1077 = arith.constant 0.000000e+00 : f32
      %broadcast_in_dim3A_1078 = vector.broadcast %broadcast_in_dim3A_1077 : f32 to vector<16xf32>
      %broadcast_in_dim3A_1079 = arith.constant 0.000000e+00 : f32
      %broadcast_in_dim3A_1080 = vector.broadcast %broadcast_in_dim3A_1079 : f32 to vector<16xf32>
      %broadcast_in_dim3A_1081 = arith.constant 0.000000e+00 : f32
      %broadcast_in_dim3A_1082 = vector.broadcast %broadcast_in_dim3A_1081 : f32 to vector<16xf32>
      %add3A_1083 = arith.constant 0 : i32
      %add3A_1084 = vector.broadcast %add3A_1083 : i32 to vector<16xi32>
      %add3A_1085 = arith.addi %iota3A, %add3A_1084 : vector<16xi32>
      %gather3A_1086 = arith.constant 0 : i32
      %gather3A_1087 = arith.constant 0 : i32
      %gather3A_1088 = arith.constant 0 : i32
      %gather3A_1089 = tpu.memref_slice %arg9[%gather3A_1086, %gather3A_1087, %gather3A_1088] : memref<4x64x128xf32, #tpu.memory_space<vmem>> -> memref<1x64x128xf32, #tpu.memory_space<vmem>>
      %gather3A_1090 = tpu.memref_squeeze %gather3A_1089 : memref<1x64x128xf32, #tpu.memory_space<vmem>> -> memref<64x128xf32, #tpu.memory_space<vmem>>
      %gather3A_1091 = tpu.vector_load_idx %gather3A_1090[%add3A_1085, %broadcast_in_dim3A_1071] : memref<64x128xf32, #tpu.memory_space<vmem>>[vector<16xi32>, vector<16xi32>], vector<16xf32>,
      %gather3A_1092 = arith.constant 0 : i32
      %gather3A_1093 = arith.constant 0 : i32
      %gather3A_1094 = arith.constant 0 : i32
      %gather3A_1095 = tpu.memref_slice %arg10[%gather3A_1092, %gather3A_1093, %gather3A_1094] : memref<4x64x128xf32, #tpu.memory_space<vmem>> -> memref<1x64x128xf32, #tpu.memory_space<vmem>>
      %gather3A_1096 = tpu.memref_squeeze %gather3A_1095 : memref<1x64x128xf32, #tpu.memory_space<vmem>> -> memref<64x128xf32, #tpu.memory_space<vmem>>
      %gather3A_1097 = tpu.vector_load_idx %gather3A_1096[%add3A_1085, %broadcast_in_dim3A_1076] : memref<64x128xf32, #tpu.memory_space<vmem>>[vector<16xi32>, vector<16xi32>], vector<16xf32>,
      %mul3A_1098 = arith.mulf %gather3A_1091, %gather3A_1097 : vector<16xf32>
      %add3A_1099 = arith.addf %broadcast_in_dim3A_1078, %mul3A_1098 : vector<16xf32>
      %mul3A_1100 = arith.mulf %gather3A_1091, %gather3A_1091 : vector<16xf32>
      %add3A_1101 = arith.addf %broadcast_in_dim3A_1080, %mul3A_1100 : vector<16xf32>
      %mul3A_1102 = arith.mulf %gather3A_1097, %gather3A_1097 : vector<16xf32>
      %add3A_1103 = arith.addf %broadcast_in_dim3A_1082, %mul3A_1102 : vector<16xf32>
      %add3A_1104 = arith.constant 16 : i32
      %add3A_1105 = vector.broadcast %add3A_1104 : i32 to vector<16xi32>
      %add3A_1106 = arith.addi %iota3A, %add3A_1105 : vector<16xi32>
      %gather3A_1107 = arith.constant 0 : i32
      %gather3A_1108 = arith.constant 0 : i32
      %gather3A_1109 = arith.constant 0 : i32
      %gather3A_1110 = tpu.memref_slice %arg9[%gather3A_1107, %gather3A_1108, %gather3A_1109] : memref<4x64x128xf32, #tpu.memory_space<vmem>> -> memref<1x64x128xf32, #tpu.memory_space<vmem>>
      %gather3A_1111 = tpu.memref_squeeze %gather3A_1110 : memref<1x64x128xf32, #tpu.memory_space<vmem>> -> memref<64x128xf32, #tpu.memory_space<vmem>>
      %gather3A_1112 = tpu.vector_load_idx %gather3A_1111[%add3A_1106, %broadcast_in_dim3A_1071] : memref<64x128xf32, #tpu.memory_space<vmem>>[vector<16xi32>, vector<16xi32>], vector<16xf32>,
      %gather3A_1113 = arith.constant 0 : i32
      %gather3A_1114 = arith.constant 0 : i32
      %gather3A_1115 = arith.constant 0 : i32
      %gather3A_1116 = tpu.memref_slice %arg10[%gather3A_1113, %gather3A_1114, %gather3A_1115] : memref<4x64x128xf32, #tpu.memory_space<vmem>> -> memref<1x64x128xf32, #tpu.memory_space<vmem>>
      %gather3A_1117 = tpu.memref_squeeze %gather3A_1116 : memref<1x64x128xf32, #tpu.memory_space<vmem>> -> memref<64x128xf32, #tpu.memory_space<vmem>>
      %gather3A_1118 = tpu.vector_load_idx %gather3A_1117[%add3A_1106, %broadcast_in_dim3A_1076] : memref<64x128xf32, #tpu.memory_space<vmem>>[vector<16xi32>, vector<16xi32>], vector<16xf32>,
      %mul3A_1119 = arith.mulf %gather3A_1112, %gather3A_1118 : vector<16xf32>
      %add3A_1120 = arith.addf %add3A_1099, %mul3A_1119 : vector<16xf32>
      %mul3A_1121 = arith.mulf %gather3A_1112, %gather3A_1112 : vector<16xf32>
      %add3A_1122 = arith.addf %add3A_1101, %mul3A_1121 : vector<16xf32>
      %mul3A_1123 = arith.mulf %gather3A_1118, %gather3A_1118 : vector<16xf32>
      %add3A_1124 = arith.addf %add3A_1103, %mul3A_1123 : vector<16xf32>
      %add3A_1125 = arith.constant 32 : i32
      %add3A_1126 = vector.broadcast %add3A_1125 : i32 to vector<16xi32>
      %add3A_1127 = arith.addi %iota3A, %add3A_1126 : vector<16xi32>
      %gather3A_1128 = arith.constant 0 : i32
      %gather3A_1129 = arith.constant 0 : i32
      %gather3A_1130 = arith.constant 0 : i32
      %gather3A_1131 = tpu.memref_slice %arg9[%gather3A_1128, %gather3A_1129, %gather3A_1130] : memref<4x64x128xf32, #tpu.memory_space<vmem>> -> memref<1x64x128xf32, #tpu.memory_space<vmem>>
      %gather3A_1132 = tpu.memref_squeeze %gather3A_1131 : memref<1x64x128xf32, #tpu.memory_space<vmem>> -> memref<64x128xf32, #tpu.memory_space<vmem>>
      %gather3A_1133 = tpu.vector_load_idx %gather3A_1132[%add3A_1127, %broadcast_in_dim3A_1071] : memref<64x128xf32, #tpu.memory_space<vmem>>[vector<16xi32>, vector<16xi32>], vector<16xf32>,
      %gather3A_1134 = arith.constant 0 : i32
      %gather3A_1135 = arith.constant 0 : i32
      %gather3A_1136 = arith.constant 0 : i32
      %gather3A_1137 = tpu.memref_slice %arg10[%gather3A_1134, %gather3A_1135, %gather3A_1136] : memref<4x64x128xf32, #tpu.memory_space<vmem>> -> memref<1x64x128xf32, #tpu.memory_space<vmem>>
      %gather3A_1138 = tpu.memref_squeeze %gather3A_1137 : memref<1x64x128xf32, #tpu.memory_space<vmem>> -> memref<64x128xf32, #tpu.memory_space<vmem>>
      %gather3A_1139 = tpu.vector_load_idx %gather3A_1138[%add3A_1127, %broadcast_in_dim3A_1076] : memref<64x128xf32, #tpu.memory_space<vmem>>[vector<16xi32>, vector<16xi32>], vector<16xf32>,
      %mul3A_1140 = arith.mulf %gather3A_1133, %gather3A_1139 : vector<16xf32>
      %add3A_1141 = arith.addf %add3A_1120, %mul3A_1140 : vector<16xf32>
      %mul3A_1142 = arith.mulf %gather3A_1133, %gather3A_1133 : vector<16xf32>
      %add3A_1143 = arith.addf %add3A_1122, %mul3A_1142 : vector<16xf32>
      %mul3A_1144 = arith.mulf %gather3A_1139, %gather3A_1139 : vector<16xf32>
      %add3A_1145 = arith.addf %add3A_1124, %mul3A_1144 : vector<16xf32>
      %add3A_1146 = arith.constant 48 : i32
      %add3A_1147 = vector.broadcast %add3A_1146 : i32 to vector<16xi32>
      %add3A_1148 = arith.addi %iota3A, %add3A_1147 : vector<16xi32>
      %gather3A_1149 = arith.constant 0 : i32
      %gather3A_1150 = arith.constant 0 : i32
      %gather3A_1151 = arith.constant 0 : i32
      %gather3A_1152 = tpu.memref_slice %arg9[%gather3A_1149, %gather3A_1150, %gather3A_1151] : memref<4x64x128xf32, #tpu.memory_space<vmem>> -> memref<1x64x128xf32, #tpu.memory_space<vmem>>
      %gather3A_1153 = tpu.memref_squeeze %gather3A_1152 : memref<1x64x128xf32, #tpu.memory_space<vmem>> -> memref<64x128xf32, #tpu.memory_space<vmem>>
      %gather3A_1154 = tpu.vector_load_idx %gather3A_1153[%add3A_1148, %broadcast_in_dim3A_1071] : memref<64x128xf32, #tpu.memory_space<vmem>>[vector<16xi32>, vector<16xi32>], vector<16xf32>,
      %gather3A_1155 = arith.constant 0 : i32
      %gather3A_1156 = arith.constant 0 : i32
      %gather3A_1157 = arith.constant 0 : i32
      %gather3A_1158 = tpu.memref_slice %arg10[%gather3A_1155, %gather3A_1156, %gather3A_1157] : memref<4x64x128xf32, #tpu.memory_space<vmem>> -> memref<1x64x128xf32, #tpu.memory_space<vmem>>
      %gather3A_1159 = tpu.memref_squeeze %gather3A_1158 : memref<1x64x128xf32, #tpu.memory_space<vmem>> -> memref<64x128xf32, #tpu.memory_space<vmem>>
      %gather3A_1160 = tpu.vector_load_idx %gather3A_1159[%add3A_1148, %broadcast_in_dim3A_1076] : memref<64x128xf32, #tpu.memory_space<vmem>>[vector<16xi32>, vector<16xi32>], vector<16xf32>,
      %mul3A_1161 = arith.mulf %gather3A_1154, %gather3A_1160 : vector<16xf32>
      %add3A_1162 = arith.addf %add3A_1141, %mul3A_1161 : vector<16xf32>
      %mul3A_1163 = arith.mulf %gather3A_1154, %gather3A_1154 : vector<16xf32>
      %add3A_1164 = arith.addf %add3A_1143, %mul3A_1163 : vector<16xf32>
      %mul3A_1165 = arith.mulf %gather3A_1160, %gather3A_1160 : vector<16xf32>
      %add3A_1166 = arith.addf %add3A_1145, %mul3A_1165 : vector<16xf32>
      %add3A_1167 = arith.constant 68 : i32
      %add3A_1168 = vector.broadcast %add3A_1167 : i32 to vector<16xi32>
      %add3A_1169 = arith.addi %iota3A, %add3A_1168 : vector<16xi32>
      tpu.vector_store_idx %arg12[%add3A_1169], %add3A_1162 : memref<272xf32, #tpu.memory_space<vmem>>[vector<16xi32>], vector<16xf32>,
      %add3A_1170 = arith.constant 68 : i32
      %add3A_1171 = vector.broadcast %add3A_1170 : i32 to vector<16xi32>
      %add3A_1172 = arith.addi %iota3A, %add3A_1171 : vector<16xi32>
      tpu.vector_store_idx %arg13[%add3A_1172], %add3A_1164 : memref<272xf32, #tpu.memory_space<vmem>>[vector<16xi32>], vector<16xf32>,
      %add3A_1173 = arith.constant 68 : i32
      %add3A_1174 = vector.broadcast %add3A_1173 : i32 to vector<16xi32>
      %add3A_1175 = arith.addi %iota3A, %add3A_1174 : vector<16xi32>
      tpu.vector_store_idx %arg14[%add3A_1175], %add3A_1166 : memref<272xf32, #tpu.memory_space<vmem>>[vector<16xi32>], vector<16xf32>,
      %slice3A_1176 = vector.extract_strided_slice %gather3A_304 {offsets = [8], sizes = [1], strides = [1]} : vector<16xi32> to vector<1xi32>
      %squeeze3A_1177 = vector.extract %slice3A_1176[0] : i32 from vector<1xi32>
      %slice3A_1178 = vector.extract_strided_slice %gather3A_305 {offsets = [8], sizes = [1], strides = [1]} : vector<16xi32> to vector<1xi32>
      %squeeze3A_1179 = vector.extract %slice3A_1178[0] : i32 from vector<1xi32>
      %shift_right_arithmetic3A_1180 = arith.constant 7 : i32
      %shift_right_arithmetic3A_1181 = arith.shrsi %squeeze3A_1177, %shift_right_arithmetic3A_1180 : i32
      %mul3A_1182 = arith.constant 128 : i32
      %mul3A_1183 = arith.muli %shift_right_arithmetic3A_1181, %mul3A_1182 : i32
      %multiple_of3A_1184 = tpu.assume_multiple %mul3A_1183, 128 : i32
      %shift_right_arithmetic3A_1185 = arith.constant 7 : i32
      %shift_right_arithmetic3A_1186 = arith.shrsi %squeeze3A_1179, %shift_right_arithmetic3A_1185 : i32
      %mul3A_1187 = arith.constant 128 : i32
      %mul3A_1188 = arith.muli %shift_right_arithmetic3A_1186, %mul3A_1187 : i32
      %multiple_of3A_1189 = tpu.assume_multiple %mul3A_1188, 128 : i32
      %dma_start3A_1190 = arith.constant 0 : i32
      %dma_start3A_1191 = arith.constant 0 : i32
      %dma_start3A_1192 = arith.constant 0 : i32
      %dma_start3A_1193 = tpu.memref_slice %arg9[%dma_start3A_1190, %dma_start3A_1191, %dma_start3A_1192] : memref<4x64x128xf32, #tpu.memory_space<vmem>> -> memref<1x64x128xf32, #tpu.memory_space<vmem>>
      %dma_start3A_1194 = tpu.memref_squeeze %dma_start3A_1193 : memref<1x64x128xf32, #tpu.memory_space<vmem>> -> memref<64x128xf32, #tpu.memory_space<vmem>>
      %dma_start3A_1195 = arith.constant 0 : i32
      %dma_start3A_1196 = tpu.memref_slice %arg2[%dma_start3A_1195, %multiple_of3A_1184] : memref<64x1000000xf32, #tpu.memory_space<hbm>> -> memref<64x128xf32, #tpu.memory_space<hbm>>
      %dma_start3A_1197 = arith.constant 0 : i32
      %dma_start3A_1198 = arith.constant 0 : i32
      %dma_start3A_1199 = tpu.memref_slice %arg9[%dma_start3A_1190, %dma_start3A_1197, %dma_start3A_1198] : memref<4x64x128xf32, #tpu.memory_space<vmem>> -> memref<1x64x128xf32, #tpu.memory_space<vmem>>
      %dma_start3A_1200 = tpu.memref_squeeze %dma_start3A_1199 : memref<1x64x128xf32, #tpu.memory_space<vmem>> -> memref<64x128xf32, #tpu.memory_space<vmem>>
      %dma_start3A_1201 = arith.constant 0 : i32
      %dma_start3A_1202 = tpu.memref_slice %arg2[%dma_start3A_1201, %multiple_of3A_1184] : memref<64x1000000xf32, #tpu.memory_space<hbm>> -> memref<64x128xf32, #tpu.memory_space<hbm>>
      tpu.enqueue_dma source(%dma_start3A_1202 : memref<64x128xf32, #tpu.memory_space<hbm>>) target(%dma_start3A_1200 : memref<64x128xf32, #tpu.memory_space<vmem>>) target_semaphore(%arg15 : memref<!tpu.dma_semaphore, #tpu.memory_space<semaphore_mem>>)
      %dma_start3A_1203 = arith.constant 0 : i32
      %dma_start3A_1204 = arith.constant 0 : i32
      %dma_start3A_1205 = arith.constant 0 : i32
      %dma_start3A_1206 = tpu.memref_slice %arg10[%dma_start3A_1203, %dma_start3A_1204, %dma_start3A_1205] : memref<4x64x128xf32, #tpu.memory_space<vmem>> -> memref<1x64x128xf32, #tpu.memory_space<vmem>>
      %dma_start3A_1207 = tpu.memref_squeeze %dma_start3A_1206 : memref<1x64x128xf32, #tpu.memory_space<vmem>> -> memref<64x128xf32, #tpu.memory_space<vmem>>
      %dma_start3A_1208 = arith.constant 0 : i32
      %dma_start3A_1209 = tpu.memref_slice %arg3[%dma_start3A_1208, %multiple_of3A_1189] : memref<64x1000000xf32, #tpu.memory_space<hbm>> -> memref<64x128xf32, #tpu.memory_space<hbm>>
      %dma_start3A_1210 = arith.constant 0 : i32
      %dma_start3A_1211 = arith.constant 0 : i32
      %dma_start3A_1212 = tpu.memref_slice %arg10[%dma_start3A_1203, %dma_start3A_1210, %dma_start3A_1211] : memref<4x64x128xf32, #tpu.memory_space<vmem>> -> memref<1x64x128xf32, #tpu.memory_space<vmem>>
      %dma_start3A_1213 = tpu.memref_squeeze %dma_start3A_1212 : memref<1x64x128xf32, #tpu.memory_space<vmem>> -> memref<64x128xf32, #tpu.memory_space<vmem>>
      %dma_start3A_1214 = arith.constant 0 : i32
      %dma_start3A_1215 = tpu.memref_slice %arg3[%dma_start3A_1214, %multiple_of3A_1189] : memref<64x1000000xf32, #tpu.memory_space<hbm>> -> memref<64x128xf32, #tpu.memory_space<hbm>>
      tpu.enqueue_dma source(%dma_start3A_1215 : memref<64x128xf32, #tpu.memory_space<hbm>>) target(%dma_start3A_1213 : memref<64x128xf32, #tpu.memory_space<vmem>>) target_semaphore(%arg15 : memref<!tpu.dma_semaphore, #tpu.memory_space<semaphore_mem>>)
      %dma_wait3A_1216 = arith.constant 0 : i32
      %dma_wait3A_1217 = arith.constant 0 : i32
      %dma_wait3A_1218 = arith.constant 0 : i32
      %dma_wait3A_1219 = tpu.memref_slice %arg9[%dma_wait3A_1216, %dma_wait3A_1217, %dma_wait3A_1218] : memref<4x64x128xf32, #tpu.memory_space<vmem>> -> memref<1x64x128xf32, #tpu.memory_space<vmem>>
      %dma_wait3A_1220 = tpu.memref_squeeze %dma_wait3A_1219 : memref<1x64x128xf32, #tpu.memory_space<vmem>> -> memref<64x128xf32, #tpu.memory_space<vmem>>
      %dma_wait3A_1221 = arith.constant 0 : i32
      %dma_wait3A_1222 = arith.constant 0 : i32
      %dma_wait3A_1223 = tpu.memref_slice %arg2[%dma_wait3A_1221, %dma_wait3A_1222] : memref<64x1000000xf32, #tpu.memory_space<hbm>> -> memref<64x128xf32, #tpu.memory_space<hbm>>
      %dma_wait3A_1224 = arith.constant 0 : i32
      %dma_wait3A_1225 = arith.constant 0 : i32
      %dma_wait3A_1226 = tpu.memref_slice %arg9[%dma_wait3A_1216, %dma_wait3A_1224, %dma_wait3A_1225] : memref<4x64x128xf32, #tpu.memory_space<vmem>> -> memref<1x64x128xf32, #tpu.memory_space<vmem>>
      %dma_wait3A_1227 = tpu.memref_squeeze %dma_wait3A_1226 : memref<1x64x128xf32, #tpu.memory_space<vmem>> -> memref<64x128xf32, #tpu.memory_space<vmem>>
      %dma_wait3A_1228 = arith.constant 0 : i32
      %dma_wait3A_1229 = arith.constant 0 : i32
      %dma_wait3A_1230 = tpu.memref_slice %arg2[%dma_wait3A_1228, %dma_wait3A_1229] : memref<64x1000000xf32, #tpu.memory_space<hbm>> -> memref<64x128xf32, #tpu.memory_space<hbm>>
      tpu.wait_dma2 semaphore(%arg15 : memref<!tpu.dma_semaphore, #tpu.memory_space<semaphore_mem>>) src(%dma_wait3A_1230 : memref<64x128xf32, #tpu.memory_space<hbm>>) dst(%dma_wait3A_1227 : memref<64x128xf32, #tpu.memory_space<vmem>>)
      %dma_wait3A_1231 = arith.constant 0 : i32
      %dma_wait3A_1232 = arith.constant 0 : i32
      %dma_wait3A_1233 = arith.constant 0 : i32
      %dma_wait3A_1234 = tpu.memref_slice %arg10[%dma_wait3A_1231, %dma_wait3A_1232, %dma_wait3A_1233] : memref<4x64x128xf32, #tpu.memory_space<vmem>> -> memref<1x64x128xf32, #tpu.memory_space<vmem>>
      %dma_wait3A_1235 = tpu.memref_squeeze %dma_wait3A_1234 : memref<1x64x128xf32, #tpu.memory_space<vmem>> -> memref<64x128xf32, #tpu.memory_space<vmem>>
      %dma_wait3A_1236 = arith.constant 0 : i32
      %dma_wait3A_1237 = arith.constant 0 : i32
      %dma_wait3A_1238 = tpu.memref_slice %arg3[%dma_wait3A_1236, %dma_wait3A_1237] : memref<64x1000000xf32, #tpu.memory_space<hbm>> -> memref<64x128xf32, #tpu.memory_space<hbm>>
      %dma_wait3A_1239 = arith.constant 0 : i32
      %dma_wait3A_1240 = arith.constant 0 : i32
      %dma_wait3A_1241 = tpu.memref_slice %arg10[%dma_wait3A_1231, %dma_wait3A_1239, %dma_wait3A_1240] : memref<4x64x128xf32, #tpu.memory_space<vmem>> -> memref<1x64x128xf32, #tpu.memory_space<vmem>>
      %dma_wait3A_1242 = tpu.memref_squeeze %dma_wait3A_1241 : memref<1x64x128xf32, #tpu.memory_space<vmem>> -> memref<64x128xf32, #tpu.memory_space<vmem>>
      %dma_wait3A_1243 = arith.constant 0 : i32
      %dma_wait3A_1244 = arith.constant 0 : i32
      %dma_wait3A_1245 = tpu.memref_slice %arg3[%dma_wait3A_1243, %dma_wait3A_1244] : memref<64x1000000xf32, #tpu.memory_space<hbm>> -> memref<64x128xf32, #tpu.memory_space<hbm>>
      tpu.wait_dma2 semaphore(%arg15 : memref<!tpu.dma_semaphore, #tpu.memory_space<semaphore_mem>>) src(%dma_wait3A_1245 : memref<64x128xf32, #tpu.memory_space<hbm>>) dst(%dma_wait3A_1242 : memref<64x128xf32, #tpu.memory_space<vmem>>)
      %slice3A_1246 = vector.extract_strided_slice %gather3A_304 {offsets = [5], sizes = [1], strides = [1]} : vector<16xi32> to vector<1xi32>
      %squeeze3A_1247 = vector.extract %slice3A_1246[0] : i32 from vector<1xi32>
      %and3A_1248 = arith.constant 127 : i32
      %and3A_1249 = arith.andi %squeeze3A_1247, %and3A_1248 : i32
      %broadcast_in_dim3A_1250 = vector.broadcast %and3A_1249 : i32 to vector<16xi32>
      %slice3A_1251 = vector.extract_strided_slice %gather3A_305 {offsets = [5], sizes = [1], strides = [1]} : vector<16xi32> to vector<1xi32>
      %squeeze3A_1252 = vector.extract %slice3A_1251[0] : i32 from vector<1xi32>
      %and3A_1253 = arith.constant 127 : i32
      %and3A_1254 = arith.andi %squeeze3A_1252, %and3A_1253 : i32
      %broadcast_in_dim3A_1255 = vector.broadcast %and3A_1254 : i32 to vector<16xi32>
      %broadcast_in_dim3A_1256 = arith.constant 0.000000e+00 : f32
      %broadcast_in_dim3A_1257 = vector.broadcast %broadcast_in_dim3A_1256 : f32 to vector<16xf32>
      %broadcast_in_dim3A_1258 = arith.constant 0.000000e+00 : f32
      %broadcast_in_dim3A_1259 = vector.broadcast %broadcast_in_dim3A_1258 : f32 to vector<16xf32>
      %broadcast_in_dim3A_1260 = arith.constant 0.000000e+00 : f32
      %broadcast_in_dim3A_1261 = vector.broadcast %broadcast_in_dim3A_1260 : f32 to vector<16xf32>
      %add3A_1262 = arith.constant 0 : i32
      %add3A_1263 = vector.broadcast %add3A_1262 : i32 to vector<16xi32>
      %add3A_1264 = arith.addi %iota3A, %add3A_1263 : vector<16xi32>
      %gather3A_1265 = arith.constant 1 : i32
      %gather3A_1266 = arith.constant 0 : i32
      %gather3A_1267 = arith.constant 0 : i32
      %gather3A_1268 = tpu.memref_slice %arg9[%gather3A_1265, %gather3A_1266, %gather3A_1267] : memref<4x64x128xf32, #tpu.memory_space<vmem>> -> memref<1x64x128xf32, #tpu.memory_space<vmem>>
      %gather3A_1269 = tpu.memref_squeeze %gather3A_1268 : memref<1x64x128xf32, #tpu.memory_space<vmem>> -> memref<64x128xf32, #tpu.memory_space<vmem>>
      %gather3A_1270 = tpu.vector_load_idx %gather3A_1269[%add3A_1264, %broadcast_in_dim3A_1250] : memref<64x128xf32, #tpu.memory_space<vmem>>[vector<16xi32>, vector<16xi32>], vector<16xf32>,
      %gather3A_1271 = arith.constant 1 : i32
      %gather3A_1272 = arith.constant 0 : i32
      %gather3A_1273 = arith.constant 0 : i32
      %gather3A_1274 = tpu.memref_slice %arg10[%gather3A_1271, %gather3A_1272, %gather3A_1273] : memref<4x64x128xf32, #tpu.memory_space<vmem>> -> memref<1x64x128xf32, #tpu.memory_space<vmem>>
      %gather3A_1275 = tpu.memref_squeeze %gather3A_1274 : memref<1x64x128xf32, #tpu.memory_space<vmem>> -> memref<64x128xf32, #tpu.memory_space<vmem>>
      %gather3A_1276 = tpu.vector_load_idx %gather3A_1275[%add3A_1264, %broadcast_in_dim3A_1255] : memref<64x128xf32, #tpu.memory_space<vmem>>[vector<16xi32>, vector<16xi32>], vector<16xf32>,
      %mul3A_1277 = arith.mulf %gather3A_1270, %gather3A_1276 : vector<16xf32>
      %add3A_1278 = arith.addf %broadcast_in_dim3A_1257, %mul3A_1277 : vector<16xf32>
      %mul3A_1279 = arith.mulf %gather3A_1270, %gather3A_1270 : vector<16xf32>
      %add3A_1280 = arith.addf %broadcast_in_dim3A_1259, %mul3A_1279 : vector<16xf32>
      %mul3A_1281 = arith.mulf %gather3A_1276, %gather3A_1276 : vector<16xf32>
      %add3A_1282 = arith.addf %broadcast_in_dim3A_1261, %mul3A_1281 : vector<16xf32>
      %add3A_1283 = arith.constant 16 : i32
      %add3A_1284 = vector.broadcast %add3A_1283 : i32 to vector<16xi32>
      %add3A_1285 = arith.addi %iota3A, %add3A_1284 : vector<16xi32>
      %gather3A_1286 = arith.constant 1 : i32
      %gather3A_1287 = arith.constant 0 : i32
      %gather3A_1288 = arith.constant 0 : i32
      %gather3A_1289 = tpu.memref_slice %arg9[%gather3A_1286, %gather3A_1287, %gather3A_1288] : memref<4x64x128xf32, #tpu.memory_space<vmem>> -> memref<1x64x128xf32, #tpu.memory_space<vmem>>
      %gather3A_1290 = tpu.memref_squeeze %gather3A_1289 : memref<1x64x128xf32, #tpu.memory_space<vmem>> -> memref<64x128xf32, #tpu.memory_space<vmem>>
      %gather3A_1291 = tpu.vector_load_idx %gather3A_1290[%add3A_1285, %broadcast_in_dim3A_1250] : memref<64x128xf32, #tpu.memory_space<vmem>>[vector<16xi32>, vector<16xi32>], vector<16xf32>,
      %gather3A_1292 = arith.constant 1 : i32
      %gather3A_1293 = arith.constant 0 : i32
      %gather3A_1294 = arith.constant 0 : i32
      %gather3A_1295 = tpu.memref_slice %arg10[%gather3A_1292, %gather3A_1293, %gather3A_1294] : memref<4x64x128xf32, #tpu.memory_space<vmem>> -> memref<1x64x128xf32, #tpu.memory_space<vmem>>
      %gather3A_1296 = tpu.memref_squeeze %gather3A_1295 : memref<1x64x128xf32, #tpu.memory_space<vmem>> -> memref<64x128xf32, #tpu.memory_space<vmem>>
      %gather3A_1297 = tpu.vector_load_idx %gather3A_1296[%add3A_1285, %broadcast_in_dim3A_1255] : memref<64x128xf32, #tpu.memory_space<vmem>>[vector<16xi32>, vector<16xi32>], vector<16xf32>,
      %mul3A_1298 = arith.mulf %gather3A_1291, %gather3A_1297 : vector<16xf32>
      %add3A_1299 = arith.addf %add3A_1278, %mul3A_1298 : vector<16xf32>
      %mul3A_1300 = arith.mulf %gather3A_1291, %gather3A_1291 : vector<16xf32>
      %add3A_1301 = arith.addf %add3A_1280, %mul3A_1300 : vector<16xf32>
      %mul3A_1302 = arith.mulf %gather3A_1297, %gather3A_1297 : vector<16xf32>
      %add3A_1303 = arith.addf %add3A_1282, %mul3A_1302 : vector<16xf32>
      %add3A_1304 = arith.constant 32 : i32
      %add3A_1305 = vector.broadcast %add3A_1304 : i32 to vector<16xi32>
      %add3A_1306 = arith.addi %iota3A, %add3A_1305 : vector<16xi32>
      %gather3A_1307 = arith.constant 1 : i32
      %gather3A_1308 = arith.constant 0 : i32
      %gather3A_1309 = arith.constant 0 : i32
      %gather3A_1310 = tpu.memref_slice %arg9[%gather3A_1307, %gather3A_1308, %gather3A_1309] : memref<4x64x128xf32, #tpu.memory_space<vmem>> -> memref<1x64x128xf32, #tpu.memory_space<vmem>>
      %gather3A_1311 = tpu.memref_squeeze %gather3A_1310 : memref<1x64x128xf32, #tpu.memory_space<vmem>> -> memref<64x128xf32, #tpu.memory_space<vmem>>
      %gather3A_1312 = tpu.vector_load_idx %gather3A_1311[%add3A_1306, %broadcast_in_dim3A_1250] : memref<64x128xf32, #tpu.memory_space<vmem>>[vector<16xi32>, vector<16xi32>], vector<16xf32>,
      %gather3A_1313 = arith.constant 1 : i32
      %gather3A_1314 = arith.constant 0 : i32
      %gather3A_1315 = arith.constant 0 : i32
      %gather3A_1316 = tpu.memref_slice %arg10[%gather3A_1313, %gather3A_1314, %gather3A_1315] : memref<4x64x128xf32, #tpu.memory_space<vmem>> -> memref<1x64x128xf32, #tpu.memory_space<vmem>>
      %gather3A_1317 = tpu.memref_squeeze %gather3A_1316 : memref<1x64x128xf32, #tpu.memory_space<vmem>> -> memref<64x128xf32, #tpu.memory_space<vmem>>
      %gather3A_1318 = tpu.vector_load_idx %gather3A_1317[%add3A_1306, %broadcast_in_dim3A_1255] : memref<64x128xf32, #tpu.memory_space<vmem>>[vector<16xi32>, vector<16xi32>], vector<16xf32>,
      %mul3A_1319 = arith.mulf %gather3A_1312, %gather3A_1318 : vector<16xf32>
      %add3A_1320 = arith.addf %add3A_1299, %mul3A_1319 : vector<16xf32>
      %mul3A_1321 = arith.mulf %gather3A_1312, %gather3A_1312 : vector<16xf32>
      %add3A_1322 = arith.addf %add3A_1301, %mul3A_1321 : vector<16xf32>
      %mul3A_1323 = arith.mulf %gather3A_1318, %gather3A_1318 : vector<16xf32>
      %add3A_1324 = arith.addf %add3A_1303, %mul3A_1323 : vector<16xf32>
      %add3A_1325 = arith.constant 48 : i32
      %add3A_1326 = vector.broadcast %add3A_1325 : i32 to vector<16xi32>
      %add3A_1327 = arith.addi %iota3A, %add3A_1326 : vector<16xi32>
      %gather3A_1328 = arith.constant 1 : i32
      %gather3A_1329 = arith.constant 0 : i32
      %gather3A_1330 = arith.constant 0 : i32
      %gather3A_1331 = tpu.memref_slice %arg9[%gather3A_1328, %gather3A_1329, %gather3A_1330] : memref<4x64x128xf32, #tpu.memory_space<vmem>> -> memref<1x64x128xf32, #tpu.memory_space<vmem>>
      %gather3A_1332 = tpu.memref_squeeze %gather3A_1331 : memref<1x64x128xf32, #tpu.memory_space<vmem>> -> memref<64x128xf32, #tpu.memory_space<vmem>>
      %gather3A_1333 = tpu.vector_load_idx %gather3A_1332[%add3A_1327, %broadcast_in_dim3A_1250] : memref<64x128xf32, #tpu.memory_space<vmem>>[vector<16xi32>, vector<16xi32>], vector<16xf32>,
      %gather3A_1334 = arith.constant 1 : i32
      %gather3A_1335 = arith.constant 0 : i32
      %gather3A_1336 = arith.constant 0 : i32
      %gather3A_1337 = tpu.memref_slice %arg10[%gather3A_1334, %gather3A_1335, %gather3A_1336] : memref<4x64x128xf32, #tpu.memory_space<vmem>> -> memref<1x64x128xf32, #tpu.memory_space<vmem>>
      %gather3A_1338 = tpu.memref_squeeze %gather3A_1337 : memref<1x64x128xf32, #tpu.memory_space<vmem>> -> memref<64x128xf32, #tpu.memory_space<vmem>>
      %gather3A_1339 = tpu.vector_load_idx %gather3A_1338[%add3A_1327, %broadcast_in_dim3A_1255] : memref<64x128xf32, #tpu.memory_space<vmem>>[vector<16xi32>, vector<16xi32>], vector<16xf32>,
      %mul3A_1340 = arith.mulf %gather3A_1333, %gather3A_1339 : vector<16xf32>
      %add3A_1341 = arith.addf %add3A_1320, %mul3A_1340 : vector<16xf32>
      %mul3A_1342 = arith.mulf %gather3A_1333, %gather3A_1333 : vector<16xf32>
      %add3A_1343 = arith.addf %add3A_1322, %mul3A_1342 : vector<16xf32>
      %mul3A_1344 = arith.mulf %gather3A_1339, %gather3A_1339 : vector<16xf32>
      %add3A_1345 = arith.addf %add3A_1324, %mul3A_1344 : vector<16xf32>
      %add3A_1346 = arith.constant 85 : i32
      %add3A_1347 = vector.broadcast %add3A_1346 : i32 to vector<16xi32>
      %add3A_1348 = arith.addi %iota3A, %add3A_1347 : vector<16xi32>
      tpu.vector_store_idx %arg12[%add3A_1348], %add3A_1341 : memref<272xf32, #tpu.memory_space<vmem>>[vector<16xi32>], vector<16xf32>,
      %add3A_1349 = arith.constant 85 : i32
      %add3A_1350 = vector.broadcast %add3A_1349 : i32 to vector<16xi32>
      %add3A_1351 = arith.addi %iota3A, %add3A_1350 : vector<16xi32>
      tpu.vector_store_idx %arg13[%add3A_1351], %add3A_1343 : memref<272xf32, #tpu.memory_space<vmem>>[vector<16xi32>], vector<16xf32>,
      %add3A_1352 = arith.constant 85 : i32
      %add3A_1353 = vector.broadcast %add3A_1352 : i32 to vector<16xi32>
      %add3A_1354 = arith.addi %iota3A, %add3A_1353 : vector<16xi32>
      tpu.vector_store_idx %arg14[%add3A_1354], %add3A_1345 : memref<272xf32, #tpu.memory_space<vmem>>[vector<16xi32>], vector<16xf32>,
      %slice3A_1355 = vector.extract_strided_slice %gather3A_304 {offsets = [9], sizes = [1], strides = [1]} : vector<16xi32> to vector<1xi32>
      %squeeze3A_1356 = vector.extract %slice3A_1355[0] : i32 from vector<1xi32>
      %slice3A_1357 = vector.extract_strided_slice %gather3A_305 {offsets = [9], sizes = [1], strides = [1]} : vector<16xi32> to vector<1xi32>
      %squeeze3A_1358 = vector.extract %slice3A_1357[0] : i32 from vector<1xi32>
      %shift_right_arithmetic3A_1359 = arith.constant 7 : i32
      %shift_right_arithmetic3A_1360 = arith.shrsi %squeeze3A_1356, %shift_right_arithmetic3A_1359 : i32
      %mul3A_1361 = arith.constant 128 : i32
      %mul3A_1362 = arith.muli %shift_right_arithmetic3A_1360, %mul3A_1361 : i32
      %multiple_of3A_1363 = tpu.assume_multiple %mul3A_1362, 128 : i32
      %shift_right_arithmetic3A_1364 = arith.constant 7 : i32
      %shift_right_arithmetic3A_1365 = arith.shrsi %squeeze3A_1358, %shift_right_arithmetic3A_1364 : i32
      %mul3A_1366 = arith.constant 128 : i32
      %mul3A_1367 = arith.muli %shift_right_arithmetic3A_1365, %mul3A_1366 : i32
      %multiple_of3A_1368 = tpu.assume_multiple %mul3A_1367, 128 : i32
      %dma_start3A_1369 = arith.constant 1 : i32
      %dma_start3A_1370 = arith.constant 0 : i32
      %dma_start3A_1371 = arith.constant 0 : i32
      %dma_start3A_1372 = tpu.memref_slice %arg9[%dma_start3A_1369, %dma_start3A_1370, %dma_start3A_1371] : memref<4x64x128xf32, #tpu.memory_space<vmem>> -> memref<1x64x128xf32, #tpu.memory_space<vmem>>
      %dma_start3A_1373 = tpu.memref_squeeze %dma_start3A_1372 : memref<1x64x128xf32, #tpu.memory_space<vmem>> -> memref<64x128xf32, #tpu.memory_space<vmem>>
      %dma_start3A_1374 = arith.constant 0 : i32
      %dma_start3A_1375 = tpu.memref_slice %arg2[%dma_start3A_1374, %multiple_of3A_1363] : memref<64x1000000xf32, #tpu.memory_space<hbm>> -> memref<64x128xf32, #tpu.memory_space<hbm>>
      %dma_start3A_1376 = arith.constant 0 : i32
      %dma_start3A_1377 = arith.constant 0 : i32
      %dma_start3A_1378 = tpu.memref_slice %arg9[%dma_start3A_1369, %dma_start3A_1376, %dma_start3A_1377] : memref<4x64x128xf32, #tpu.memory_space<vmem>> -> memref<1x64x128xf32, #tpu.memory_space<vmem>>
      %dma_start3A_1379 = tpu.memref_squeeze %dma_start3A_1378 : memref<1x64x128xf32, #tpu.memory_space<vmem>> -> memref<64x128xf32, #tpu.memory_space<vmem>>
      %dma_start3A_1380 = arith.constant 0 : i32
      %dma_start3A_1381 = tpu.memref_slice %arg2[%dma_start3A_1380, %multiple_of3A_1363] : memref<64x1000000xf32, #tpu.memory_space<hbm>> -> memref<64x128xf32, #tpu.memory_space<hbm>>
      tpu.enqueue_dma source(%dma_start3A_1381 : memref<64x128xf32, #tpu.memory_space<hbm>>) target(%dma_start3A_1379 : memref<64x128xf32, #tpu.memory_space<vmem>>) target_semaphore(%arg15 : memref<!tpu.dma_semaphore, #tpu.memory_space<semaphore_mem>>)
      %dma_start3A_1382 = arith.constant 1 : i32
      %dma_start3A_1383 = arith.constant 0 : i32
      %dma_start3A_1384 = arith.constant 0 : i32
      %dma_start3A_1385 = tpu.memref_slice %arg10[%dma_start3A_1382, %dma_start3A_1383, %dma_start3A_1384] : memref<4x64x128xf32, #tpu.memory_space<vmem>> -> memref<1x64x128xf32, #tpu.memory_space<vmem>>
      %dma_start3A_1386 = tpu.memref_squeeze %dma_start3A_1385 : memref<1x64x128xf32, #tpu.memory_space<vmem>> -> memref<64x128xf32, #tpu.memory_space<vmem>>
      %dma_start3A_1387 = arith.constant 0 : i32
      %dma_start3A_1388 = tpu.memref_slice %arg3[%dma_start3A_1387, %multiple_of3A_1368] : memref<64x1000000xf32, #tpu.memory_space<hbm>> -> memref<64x128xf32, #tpu.memory_space<hbm>>
      %dma_start3A_1389 = arith.constant 0 : i32
      %dma_start3A_1390 = arith.constant 0 : i32
      %dma_start3A_1391 = tpu.memref_slice %arg10[%dma_start3A_1382, %dma_start3A_1389, %dma_start3A_1390] : memref<4x64x128xf32, #tpu.memory_space<vmem>> -> memref<1x64x128xf32, #tpu.memory_space<vmem>>
      %dma_start3A_1392 = tpu.memref_squeeze %dma_start3A_1391 : memref<1x64x128xf32, #tpu.memory_space<vmem>> -> memref<64x128xf32, #tpu.memory_space<vmem>>
      %dma_start3A_1393 = arith.constant 0 : i32
      %dma_start3A_1394 = tpu.memref_slice %arg3[%dma_start3A_1393, %multiple_of3A_1368] : memref<64x1000000xf32, #tpu.memory_space<hbm>> -> memref<64x128xf32, #tpu.memory_space<hbm>>
      tpu.enqueue_dma source(%dma_start3A_1394 : memref<64x128xf32, #tpu.memory_space<hbm>>) target(%dma_start3A_1392 : memref<64x128xf32, #tpu.memory_space<vmem>>) target_semaphore(%arg15 : memref<!tpu.dma_semaphore, #tpu.memory_space<semaphore_mem>>)
      %dma_wait3A_1395 = arith.constant 0 : i32
      %dma_wait3A_1396 = arith.constant 0 : i32
      %dma_wait3A_1397 = arith.constant 0 : i32
      %dma_wait3A_1398 = tpu.memref_slice %arg9[%dma_wait3A_1395, %dma_wait3A_1396, %dma_wait3A_1397] : memref<4x64x128xf32, #tpu.memory_space<vmem>> -> memref<1x64x128xf32, #tpu.memory_space<vmem>>
      %dma_wait3A_1399 = tpu.memref_squeeze %dma_wait3A_1398 : memref<1x64x128xf32, #tpu.memory_space<vmem>> -> memref<64x128xf32, #tpu.memory_space<vmem>>
      %dma_wait3A_1400 = arith.constant 0 : i32
      %dma_wait3A_1401 = arith.constant 0 : i32
      %dma_wait3A_1402 = tpu.memref_slice %arg2[%dma_wait3A_1400, %dma_wait3A_1401] : memref<64x1000000xf32, #tpu.memory_space<hbm>> -> memref<64x128xf32, #tpu.memory_space<hbm>>
      %dma_wait3A_1403 = arith.constant 0 : i32
      %dma_wait3A_1404 = arith.constant 0 : i32
      %dma_wait3A_1405 = tpu.memref_slice %arg9[%dma_wait3A_1395, %dma_wait3A_1403, %dma_wait3A_1404] : memref<4x64x128xf32, #tpu.memory_space<vmem>> -> memref<1x64x128xf32, #tpu.memory_space<vmem>>
      %dma_wait3A_1406 = tpu.memref_squeeze %dma_wait3A_1405 : memref<1x64x128xf32, #tpu.memory_space<vmem>> -> memref<64x128xf32, #tpu.memory_space<vmem>>
      %dma_wait3A_1407 = arith.constant 0 : i32
      %dma_wait3A_1408 = arith.constant 0 : i32
      %dma_wait3A_1409 = tpu.memref_slice %arg2[%dma_wait3A_1407, %dma_wait3A_1408] : memref<64x1000000xf32, #tpu.memory_space<hbm>> -> memref<64x128xf32, #tpu.memory_space<hbm>>
      tpu.wait_dma2 semaphore(%arg15 : memref<!tpu.dma_semaphore, #tpu.memory_space<semaphore_mem>>) src(%dma_wait3A_1409 : memref<64x128xf32, #tpu.memory_space<hbm>>) dst(%dma_wait3A_1406 : memref<64x128xf32, #tpu.memory_space<vmem>>)
      %dma_wait3A_1410 = arith.constant 0 : i32
      %dma_wait3A_1411 = arith.constant 0 : i32
      %dma_wait3A_1412 = arith.constant 0 : i32
      %dma_wait3A_1413 = tpu.memref_slice %arg10[%dma_wait3A_1410, %dma_wait3A_1411, %dma_wait3A_1412] : memref<4x64x128xf32, #tpu.memory_space<vmem>> -> memref<1x64x128xf32, #tpu.memory_space<vmem>>
      %dma_wait3A_1414 = tpu.memref_squeeze %dma_wait3A_1413 : memref<1x64x128xf32, #tpu.memory_space<vmem>> -> memref<64x128xf32, #tpu.memory_space<vmem>>
      %dma_wait3A_1415 = arith.constant 0 : i32
      %dma_wait3A_1416 = arith.constant 0 : i32
      %dma_wait3A_1417 = tpu.memref_slice %arg3[%dma_wait3A_1415, %dma_wait3A_1416] : memref<64x1000000xf32, #tpu.memory_space<hbm>> -> memref<64x128xf32, #tpu.memory_space<hbm>>
      %dma_wait3A_1418 = arith.constant 0 : i32
      %dma_wait3A_1419 = arith.constant 0 : i32
      %dma_wait3A_1420 = tpu.memref_slice %arg10[%dma_wait3A_1410, %dma_wait3A_1418, %dma_wait3A_1419] : memref<4x64x128xf32, #tpu.memory_space<vmem>> -> memref<1x64x128xf32, #tpu.memory_space<vmem>>
      %dma_wait3A_1421 = tpu.memref_squeeze %dma_wait3A_1420 : memref<1x64x128xf32, #tpu.memory_space<vmem>> -> memref<64x128xf32, #tpu.memory_space<vmem>>
      %dma_wait3A_1422 = arith.constant 0 : i32
      %dma_wait3A_1423 = arith.constant 0 : i32
      %dma_wait3A_1424 = tpu.memref_slice %arg3[%dma_wait3A_1422, %dma_wait3A_1423] : memref<64x1000000xf32, #tpu.memory_space<hbm>> -> memref<64x128xf32, #tpu.memory_space<hbm>>
      tpu.wait_dma2 semaphore(%arg15 : memref<!tpu.dma_semaphore, #tpu.memory_space<semaphore_mem>>) src(%dma_wait3A_1424 : memref<64x128xf32, #tpu.memory_space<hbm>>) dst(%dma_wait3A_1421 : memref<64x128xf32, #tpu.memory_space<vmem>>)
      %slice3A_1425 = vector.extract_strided_slice %gather3A_304 {offsets = [6], sizes = [1], strides = [1]} : vector<16xi32> to vector<1xi32>
      %squeeze3A_1426 = vector.extract %slice3A_1425[0] : i32 from vector<1xi32>
      %and3A_1427 = arith.constant 127 : i32
      %and3A_1428 = arith.andi %squeeze3A_1426, %and3A_1427 : i32
      %broadcast_in_dim3A_1429 = vector.broadcast %and3A_1428 : i32 to vector<16xi32>
      %slice3A_1430 = vector.extract_strided_slice %gather3A_305 {offsets = [6], sizes = [1], strides = [1]} : vector<16xi32> to vector<1xi32>
      %squeeze3A_1431 = vector.extract %slice3A_1430[0] : i32 from vector<1xi32>
      %and3A_1432 = arith.constant 127 : i32
      %and3A_1433 = arith.andi %squeeze3A_1431, %and3A_1432 : i32
      %broadcast_in_dim3A_1434 = vector.broadcast %and3A_1433 : i32 to vector<16xi32>
      %broadcast_in_dim3A_1435 = arith.constant 0.000000e+00 : f32
      %broadcast_in_dim3A_1436 = vector.broadcast %broadcast_in_dim3A_1435 : f32 to vector<16xf32>
      %broadcast_in_dim3A_1437 = arith.constant 0.000000e+00 : f32
      %broadcast_in_dim3A_1438 = vector.broadcast %broadcast_in_dim3A_1437 : f32 to vector<16xf32>
      %broadcast_in_dim3A_1439 = arith.constant 0.000000e+00 : f32
      %broadcast_in_dim3A_1440 = vector.broadcast %broadcast_in_dim3A_1439 : f32 to vector<16xf32>
      %add3A_1441 = arith.constant 0 : i32
      %add3A_1442 = vector.broadcast %add3A_1441 : i32 to vector<16xi32>
      %add3A_1443 = arith.addi %iota3A, %add3A_1442 : vector<16xi32>
      %gather3A_1444 = arith.constant 2 : i32
      %gather3A_1445 = arith.constant 0 : i32
      %gather3A_1446 = arith.constant 0 : i32
      %gather3A_1447 = tpu.memref_slice %arg9[%gather3A_1444, %gather3A_1445, %gather3A_1446] : memref<4x64x128xf32, #tpu.memory_space<vmem>> -> memref<1x64x128xf32, #tpu.memory_space<vmem>>
      %gather3A_1448 = tpu.memref_squeeze %gather3A_1447 : memref<1x64x128xf32, #tpu.memory_space<vmem>> -> memref<64x128xf32, #tpu.memory_space<vmem>>
      %gather3A_1449 = tpu.vector_load_idx %gather3A_1448[%add3A_1443, %broadcast_in_dim3A_1429] : memref<64x128xf32, #tpu.memory_space<vmem>>[vector<16xi32>, vector<16xi32>], vector<16xf32>,
      %gather3A_1450 = arith.constant 2 : i32
      %gather3A_1451 = arith.constant 0 : i32
      %gather3A_1452 = arith.constant 0 : i32
      %gather3A_1453 = tpu.memref_slice %arg10[%gather3A_1450, %gather3A_1451, %gather3A_1452] : memref<4x64x128xf32, #tpu.memory_space<vmem>> -> memref<1x64x128xf32, #tpu.memory_space<vmem>>
      %gather3A_1454 = tpu.memref_squeeze %gather3A_1453 : memref<1x64x128xf32, #tpu.memory_space<vmem>> -> memref<64x128xf32, #tpu.memory_space<vmem>>
      %gather3A_1455 = tpu.vector_load_idx %gather3A_1454[%add3A_1443, %broadcast_in_dim3A_1434] : memref<64x128xf32, #tpu.memory_space<vmem>>[vector<16xi32>, vector<16xi32>], vector<16xf32>,
      %mul3A_1456 = arith.mulf %gather3A_1449, %gather3A_1455 : vector<16xf32>
      %add3A_1457 = arith.addf %broadcast_in_dim3A_1436, %mul3A_1456 : vector<16xf32>
      %mul3A_1458 = arith.mulf %gather3A_1449, %gather3A_1449 : vector<16xf32>
      %add3A_1459 = arith.addf %broadcast_in_dim3A_1438, %mul3A_1458 : vector<16xf32>
      %mul3A_1460 = arith.mulf %gather3A_1455, %gather3A_1455 : vector<16xf32>
      %add3A_1461 = arith.addf %broadcast_in_dim3A_1440, %mul3A_1460 : vector<16xf32>
      %add3A_1462 = arith.constant 16 : i32
      %add3A_1463 = vector.broadcast %add3A_1462 : i32 to vector<16xi32>
      %add3A_1464 = arith.addi %iota3A, %add3A_1463 : vector<16xi32>
      %gather3A_1465 = arith.constant 2 : i32
      %gather3A_1466 = arith.constant 0 : i32
      %gather3A_1467 = arith.constant 0 : i32
      %gather3A_1468 = tpu.memref_slice %arg9[%gather3A_1465, %gather3A_1466, %gather3A_1467] : memref<4x64x128xf32, #tpu.memory_space<vmem>> -> memref<1x64x128xf32, #tpu.memory_space<vmem>>
      %gather3A_1469 = tpu.memref_squeeze %gather3A_1468 : memref<1x64x128xf32, #tpu.memory_space<vmem>> -> memref<64x128xf32, #tpu.memory_space<vmem>>
      %gather3A_1470 = tpu.vector_load_idx %gather3A_1469[%add3A_1464, %broadcast_in_dim3A_1429] : memref<64x128xf32, #tpu.memory_space<vmem>>[vector<16xi32>, vector<16xi32>], vector<16xf32>,
      %gather3A_1471 = arith.constant 2 : i32
      %gather3A_1472 = arith.constant 0 : i32
      %gather3A_1473 = arith.constant 0 : i32
      %gather3A_1474 = tpu.memref_slice %arg10[%gather3A_1471, %gather3A_1472, %gather3A_1473] : memref<4x64x128xf32, #tpu.memory_space<vmem>> -> memref<1x64x128xf32, #tpu.memory_space<vmem>>
      %gather3A_1475 = tpu.memref_squeeze %gather3A_1474 : memref<1x64x128xf32, #tpu.memory_space<vmem>> -> memref<64x128xf32, #tpu.memory_space<vmem>>
      %gather3A_1476 = tpu.vector_load_idx %gather3A_1475[%add3A_1464, %broadcast_in_dim3A_1434] : memref<64x128xf32, #tpu.memory_space<vmem>>[vector<16xi32>, vector<16xi32>], vector<16xf32>,
      %mul3A_1477 = arith.mulf %gather3A_1470, %gather3A_1476 : vector<16xf32>
      %add3A_1478 = arith.addf %add3A_1457, %mul3A_1477 : vector<16xf32>
      %mul3A_1479 = arith.mulf %gather3A_1470, %gather3A_1470 : vector<16xf32>
      %add3A_1480 = arith.addf %add3A_1459, %mul3A_1479 : vector<16xf32>
      %mul3A_1481 = arith.mulf %gather3A_1476, %gather3A_1476 : vector<16xf32>
      %add3A_1482 = arith.addf %add3A_1461, %mul3A_1481 : vector<16xf32>
      %add3A_1483 = arith.constant 32 : i32
      %add3A_1484 = vector.broadcast %add3A_1483 : i32 to vector<16xi32>
      %add3A_1485 = arith.addi %iota3A, %add3A_1484 : vector<16xi32>
      %gather3A_1486 = arith.constant 2 : i32
      %gather3A_1487 = arith.constant 0 : i32
      %gather3A_1488 = arith.constant 0 : i32
      %gather3A_1489 = tpu.memref_slice %arg9[%gather3A_1486, %gather3A_1487, %gather3A_1488] : memref<4x64x128xf32, #tpu.memory_space<vmem>> -> memref<1x64x128xf32, #tpu.memory_space<vmem>>
      %gather3A_1490 = tpu.memref_squeeze %gather3A_1489 : memref<1x64x128xf32, #tpu.memory_space<vmem>> -> memref<64x128xf32, #tpu.memory_space<vmem>>
      %gather3A_1491 = tpu.vector_load_idx %gather3A_1490[%add3A_1485, %broadcast_in_dim3A_1429] : memref<64x128xf32, #tpu.memory_space<vmem>>[vector<16xi32>, vector<16xi32>], vector<16xf32>,
      %gather3A_1492 = arith.constant 2 : i32
      %gather3A_1493 = arith.constant 0 : i32
      %gather3A_1494 = arith.constant 0 : i32
      %gather3A_1495 = tpu.memref_slice %arg10[%gather3A_1492, %gather3A_1493, %gather3A_1494] : memref<4x64x128xf32, #tpu.memory_space<vmem>> -> memref<1x64x128xf32, #tpu.memory_space<vmem>>
      %gather3A_1496 = tpu.memref_squeeze %gather3A_1495 : memref<1x64x128xf32, #tpu.memory_space<vmem>> -> memref<64x128xf32, #tpu.memory_space<vmem>>
      %gather3A_1497 = tpu.vector_load_idx %gather3A_1496[%add3A_1485, %broadcast_in_dim3A_1434] : memref<64x128xf32, #tpu.memory_space<vmem>>[vector<16xi32>, vector<16xi32>], vector<16xf32>,
      %mul3A_1498 = arith.mulf %gather3A_1491, %gather3A_1497 : vector<16xf32>
      %add3A_1499 = arith.addf %add3A_1478, %mul3A_1498 : vector<16xf32>
      %mul3A_1500 = arith.mulf %gather3A_1491, %gather3A_1491 : vector<16xf32>
      %add3A_1501 = arith.addf %add3A_1480, %mul3A_1500 : vector<16xf32>
      %mul3A_1502 = arith.mulf %gather3A_1497, %gather3A_1497 : vector<16xf32>
      %add3A_1503 = arith.addf %add3A_1482, %mul3A_1502 : vector<16xf32>
      %add3A_1504 = arith.constant 48 : i32
      %add3A_1505 = vector.broadcast %add3A_1504 : i32 to vector<16xi32>
      %add3A_1506 = arith.addi %iota3A, %add3A_1505 : vector<16xi32>
      %gather3A_1507 = arith.constant 2 : i32
      %gather3A_1508 = arith.constant 0 : i32
      %gather3A_1509 = arith.constant 0 : i32
      %gather3A_1510 = tpu.memref_slice %arg9[%gather3A_1507, %gather3A_1508, %gather3A_1509] : memref<4x64x128xf32, #tpu.memory_space<vmem>> -> memref<1x64x128xf32, #tpu.memory_space<vmem>>
      %gather3A_1511 = tpu.memref_squeeze %gather3A_1510 : memref<1x64x128xf32, #tpu.memory_space<vmem>> -> memref<64x128xf32, #tpu.memory_space<vmem>>
      %gather3A_1512 = tpu.vector_load_idx %gather3A_1511[%add3A_1506, %broadcast_in_dim3A_1429] : memref<64x128xf32, #tpu.memory_space<vmem>>[vector<16xi32>, vector<16xi32>], vector<16xf32>,
      %gather3A_1513 = arith.constant 2 : i32
      %gather3A_1514 = arith.constant 0 : i32
      %gather3A_1515 = arith.constant 0 : i32
      %gather3A_1516 = tpu.memref_slice %arg10[%gather3A_1513, %gather3A_1514, %gather3A_1515] : memref<4x64x128xf32, #tpu.memory_space<vmem>> -> memref<1x64x128xf32, #tpu.memory_space<vmem>>
      %gather3A_1517 = tpu.memref_squeeze %gather3A_1516 : memref<1x64x128xf32, #tpu.memory_space<vmem>> -> memref<64x128xf32, #tpu.memory_space<vmem>>
      %gather3A_1518 = tpu.vector_load_idx %gather3A_1517[%add3A_1506, %broadcast_in_dim3A_1434] : memref<64x128xf32, #tpu.memory_space<vmem>>[vector<16xi32>, vector<16xi32>], vector<16xf32>,
      %mul3A_1519 = arith.mulf %gather3A_1512, %gather3A_1518 : vector<16xf32>
      %add3A_1520 = arith.addf %add3A_1499, %mul3A_1519 : vector<16xf32>
      %mul3A_1521 = arith.mulf %gather3A_1512, %gather3A_1512 : vector<16xf32>
      %add3A_1522 = arith.addf %add3A_1501, %mul3A_1521 : vector<16xf32>
      %mul3A_1523 = arith.mulf %gather3A_1518, %gather3A_1518 : vector<16xf32>
      %add3A_1524 = arith.addf %add3A_1503, %mul3A_1523 : vector<16xf32>
      %add3A_1525 = arith.constant 102 : i32
      %add3A_1526 = vector.broadcast %add3A_1525 : i32 to vector<16xi32>
      %add3A_1527 = arith.addi %iota3A, %add3A_1526 : vector<16xi32>
      tpu.vector_store_idx %arg12[%add3A_1527], %add3A_1520 : memref<272xf32, #tpu.memory_space<vmem>>[vector<16xi32>], vector<16xf32>,
      %add3A_1528 = arith.constant 102 : i32
      %add3A_1529 = vector.broadcast %add3A_1528 : i32 to vector<16xi32>
      %add3A_1530 = arith.addi %iota3A, %add3A_1529 : vector<16xi32>
      tpu.vector_store_idx %arg13[%add3A_1530], %add3A_1522 : memref<272xf32, #tpu.memory_space<vmem>>[vector<16xi32>], vector<16xf32>,
      %add3A_1531 = arith.constant 102 : i32
      %add3A_1532 = vector.broadcast %add3A_1531 : i32 to vector<16xi32>
      %add3A_1533 = arith.addi %iota3A, %add3A_1532 : vector<16xi32>
      tpu.vector_store_idx %arg14[%add3A_1533], %add3A_1524 : memref<272xf32, #tpu.memory_space<vmem>>[vector<16xi32>], vector<16xf32>,
      %slice3A_1534 = vector.extract_strided_slice %gather3A_304 {offsets = [10], sizes = [1], strides = [1]} : vector<16xi32> to vector<1xi32>
      %squeeze3A_1535 = vector.extract %slice3A_1534[0] : i32 from vector<1xi32>
      %slice3A_1536 = vector.extract_strided_slice %gather3A_305 {offsets = [10], sizes = [1], strides = [1]} : vector<16xi32> to vector<1xi32>
      %squeeze3A_1537 = vector.extract %slice3A_1536[0] : i32 from vector<1xi32>
      %shift_right_arithmetic3A_1538 = arith.constant 7 : i32
      %shift_right_arithmetic3A_1539 = arith.shrsi %squeeze3A_1535, %shift_right_arithmetic3A_1538 : i32
      %mul3A_1540 = arith.constant 128 : i32
      %mul3A_1541 = arith.muli %shift_right_arithmetic3A_1539, %mul3A_1540 : i32
      %multiple_of3A_1542 = tpu.assume_multiple %mul3A_1541, 128 : i32
      %shift_right_arithmetic3A_1543 = arith.constant 7 : i32
      %shift_right_arithmetic3A_1544 = arith.shrsi %squeeze3A_1537, %shift_right_arithmetic3A_1543 : i32
      %mul3A_1545 = arith.constant 128 : i32
      %mul3A_1546 = arith.muli %shift_right_arithmetic3A_1544, %mul3A_1545 : i32
      %multiple_of3A_1547 = tpu.assume_multiple %mul3A_1546, 128 : i32
      %dma_start3A_1548 = arith.constant 2 : i32
      %dma_start3A_1549 = arith.constant 0 : i32
      %dma_start3A_1550 = arith.constant 0 : i32
      %dma_start3A_1551 = tpu.memref_slice %arg9[%dma_start3A_1548, %dma_start3A_1549, %dma_start3A_1550] : memref<4x64x128xf32, #tpu.memory_space<vmem>> -> memref<1x64x128xf32, #tpu.memory_space<vmem>>
      %dma_start3A_1552 = tpu.memref_squeeze %dma_start3A_1551 : memref<1x64x128xf32, #tpu.memory_space<vmem>> -> memref<64x128xf32, #tpu.memory_space<vmem>>
      %dma_start3A_1553 = arith.constant 0 : i32
      %dma_start3A_1554 = tpu.memref_slice %arg2[%dma_start3A_1553, %multiple_of3A_1542] : memref<64x1000000xf32, #tpu.memory_space<hbm>> -> memref<64x128xf32, #tpu.memory_space<hbm>>
      %dma_start3A_1555 = arith.constant 0 : i32
      %dma_start3A_1556 = arith.constant 0 : i32
      %dma_start3A_1557 = tpu.memref_slice %arg9[%dma_start3A_1548, %dma_start3A_1555, %dma_start3A_1556] : memref<4x64x128xf32, #tpu.memory_space<vmem>> -> memref<1x64x128xf32, #tpu.memory_space<vmem>>
      %dma_start3A_1558 = tpu.memref_squeeze %dma_start3A_1557 : memref<1x64x128xf32, #tpu.memory_space<vmem>> -> memref<64x128xf32, #tpu.memory_space<vmem>>
      %dma_start3A_1559 = arith.constant 0 : i32
      %dma_start3A_1560 = tpu.memref_slice %arg2[%dma_start3A_1559, %multiple_of3A_1542] : memref<64x1000000xf32, #tpu.memory_space<hbm>> -> memref<64x128xf32, #tpu.memory_space<hbm>>
      tpu.enqueue_dma source(%dma_start3A_1560 : memref<64x128xf32, #tpu.memory_space<hbm>>) target(%dma_start3A_1558 : memref<64x128xf32, #tpu.memory_space<vmem>>) target_semaphore(%arg15 : memref<!tpu.dma_semaphore, #tpu.memory_space<semaphore_mem>>)
      %dma_start3A_1561 = arith.constant 2 : i32
      %dma_start3A_1562 = arith.constant 0 : i32
      %dma_start3A_1563 = arith.constant 0 : i32
      %dma_start3A_1564 = tpu.memref_slice %arg10[%dma_start3A_1561, %dma_start3A_1562, %dma_start3A_1563] : memref<4x64x128xf32, #tpu.memory_space<vmem>> -> memref<1x64x128xf32, #tpu.memory_space<vmem>>
      %dma_start3A_1565 = tpu.memref_squeeze %dma_start3A_1564 : memref<1x64x128xf32, #tpu.memory_space<vmem>> -> memref<64x128xf32, #tpu.memory_space<vmem>>
      %dma_start3A_1566 = arith.constant 0 : i32
      %dma_start3A_1567 = tpu.memref_slice %arg3[%dma_start3A_1566, %multiple_of3A_1547] : memref<64x1000000xf32, #tpu.memory_space<hbm>> -> memref<64x128xf32, #tpu.memory_space<hbm>>
      %dma_start3A_1568 = arith.constant 0 : i32
      %dma_start3A_1569 = arith.constant 0 : i32
      %dma_start3A_1570 = tpu.memref_slice %arg10[%dma_start3A_1561, %dma_start3A_1568, %dma_start3A_1569] : memref<4x64x128xf32, #tpu.memory_space<vmem>> -> memref<1x64x128xf32, #tpu.memory_space<vmem>>
      %dma_start3A_1571 = tpu.memref_squeeze %dma_start3A_1570 : memref<1x64x128xf32, #tpu.memory_space<vmem>> -> memref<64x128xf32, #tpu.memory_space<vmem>>
      %dma_start3A_1572 = arith.constant 0 : i32
      %dma_start3A_1573 = tpu.memref_slice %arg3[%dma_start3A_1572, %multiple_of3A_1547] : memref<64x1000000xf32, #tpu.memory_space<hbm>> -> memref<64x128xf32, #tpu.memory_space<hbm>>
      tpu.enqueue_dma source(%dma_start3A_1573 : memref<64x128xf32, #tpu.memory_space<hbm>>) target(%dma_start3A_1571 : memref<64x128xf32, #tpu.memory_space<vmem>>) target_semaphore(%arg15 : memref<!tpu.dma_semaphore, #tpu.memory_space<semaphore_mem>>)
      %dma_wait3A_1574 = arith.constant 0 : i32
      %dma_wait3A_1575 = arith.constant 0 : i32
      %dma_wait3A_1576 = arith.constant 0 : i32
      %dma_wait3A_1577 = tpu.memref_slice %arg9[%dma_wait3A_1574, %dma_wait3A_1575, %dma_wait3A_1576] : memref<4x64x128xf32, #tpu.memory_space<vmem>> -> memref<1x64x128xf32, #tpu.memory_space<vmem>>
      %dma_wait3A_1578 = tpu.memref_squeeze %dma_wait3A_1577 : memref<1x64x128xf32, #tpu.memory_space<vmem>> -> memref<64x128xf32, #tpu.memory_space<vmem>>
      %dma_wait3A_1579 = arith.constant 0 : i32
      %dma_wait3A_1580 = arith.constant 0 : i32
      %dma_wait3A_1581 = tpu.memref_slice %arg2[%dma_wait3A_1579, %dma_wait3A_1580] : memref<64x1000000xf32, #tpu.memory_space<hbm>> -> memref<64x128xf32, #tpu.memory_space<hbm>>
      %dma_wait3A_1582 = arith.constant 0 : i32
      %dma_wait3A_1583 = arith.constant 0 : i32
      %dma_wait3A_1584 = tpu.memref_slice %arg9[%dma_wait3A_1574, %dma_wait3A_1582, %dma_wait3A_1583] : memref<4x64x128xf32, #tpu.memory_space<vmem>> -> memref<1x64x128xf32, #tpu.memory_space<vmem>>
      %dma_wait3A_1585 = tpu.memref_squeeze %dma_wait3A_1584 : memref<1x64x128xf32, #tpu.memory_space<vmem>> -> memref<64x128xf32, #tpu.memory_space<vmem>>
      %dma_wait3A_1586 = arith.constant 0 : i32
      %dma_wait3A_1587 = arith.constant 0 : i32
      %dma_wait3A_1588 = tpu.memref_slice %arg2[%dma_wait3A_1586, %dma_wait3A_1587] : memref<64x1000000xf32, #tpu.memory_space<hbm>> -> memref<64x128xf32, #tpu.memory_space<hbm>>
      tpu.wait_dma2 semaphore(%arg15 : memref<!tpu.dma_semaphore, #tpu.memory_space<semaphore_mem>>) src(%dma_wait3A_1588 : memref<64x128xf32, #tpu.memory_space<hbm>>) dst(%dma_wait3A_1585 : memref<64x128xf32, #tpu.memory_space<vmem>>)
      %dma_wait3A_1589 = arith.constant 0 : i32
      %dma_wait3A_1590 = arith.constant 0 : i32
      %dma_wait3A_1591 = arith.constant 0 : i32
      %dma_wait3A_1592 = tpu.memref_slice %arg10[%dma_wait3A_1589, %dma_wait3A_1590, %dma_wait3A_1591] : memref<4x64x128xf32, #tpu.memory_space<vmem>> -> memref<1x64x128xf32, #tpu.memory_space<vmem>>
      %dma_wait3A_1593 = tpu.memref_squeeze %dma_wait3A_1592 : memref<1x64x128xf32, #tpu.memory_space<vmem>> -> memref<64x128xf32, #tpu.memory_space<vmem>>
      %dma_wait3A_1594 = arith.constant 0 : i32
      %dma_wait3A_1595 = arith.constant 0 : i32
      %dma_wait3A_1596 = tpu.memref_slice %arg3[%dma_wait3A_1594, %dma_wait3A_1595] : memref<64x1000000xf32, #tpu.memory_space<hbm>> -> memref<64x128xf32, #tpu.memory_space<hbm>>
      %dma_wait3A_1597 = arith.constant 0 : i32
      %dma_wait3A_1598 = arith.constant 0 : i32
      %dma_wait3A_1599 = tpu.memref_slice %arg10[%dma_wait3A_1589, %dma_wait3A_1597, %dma_wait3A_1598] : memref<4x64x128xf32, #tpu.memory_space<vmem>> -> memref<1x64x128xf32, #tpu.memory_space<vmem>>
      %dma_wait3A_1600 = tpu.memref_squeeze %dma_wait3A_1599 : memref<1x64x128xf32, #tpu.memory_space<vmem>> -> memref<64x128xf32, #tpu.memory_space<vmem>>
      %dma_wait3A_1601 = arith.constant 0 : i32
      %dma_wait3A_1602 = arith.constant 0 : i32
      %dma_wait3A_1603 = tpu.memref_slice %arg3[%dma_wait3A_1601, %dma_wait3A_1602] : memref<64x1000000xf32, #tpu.memory_space<hbm>> -> memref<64x128xf32, #tpu.memory_space<hbm>>
      tpu.wait_dma2 semaphore(%arg15 : memref<!tpu.dma_semaphore, #tpu.memory_space<semaphore_mem>>) src(%dma_wait3A_1603 : memref<64x128xf32, #tpu.memory_space<hbm>>) dst(%dma_wait3A_1600 : memref<64x128xf32, #tpu.memory_space<vmem>>)
      %slice3A_1604 = vector.extract_strided_slice %gather3A_304 {offsets = [7], sizes = [1], strides = [1]} : vector<16xi32> to vector<1xi32>
      %squeeze3A_1605 = vector.extract %slice3A_1604[0] : i32 from vector<1xi32>
      %and3A_1606 = arith.constant 127 : i32
      %and3A_1607 = arith.andi %squeeze3A_1605, %and3A_1606 : i32
      %broadcast_in_dim3A_1608 = vector.broadcast %and3A_1607 : i32 to vector<16xi32>
      %slice3A_1609 = vector.extract_strided_slice %gather3A_305 {offsets = [7], sizes = [1], strides = [1]} : vector<16xi32> to vector<1xi32>
      %squeeze3A_1610 = vector.extract %slice3A_1609[0] : i32 from vector<1xi32>
      %and3A_1611 = arith.constant 127 : i32
      %and3A_1612 = arith.andi %squeeze3A_1610, %and3A_1611 : i32
      %broadcast_in_dim3A_1613 = vector.broadcast %and3A_1612 : i32 to vector<16xi32>
      %broadcast_in_dim3A_1614 = arith.constant 0.000000e+00 : f32
      %broadcast_in_dim3A_1615 = vector.broadcast %broadcast_in_dim3A_1614 : f32 to vector<16xf32>
      %broadcast_in_dim3A_1616 = arith.constant 0.000000e+00 : f32
      %broadcast_in_dim3A_1617 = vector.broadcast %broadcast_in_dim3A_1616 : f32 to vector<16xf32>
      %broadcast_in_dim3A_1618 = arith.constant 0.000000e+00 : f32
      %broadcast_in_dim3A_1619 = vector.broadcast %broadcast_in_dim3A_1618 : f32 to vector<16xf32>
      %add3A_1620 = arith.constant 0 : i32
      %add3A_1621 = vector.broadcast %add3A_1620 : i32 to vector<16xi32>
      %add3A_1622 = arith.addi %iota3A, %add3A_1621 : vector<16xi32>
      %gather3A_1623 = arith.constant 3 : i32
      %gather3A_1624 = arith.constant 0 : i32
      %gather3A_1625 = arith.constant 0 : i32
      %gather3A_1626 = tpu.memref_slice %arg9[%gather3A_1623, %gather3A_1624, %gather3A_1625] : memref<4x64x128xf32, #tpu.memory_space<vmem>> -> memref<1x64x128xf32, #tpu.memory_space<vmem>>
      %gather3A_1627 = tpu.memref_squeeze %gather3A_1626 : memref<1x64x128xf32, #tpu.memory_space<vmem>> -> memref<64x128xf32, #tpu.memory_space<vmem>>
      %gather3A_1628 = tpu.vector_load_idx %gather3A_1627[%add3A_1622, %broadcast_in_dim3A_1608] : memref<64x128xf32, #tpu.memory_space<vmem>>[vector<16xi32>, vector<16xi32>], vector<16xf32>,
      %gather3A_1629 = arith.constant 3 : i32
      %gather3A_1630 = arith.constant 0 : i32
      %gather3A_1631 = arith.constant 0 : i32
      %gather3A_1632 = tpu.memref_slice %arg10[%gather3A_1629, %gather3A_1630, %gather3A_1631] : memref<4x64x128xf32, #tpu.memory_space<vmem>> -> memref<1x64x128xf32, #tpu.memory_space<vmem>>
      %gather3A_1633 = tpu.memref_squeeze %gather3A_1632 : memref<1x64x128xf32, #tpu.memory_space<vmem>> -> memref<64x128xf32, #tpu.memory_space<vmem>>
      %gather3A_1634 = tpu.vector_load_idx %gather3A_1633[%add3A_1622, %broadcast_in_dim3A_1613] : memref<64x128xf32, #tpu.memory_space<vmem>>[vector<16xi32>, vector<16xi32>], vector<16xf32>,
      %mul3A_1635 = arith.mulf %gather3A_1628, %gather3A_1634 : vector<16xf32>
      %add3A_1636 = arith.addf %broadcast_in_dim3A_1615, %mul3A_1635 : vector<16xf32>
      %mul3A_1637 = arith.mulf %gather3A_1628, %gather3A_1628 : vector<16xf32>
      %add3A_1638 = arith.addf %broadcast_in_dim3A_1617, %mul3A_1637 : vector<16xf32>
      %mul3A_1639 = arith.mulf %gather3A_1634, %gather3A_1634 : vector<16xf32>
      %add3A_1640 = arith.addf %broadcast_in_dim3A_1619, %mul3A_1639 : vector<16xf32>
      %add3A_1641 = arith.constant 16 : i32
      %add3A_1642 = vector.broadcast %add3A_1641 : i32 to vector<16xi32>
      %add3A_1643 = arith.addi %iota3A, %add3A_1642 : vector<16xi32>
      %gather3A_1644 = arith.constant 3 : i32
      %gather3A_1645 = arith.constant 0 : i32
      %gather3A_1646 = arith.constant 0 : i32
      %gather3A_1647 = tpu.memref_slice %arg9[%gather3A_1644, %gather3A_1645, %gather3A_1646] : memref<4x64x128xf32, #tpu.memory_space<vmem>> -> memref<1x64x128xf32, #tpu.memory_space<vmem>>
      %gather3A_1648 = tpu.memref_squeeze %gather3A_1647 : memref<1x64x128xf32, #tpu.memory_space<vmem>> -> memref<64x128xf32, #tpu.memory_space<vmem>>
      %gather3A_1649 = tpu.vector_load_idx %gather3A_1648[%add3A_1643, %broadcast_in_dim3A_1608] : memref<64x128xf32, #tpu.memory_space<vmem>>[vector<16xi32>, vector<16xi32>], vector<16xf32>,
      %gather3A_1650 = arith.constant 3 : i32
      %gather3A_1651 = arith.constant 0 : i32
      %gather3A_1652 = arith.constant 0 : i32
      %gather3A_1653 = tpu.memref_slice %arg10[%gather3A_1650, %gather3A_1651, %gather3A_1652] : memref<4x64x128xf32, #tpu.memory_space<vmem>> -> memref<1x64x128xf32, #tpu.memory_space<vmem>>
      %gather3A_1654 = tpu.memref_squeeze %gather3A_1653 : memref<1x64x128xf32, #tpu.memory_space<vmem>> -> memref<64x128xf32, #tpu.memory_space<vmem>>
      %gather3A_1655 = tpu.vector_load_idx %gather3A_1654[%add3A_1643, %broadcast_in_dim3A_1613] : memref<64x128xf32, #tpu.memory_space<vmem>>[vector<16xi32>, vector<16xi32>], vector<16xf32>,
      %mul3A_1656 = arith.mulf %gather3A_1649, %gather3A_1655 : vector<16xf32>
      %add3A_1657 = arith.addf %add3A_1636, %mul3A_1656 : vector<16xf32>
      %mul3A_1658 = arith.mulf %gather3A_1649, %gather3A_1649 : vector<16xf32>
      %add3A_1659 = arith.addf %add3A_1638, %mul3A_1658 : vector<16xf32>
      %mul3A_1660 = arith.mulf %gather3A_1655, %gather3A_1655 : vector<16xf32>
      %add3A_1661 = arith.addf %add3A_1640, %mul3A_1660 : vector<16xf32>
      %add3A_1662 = arith.constant 32 : i32
      %add3A_1663 = vector.broadcast %add3A_1662 : i32 to vector<16xi32>
      %add3A_1664 = arith.addi %iota3A, %add3A_1663 : vector<16xi32>
      %gather3A_1665 = arith.constant 3 : i32
      %gather3A_1666 = arith.constant 0 : i32
      %gather3A_1667 = arith.constant 0 : i32
      %gather3A_1668 = tpu.memref_slice %arg9[%gather3A_1665, %gather3A_1666, %gather3A_1667] : memref<4x64x128xf32, #tpu.memory_space<vmem>> -> memref<1x64x128xf32, #tpu.memory_space<vmem>>
      %gather3A_1669 = tpu.memref_squeeze %gather3A_1668 : memref<1x64x128xf32, #tpu.memory_space<vmem>> -> memref<64x128xf32, #tpu.memory_space<vmem>>
      %gather3A_1670 = tpu.vector_load_idx %gather3A_1669[%add3A_1664, %broadcast_in_dim3A_1608] : memref<64x128xf32, #tpu.memory_space<vmem>>[vector<16xi32>, vector<16xi32>], vector<16xf32>,
      %gather3A_1671 = arith.constant 3 : i32
      %gather3A_1672 = arith.constant 0 : i32
      %gather3A_1673 = arith.constant 0 : i32
      %gather3A_1674 = tpu.memref_slice %arg10[%gather3A_1671, %gather3A_1672, %gather3A_1673] : memref<4x64x128xf32, #tpu.memory_space<vmem>> -> memref<1x64x128xf32, #tpu.memory_space<vmem>>
      %gather3A_1675 = tpu.memref_squeeze %gather3A_1674 : memref<1x64x128xf32, #tpu.memory_space<vmem>> -> memref<64x128xf32, #tpu.memory_space<vmem>>
      %gather3A_1676 = tpu.vector_load_idx %gather3A_1675[%add3A_1664, %broadcast_in_dim3A_1613] : memref<64x128xf32, #tpu.memory_space<vmem>>[vector<16xi32>, vector<16xi32>], vector<16xf32>,
      %mul3A_1677 = arith.mulf %gather3A_1670, %gather3A_1676 : vector<16xf32>
      %add3A_1678 = arith.addf %add3A_1657, %mul3A_1677 : vector<16xf32>
      %mul3A_1679 = arith.mulf %gather3A_1670, %gather3A_1670 : vector<16xf32>
      %add3A_1680 = arith.addf %add3A_1659, %mul3A_1679 : vector<16xf32>
      %mul3A_1681 = arith.mulf %gather3A_1676, %gather3A_1676 : vector<16xf32>
      %add3A_1682 = arith.addf %add3A_1661, %mul3A_1681 : vector<16xf32>
      %add3A_1683 = arith.constant 48 : i32
      %add3A_1684 = vector.broadcast %add3A_1683 : i32 to vector<16xi32>
      %add3A_1685 = arith.addi %iota3A, %add3A_1684 : vector<16xi32>
      %gather3A_1686 = arith.constant 3 : i32
      %gather3A_1687 = arith.constant 0 : i32
      %gather3A_1688 = arith.constant 0 : i32
      %gather3A_1689 = tpu.memref_slice %arg9[%gather3A_1686, %gather3A_1687, %gather3A_1688] : memref<4x64x128xf32, #tpu.memory_space<vmem>> -> memref<1x64x128xf32, #tpu.memory_space<vmem>>
      %gather3A_1690 = tpu.memref_squeeze %gather3A_1689 : memref<1x64x128xf32, #tpu.memory_space<vmem>> -> memref<64x128xf32, #tpu.memory_space<vmem>>
      %gather3A_1691 = tpu.vector_load_idx %gather3A_1690[%add3A_1685, %broadcast_in_dim3A_1608] : memref<64x128xf32, #tpu.memory_space<vmem>>[vector<16xi32>, vector<16xi32>], vector<16xf32>,
      %gather3A_1692 = arith.constant 3 : i32
      %gather3A_1693 = arith.constant 0 : i32
      %gather3A_1694 = arith.constant 0 : i32
      %gather3A_1695 = tpu.memref_slice %arg10[%gather3A_1692, %gather3A_1693, %gather3A_1694] : memref<4x64x128xf32, #tpu.memory_space<vmem>> -> memref<1x64x128xf32, #tpu.memory_space<vmem>>
      %gather3A_1696 = tpu.memref_squeeze %gather3A_1695 : memref<1x64x128xf32, #tpu.memory_space<vmem>> -> memref<64x128xf32, #tpu.memory_space<vmem>>
      %gather3A_1697 = tpu.vector_load_idx %gather3A_1696[%add3A_1685, %broadcast_in_dim3A_1613] : memref<64x128xf32, #tpu.memory_space<vmem>>[vector<16xi32>, vector<16xi32>], vector<16xf32>,
      %mul3A_1698 = arith.mulf %gather3A_1691, %gather3A_1697 : vector<16xf32>
      %add3A_1699 = arith.addf %add3A_1678, %mul3A_1698 : vector<16xf32>
      %mul3A_1700 = arith.mulf %gather3A_1691, %gather3A_1691 : vector<16xf32>
      %add3A_1701 = arith.addf %add3A_1680, %mul3A_1700 : vector<16xf32>
      %mul3A_1702 = arith.mulf %gather3A_1697, %gather3A_1697 : vector<16xf32>
      %add3A_1703 = arith.addf %add3A_1682, %mul3A_1702 : vector<16xf32>
      %add3A_1704 = arith.constant 119 : i32
      %add3A_1705 = vector.broadcast %add3A_1704 : i32 to vector<16xi32>
      %add3A_1706 = arith.addi %iota3A, %add3A_1705 : vector<16xi32>
      tpu.vector_store_idx %arg12[%add3A_1706], %add3A_1699 : memref<272xf32, #tpu.memory_space<vmem>>[vector<16xi32>], vector<16xf32>,
      %add3A_1707 = arith.constant 119 : i32
      %add3A_1708 = vector.broadcast %add3A_1707 : i32 to vector<16xi32>
      %add3A_1709 = arith.addi %iota3A, %add3A_1708 : vector<16xi32>
      tpu.vector_store_idx %arg13[%add3A_1709], %add3A_1701 : memref<272xf32, #tpu.memory_space<vmem>>[vector<16xi32>], vector<16xf32>,
      %add3A_1710 = arith.constant 119 : i32
      %add3A_1711 = vector.broadcast %add3A_1710 : i32 to vector<16xi32>
      %add3A_1712 = arith.addi %iota3A, %add3A_1711 : vector<16xi32>
      tpu.vector_store_idx %arg14[%add3A_1712], %add3A_1703 : memref<272xf32, #tpu.memory_space<vmem>>[vector<16xi32>], vector<16xf32>,
      %slice3A_1713 = vector.extract_strided_slice %gather3A_304 {offsets = [11], sizes = [1], strides = [1]} : vector<16xi32> to vector<1xi32>
      %squeeze3A_1714 = vector.extract %slice3A_1713[0] : i32 from vector<1xi32>
      %slice3A_1715 = vector.extract_strided_slice %gather3A_305 {offsets = [11], sizes = [1], strides = [1]} : vector<16xi32> to vector<1xi32>
      %squeeze3A_1716 = vector.extract %slice3A_1715[0] : i32 from vector<1xi32>
      %shift_right_arithmetic3A_1717 = arith.constant 7 : i32
      %shift_right_arithmetic3A_1718 = arith.shrsi %squeeze3A_1714, %shift_right_arithmetic3A_1717 : i32
      %mul3A_1719 = arith.constant 128 : i32
      %mul3A_1720 = arith.muli %shift_right_arithmetic3A_1718, %mul3A_1719 : i32
      %multiple_of3A_1721 = tpu.assume_multiple %mul3A_1720, 128 : i32
      %shift_right_arithmetic3A_1722 = arith.constant 7 : i32
      %shift_right_arithmetic3A_1723 = arith.shrsi %squeeze3A_1716, %shift_right_arithmetic3A_1722 : i32
      %mul3A_1724 = arith.constant 128 : i32
      %mul3A_1725 = arith.muli %shift_right_arithmetic3A_1723, %mul3A_1724 : i32
      %multiple_of3A_1726 = tpu.assume_multiple %mul3A_1725, 128 : i32
      %dma_start3A_1727 = arith.constant 3 : i32
      %dma_start3A_1728 = arith.constant 0 : i32
      %dma_start3A_1729 = arith.constant 0 : i32
      %dma_start3A_1730 = tpu.memref_slice %arg9[%dma_start3A_1727, %dma_start3A_1728, %dma_start3A_1729] : memref<4x64x128xf32, #tpu.memory_space<vmem>> -> memref<1x64x128xf32, #tpu.memory_space<vmem>>
      %dma_start3A_1731 = tpu.memref_squeeze %dma_start3A_1730 : memref<1x64x128xf32, #tpu.memory_space<vmem>> -> memref<64x128xf32, #tpu.memory_space<vmem>>
      %dma_start3A_1732 = arith.constant 0 : i32
      %dma_start3A_1733 = tpu.memref_slice %arg2[%dma_start3A_1732, %multiple_of3A_1721] : memref<64x1000000xf32, #tpu.memory_space<hbm>> -> memref<64x128xf32, #tpu.memory_space<hbm>>
      %dma_start3A_1734 = arith.constant 0 : i32
      %dma_start3A_1735 = arith.constant 0 : i32
      %dma_start3A_1736 = tpu.memref_slice %arg9[%dma_start3A_1727, %dma_start3A_1734, %dma_start3A_1735] : memref<4x64x128xf32, #tpu.memory_space<vmem>> -> memref<1x64x128xf32, #tpu.memory_space<vmem>>
      %dma_start3A_1737 = tpu.memref_squeeze %dma_start3A_1736 : memref<1x64x128xf32, #tpu.memory_space<vmem>> -> memref<64x128xf32, #tpu.memory_space<vmem>>
      %dma_start3A_1738 = arith.constant 0 : i32
      %dma_start3A_1739 = tpu.memref_slice %arg2[%dma_start3A_1738, %multiple_of3A_1721] : memref<64x1000000xf32, #tpu.memory_space<hbm>> -> memref<64x128xf32, #tpu.memory_space<hbm>>
      tpu.enqueue_dma source(%dma_start3A_1739 : memref<64x128xf32, #tpu.memory_space<hbm>>) target(%dma_start3A_1737 : memref<64x128xf32, #tpu.memory_space<vmem>>) target_semaphore(%arg15 : memref<!tpu.dma_semaphore, #tpu.memory_space<semaphore_mem>>)
      %dma_start3A_1740 = arith.constant 3 : i32
      %dma_start3A_1741 = arith.constant 0 : i32
      %dma_start3A_1742 = arith.constant 0 : i32
      %dma_start3A_1743 = tpu.memref_slice %arg10[%dma_start3A_1740, %dma_start3A_1741, %dma_start3A_1742] : memref<4x64x128xf32, #tpu.memory_space<vmem>> -> memref<1x64x128xf32, #tpu.memory_space<vmem>>
      %dma_start3A_1744 = tpu.memref_squeeze %dma_start3A_1743 : memref<1x64x128xf32, #tpu.memory_space<vmem>> -> memref<64x128xf32, #tpu.memory_space<vmem>>
      %dma_start3A_1745 = arith.constant 0 : i32
      %dma_start3A_1746 = tpu.memref_slice %arg3[%dma_start3A_1745, %multiple_of3A_1726] : memref<64x1000000xf32, #tpu.memory_space<hbm>> -> memref<64x128xf32, #tpu.memory_space<hbm>>
      %dma_start3A_1747 = arith.constant 0 : i32
      %dma_start3A_1748 = arith.constant 0 : i32
      %dma_start3A_1749 = tpu.memref_slice %arg10[%dma_start3A_1740, %dma_start3A_1747, %dma_start3A_1748] : memref<4x64x128xf32, #tpu.memory_space<vmem>> -> memref<1x64x128xf32, #tpu.memory_space<vmem>>
      %dma_start3A_1750 = tpu.memref_squeeze %dma_start3A_1749 : memref<1x64x128xf32, #tpu.memory_space<vmem>> -> memref<64x128xf32, #tpu.memory_space<vmem>>
      %dma_start3A_1751 = arith.constant 0 : i32
      %dma_start3A_1752 = tpu.memref_slice %arg3[%dma_start3A_1751, %multiple_of3A_1726] : memref<64x1000000xf32, #tpu.memory_space<hbm>> -> memref<64x128xf32, #tpu.memory_space<hbm>>
      tpu.enqueue_dma source(%dma_start3A_1752 : memref<64x128xf32, #tpu.memory_space<hbm>>) target(%dma_start3A_1750 : memref<64x128xf32, #tpu.memory_space<vmem>>) target_semaphore(%arg15 : memref<!tpu.dma_semaphore, #tpu.memory_space<semaphore_mem>>)
      %dma_wait3A_1753 = arith.constant 0 : i32
      %dma_wait3A_1754 = arith.constant 0 : i32
      %dma_wait3A_1755 = arith.constant 0 : i32
      %dma_wait3A_1756 = tpu.memref_slice %arg9[%dma_wait3A_1753, %dma_wait3A_1754, %dma_wait3A_1755] : memref<4x64x128xf32, #tpu.memory_space<vmem>> -> memref<1x64x128xf32, #tpu.memory_space<vmem>>
      %dma_wait3A_1757 = tpu.memref_squeeze %dma_wait3A_1756 : memref<1x64x128xf32, #tpu.memory_space<vmem>> -> memref<64x128xf32, #tpu.memory_space<vmem>>
      %dma_wait3A_1758 = arith.constant 0 : i32
      %dma_wait3A_1759 = arith.constant 0 : i32
      %dma_wait3A_1760 = tpu.memref_slice %arg2[%dma_wait3A_1758, %dma_wait3A_1759] : memref<64x1000000xf32, #tpu.memory_space<hbm>> -> memref<64x128xf32, #tpu.memory_space<hbm>>
      %dma_wait3A_1761 = arith.constant 0 : i32
      %dma_wait3A_1762 = arith.constant 0 : i32
      %dma_wait3A_1763 = tpu.memref_slice %arg9[%dma_wait3A_1753, %dma_wait3A_1761, %dma_wait3A_1762] : memref<4x64x128xf32, #tpu.memory_space<vmem>> -> memref<1x64x128xf32, #tpu.memory_space<vmem>>
      %dma_wait3A_1764 = tpu.memref_squeeze %dma_wait3A_1763 : memref<1x64x128xf32, #tpu.memory_space<vmem>> -> memref<64x128xf32, #tpu.memory_space<vmem>>
      %dma_wait3A_1765 = arith.constant 0 : i32
      %dma_wait3A_1766 = arith.constant 0 : i32
      %dma_wait3A_1767 = tpu.memref_slice %arg2[%dma_wait3A_1765, %dma_wait3A_1766] : memref<64x1000000xf32, #tpu.memory_space<hbm>> -> memref<64x128xf32, #tpu.memory_space<hbm>>
      tpu.wait_dma2 semaphore(%arg15 : memref<!tpu.dma_semaphore, #tpu.memory_space<semaphore_mem>>) src(%dma_wait3A_1767 : memref<64x128xf32, #tpu.memory_space<hbm>>) dst(%dma_wait3A_1764 : memref<64x128xf32, #tpu.memory_space<vmem>>)
      %dma_wait3A_1768 = arith.constant 0 : i32
      %dma_wait3A_1769 = arith.constant 0 : i32
      %dma_wait3A_1770 = arith.constant 0 : i32
      %dma_wait3A_1771 = tpu.memref_slice %arg10[%dma_wait3A_1768, %dma_wait3A_1769, %dma_wait3A_1770] : memref<4x64x128xf32, #tpu.memory_space<vmem>> -> memref<1x64x128xf32, #tpu.memory_space<vmem>>
      %dma_wait3A_1772 = tpu.memref_squeeze %dma_wait3A_1771 : memref<1x64x128xf32, #tpu.memory_space<vmem>> -> memref<64x128xf32, #tpu.memory_space<vmem>>
      %dma_wait3A_1773 = arith.constant 0 : i32
      %dma_wait3A_1774 = arith.constant 0 : i32
      %dma_wait3A_1775 = tpu.memref_slice %arg3[%dma_wait3A_1773, %dma_wait3A_1774] : memref<64x1000000xf32, #tpu.memory_space<hbm>> -> memref<64x128xf32, #tpu.memory_space<hbm>>
      %dma_wait3A_1776 = arith.constant 0 : i32
      %dma_wait3A_1777 = arith.constant 0 : i32
      %dma_wait3A_1778 = tpu.memref_slice %arg10[%dma_wait3A_1768, %dma_wait3A_1776, %dma_wait3A_1777] : memref<4x64x128xf32, #tpu.memory_space<vmem>> -> memref<1x64x128xf32, #tpu.memory_space<vmem>>
      %dma_wait3A_1779 = tpu.memref_squeeze %dma_wait3A_1778 : memref<1x64x128xf32, #tpu.memory_space<vmem>> -> memref<64x128xf32, #tpu.memory_space<vmem>>
      %dma_wait3A_1780 = arith.constant 0 : i32
      %dma_wait3A_1781 = arith.constant 0 : i32
      %dma_wait3A_1782 = tpu.memref_slice %arg3[%dma_wait3A_1780, %dma_wait3A_1781] : memref<64x1000000xf32, #tpu.memory_space<hbm>> -> memref<64x128xf32, #tpu.memory_space<hbm>>
      tpu.wait_dma2 semaphore(%arg15 : memref<!tpu.dma_semaphore, #tpu.memory_space<semaphore_mem>>) src(%dma_wait3A_1782 : memref<64x128xf32, #tpu.memory_space<hbm>>) dst(%dma_wait3A_1779 : memref<64x128xf32, #tpu.memory_space<vmem>>)
      %slice3A_1783 = vector.extract_strided_slice %gather3A_304 {offsets = [8], sizes = [1], strides = [1]} : vector<16xi32> to vector<1xi32>
      %squeeze3A_1784 = vector.extract %slice3A_1783[0] : i32 from vector<1xi32>
      %and3A_1785 = arith.constant 127 : i32
      %and3A_1786 = arith.andi %squeeze3A_1784, %and3A_1785 : i32
      %broadcast_in_dim3A_1787 = vector.broadcast %and3A_1786 : i32 to vector<16xi32>
      %slice3A_1788 = vector.extract_strided_slice %gather3A_305 {offsets = [8], sizes = [1], strides = [1]} : vector<16xi32> to vector<1xi32>
      %squeeze3A_1789 = vector.extract %slice3A_1788[0] : i32 from vector<1xi32>
      %and3A_1790 = arith.constant 127 : i32
      %and3A_1791 = arith.andi %squeeze3A_1789, %and3A_1790 : i32
      %broadcast_in_dim3A_1792 = vector.broadcast %and3A_1791 : i32 to vector<16xi32>
      %broadcast_in_dim3A_1793 = arith.constant 0.000000e+00 : f32
      %broadcast_in_dim3A_1794 = vector.broadcast %broadcast_in_dim3A_1793 : f32 to vector<16xf32>
      %broadcast_in_dim3A_1795 = arith.constant 0.000000e+00 : f32
      %broadcast_in_dim3A_1796 = vector.broadcast %broadcast_in_dim3A_1795 : f32 to vector<16xf32>
      %broadcast_in_dim3A_1797 = arith.constant 0.000000e+00 : f32
      %broadcast_in_dim3A_1798 = vector.broadcast %broadcast_in_dim3A_1797 : f32 to vector<16xf32>
      %add3A_1799 = arith.constant 0 : i32
      %add3A_1800 = vector.broadcast %add3A_1799 : i32 to vector<16xi32>
      %add3A_1801 = arith.addi %iota3A, %add3A_1800 : vector<16xi32>
      %gather3A_1802 = arith.constant 0 : i32
      %gather3A_1803 = arith.constant 0 : i32
      %gather3A_1804 = arith.constant 0 : i32
      %gather3A_1805 = tpu.memref_slice %arg9[%gather3A_1802, %gather3A_1803, %gather3A_1804] : memref<4x64x128xf32, #tpu.memory_space<vmem>> -> memref<1x64x128xf32, #tpu.memory_space<vmem>>
      %gather3A_1806 = tpu.memref_squeeze %gather3A_1805 : memref<1x64x128xf32, #tpu.memory_space<vmem>> -> memref<64x128xf32, #tpu.memory_space<vmem>>
      %gather3A_1807 = tpu.vector_load_idx %gather3A_1806[%add3A_1801, %broadcast_in_dim3A_1787] : memref<64x128xf32, #tpu.memory_space<vmem>>[vector<16xi32>, vector<16xi32>], vector<16xf32>,
      %gather3A_1808 = arith.constant 0 : i32
      %gather3A_1809 = arith.constant 0 : i32
      %gather3A_1810 = arith.constant 0 : i32
      %gather3A_1811 = tpu.memref_slice %arg10[%gather3A_1808, %gather3A_1809, %gather3A_1810] : memref<4x64x128xf32, #tpu.memory_space<vmem>> -> memref<1x64x128xf32, #tpu.memory_space<vmem>>
      %gather3A_1812 = tpu.memref_squeeze %gather3A_1811 : memref<1x64x128xf32, #tpu.memory_space<vmem>> -> memref<64x128xf32, #tpu.memory_space<vmem>>
      %gather3A_1813 = tpu.vector_load_idx %gather3A_1812[%add3A_1801, %broadcast_in_dim3A_1792] : memref<64x128xf32, #tpu.memory_space<vmem>>[vector<16xi32>, vector<16xi32>], vector<16xf32>,
      %mul3A_1814 = arith.mulf %gather3A_1807, %gather3A_1813 : vector<16xf32>
      %add3A_1815 = arith.addf %broadcast_in_dim3A_1794, %mul3A_1814 : vector<16xf32>
      %mul3A_1816 = arith.mulf %gather3A_1807, %gather3A_1807 : vector<16xf32>
      %add3A_1817 = arith.addf %broadcast_in_dim3A_1796, %mul3A_1816 : vector<16xf32>
      %mul3A_1818 = arith.mulf %gather3A_1813, %gather3A_1813 : vector<16xf32>
      %add3A_1819 = arith.addf %broadcast_in_dim3A_1798, %mul3A_1818 : vector<16xf32>
      %add3A_1820 = arith.constant 16 : i32
      %add3A_1821 = vector.broadcast %add3A_1820 : i32 to vector<16xi32>
      %add3A_1822 = arith.addi %iota3A, %add3A_1821 : vector<16xi32>
      %gather3A_1823 = arith.constant 0 : i32
      %gather3A_1824 = arith.constant 0 : i32
      %gather3A_1825 = arith.constant 0 : i32
      %gather3A_1826 = tpu.memref_slice %arg9[%gather3A_1823, %gather3A_1824, %gather3A_1825] : memref<4x64x128xf32, #tpu.memory_space<vmem>> -> memref<1x64x128xf32, #tpu.memory_space<vmem>>
      %gather3A_1827 = tpu.memref_squeeze %gather3A_1826 : memref<1x64x128xf32, #tpu.memory_space<vmem>> -> memref<64x128xf32, #tpu.memory_space<vmem>>
      %gather3A_1828 = tpu.vector_load_idx %gather3A_1827[%add3A_1822, %broadcast_in_dim3A_1787] : memref<64x128xf32, #tpu.memory_space<vmem>>[vector<16xi32>, vector<16xi32>], vector<16xf32>,
      %gather3A_1829 = arith.constant 0 : i32
      %gather3A_1830 = arith.constant 0 : i32
      %gather3A_1831 = arith.constant 0 : i32
      %gather3A_1832 = tpu.memref_slice %arg10[%gather3A_1829, %gather3A_1830, %gather3A_1831] : memref<4x64x128xf32, #tpu.memory_space<vmem>> -> memref<1x64x128xf32, #tpu.memory_space<vmem>>
      %gather3A_1833 = tpu.memref_squeeze %gather3A_1832 : memref<1x64x128xf32, #tpu.memory_space<vmem>> -> memref<64x128xf32, #tpu.memory_space<vmem>>
      %gather3A_1834 = tpu.vector_load_idx %gather3A_1833[%add3A_1822, %broadcast_in_dim3A_1792] : memref<64x128xf32, #tpu.memory_space<vmem>>[vector<16xi32>, vector<16xi32>], vector<16xf32>,
      %mul3A_1835 = arith.mulf %gather3A_1828, %gather3A_1834 : vector<16xf32>
      %add3A_1836 = arith.addf %add3A_1815, %mul3A_1835 : vector<16xf32>
      %mul3A_1837 = arith.mulf %gather3A_1828, %gather3A_1828 : vector<16xf32>
      %add3A_1838 = arith.addf %add3A_1817, %mul3A_1837 : vector<16xf32>
      %mul3A_1839 = arith.mulf %gather3A_1834, %gather3A_1834 : vector<16xf32>
      %add3A_1840 = arith.addf %add3A_1819, %mul3A_1839 : vector<16xf32>
      %add3A_1841 = arith.constant 32 : i32
      %add3A_1842 = vector.broadcast %add3A_1841 : i32 to vector<16xi32>
      %add3A_1843 = arith.addi %iota3A, %add3A_1842 : vector<16xi32>
      %gather3A_1844 = arith.constant 0 : i32
      %gather3A_1845 = arith.constant 0 : i32
      %gather3A_1846 = arith.constant 0 : i32
      %gather3A_1847 = tpu.memref_slice %arg9[%gather3A_1844, %gather3A_1845, %gather3A_1846] : memref<4x64x128xf32, #tpu.memory_space<vmem>> -> memref<1x64x128xf32, #tpu.memory_space<vmem>>
      %gather3A_1848 = tpu.memref_squeeze %gather3A_1847 : memref<1x64x128xf32, #tpu.memory_space<vmem>> -> memref<64x128xf32, #tpu.memory_space<vmem>>
      %gather3A_1849 = tpu.vector_load_idx %gather3A_1848[%add3A_1843, %broadcast_in_dim3A_1787] : memref<64x128xf32, #tpu.memory_space<vmem>>[vector<16xi32>, vector<16xi32>], vector<16xf32>,
      %gather3A_1850 = arith.constant 0 : i32
      %gather3A_1851 = arith.constant 0 : i32
      %gather3A_1852 = arith.constant 0 : i32
      %gather3A_1853 = tpu.memref_slice %arg10[%gather3A_1850, %gather3A_1851, %gather3A_1852] : memref<4x64x128xf32, #tpu.memory_space<vmem>> -> memref<1x64x128xf32, #tpu.memory_space<vmem>>
      %gather3A_1854 = tpu.memref_squeeze %gather3A_1853 : memref<1x64x128xf32, #tpu.memory_space<vmem>> -> memref<64x128xf32, #tpu.memory_space<vmem>>
      %gather3A_1855 = tpu.vector_load_idx %gather3A_1854[%add3A_1843, %broadcast_in_dim3A_1792] : memref<64x128xf32, #tpu.memory_space<vmem>>[vector<16xi32>, vector<16xi32>], vector<16xf32>,
      %mul3A_1856 = arith.mulf %gather3A_1849, %gather3A_1855 : vector<16xf32>
      %add3A_1857 = arith.addf %add3A_1836, %mul3A_1856 : vector<16xf32>
      %mul3A_1858 = arith.mulf %gather3A_1849, %gather3A_1849 : vector<16xf32>
      %add3A_1859 = arith.addf %add3A_1838, %mul3A_1858 : vector<16xf32>
      %mul3A_1860 = arith.mulf %gather3A_1855, %gather3A_1855 : vector<16xf32>
      %add3A_1861 = arith.addf %add3A_1840, %mul3A_1860 : vector<16xf32>
      %add3A_1862 = arith.constant 48 : i32
      %add3A_1863 = vector.broadcast %add3A_1862 : i32 to vector<16xi32>
      %add3A_1864 = arith.addi %iota3A, %add3A_1863 : vector<16xi32>
      %gather3A_1865 = arith.constant 0 : i32
      %gather3A_1866 = arith.constant 0 : i32
      %gather3A_1867 = arith.constant 0 : i32
      %gather3A_1868 = tpu.memref_slice %arg9[%gather3A_1865, %gather3A_1866, %gather3A_1867] : memref<4x64x128xf32, #tpu.memory_space<vmem>> -> memref<1x64x128xf32, #tpu.memory_space<vmem>>
      %gather3A_1869 = tpu.memref_squeeze %gather3A_1868 : memref<1x64x128xf32, #tpu.memory_space<vmem>> -> memref<64x128xf32, #tpu.memory_space<vmem>>
      %gather3A_1870 = tpu.vector_load_idx %gather3A_1869[%add3A_1864, %broadcast_in_dim3A_1787] : memref<64x128xf32, #tpu.memory_space<vmem>>[vector<16xi32>, vector<16xi32>], vector<16xf32>,
      %gather3A_1871 = arith.constant 0 : i32
      %gather3A_1872 = arith.constant 0 : i32
      %gather3A_1873 = arith.constant 0 : i32
      %gather3A_1874 = tpu.memref_slice %arg10[%gather3A_1871, %gather3A_1872, %gather3A_1873] : memref<4x64x128xf32, #tpu.memory_space<vmem>> -> memref<1x64x128xf32, #tpu.memory_space<vmem>>
      %gather3A_1875 = tpu.memref_squeeze %gather3A_1874 : memref<1x64x128xf32, #tpu.memory_space<vmem>> -> memref<64x128xf32, #tpu.memory_space<vmem>>
      %gather3A_1876 = tpu.vector_load_idx %gather3A_1875[%add3A_1864, %broadcast_in_dim3A_1792] : memref<64x128xf32, #tpu.memory_space<vmem>>[vector<16xi32>, vector<16xi32>], vector<16xf32>,
      %mul3A_1877 = arith.mulf %gather3A_1870, %gather3A_1876 : vector<16xf32>
      %add3A_1878 = arith.addf %add3A_1857, %mul3A_1877 : vector<16xf32>
      %mul3A_1879 = arith.mulf %gather3A_1870, %gather3A_1870 : vector<16xf32>
      %add3A_1880 = arith.addf %add3A_1859, %mul3A_1879 : vector<16xf32>
      %mul3A_1881 = arith.mulf %gather3A_1876, %gather3A_1876 : vector<16xf32>
      %add3A_1882 = arith.addf %add3A_1861, %mul3A_1881 : vector<16xf32>
      %add3A_1883 = arith.constant 136 : i32
      %add3A_1884 = vector.broadcast %add3A_1883 : i32 to vector<16xi32>
      %add3A_1885 = arith.addi %iota3A, %add3A_1884 : vector<16xi32>
      tpu.vector_store_idx %arg12[%add3A_1885], %add3A_1878 : memref<272xf32, #tpu.memory_space<vmem>>[vector<16xi32>], vector<16xf32>,
      %add3A_1886 = arith.constant 136 : i32
      %add3A_1887 = vector.broadcast %add3A_1886 : i32 to vector<16xi32>
      %add3A_1888 = arith.addi %iota3A, %add3A_1887 : vector<16xi32>
      tpu.vector_store_idx %arg13[%add3A_1888], %add3A_1880 : memref<272xf32, #tpu.memory_space<vmem>>[vector<16xi32>], vector<16xf32>,
      %add3A_1889 = arith.constant 136 : i32
      %add3A_1890 = vector.broadcast %add3A_1889 : i32 to vector<16xi32>
      %add3A_1891 = arith.addi %iota3A, %add3A_1890 : vector<16xi32>
      tpu.vector_store_idx %arg14[%add3A_1891], %add3A_1882 : memref<272xf32, #tpu.memory_space<vmem>>[vector<16xi32>], vector<16xf32>,
      %slice3A_1892 = vector.extract_strided_slice %gather3A_304 {offsets = [12], sizes = [1], strides = [1]} : vector<16xi32> to vector<1xi32>
      %squeeze3A_1893 = vector.extract %slice3A_1892[0] : i32 from vector<1xi32>
      %slice3A_1894 = vector.extract_strided_slice %gather3A_305 {offsets = [12], sizes = [1], strides = [1]} : vector<16xi32> to vector<1xi32>
      %squeeze3A_1895 = vector.extract %slice3A_1894[0] : i32 from vector<1xi32>
      %shift_right_arithmetic3A_1896 = arith.constant 7 : i32
      %shift_right_arithmetic3A_1897 = arith.shrsi %squeeze3A_1893, %shift_right_arithmetic3A_1896 : i32
      %mul3A_1898 = arith.constant 128 : i32
      %mul3A_1899 = arith.muli %shift_right_arithmetic3A_1897, %mul3A_1898 : i32
      %multiple_of3A_1900 = tpu.assume_multiple %mul3A_1899, 128 : i32
      %shift_right_arithmetic3A_1901 = arith.constant 7 : i32
      %shift_right_arithmetic3A_1902 = arith.shrsi %squeeze3A_1895, %shift_right_arithmetic3A_1901 : i32
      %mul3A_1903 = arith.constant 128 : i32
      %mul3A_1904 = arith.muli %shift_right_arithmetic3A_1902, %mul3A_1903 : i32
      %multiple_of3A_1905 = tpu.assume_multiple %mul3A_1904, 128 : i32
      %dma_start3A_1906 = arith.constant 0 : i32
      %dma_start3A_1907 = arith.constant 0 : i32
      %dma_start3A_1908 = arith.constant 0 : i32
      %dma_start3A_1909 = tpu.memref_slice %arg9[%dma_start3A_1906, %dma_start3A_1907, %dma_start3A_1908] : memref<4x64x128xf32, #tpu.memory_space<vmem>> -> memref<1x64x128xf32, #tpu.memory_space<vmem>>
      %dma_start3A_1910 = tpu.memref_squeeze %dma_start3A_1909 : memref<1x64x128xf32, #tpu.memory_space<vmem>> -> memref<64x128xf32, #tpu.memory_space<vmem>>
      %dma_start3A_1911 = arith.constant 0 : i32
      %dma_start3A_1912 = tpu.memref_slice %arg2[%dma_start3A_1911, %multiple_of3A_1900] : memref<64x1000000xf32, #tpu.memory_space<hbm>> -> memref<64x128xf32, #tpu.memory_space<hbm>>
      %dma_start3A_1913 = arith.constant 0 : i32
      %dma_start3A_1914 = arith.constant 0 : i32
      %dma_start3A_1915 = tpu.memref_slice %arg9[%dma_start3A_1906, %dma_start3A_1913, %dma_start3A_1914] : memref<4x64x128xf32, #tpu.memory_space<vmem>> -> memref<1x64x128xf32, #tpu.memory_space<vmem>>
      %dma_start3A_1916 = tpu.memref_squeeze %dma_start3A_1915 : memref<1x64x128xf32, #tpu.memory_space<vmem>> -> memref<64x128xf32, #tpu.memory_space<vmem>>
      %dma_start3A_1917 = arith.constant 0 : i32
      %dma_start3A_1918 = tpu.memref_slice %arg2[%dma_start3A_1917, %multiple_of3A_1900] : memref<64x1000000xf32, #tpu.memory_space<hbm>> -> memref<64x128xf32, #tpu.memory_space<hbm>>
      tpu.enqueue_dma source(%dma_start3A_1918 : memref<64x128xf32, #tpu.memory_space<hbm>>) target(%dma_start3A_1916 : memref<64x128xf32, #tpu.memory_space<vmem>>) target_semaphore(%arg15 : memref<!tpu.dma_semaphore, #tpu.memory_space<semaphore_mem>>)
      %dma_start3A_1919 = arith.constant 0 : i32
      %dma_start3A_1920 = arith.constant 0 : i32
      %dma_start3A_1921 = arith.constant 0 : i32
      %dma_start3A_1922 = tpu.memref_slice %arg10[%dma_start3A_1919, %dma_start3A_1920, %dma_start3A_1921] : memref<4x64x128xf32, #tpu.memory_space<vmem>> -> memref<1x64x128xf32, #tpu.memory_space<vmem>>
      %dma_start3A_1923 = tpu.memref_squeeze %dma_start3A_1922 : memref<1x64x128xf32, #tpu.memory_space<vmem>> -> memref<64x128xf32, #tpu.memory_space<vmem>>
      %dma_start3A_1924 = arith.constant 0 : i32
      %dma_start3A_1925 = tpu.memref_slice %arg3[%dma_start3A_1924, %multiple_of3A_1905] : memref<64x1000000xf32, #tpu.memory_space<hbm>> -> memref<64x128xf32, #tpu.memory_space<hbm>>
      %dma_start3A_1926 = arith.constant 0 : i32
      %dma_start3A_1927 = arith.constant 0 : i32
      %dma_start3A_1928 = tpu.memref_slice %arg10[%dma_start3A_1919, %dma_start3A_1926, %dma_start3A_1927] : memref<4x64x128xf32, #tpu.memory_space<vmem>> -> memref<1x64x128xf32, #tpu.memory_space<vmem>>
      %dma_start3A_1929 = tpu.memref_squeeze %dma_start3A_1928 : memref<1x64x128xf32, #tpu.memory_space<vmem>> -> memref<64x128xf32, #tpu.memory_space<vmem>>
      %dma_start3A_1930 = arith.constant 0 : i32
      %dma_start3A_1931 = tpu.memref_slice %arg3[%dma_start3A_1930, %multiple_of3A_1905] : memref<64x1000000xf32, #tpu.memory_space<hbm>> -> memref<64x128xf32, #tpu.memory_space<hbm>>
      tpu.enqueue_dma source(%dma_start3A_1931 : memref<64x128xf32, #tpu.memory_space<hbm>>) target(%dma_start3A_1929 : memref<64x128xf32, #tpu.memory_space<vmem>>) target_semaphore(%arg15 : memref<!tpu.dma_semaphore, #tpu.memory_space<semaphore_mem>>)
      %dma_wait3A_1932 = arith.constant 0 : i32
      %dma_wait3A_1933 = arith.constant 0 : i32
      %dma_wait3A_1934 = arith.constant 0 : i32
      %dma_wait3A_1935 = tpu.memref_slice %arg9[%dma_wait3A_1932, %dma_wait3A_1933, %dma_wait3A_1934] : memref<4x64x128xf32, #tpu.memory_space<vmem>> -> memref<1x64x128xf32, #tpu.memory_space<vmem>>
      %dma_wait3A_1936 = tpu.memref_squeeze %dma_wait3A_1935 : memref<1x64x128xf32, #tpu.memory_space<vmem>> -> memref<64x128xf32, #tpu.memory_space<vmem>>
      %dma_wait3A_1937 = arith.constant 0 : i32
      %dma_wait3A_1938 = arith.constant 0 : i32
      %dma_wait3A_1939 = tpu.memref_slice %arg2[%dma_wait3A_1937, %dma_wait3A_1938] : memref<64x1000000xf32, #tpu.memory_space<hbm>> -> memref<64x128xf32, #tpu.memory_space<hbm>>
      %dma_wait3A_1940 = arith.constant 0 : i32
      %dma_wait3A_1941 = arith.constant 0 : i32
      %dma_wait3A_1942 = tpu.memref_slice %arg9[%dma_wait3A_1932, %dma_wait3A_1940, %dma_wait3A_1941] : memref<4x64x128xf32, #tpu.memory_space<vmem>> -> memref<1x64x128xf32, #tpu.memory_space<vmem>>
      %dma_wait3A_1943 = tpu.memref_squeeze %dma_wait3A_1942 : memref<1x64x128xf32, #tpu.memory_space<vmem>> -> memref<64x128xf32, #tpu.memory_space<vmem>>
      %dma_wait3A_1944 = arith.constant 0 : i32
      %dma_wait3A_1945 = arith.constant 0 : i32
      %dma_wait3A_1946 = tpu.memref_slice %arg2[%dma_wait3A_1944, %dma_wait3A_1945] : memref<64x1000000xf32, #tpu.memory_space<hbm>> -> memref<64x128xf32, #tpu.memory_space<hbm>>
      tpu.wait_dma2 semaphore(%arg15 : memref<!tpu.dma_semaphore, #tpu.memory_space<semaphore_mem>>) src(%dma_wait3A_1946 : memref<64x128xf32, #tpu.memory_space<hbm>>) dst(%dma_wait3A_1943 : memref<64x128xf32, #tpu.memory_space<vmem>>)
      %dma_wait3A_1947 = arith.constant 0 : i32
      %dma_wait3A_1948 = arith.constant 0 : i32
      %dma_wait3A_1949 = arith.constant 0 : i32
      %dma_wait3A_1950 = tpu.memref_slice %arg10[%dma_wait3A_1947, %dma_wait3A_1948, %dma_wait3A_1949] : memref<4x64x128xf32, #tpu.memory_space<vmem>> -> memref<1x64x128xf32, #tpu.memory_space<vmem>>
      %dma_wait3A_1951 = tpu.memref_squeeze %dma_wait3A_1950 : memref<1x64x128xf32, #tpu.memory_space<vmem>> -> memref<64x128xf32, #tpu.memory_space<vmem>>
      %dma_wait3A_1952 = arith.constant 0 : i32
      %dma_wait3A_1953 = arith.constant 0 : i32
      %dma_wait3A_1954 = tpu.memref_slice %arg3[%dma_wait3A_1952, %dma_wait3A_1953] : memref<64x1000000xf32, #tpu.memory_space<hbm>> -> memref<64x128xf32, #tpu.memory_space<hbm>>
      %dma_wait3A_1955 = arith.constant 0 : i32
      %dma_wait3A_1956 = arith.constant 0 : i32
      %dma_wait3A_1957 = tpu.memref_slice %arg10[%dma_wait3A_1947, %dma_wait3A_1955, %dma_wait3A_1956] : memref<4x64x128xf32, #tpu.memory_space<vmem>> -> memref<1x64x128xf32, #tpu.memory_space<vmem>>
      %dma_wait3A_1958 = tpu.memref_squeeze %dma_wait3A_1957 : memref<1x64x128xf32, #tpu.memory_space<vmem>> -> memref<64x128xf32, #tpu.memory_space<vmem>>
      %dma_wait3A_1959 = arith.constant 0 : i32
      %dma_wait3A_1960 = arith.constant 0 : i32
      %dma_wait3A_1961 = tpu.memref_slice %arg3[%dma_wait3A_1959, %dma_wait3A_1960] : memref<64x1000000xf32, #tpu.memory_space<hbm>> -> memref<64x128xf32, #tpu.memory_space<hbm>>
      tpu.wait_dma2 semaphore(%arg15 : memref<!tpu.dma_semaphore, #tpu.memory_space<semaphore_mem>>) src(%dma_wait3A_1961 : memref<64x128xf32, #tpu.memory_space<hbm>>) dst(%dma_wait3A_1958 : memref<64x128xf32, #tpu.memory_space<vmem>>)
      %slice3A_1962 = vector.extract_strided_slice %gather3A_304 {offsets = [9], sizes = [1], strides = [1]} : vector<16xi32> to vector<1xi32>
      %squeeze3A_1963 = vector.extract %slice3A_1962[0] : i32 from vector<1xi32>
      %and3A_1964 = arith.constant 127 : i32
      %and3A_1965 = arith.andi %squeeze3A_1963, %and3A_1964 : i32
      %broadcast_in_dim3A_1966 = vector.broadcast %and3A_1965 : i32 to vector<16xi32>
      %slice3A_1967 = vector.extract_strided_slice %gather3A_305 {offsets = [9], sizes = [1], strides = [1]} : vector<16xi32> to vector<1xi32>
      %squeeze3A_1968 = vector.extract %slice3A_1967[0] : i32 from vector<1xi32>
      %and3A_1969 = arith.constant 127 : i32
      %and3A_1970 = arith.andi %squeeze3A_1968, %and3A_1969 : i32
      %broadcast_in_dim3A_1971 = vector.broadcast %and3A_1970 : i32 to vector<16xi32>
      %broadcast_in_dim3A_1972 = arith.constant 0.000000e+00 : f32
      %broadcast_in_dim3A_1973 = vector.broadcast %broadcast_in_dim3A_1972 : f32 to vector<16xf32>
      %broadcast_in_dim3A_1974 = arith.constant 0.000000e+00 : f32
      %broadcast_in_dim3A_1975 = vector.broadcast %broadcast_in_dim3A_1974 : f32 to vector<16xf32>
      %broadcast_in_dim3A_1976 = arith.constant 0.000000e+00 : f32
      %broadcast_in_dim3A_1977 = vector.broadcast %broadcast_in_dim3A_1976 : f32 to vector<16xf32>
      %add3A_1978 = arith.constant 0 : i32
      %add3A_1979 = vector.broadcast %add3A_1978 : i32 to vector<16xi32>
      %add3A_1980 = arith.addi %iota3A, %add3A_1979 : vector<16xi32>
      %gather3A_1981 = arith.constant 1 : i32
      %gather3A_1982 = arith.constant 0 : i32
      %gather3A_1983 = arith.constant 0 : i32
      %gather3A_1984 = tpu.memref_slice %arg9[%gather3A_1981, %gather3A_1982, %gather3A_1983] : memref<4x64x128xf32, #tpu.memory_space<vmem>> -> memref<1x64x128xf32, #tpu.memory_space<vmem>>
      %gather3A_1985 = tpu.memref_squeeze %gather3A_1984 : memref<1x64x128xf32, #tpu.memory_space<vmem>> -> memref<64x128xf32, #tpu.memory_space<vmem>>
      %gather3A_1986 = tpu.vector_load_idx %gather3A_1985[%add3A_1980, %broadcast_in_dim3A_1966] : memref<64x128xf32, #tpu.memory_space<vmem>>[vector<16xi32>, vector<16xi32>], vector<16xf32>,
      %gather3A_1987 = arith.constant 1 : i32
      %gather3A_1988 = arith.constant 0 : i32
      %gather3A_1989 = arith.constant 0 : i32
      %gather3A_1990 = tpu.memref_slice %arg10[%gather3A_1987, %gather3A_1988, %gather3A_1989] : memref<4x64x128xf32, #tpu.memory_space<vmem>> -> memref<1x64x128xf32, #tpu.memory_space<vmem>>
      %gather3A_1991 = tpu.memref_squeeze %gather3A_1990 : memref<1x64x128xf32, #tpu.memory_space<vmem>> -> memref<64x128xf32, #tpu.memory_space<vmem>>
      %gather3A_1992 = tpu.vector_load_idx %gather3A_1991[%add3A_1980, %broadcast_in_dim3A_1971] : memref<64x128xf32, #tpu.memory_space<vmem>>[vector<16xi32>, vector<16xi32>], vector<16xf32>,
      %mul3A_1993 = arith.mulf %gather3A_1986, %gather3A_1992 : vector<16xf32>
      %add3A_1994 = arith.addf %broadcast_in_dim3A_1973, %mul3A_1993 : vector<16xf32>
      %mul3A_1995 = arith.mulf %gather3A_1986, %gather3A_1986 : vector<16xf32>
      %add3A_1996 = arith.addf %broadcast_in_dim3A_1975, %mul3A_1995 : vector<16xf32>
      %mul3A_1997 = arith.mulf %gather3A_1992, %gather3A_1992 : vector<16xf32>
      %add3A_1998 = arith.addf %broadcast_in_dim3A_1977, %mul3A_1997 : vector<16xf32>
      %add3A_1999 = arith.constant 16 : i32
      %add3A_2000 = vector.broadcast %add3A_1999 : i32 to vector<16xi32>
      %add3A_2001 = arith.addi %iota3A, %add3A_2000 : vector<16xi32>
      %gather3A_2002 = arith.constant 1 : i32
      %gather3A_2003 = arith.constant 0 : i32
      %gather3A_2004 = arith.constant 0 : i32
      %gather3A_2005 = tpu.memref_slice %arg9[%gather3A_2002, %gather3A_2003, %gather3A_2004] : memref<4x64x128xf32, #tpu.memory_space<vmem>> -> memref<1x64x128xf32, #tpu.memory_space<vmem>>
      %gather3A_2006 = tpu.memref_squeeze %gather3A_2005 : memref<1x64x128xf32, #tpu.memory_space<vmem>> -> memref<64x128xf32, #tpu.memory_space<vmem>>
      %gather3A_2007 = tpu.vector_load_idx %gather3A_2006[%add3A_2001, %broadcast_in_dim3A_1966] : memref<64x128xf32, #tpu.memory_space<vmem>>[vector<16xi32>, vector<16xi32>], vector<16xf32>,
      %gather3A_2008 = arith.constant 1 : i32
      %gather3A_2009 = arith.constant 0 : i32
      %gather3A_2010 = arith.constant 0 : i32
      %gather3A_2011 = tpu.memref_slice %arg10[%gather3A_2008, %gather3A_2009, %gather3A_2010] : memref<4x64x128xf32, #tpu.memory_space<vmem>> -> memref<1x64x128xf32, #tpu.memory_space<vmem>>
      %gather3A_2012 = tpu.memref_squeeze %gather3A_2011 : memref<1x64x128xf32, #tpu.memory_space<vmem>> -> memref<64x128xf32, #tpu.memory_space<vmem>>
      %gather3A_2013 = tpu.vector_load_idx %gather3A_2012[%add3A_2001, %broadcast_in_dim3A_1971] : memref<64x128xf32, #tpu.memory_space<vmem>>[vector<16xi32>, vector<16xi32>], vector<16xf32>,
      %mul3A_2014 = arith.mulf %gather3A_2007, %gather3A_2013 : vector<16xf32>
      %add3A_2015 = arith.addf %add3A_1994, %mul3A_2014 : vector<16xf32>
      %mul3A_2016 = arith.mulf %gather3A_2007, %gather3A_2007 : vector<16xf32>
      %add3A_2017 = arith.addf %add3A_1996, %mul3A_2016 : vector<16xf32>
      %mul3A_2018 = arith.mulf %gather3A_2013, %gather3A_2013 : vector<16xf32>
      %add3A_2019 = arith.addf %add3A_1998, %mul3A_2018 : vector<16xf32>
      %add3A_2020 = arith.constant 32 : i32
      %add3A_2021 = vector.broadcast %add3A_2020 : i32 to vector<16xi32>
      %add3A_2022 = arith.addi %iota3A, %add3A_2021 : vector<16xi32>
      %gather3A_2023 = arith.constant 1 : i32
      %gather3A_2024 = arith.constant 0 : i32
      %gather3A_2025 = arith.constant 0 : i32
      %gather3A_2026 = tpu.memref_slice %arg9[%gather3A_2023, %gather3A_2024, %gather3A_2025] : memref<4x64x128xf32, #tpu.memory_space<vmem>> -> memref<1x64x128xf32, #tpu.memory_space<vmem>>
      %gather3A_2027 = tpu.memref_squeeze %gather3A_2026 : memref<1x64x128xf32, #tpu.memory_space<vmem>> -> memref<64x128xf32, #tpu.memory_space<vmem>>
      %gather3A_2028 = tpu.vector_load_idx %gather3A_2027[%add3A_2022, %broadcast_in_dim3A_1966] : memref<64x128xf32, #tpu.memory_space<vmem>>[vector<16xi32>, vector<16xi32>], vector<16xf32>,
      %gather3A_2029 = arith.constant 1 : i32
      %gather3A_2030 = arith.constant 0 : i32
      %gather3A_2031 = arith.constant 0 : i32
      %gather3A_2032 = tpu.memref_slice %arg10[%gather3A_2029, %gather3A_2030, %gather3A_2031] : memref<4x64x128xf32, #tpu.memory_space<vmem>> -> memref<1x64x128xf32, #tpu.memory_space<vmem>>
      %gather3A_2033 = tpu.memref_squeeze %gather3A_2032 : memref<1x64x128xf32, #tpu.memory_space<vmem>> -> memref<64x128xf32, #tpu.memory_space<vmem>>
      %gather3A_2034 = tpu.vector_load_idx %gather3A_2033[%add3A_2022, %broadcast_in_dim3A_1971] : memref<64x128xf32, #tpu.memory_space<vmem>>[vector<16xi32>, vector<16xi32>], vector<16xf32>,
      %mul3A_2035 = arith.mulf %gather3A_2028, %gather3A_2034 : vector<16xf32>
      %add3A_2036 = arith.addf %add3A_2015, %mul3A_2035 : vector<16xf32>
      %mul3A_2037 = arith.mulf %gather3A_2028, %gather3A_2028 : vector<16xf32>
      %add3A_2038 = arith.addf %add3A_2017, %mul3A_2037 : vector<16xf32>
      %mul3A_2039 = arith.mulf %gather3A_2034, %gather3A_2034 : vector<16xf32>
      %add3A_2040 = arith.addf %add3A_2019, %mul3A_2039 : vector<16xf32>
      %add3A_2041 = arith.constant 48 : i32
      %add3A_2042 = vector.broadcast %add3A_2041 : i32 to vector<16xi32>
      %add3A_2043 = arith.addi %iota3A, %add3A_2042 : vector<16xi32>
      %gather3A_2044 = arith.constant 1 : i32
      %gather3A_2045 = arith.constant 0 : i32
      %gather3A_2046 = arith.constant 0 : i32
      %gather3A_2047 = tpu.memref_slice %arg9[%gather3A_2044, %gather3A_2045, %gather3A_2046] : memref<4x64x128xf32, #tpu.memory_space<vmem>> -> memref<1x64x128xf32, #tpu.memory_space<vmem>>
      %gather3A_2048 = tpu.memref_squeeze %gather3A_2047 : memref<1x64x128xf32, #tpu.memory_space<vmem>> -> memref<64x128xf32, #tpu.memory_space<vmem>>
      %gather3A_2049 = tpu.vector_load_idx %gather3A_2048[%add3A_2043, %broadcast_in_dim3A_1966] : memref<64x128xf32, #tpu.memory_space<vmem>>[vector<16xi32>, vector<16xi32>], vector<16xf32>,
      %gather3A_2050 = arith.constant 1 : i32
      %gather3A_2051 = arith.constant 0 : i32
      %gather3A_2052 = arith.constant 0 : i32
      %gather3A_2053 = tpu.memref_slice %arg10[%gather3A_2050, %gather3A_2051, %gather3A_2052] : memref<4x64x128xf32, #tpu.memory_space<vmem>> -> memref<1x64x128xf32, #tpu.memory_space<vmem>>
      %gather3A_2054 = tpu.memref_squeeze %gather3A_2053 : memref<1x64x128xf32, #tpu.memory_space<vmem>> -> memref<64x128xf32, #tpu.memory_space<vmem>>
      %gather3A_2055 = tpu.vector_load_idx %gather3A_2054[%add3A_2043, %broadcast_in_dim3A_1971] : memref<64x128xf32, #tpu.memory_space<vmem>>[vector<16xi32>, vector<16xi32>], vector<16xf32>,
      %mul3A_2056 = arith.mulf %gather3A_2049, %gather3A_2055 : vector<16xf32>
      %add3A_2057 = arith.addf %add3A_2036, %mul3A_2056 : vector<16xf32>
      %mul3A_2058 = arith.mulf %gather3A_2049, %gather3A_2049 : vector<16xf32>
      %add3A_2059 = arith.addf %add3A_2038, %mul3A_2058 : vector<16xf32>
      %mul3A_2060 = arith.mulf %gather3A_2055, %gather3A_2055 : vector<16xf32>
      %add3A_2061 = arith.addf %add3A_2040, %mul3A_2060 : vector<16xf32>
      %add3A_2062 = arith.constant 153 : i32
      %add3A_2063 = vector.broadcast %add3A_2062 : i32 to vector<16xi32>
      %add3A_2064 = arith.addi %iota3A, %add3A_2063 : vector<16xi32>
      tpu.vector_store_idx %arg12[%add3A_2064], %add3A_2057 : memref<272xf32, #tpu.memory_space<vmem>>[vector<16xi32>], vector<16xf32>,
      %add3A_2065 = arith.constant 153 : i32
      %add3A_2066 = vector.broadcast %add3A_2065 : i32 to vector<16xi32>
      %add3A_2067 = arith.addi %iota3A, %add3A_2066 : vector<16xi32>
      tpu.vector_store_idx %arg13[%add3A_2067], %add3A_2059 : memref<272xf32, #tpu.memory_space<vmem>>[vector<16xi32>], vector<16xf32>,
      %add3A_2068 = arith.constant 153 : i32
      %add3A_2069 = vector.broadcast %add3A_2068 : i32 to vector<16xi32>
      %add3A_2070 = arith.addi %iota3A, %add3A_2069 : vector<16xi32>
      tpu.vector_store_idx %arg14[%add3A_2070], %add3A_2061 : memref<272xf32, #tpu.memory_space<vmem>>[vector<16xi32>], vector<16xf32>,
      %slice3A_2071 = vector.extract_strided_slice %gather3A_304 {offsets = [13], sizes = [1], strides = [1]} : vector<16xi32> to vector<1xi32>
      %squeeze3A_2072 = vector.extract %slice3A_2071[0] : i32 from vector<1xi32>
      %slice3A_2073 = vector.extract_strided_slice %gather3A_305 {offsets = [13], sizes = [1], strides = [1]} : vector<16xi32> to vector<1xi32>
      %squeeze3A_2074 = vector.extract %slice3A_2073[0] : i32 from vector<1xi32>
      %shift_right_arithmetic3A_2075 = arith.constant 7 : i32
      %shift_right_arithmetic3A_2076 = arith.shrsi %squeeze3A_2072, %shift_right_arithmetic3A_2075 : i32
      %mul3A_2077 = arith.constant 128 : i32
      %mul3A_2078 = arith.muli %shift_right_arithmetic3A_2076, %mul3A_2077 : i32
      %multiple_of3A_2079 = tpu.assume_multiple %mul3A_2078, 128 : i32
      %shift_right_arithmetic3A_2080 = arith.constant 7 : i32
      %shift_right_arithmetic3A_2081 = arith.shrsi %squeeze3A_2074, %shift_right_arithmetic3A_2080 : i32
      %mul3A_2082 = arith.constant 128 : i32
      %mul3A_2083 = arith.muli %shift_right_arithmetic3A_2081, %mul3A_2082 : i32
      %multiple_of3A_2084 = tpu.assume_multiple %mul3A_2083, 128 : i32
      %dma_start3A_2085 = arith.constant 1 : i32
      %dma_start3A_2086 = arith.constant 0 : i32
      %dma_start3A_2087 = arith.constant 0 : i32
      %dma_start3A_2088 = tpu.memref_slice %arg9[%dma_start3A_2085, %dma_start3A_2086, %dma_start3A_2087] : memref<4x64x128xf32, #tpu.memory_space<vmem>> -> memref<1x64x128xf32, #tpu.memory_space<vmem>>
      %dma_start3A_2089 = tpu.memref_squeeze %dma_start3A_2088 : memref<1x64x128xf32, #tpu.memory_space<vmem>> -> memref<64x128xf32, #tpu.memory_space<vmem>>
      %dma_start3A_2090 = arith.constant 0 : i32
      %dma_start3A_2091 = tpu.memref_slice %arg2[%dma_start3A_2090, %multiple_of3A_2079] : memref<64x1000000xf32, #tpu.memory_space<hbm>> -> memref<64x128xf32, #tpu.memory_space<hbm>>
      %dma_start3A_2092 = arith.constant 0 : i32
      %dma_start3A_2093 = arith.constant 0 : i32
      %dma_start3A_2094 = tpu.memref_slice %arg9[%dma_start3A_2085, %dma_start3A_2092, %dma_start3A_2093] : memref<4x64x128xf32, #tpu.memory_space<vmem>> -> memref<1x64x128xf32, #tpu.memory_space<vmem>>
      %dma_start3A_2095 = tpu.memref_squeeze %dma_start3A_2094 : memref<1x64x128xf32, #tpu.memory_space<vmem>> -> memref<64x128xf32, #tpu.memory_space<vmem>>
      %dma_start3A_2096 = arith.constant 0 : i32
      %dma_start3A_2097 = tpu.memref_slice %arg2[%dma_start3A_2096, %multiple_of3A_2079] : memref<64x1000000xf32, #tpu.memory_space<hbm>> -> memref<64x128xf32, #tpu.memory_space<hbm>>
      tpu.enqueue_dma source(%dma_start3A_2097 : memref<64x128xf32, #tpu.memory_space<hbm>>) target(%dma_start3A_2095 : memref<64x128xf32, #tpu.memory_space<vmem>>) target_semaphore(%arg15 : memref<!tpu.dma_semaphore, #tpu.memory_space<semaphore_mem>>)
      %dma_start3A_2098 = arith.constant 1 : i32
      %dma_start3A_2099 = arith.constant 0 : i32
      %dma_start3A_2100 = arith.constant 0 : i32
      %dma_start3A_2101 = tpu.memref_slice %arg10[%dma_start3A_2098, %dma_start3A_2099, %dma_start3A_2100] : memref<4x64x128xf32, #tpu.memory_space<vmem>> -> memref<1x64x128xf32, #tpu.memory_space<vmem>>
      %dma_start3A_2102 = tpu.memref_squeeze %dma_start3A_2101 : memref<1x64x128xf32, #tpu.memory_space<vmem>> -> memref<64x128xf32, #tpu.memory_space<vmem>>
      %dma_start3A_2103 = arith.constant 0 : i32
      %dma_start3A_2104 = tpu.memref_slice %arg3[%dma_start3A_2103, %multiple_of3A_2084] : memref<64x1000000xf32, #tpu.memory_space<hbm>> -> memref<64x128xf32, #tpu.memory_space<hbm>>
      %dma_start3A_2105 = arith.constant 0 : i32
      %dma_start3A_2106 = arith.constant 0 : i32
      %dma_start3A_2107 = tpu.memref_slice %arg10[%dma_start3A_2098, %dma_start3A_2105, %dma_start3A_2106] : memref<4x64x128xf32, #tpu.memory_space<vmem>> -> memref<1x64x128xf32, #tpu.memory_space<vmem>>
      %dma_start3A_2108 = tpu.memref_squeeze %dma_start3A_2107 : memref<1x64x128xf32, #tpu.memory_space<vmem>> -> memref<64x128xf32, #tpu.memory_space<vmem>>
      %dma_start3A_2109 = arith.constant 0 : i32
      %dma_start3A_2110 = tpu.memref_slice %arg3[%dma_start3A_2109, %multiple_of3A_2084] : memref<64x1000000xf32, #tpu.memory_space<hbm>> -> memref<64x128xf32, #tpu.memory_space<hbm>>
      tpu.enqueue_dma source(%dma_start3A_2110 : memref<64x128xf32, #tpu.memory_space<hbm>>) target(%dma_start3A_2108 : memref<64x128xf32, #tpu.memory_space<vmem>>) target_semaphore(%arg15 : memref<!tpu.dma_semaphore, #tpu.memory_space<semaphore_mem>>)
      %dma_wait3A_2111 = arith.constant 0 : i32
      %dma_wait3A_2112 = arith.constant 0 : i32
      %dma_wait3A_2113 = arith.constant 0 : i32
      %dma_wait3A_2114 = tpu.memref_slice %arg9[%dma_wait3A_2111, %dma_wait3A_2112, %dma_wait3A_2113] : memref<4x64x128xf32, #tpu.memory_space<vmem>> -> memref<1x64x128xf32, #tpu.memory_space<vmem>>
      %dma_wait3A_2115 = tpu.memref_squeeze %dma_wait3A_2114 : memref<1x64x128xf32, #tpu.memory_space<vmem>> -> memref<64x128xf32, #tpu.memory_space<vmem>>
      %dma_wait3A_2116 = arith.constant 0 : i32
      %dma_wait3A_2117 = arith.constant 0 : i32
      %dma_wait3A_2118 = tpu.memref_slice %arg2[%dma_wait3A_2116, %dma_wait3A_2117] : memref<64x1000000xf32, #tpu.memory_space<hbm>> -> memref<64x128xf32, #tpu.memory_space<hbm>>
      %dma_wait3A_2119 = arith.constant 0 : i32
      %dma_wait3A_2120 = arith.constant 0 : i32
      %dma_wait3A_2121 = tpu.memref_slice %arg9[%dma_wait3A_2111, %dma_wait3A_2119, %dma_wait3A_2120] : memref<4x64x128xf32, #tpu.memory_space<vmem>> -> memref<1x64x128xf32, #tpu.memory_space<vmem>>
      %dma_wait3A_2122 = tpu.memref_squeeze %dma_wait3A_2121 : memref<1x64x128xf32, #tpu.memory_space<vmem>> -> memref<64x128xf32, #tpu.memory_space<vmem>>
      %dma_wait3A_2123 = arith.constant 0 : i32
      %dma_wait3A_2124 = arith.constant 0 : i32
      %dma_wait3A_2125 = tpu.memref_slice %arg2[%dma_wait3A_2123, %dma_wait3A_2124] : memref<64x1000000xf32, #tpu.memory_space<hbm>> -> memref<64x128xf32, #tpu.memory_space<hbm>>
      tpu.wait_dma2 semaphore(%arg15 : memref<!tpu.dma_semaphore, #tpu.memory_space<semaphore_mem>>) src(%dma_wait3A_2125 : memref<64x128xf32, #tpu.memory_space<hbm>>) dst(%dma_wait3A_2122 : memref<64x128xf32, #tpu.memory_space<vmem>>)
      %dma_wait3A_2126 = arith.constant 0 : i32
      %dma_wait3A_2127 = arith.constant 0 : i32
      %dma_wait3A_2128 = arith.constant 0 : i32
      %dma_wait3A_2129 = tpu.memref_slice %arg10[%dma_wait3A_2126, %dma_wait3A_2127, %dma_wait3A_2128] : memref<4x64x128xf32, #tpu.memory_space<vmem>> -> memref<1x64x128xf32, #tpu.memory_space<vmem>>
      %dma_wait3A_2130 = tpu.memref_squeeze %dma_wait3A_2129 : memref<1x64x128xf32, #tpu.memory_space<vmem>> -> memref<64x128xf32, #tpu.memory_space<vmem>>
      %dma_wait3A_2131 = arith.constant 0 : i32
      %dma_wait3A_2132 = arith.constant 0 : i32
      %dma_wait3A_2133 = tpu.memref_slice %arg3[%dma_wait3A_2131, %dma_wait3A_2132] : memref<64x1000000xf32, #tpu.memory_space<hbm>> -> memref<64x128xf32, #tpu.memory_space<hbm>>
      %dma_wait3A_2134 = arith.constant 0 : i32
      %dma_wait3A_2135 = arith.constant 0 : i32
      %dma_wait3A_2136 = tpu.memref_slice %arg10[%dma_wait3A_2126, %dma_wait3A_2134, %dma_wait3A_2135] : memref<4x64x128xf32, #tpu.memory_space<vmem>> -> memref<1x64x128xf32, #tpu.memory_space<vmem>>
      %dma_wait3A_2137 = tpu.memref_squeeze %dma_wait3A_2136 : memref<1x64x128xf32, #tpu.memory_space<vmem>> -> memref<64x128xf32, #tpu.memory_space<vmem>>
      %dma_wait3A_2138 = arith.constant 0 : i32
      %dma_wait3A_2139 = arith.constant 0 : i32
      %dma_wait3A_2140 = tpu.memref_slice %arg3[%dma_wait3A_2138, %dma_wait3A_2139] : memref<64x1000000xf32, #tpu.memory_space<hbm>> -> memref<64x128xf32, #tpu.memory_space<hbm>>
      tpu.wait_dma2 semaphore(%arg15 : memref<!tpu.dma_semaphore, #tpu.memory_space<semaphore_mem>>) src(%dma_wait3A_2140 : memref<64x128xf32, #tpu.memory_space<hbm>>) dst(%dma_wait3A_2137 : memref<64x128xf32, #tpu.memory_space<vmem>>)
      %slice3A_2141 = vector.extract_strided_slice %gather3A_304 {offsets = [10], sizes = [1], strides = [1]} : vector<16xi32> to vector<1xi32>
      %squeeze3A_2142 = vector.extract %slice3A_2141[0] : i32 from vector<1xi32>
      %and3A_2143 = arith.constant 127 : i32
      %and3A_2144 = arith.andi %squeeze3A_2142, %and3A_2143 : i32
      %broadcast_in_dim3A_2145 = vector.broadcast %and3A_2144 : i32 to vector<16xi32>
      %slice3A_2146 = vector.extract_strided_slice %gather3A_305 {offsets = [10], sizes = [1], strides = [1]} : vector<16xi32> to vector<1xi32>
      %squeeze3A_2147 = vector.extract %slice3A_2146[0] : i32 from vector<1xi32>
      %and3A_2148 = arith.constant 127 : i32
      %and3A_2149 = arith.andi %squeeze3A_2147, %and3A_2148 : i32
      %broadcast_in_dim3A_2150 = vector.broadcast %and3A_2149 : i32 to vector<16xi32>
      %broadcast_in_dim3A_2151 = arith.constant 0.000000e+00 : f32
      %broadcast_in_dim3A_2152 = vector.broadcast %broadcast_in_dim3A_2151 : f32 to vector<16xf32>
      %broadcast_in_dim3A_2153 = arith.constant 0.000000e+00 : f32
      %broadcast_in_dim3A_2154 = vector.broadcast %broadcast_in_dim3A_2153 : f32 to vector<16xf32>
      %broadcast_in_dim3A_2155 = arith.constant 0.000000e+00 : f32
      %broadcast_in_dim3A_2156 = vector.broadcast %broadcast_in_dim3A_2155 : f32 to vector<16xf32>
      %add3A_2157 = arith.constant 0 : i32
      %add3A_2158 = vector.broadcast %add3A_2157 : i32 to vector<16xi32>
      %add3A_2159 = arith.addi %iota3A, %add3A_2158 : vector<16xi32>
      %gather3A_2160 = arith.constant 2 : i32
      %gather3A_2161 = arith.constant 0 : i32
      %gather3A_2162 = arith.constant 0 : i32
      %gather3A_2163 = tpu.memref_slice %arg9[%gather3A_2160, %gather3A_2161, %gather3A_2162] : memref<4x64x128xf32, #tpu.memory_space<vmem>> -> memref<1x64x128xf32, #tpu.memory_space<vmem>>
      %gather3A_2164 = tpu.memref_squeeze %gather3A_2163 : memref<1x64x128xf32, #tpu.memory_space<vmem>> -> memref<64x128xf32, #tpu.memory_space<vmem>>
      %gather3A_2165 = tpu.vector_load_idx %gather3A_2164[%add3A_2159, %broadcast_in_dim3A_2145] : memref<64x128xf32, #tpu.memory_space<vmem>>[vector<16xi32>, vector<16xi32>], vector<16xf32>,
      %gather3A_2166 = arith.constant 2 : i32
      %gather3A_2167 = arith.constant 0 : i32
      %gather3A_2168 = arith.constant 0 : i32
      %gather3A_2169 = tpu.memref_slice %arg10[%gather3A_2166, %gather3A_2167, %gather3A_2168] : memref<4x64x128xf32, #tpu.memory_space<vmem>> -> memref<1x64x128xf32, #tpu.memory_space<vmem>>
      %gather3A_2170 = tpu.memref_squeeze %gather3A_2169 : memref<1x64x128xf32, #tpu.memory_space<vmem>> -> memref<64x128xf32, #tpu.memory_space<vmem>>
      %gather3A_2171 = tpu.vector_load_idx %gather3A_2170[%add3A_2159, %broadcast_in_dim3A_2150] : memref<64x128xf32, #tpu.memory_space<vmem>>[vector<16xi32>, vector<16xi32>], vector<16xf32>,
      %mul3A_2172 = arith.mulf %gather3A_2165, %gather3A_2171 : vector<16xf32>
      %add3A_2173 = arith.addf %broadcast_in_dim3A_2152, %mul3A_2172 : vector<16xf32>
      %mul3A_2174 = arith.mulf %gather3A_2165, %gather3A_2165 : vector<16xf32>
      %add3A_2175 = arith.addf %broadcast_in_dim3A_2154, %mul3A_2174 : vector<16xf32>
      %mul3A_2176 = arith.mulf %gather3A_2171, %gather3A_2171 : vector<16xf32>
      %add3A_2177 = arith.addf %broadcast_in_dim3A_2156, %mul3A_2176 : vector<16xf32>
      %add3A_2178 = arith.constant 16 : i32
      %add3A_2179 = vector.broadcast %add3A_2178 : i32 to vector<16xi32>
      %add3A_2180 = arith.addi %iota3A, %add3A_2179 : vector<16xi32>
      %gather3A_2181 = arith.constant 2 : i32
      %gather3A_2182 = arith.constant 0 : i32
      %gather3A_2183 = arith.constant 0 : i32
      %gather3A_2184 = tpu.memref_slice %arg9[%gather3A_2181, %gather3A_2182, %gather3A_2183] : memref<4x64x128xf32, #tpu.memory_space<vmem>> -> memref<1x64x128xf32, #tpu.memory_space<vmem>>
      %gather3A_2185 = tpu.memref_squeeze %gather3A_2184 : memref<1x64x128xf32, #tpu.memory_space<vmem>> -> memref<64x128xf32, #tpu.memory_space<vmem>>
      %gather3A_2186 = tpu.vector_load_idx %gather3A_2185[%add3A_2180, %broadcast_in_dim3A_2145] : memref<64x128xf32, #tpu.memory_space<vmem>>[vector<16xi32>, vector<16xi32>], vector<16xf32>,
      %gather3A_2187 = arith.constant 2 : i32
      %gather3A_2188 = arith.constant 0 : i32
      %gather3A_2189 = arith.constant 0 : i32
      %gather3A_2190 = tpu.memref_slice %arg10[%gather3A_2187, %gather3A_2188, %gather3A_2189] : memref<4x64x128xf32, #tpu.memory_space<vmem>> -> memref<1x64x128xf32, #tpu.memory_space<vmem>>
      %gather3A_2191 = tpu.memref_squeeze %gather3A_2190 : memref<1x64x128xf32, #tpu.memory_space<vmem>> -> memref<64x128xf32, #tpu.memory_space<vmem>>
      %gather3A_2192 = tpu.vector_load_idx %gather3A_2191[%add3A_2180, %broadcast_in_dim3A_2150] : memref<64x128xf32, #tpu.memory_space<vmem>>[vector<16xi32>, vector<16xi32>], vector<16xf32>,
      %mul3A_2193 = arith.mulf %gather3A_2186, %gather3A_2192 : vector<16xf32>
      %add3A_2194 = arith.addf %add3A_2173, %mul3A_2193 : vector<16xf32>
      %mul3A_2195 = arith.mulf %gather3A_2186, %gather3A_2186 : vector<16xf32>
      %add3A_2196 = arith.addf %add3A_2175, %mul3A_2195 : vector<16xf32>
      %mul3A_2197 = arith.mulf %gather3A_2192, %gather3A_2192 : vector<16xf32>
      %add3A_2198 = arith.addf %add3A_2177, %mul3A_2197 : vector<16xf32>
      %add3A_2199 = arith.constant 32 : i32
      %add3A_2200 = vector.broadcast %add3A_2199 : i32 to vector<16xi32>
      %add3A_2201 = arith.addi %iota3A, %add3A_2200 : vector<16xi32>
      %gather3A_2202 = arith.constant 2 : i32
      %gather3A_2203 = arith.constant 0 : i32
      %gather3A_2204 = arith.constant 0 : i32
      %gather3A_2205 = tpu.memref_slice %arg9[%gather3A_2202, %gather3A_2203, %gather3A_2204] : memref<4x64x128xf32, #tpu.memory_space<vmem>> -> memref<1x64x128xf32, #tpu.memory_space<vmem>>
      %gather3A_2206 = tpu.memref_squeeze %gather3A_2205 : memref<1x64x128xf32, #tpu.memory_space<vmem>> -> memref<64x128xf32, #tpu.memory_space<vmem>>
      %gather3A_2207 = tpu.vector_load_idx %gather3A_2206[%add3A_2201, %broadcast_in_dim3A_2145] : memref<64x128xf32, #tpu.memory_space<vmem>>[vector<16xi32>, vector<16xi32>], vector<16xf32>,
      %gather3A_2208 = arith.constant 2 : i32
      %gather3A_2209 = arith.constant 0 : i32
      %gather3A_2210 = arith.constant 0 : i32
      %gather3A_2211 = tpu.memref_slice %arg10[%gather3A_2208, %gather3A_2209, %gather3A_2210] : memref<4x64x128xf32, #tpu.memory_space<vmem>> -> memref<1x64x128xf32, #tpu.memory_space<vmem>>
      %gather3A_2212 = tpu.memref_squeeze %gather3A_2211 : memref<1x64x128xf32, #tpu.memory_space<vmem>> -> memref<64x128xf32, #tpu.memory_space<vmem>>
      %gather3A_2213 = tpu.vector_load_idx %gather3A_2212[%add3A_2201, %broadcast_in_dim3A_2150] : memref<64x128xf32, #tpu.memory_space<vmem>>[vector<16xi32>, vector<16xi32>], vector<16xf32>,
      %mul3A_2214 = arith.mulf %gather3A_2207, %gather3A_2213 : vector<16xf32>
      %add3A_2215 = arith.addf %add3A_2194, %mul3A_2214 : vector<16xf32>
      %mul3A_2216 = arith.mulf %gather3A_2207, %gather3A_2207 : vector<16xf32>
      %add3A_2217 = arith.addf %add3A_2196, %mul3A_2216 : vector<16xf32>
      %mul3A_2218 = arith.mulf %gather3A_2213, %gather3A_2213 : vector<16xf32>
      %add3A_2219 = arith.addf %add3A_2198, %mul3A_2218 : vector<16xf32>
      %add3A_2220 = arith.constant 48 : i32
      %add3A_2221 = vector.broadcast %add3A_2220 : i32 to vector<16xi32>
      %add3A_2222 = arith.addi %iota3A, %add3A_2221 : vector<16xi32>
      %gather3A_2223 = arith.constant 2 : i32
      %gather3A_2224 = arith.constant 0 : i32
      %gather3A_2225 = arith.constant 0 : i32
      %gather3A_2226 = tpu.memref_slice %arg9[%gather3A_2223, %gather3A_2224, %gather3A_2225] : memref<4x64x128xf32, #tpu.memory_space<vmem>> -> memref<1x64x128xf32, #tpu.memory_space<vmem>>
      %gather3A_2227 = tpu.memref_squeeze %gather3A_2226 : memref<1x64x128xf32, #tpu.memory_space<vmem>> -> memref<64x128xf32, #tpu.memory_space<vmem>>
      %gather3A_2228 = tpu.vector_load_idx %gather3A_2227[%add3A_2222, %broadcast_in_dim3A_2145] : memref<64x128xf32, #tpu.memory_space<vmem>>[vector<16xi32>, vector<16xi32>], vector<16xf32>,
      %gather3A_2229 = arith.constant 2 : i32
      %gather3A_2230 = arith.constant 0 : i32
      %gather3A_2231 = arith.constant 0 : i32
      %gather3A_2232 = tpu.memref_slice %arg10[%gather3A_2229, %gather3A_2230, %gather3A_2231] : memref<4x64x128xf32, #tpu.memory_space<vmem>> -> memref<1x64x128xf32, #tpu.memory_space<vmem>>
      %gather3A_2233 = tpu.memref_squeeze %gather3A_2232 : memref<1x64x128xf32, #tpu.memory_space<vmem>> -> memref<64x128xf32, #tpu.memory_space<vmem>>
      %gather3A_2234 = tpu.vector_load_idx %gather3A_2233[%add3A_2222, %broadcast_in_dim3A_2150] : memref<64x128xf32, #tpu.memory_space<vmem>>[vector<16xi32>, vector<16xi32>], vector<16xf32>,
      %mul3A_2235 = arith.mulf %gather3A_2228, %gather3A_2234 : vector<16xf32>
      %add3A_2236 = arith.addf %add3A_2215, %mul3A_2235 : vector<16xf32>
      %mul3A_2237 = arith.mulf %gather3A_2228, %gather3A_2228 : vector<16xf32>
      %add3A_2238 = arith.addf %add3A_2217, %mul3A_2237 : vector<16xf32>
      %mul3A_2239 = arith.mulf %gather3A_2234, %gather3A_2234 : vector<16xf32>
      %add3A_2240 = arith.addf %add3A_2219, %mul3A_2239 : vector<16xf32>
      %add3A_2241 = arith.constant 170 : i32
      %add3A_2242 = vector.broadcast %add3A_2241 : i32 to vector<16xi32>
      %add3A_2243 = arith.addi %iota3A, %add3A_2242 : vector<16xi32>
      tpu.vector_store_idx %arg12[%add3A_2243], %add3A_2236 : memref<272xf32, #tpu.memory_space<vmem>>[vector<16xi32>], vector<16xf32>,
      %add3A_2244 = arith.constant 170 : i32
      %add3A_2245 = vector.broadcast %add3A_2244 : i32 to vector<16xi32>
      %add3A_2246 = arith.addi %iota3A, %add3A_2245 : vector<16xi32>
      tpu.vector_store_idx %arg13[%add3A_2246], %add3A_2238 : memref<272xf32, #tpu.memory_space<vmem>>[vector<16xi32>], vector<16xf32>,
      %add3A_2247 = arith.constant 170 : i32
      %add3A_2248 = vector.broadcast %add3A_2247 : i32 to vector<16xi32>
      %add3A_2249 = arith.addi %iota3A, %add3A_2248 : vector<16xi32>
      tpu.vector_store_idx %arg14[%add3A_2249], %add3A_2240 : memref<272xf32, #tpu.memory_space<vmem>>[vector<16xi32>], vector<16xf32>,
      %slice3A_2250 = vector.extract_strided_slice %gather3A_304 {offsets = [14], sizes = [1], strides = [1]} : vector<16xi32> to vector<1xi32>
      %squeeze3A_2251 = vector.extract %slice3A_2250[0] : i32 from vector<1xi32>
      %slice3A_2252 = vector.extract_strided_slice %gather3A_305 {offsets = [14], sizes = [1], strides = [1]} : vector<16xi32> to vector<1xi32>
      %squeeze3A_2253 = vector.extract %slice3A_2252[0] : i32 from vector<1xi32>
      %shift_right_arithmetic3A_2254 = arith.constant 7 : i32
      %shift_right_arithmetic3A_2255 = arith.shrsi %squeeze3A_2251, %shift_right_arithmetic3A_2254 : i32
      %mul3A_2256 = arith.constant 128 : i32
      %mul3A_2257 = arith.muli %shift_right_arithmetic3A_2255, %mul3A_2256 : i32
      %multiple_of3A_2258 = tpu.assume_multiple %mul3A_2257, 128 : i32
      %shift_right_arithmetic3A_2259 = arith.constant 7 : i32
      %shift_right_arithmetic3A_2260 = arith.shrsi %squeeze3A_2253, %shift_right_arithmetic3A_2259 : i32
      %mul3A_2261 = arith.constant 128 : i32
      %mul3A_2262 = arith.muli %shift_right_arithmetic3A_2260, %mul3A_2261 : i32
      %multiple_of3A_2263 = tpu.assume_multiple %mul3A_2262, 128 : i32
      %dma_start3A_2264 = arith.constant 2 : i32
      %dma_start3A_2265 = arith.constant 0 : i32
      %dma_start3A_2266 = arith.constant 0 : i32
      %dma_start3A_2267 = tpu.memref_slice %arg9[%dma_start3A_2264, %dma_start3A_2265, %dma_start3A_2266] : memref<4x64x128xf32, #tpu.memory_space<vmem>> -> memref<1x64x128xf32, #tpu.memory_space<vmem>>
      %dma_start3A_2268 = tpu.memref_squeeze %dma_start3A_2267 : memref<1x64x128xf32, #tpu.memory_space<vmem>> -> memref<64x128xf32, #tpu.memory_space<vmem>>
      %dma_start3A_2269 = arith.constant 0 : i32
      %dma_start3A_2270 = tpu.memref_slice %arg2[%dma_start3A_2269, %multiple_of3A_2258] : memref<64x1000000xf32, #tpu.memory_space<hbm>> -> memref<64x128xf32, #tpu.memory_space<hbm>>
      %dma_start3A_2271 = arith.constant 0 : i32
      %dma_start3A_2272 = arith.constant 0 : i32
      %dma_start3A_2273 = tpu.memref_slice %arg9[%dma_start3A_2264, %dma_start3A_2271, %dma_start3A_2272] : memref<4x64x128xf32, #tpu.memory_space<vmem>> -> memref<1x64x128xf32, #tpu.memory_space<vmem>>
      %dma_start3A_2274 = tpu.memref_squeeze %dma_start3A_2273 : memref<1x64x128xf32, #tpu.memory_space<vmem>> -> memref<64x128xf32, #tpu.memory_space<vmem>>
      %dma_start3A_2275 = arith.constant 0 : i32
      %dma_start3A_2276 = tpu.memref_slice %arg2[%dma_start3A_2275, %multiple_of3A_2258] : memref<64x1000000xf32, #tpu.memory_space<hbm>> -> memref<64x128xf32, #tpu.memory_space<hbm>>
      tpu.enqueue_dma source(%dma_start3A_2276 : memref<64x128xf32, #tpu.memory_space<hbm>>) target(%dma_start3A_2274 : memref<64x128xf32, #tpu.memory_space<vmem>>) target_semaphore(%arg15 : memref<!tpu.dma_semaphore, #tpu.memory_space<semaphore_mem>>)
      %dma_start3A_2277 = arith.constant 2 : i32
      %dma_start3A_2278 = arith.constant 0 : i32
      %dma_start3A_2279 = arith.constant 0 : i32
      %dma_start3A_2280 = tpu.memref_slice %arg10[%dma_start3A_2277, %dma_start3A_2278, %dma_start3A_2279] : memref<4x64x128xf32, #tpu.memory_space<vmem>> -> memref<1x64x128xf32, #tpu.memory_space<vmem>>
      %dma_start3A_2281 = tpu.memref_squeeze %dma_start3A_2280 : memref<1x64x128xf32, #tpu.memory_space<vmem>> -> memref<64x128xf32, #tpu.memory_space<vmem>>
      %dma_start3A_2282 = arith.constant 0 : i32
      %dma_start3A_2283 = tpu.memref_slice %arg3[%dma_start3A_2282, %multiple_of3A_2263] : memref<64x1000000xf32, #tpu.memory_space<hbm>> -> memref<64x128xf32, #tpu.memory_space<hbm>>
      %dma_start3A_2284 = arith.constant 0 : i32
      %dma_start3A_2285 = arith.constant 0 : i32
      %dma_start3A_2286 = tpu.memref_slice %arg10[%dma_start3A_2277, %dma_start3A_2284, %dma_start3A_2285] : memref<4x64x128xf32, #tpu.memory_space<vmem>> -> memref<1x64x128xf32, #tpu.memory_space<vmem>>
      %dma_start3A_2287 = tpu.memref_squeeze %dma_start3A_2286 : memref<1x64x128xf32, #tpu.memory_space<vmem>> -> memref<64x128xf32, #tpu.memory_space<vmem>>
      %dma_start3A_2288 = arith.constant 0 : i32
      %dma_start3A_2289 = tpu.memref_slice %arg3[%dma_start3A_2288, %multiple_of3A_2263] : memref<64x1000000xf32, #tpu.memory_space<hbm>> -> memref<64x128xf32, #tpu.memory_space<hbm>>
      tpu.enqueue_dma source(%dma_start3A_2289 : memref<64x128xf32, #tpu.memory_space<hbm>>) target(%dma_start3A_2287 : memref<64x128xf32, #tpu.memory_space<vmem>>) target_semaphore(%arg15 : memref<!tpu.dma_semaphore, #tpu.memory_space<semaphore_mem>>)
      %dma_wait3A_2290 = arith.constant 0 : i32
      %dma_wait3A_2291 = arith.constant 0 : i32
      %dma_wait3A_2292 = arith.constant 0 : i32
      %dma_wait3A_2293 = tpu.memref_slice %arg9[%dma_wait3A_2290, %dma_wait3A_2291, %dma_wait3A_2292] : memref<4x64x128xf32, #tpu.memory_space<vmem>> -> memref<1x64x128xf32, #tpu.memory_space<vmem>>
      %dma_wait3A_2294 = tpu.memref_squeeze %dma_wait3A_2293 : memref<1x64x128xf32, #tpu.memory_space<vmem>> -> memref<64x128xf32, #tpu.memory_space<vmem>>
      %dma_wait3A_2295 = arith.constant 0 : i32
      %dma_wait3A_2296 = arith.constant 0 : i32
      %dma_wait3A_2297 = tpu.memref_slice %arg2[%dma_wait3A_2295, %dma_wait3A_2296] : memref<64x1000000xf32, #tpu.memory_space<hbm>> -> memref<64x128xf32, #tpu.memory_space<hbm>>
      %dma_wait3A_2298 = arith.constant 0 : i32
      %dma_wait3A_2299 = arith.constant 0 : i32
      %dma_wait3A_2300 = tpu.memref_slice %arg9[%dma_wait3A_2290, %dma_wait3A_2298, %dma_wait3A_2299] : memref<4x64x128xf32, #tpu.memory_space<vmem>> -> memref<1x64x128xf32, #tpu.memory_space<vmem>>
      %dma_wait3A_2301 = tpu.memref_squeeze %dma_wait3A_2300 : memref<1x64x128xf32, #tpu.memory_space<vmem>> -> memref<64x128xf32, #tpu.memory_space<vmem>>
      %dma_wait3A_2302 = arith.constant 0 : i32
      %dma_wait3A_2303 = arith.constant 0 : i32
      %dma_wait3A_2304 = tpu.memref_slice %arg2[%dma_wait3A_2302, %dma_wait3A_2303] : memref<64x1000000xf32, #tpu.memory_space<hbm>> -> memref<64x128xf32, #tpu.memory_space<hbm>>
      tpu.wait_dma2 semaphore(%arg15 : memref<!tpu.dma_semaphore, #tpu.memory_space<semaphore_mem>>) src(%dma_wait3A_2304 : memref<64x128xf32, #tpu.memory_space<hbm>>) dst(%dma_wait3A_2301 : memref<64x128xf32, #tpu.memory_space<vmem>>)
      %dma_wait3A_2305 = arith.constant 0 : i32
      %dma_wait3A_2306 = arith.constant 0 : i32
      %dma_wait3A_2307 = arith.constant 0 : i32
      %dma_wait3A_2308 = tpu.memref_slice %arg10[%dma_wait3A_2305, %dma_wait3A_2306, %dma_wait3A_2307] : memref<4x64x128xf32, #tpu.memory_space<vmem>> -> memref<1x64x128xf32, #tpu.memory_space<vmem>>
      %dma_wait3A_2309 = tpu.memref_squeeze %dma_wait3A_2308 : memref<1x64x128xf32, #tpu.memory_space<vmem>> -> memref<64x128xf32, #tpu.memory_space<vmem>>
      %dma_wait3A_2310 = arith.constant 0 : i32
      %dma_wait3A_2311 = arith.constant 0 : i32
      %dma_wait3A_2312 = tpu.memref_slice %arg3[%dma_wait3A_2310, %dma_wait3A_2311] : memref<64x1000000xf32, #tpu.memory_space<hbm>> -> memref<64x128xf32, #tpu.memory_space<hbm>>
      %dma_wait3A_2313 = arith.constant 0 : i32
      %dma_wait3A_2314 = arith.constant 0 : i32
      %dma_wait3A_2315 = tpu.memref_slice %arg10[%dma_wait3A_2305, %dma_wait3A_2313, %dma_wait3A_2314] : memref<4x64x128xf32, #tpu.memory_space<vmem>> -> memref<1x64x128xf32, #tpu.memory_space<vmem>>
      %dma_wait3A_2316 = tpu.memref_squeeze %dma_wait3A_2315 : memref<1x64x128xf32, #tpu.memory_space<vmem>> -> memref<64x128xf32, #tpu.memory_space<vmem>>
      %dma_wait3A_2317 = arith.constant 0 : i32
      %dma_wait3A_2318 = arith.constant 0 : i32
      %dma_wait3A_2319 = tpu.memref_slice %arg3[%dma_wait3A_2317, %dma_wait3A_2318] : memref<64x1000000xf32, #tpu.memory_space<hbm>> -> memref<64x128xf32, #tpu.memory_space<hbm>>
      tpu.wait_dma2 semaphore(%arg15 : memref<!tpu.dma_semaphore, #tpu.memory_space<semaphore_mem>>) src(%dma_wait3A_2319 : memref<64x128xf32, #tpu.memory_space<hbm>>) dst(%dma_wait3A_2316 : memref<64x128xf32, #tpu.memory_space<vmem>>)
      %slice3A_2320 = vector.extract_strided_slice %gather3A_304 {offsets = [11], sizes = [1], strides = [1]} : vector<16xi32> to vector<1xi32>
      %squeeze3A_2321 = vector.extract %slice3A_2320[0] : i32 from vector<1xi32>
      %and3A_2322 = arith.constant 127 : i32
      %and3A_2323 = arith.andi %squeeze3A_2321, %and3A_2322 : i32
      %broadcast_in_dim3A_2324 = vector.broadcast %and3A_2323 : i32 to vector<16xi32>
      %slice3A_2325 = vector.extract_strided_slice %gather3A_305 {offsets = [11], sizes = [1], strides = [1]} : vector<16xi32> to vector<1xi32>
      %squeeze3A_2326 = vector.extract %slice3A_2325[0] : i32 from vector<1xi32>
      %and3A_2327 = arith.constant 127 : i32
      %and3A_2328 = arith.andi %squeeze3A_2326, %and3A_2327 : i32
      %broadcast_in_dim3A_2329 = vector.broadcast %and3A_2328 : i32 to vector<16xi32>
      %broadcast_in_dim3A_2330 = arith.constant 0.000000e+00 : f32
      %broadcast_in_dim3A_2331 = vector.broadcast %broadcast_in_dim3A_2330 : f32 to vector<16xf32>
      %broadcast_in_dim3A_2332 = arith.constant 0.000000e+00 : f32
      %broadcast_in_dim3A_2333 = vector.broadcast %broadcast_in_dim3A_2332 : f32 to vector<16xf32>
      %broadcast_in_dim3A_2334 = arith.constant 0.000000e+00 : f32
      %broadcast_in_dim3A_2335 = vector.broadcast %broadcast_in_dim3A_2334 : f32 to vector<16xf32>
      %add3A_2336 = arith.constant 0 : i32
      %add3A_2337 = vector.broadcast %add3A_2336 : i32 to vector<16xi32>
      %add3A_2338 = arith.addi %iota3A, %add3A_2337 : vector<16xi32>
      %gather3A_2339 = arith.constant 3 : i32
      %gather3A_2340 = arith.constant 0 : i32
      %gather3A_2341 = arith.constant 0 : i32
      %gather3A_2342 = tpu.memref_slice %arg9[%gather3A_2339, %gather3A_2340, %gather3A_2341] : memref<4x64x128xf32, #tpu.memory_space<vmem>> -> memref<1x64x128xf32, #tpu.memory_space<vmem>>
      %gather3A_2343 = tpu.memref_squeeze %gather3A_2342 : memref<1x64x128xf32, #tpu.memory_space<vmem>> -> memref<64x128xf32, #tpu.memory_space<vmem>>
      %gather3A_2344 = tpu.vector_load_idx %gather3A_2343[%add3A_2338, %broadcast_in_dim3A_2324] : memref<64x128xf32, #tpu.memory_space<vmem>>[vector<16xi32>, vector<16xi32>], vector<16xf32>,
      %gather3A_2345 = arith.constant 3 : i32
      %gather3A_2346 = arith.constant 0 : i32
      %gather3A_2347 = arith.constant 0 : i32
      %gather3A_2348 = tpu.memref_slice %arg10[%gather3A_2345, %gather3A_2346, %gather3A_2347] : memref<4x64x128xf32, #tpu.memory_space<vmem>> -> memref<1x64x128xf32, #tpu.memory_space<vmem>>
      %gather3A_2349 = tpu.memref_squeeze %gather3A_2348 : memref<1x64x128xf32, #tpu.memory_space<vmem>> -> memref<64x128xf32, #tpu.memory_space<vmem>>
      %gather3A_2350 = tpu.vector_load_idx %gather3A_2349[%add3A_2338, %broadcast_in_dim3A_2329] : memref<64x128xf32, #tpu.memory_space<vmem>>[vector<16xi32>, vector<16xi32>], vector<16xf32>,
      %mul3A_2351 = arith.mulf %gather3A_2344, %gather3A_2350 : vector<16xf32>
      %add3A_2352 = arith.addf %broadcast_in_dim3A_2331, %mul3A_2351 : vector<16xf32>
      %mul3A_2353 = arith.mulf %gather3A_2344, %gather3A_2344 : vector<16xf32>
      %add3A_2354 = arith.addf %broadcast_in_dim3A_2333, %mul3A_2353 : vector<16xf32>
      %mul3A_2355 = arith.mulf %gather3A_2350, %gather3A_2350 : vector<16xf32>
      %add3A_2356 = arith.addf %broadcast_in_dim3A_2335, %mul3A_2355 : vector<16xf32>
      %add3A_2357 = arith.constant 16 : i32
      %add3A_2358 = vector.broadcast %add3A_2357 : i32 to vector<16xi32>
      %add3A_2359 = arith.addi %iota3A, %add3A_2358 : vector<16xi32>
      %gather3A_2360 = arith.constant 3 : i32
      %gather3A_2361 = arith.constant 0 : i32
      %gather3A_2362 = arith.constant 0 : i32
      %gather3A_2363 = tpu.memref_slice %arg9[%gather3A_2360, %gather3A_2361, %gather3A_2362] : memref<4x64x128xf32, #tpu.memory_space<vmem>> -> memref<1x64x128xf32, #tpu.memory_space<vmem>>
      %gather3A_2364 = tpu.memref_squeeze %gather3A_2363 : memref<1x64x128xf32, #tpu.memory_space<vmem>> -> memref<64x128xf32, #tpu.memory_space<vmem>>
      %gather3A_2365 = tpu.vector_load_idx %gather3A_2364[%add3A_2359, %broadcast_in_dim3A_2324] : memref<64x128xf32, #tpu.memory_space<vmem>>[vector<16xi32>, vector<16xi32>], vector<16xf32>,
      %gather3A_2366 = arith.constant 3 : i32
      %gather3A_2367 = arith.constant 0 : i32
      %gather3A_2368 = arith.constant 0 : i32
      %gather3A_2369 = tpu.memref_slice %arg10[%gather3A_2366, %gather3A_2367, %gather3A_2368] : memref<4x64x128xf32, #tpu.memory_space<vmem>> -> memref<1x64x128xf32, #tpu.memory_space<vmem>>
      %gather3A_2370 = tpu.memref_squeeze %gather3A_2369 : memref<1x64x128xf32, #tpu.memory_space<vmem>> -> memref<64x128xf32, #tpu.memory_space<vmem>>
      %gather3A_2371 = tpu.vector_load_idx %gather3A_2370[%add3A_2359, %broadcast_in_dim3A_2329] : memref<64x128xf32, #tpu.memory_space<vmem>>[vector<16xi32>, vector<16xi32>], vector<16xf32>,
      %mul3A_2372 = arith.mulf %gather3A_2365, %gather3A_2371 : vector<16xf32>
      %add3A_2373 = arith.addf %add3A_2352, %mul3A_2372 : vector<16xf32>
      %mul3A_2374 = arith.mulf %gather3A_2365, %gather3A_2365 : vector<16xf32>
      %add3A_2375 = arith.addf %add3A_2354, %mul3A_2374 : vector<16xf32>
      %mul3A_2376 = arith.mulf %gather3A_2371, %gather3A_2371 : vector<16xf32>
      %add3A_2377 = arith.addf %add3A_2356, %mul3A_2376 : vector<16xf32>
      %add3A_2378 = arith.constant 32 : i32
      %add3A_2379 = vector.broadcast %add3A_2378 : i32 to vector<16xi32>
      %add3A_2380 = arith.addi %iota3A, %add3A_2379 : vector<16xi32>
      %gather3A_2381 = arith.constant 3 : i32
      %gather3A_2382 = arith.constant 0 : i32
      %gather3A_2383 = arith.constant 0 : i32
      %gather3A_2384 = tpu.memref_slice %arg9[%gather3A_2381, %gather3A_2382, %gather3A_2383] : memref<4x64x128xf32, #tpu.memory_space<vmem>> -> memref<1x64x128xf32, #tpu.memory_space<vmem>>
      %gather3A_2385 = tpu.memref_squeeze %gather3A_2384 : memref<1x64x128xf32, #tpu.memory_space<vmem>> -> memref<64x128xf32, #tpu.memory_space<vmem>>
      %gather3A_2386 = tpu.vector_load_idx %gather3A_2385[%add3A_2380, %broadcast_in_dim3A_2324] : memref<64x128xf32, #tpu.memory_space<vmem>>[vector<16xi32>, vector<16xi32>], vector<16xf32>,
      %gather3A_2387 = arith.constant 3 : i32
      %gather3A_2388 = arith.constant 0 : i32
      %gather3A_2389 = arith.constant 0 : i32
      %gather3A_2390 = tpu.memref_slice %arg10[%gather3A_2387, %gather3A_2388, %gather3A_2389] : memref<4x64x128xf32, #tpu.memory_space<vmem>> -> memref<1x64x128xf32, #tpu.memory_space<vmem>>
      %gather3A_2391 = tpu.memref_squeeze %gather3A_2390 : memref<1x64x128xf32, #tpu.memory_space<vmem>> -> memref<64x128xf32, #tpu.memory_space<vmem>>
      %gather3A_2392 = tpu.vector_load_idx %gather3A_2391[%add3A_2380, %broadcast_in_dim3A_2329] : memref<64x128xf32, #tpu.memory_space<vmem>>[vector<16xi32>, vector<16xi32>], vector<16xf32>,
      %mul3A_2393 = arith.mulf %gather3A_2386, %gather3A_2392 : vector<16xf32>
      %add3A_2394 = arith.addf %add3A_2373, %mul3A_2393 : vector<16xf32>
      %mul3A_2395 = arith.mulf %gather3A_2386, %gather3A_2386 : vector<16xf32>
      %add3A_2396 = arith.addf %add3A_2375, %mul3A_2395 : vector<16xf32>
      %mul3A_2397 = arith.mulf %gather3A_2392, %gather3A_2392 : vector<16xf32>
      %add3A_2398 = arith.addf %add3A_2377, %mul3A_2397 : vector<16xf32>
      %add3A_2399 = arith.constant 48 : i32
      %add3A_2400 = vector.broadcast %add3A_2399 : i32 to vector<16xi32>
      %add3A_2401 = arith.addi %iota3A, %add3A_2400 : vector<16xi32>
      %gather3A_2402 = arith.constant 3 : i32
      %gather3A_2403 = arith.constant 0 : i32
      %gather3A_2404 = arith.constant 0 : i32
      %gather3A_2405 = tpu.memref_slice %arg9[%gather3A_2402, %gather3A_2403, %gather3A_2404] : memref<4x64x128xf32, #tpu.memory_space<vmem>> -> memref<1x64x128xf32, #tpu.memory_space<vmem>>
      %gather3A_2406 = tpu.memref_squeeze %gather3A_2405 : memref<1x64x128xf32, #tpu.memory_space<vmem>> -> memref<64x128xf32, #tpu.memory_space<vmem>>
      %gather3A_2407 = tpu.vector_load_idx %gather3A_2406[%add3A_2401, %broadcast_in_dim3A_2324] : memref<64x128xf32, #tpu.memory_space<vmem>>[vector<16xi32>, vector<16xi32>], vector<16xf32>,
      %gather3A_2408 = arith.constant 3 : i32
      %gather3A_2409 = arith.constant 0 : i32
      %gather3A_2410 = arith.constant 0 : i32
      %gather3A_2411 = tpu.memref_slice %arg10[%gather3A_2408, %gather3A_2409, %gather3A_2410] : memref<4x64x128xf32, #tpu.memory_space<vmem>> -> memref<1x64x128xf32, #tpu.memory_space<vmem>>
      %gather3A_2412 = tpu.memref_squeeze %gather3A_2411 : memref<1x64x128xf32, #tpu.memory_space<vmem>> -> memref<64x128xf32, #tpu.memory_space<vmem>>
      %gather3A_2413 = tpu.vector_load_idx %gather3A_2412[%add3A_2401, %broadcast_in_dim3A_2329] : memref<64x128xf32, #tpu.memory_space<vmem>>[vector<16xi32>, vector<16xi32>], vector<16xf32>,
      %mul3A_2414 = arith.mulf %gather3A_2407, %gather3A_2413 : vector<16xf32>
      %add3A_2415 = arith.addf %add3A_2394, %mul3A_2414 : vector<16xf32>
      %mul3A_2416 = arith.mulf %gather3A_2407, %gather3A_2407 : vector<16xf32>
      %add3A_2417 = arith.addf %add3A_2396, %mul3A_2416 : vector<16xf32>
      %mul3A_2418 = arith.mulf %gather3A_2413, %gather3A_2413 : vector<16xf32>
      %add3A_2419 = arith.addf %add3A_2398, %mul3A_2418 : vector<16xf32>
      %add3A_2420 = arith.constant 187 : i32
      %add3A_2421 = vector.broadcast %add3A_2420 : i32 to vector<16xi32>
      %add3A_2422 = arith.addi %iota3A, %add3A_2421 : vector<16xi32>
      tpu.vector_store_idx %arg12[%add3A_2422], %add3A_2415 : memref<272xf32, #tpu.memory_space<vmem>>[vector<16xi32>], vector<16xf32>,
      %add3A_2423 = arith.constant 187 : i32
      %add3A_2424 = vector.broadcast %add3A_2423 : i32 to vector<16xi32>
      %add3A_2425 = arith.addi %iota3A, %add3A_2424 : vector<16xi32>
      tpu.vector_store_idx %arg13[%add3A_2425], %add3A_2417 : memref<272xf32, #tpu.memory_space<vmem>>[vector<16xi32>], vector<16xf32>,
      %add3A_2426 = arith.constant 187 : i32
      %add3A_2427 = vector.broadcast %add3A_2426 : i32 to vector<16xi32>
      %add3A_2428 = arith.addi %iota3A, %add3A_2427 : vector<16xi32>
      tpu.vector_store_idx %arg14[%add3A_2428], %add3A_2419 : memref<272xf32, #tpu.memory_space<vmem>>[vector<16xi32>], vector<16xf32>,
      %slice3A_2429 = vector.extract_strided_slice %gather3A_304 {offsets = [15], sizes = [1], strides = [1]} : vector<16xi32> to vector<1xi32>
      %squeeze3A_2430 = vector.extract %slice3A_2429[0] : i32 from vector<1xi32>
      %slice3A_2431 = vector.extract_strided_slice %gather3A_305 {offsets = [15], sizes = [1], strides = [1]} : vector<16xi32> to vector<1xi32>
      %squeeze3A_2432 = vector.extract %slice3A_2431[0] : i32 from vector<1xi32>
      %shift_right_arithmetic3A_2433 = arith.constant 7 : i32
      %shift_right_arithmetic3A_2434 = arith.shrsi %squeeze3A_2430, %shift_right_arithmetic3A_2433 : i32
      %mul3A_2435 = arith.constant 128 : i32
      %mul3A_2436 = arith.muli %shift_right_arithmetic3A_2434, %mul3A_2435 : i32
      %multiple_of3A_2437 = tpu.assume_multiple %mul3A_2436, 128 : i32
      %shift_right_arithmetic3A_2438 = arith.constant 7 : i32
      %shift_right_arithmetic3A_2439 = arith.shrsi %squeeze3A_2432, %shift_right_arithmetic3A_2438 : i32
      %mul3A_2440 = arith.constant 128 : i32
      %mul3A_2441 = arith.muli %shift_right_arithmetic3A_2439, %mul3A_2440 : i32
      %multiple_of3A_2442 = tpu.assume_multiple %mul3A_2441, 128 : i32
      %dma_start3A_2443 = arith.constant 3 : i32
      %dma_start3A_2444 = arith.constant 0 : i32
      %dma_start3A_2445 = arith.constant 0 : i32
      %dma_start3A_2446 = tpu.memref_slice %arg9[%dma_start3A_2443, %dma_start3A_2444, %dma_start3A_2445] : memref<4x64x128xf32, #tpu.memory_space<vmem>> -> memref<1x64x128xf32, #tpu.memory_space<vmem>>
      %dma_start3A_2447 = tpu.memref_squeeze %dma_start3A_2446 : memref<1x64x128xf32, #tpu.memory_space<vmem>> -> memref<64x128xf32, #tpu.memory_space<vmem>>
      %dma_start3A_2448 = arith.constant 0 : i32
      %dma_start3A_2449 = tpu.memref_slice %arg2[%dma_start3A_2448, %multiple_of3A_2437] : memref<64x1000000xf32, #tpu.memory_space<hbm>> -> memref<64x128xf32, #tpu.memory_space<hbm>>
      %dma_start3A_2450 = arith.constant 0 : i32
      %dma_start3A_2451 = arith.constant 0 : i32
      %dma_start3A_2452 = tpu.memref_slice %arg9[%dma_start3A_2443, %dma_start3A_2450, %dma_start3A_2451] : memref<4x64x128xf32, #tpu.memory_space<vmem>> -> memref<1x64x128xf32, #tpu.memory_space<vmem>>
      %dma_start3A_2453 = tpu.memref_squeeze %dma_start3A_2452 : memref<1x64x128xf32, #tpu.memory_space<vmem>> -> memref<64x128xf32, #tpu.memory_space<vmem>>
      %dma_start3A_2454 = arith.constant 0 : i32
      %dma_start3A_2455 = tpu.memref_slice %arg2[%dma_start3A_2454, %multiple_of3A_2437] : memref<64x1000000xf32, #tpu.memory_space<hbm>> -> memref<64x128xf32, #tpu.memory_space<hbm>>
      tpu.enqueue_dma source(%dma_start3A_2455 : memref<64x128xf32, #tpu.memory_space<hbm>>) target(%dma_start3A_2453 : memref<64x128xf32, #tpu.memory_space<vmem>>) target_semaphore(%arg15 : memref<!tpu.dma_semaphore, #tpu.memory_space<semaphore_mem>>)
      %dma_start3A_2456 = arith.constant 3 : i32
      %dma_start3A_2457 = arith.constant 0 : i32
      %dma_start3A_2458 = arith.constant 0 : i32
      %dma_start3A_2459 = tpu.memref_slice %arg10[%dma_start3A_2456, %dma_start3A_2457, %dma_start3A_2458] : memref<4x64x128xf32, #tpu.memory_space<vmem>> -> memref<1x64x128xf32, #tpu.memory_space<vmem>>
      %dma_start3A_2460 = tpu.memref_squeeze %dma_start3A_2459 : memref<1x64x128xf32, #tpu.memory_space<vmem>> -> memref<64x128xf32, #tpu.memory_space<vmem>>
      %dma_start3A_2461 = arith.constant 0 : i32
      %dma_start3A_2462 = tpu.memref_slice %arg3[%dma_start3A_2461, %multiple_of3A_2442] : memref<64x1000000xf32, #tpu.memory_space<hbm>> -> memref<64x128xf32, #tpu.memory_space<hbm>>
      %dma_start3A_2463 = arith.constant 0 : i32
      %dma_start3A_2464 = arith.constant 0 : i32
      %dma_start3A_2465 = tpu.memref_slice %arg10[%dma_start3A_2456, %dma_start3A_2463, %dma_start3A_2464] : memref<4x64x128xf32, #tpu.memory_space<vmem>> -> memref<1x64x128xf32, #tpu.memory_space<vmem>>
      %dma_start3A_2466 = tpu.memref_squeeze %dma_start3A_2465 : memref<1x64x128xf32, #tpu.memory_space<vmem>> -> memref<64x128xf32, #tpu.memory_space<vmem>>
      %dma_start3A_2467 = arith.constant 0 : i32
      %dma_start3A_2468 = tpu.memref_slice %arg3[%dma_start3A_2467, %multiple_of3A_2442] : memref<64x1000000xf32, #tpu.memory_space<hbm>> -> memref<64x128xf32, #tpu.memory_space<hbm>>
      tpu.enqueue_dma source(%dma_start3A_2468 : memref<64x128xf32, #tpu.memory_space<hbm>>) target(%dma_start3A_2466 : memref<64x128xf32, #tpu.memory_space<vmem>>) target_semaphore(%arg15 : memref<!tpu.dma_semaphore, #tpu.memory_space<semaphore_mem>>)
      %dma_wait3A_2469 = arith.constant 0 : i32
      %dma_wait3A_2470 = arith.constant 0 : i32
      %dma_wait3A_2471 = arith.constant 0 : i32
      %dma_wait3A_2472 = tpu.memref_slice %arg9[%dma_wait3A_2469, %dma_wait3A_2470, %dma_wait3A_2471] : memref<4x64x128xf32, #tpu.memory_space<vmem>> -> memref<1x64x128xf32, #tpu.memory_space<vmem>>
      %dma_wait3A_2473 = tpu.memref_squeeze %dma_wait3A_2472 : memref<1x64x128xf32, #tpu.memory_space<vmem>> -> memref<64x128xf32, #tpu.memory_space<vmem>>
      %dma_wait3A_2474 = arith.constant 0 : i32
      %dma_wait3A_2475 = arith.constant 0 : i32
      %dma_wait3A_2476 = tpu.memref_slice %arg2[%dma_wait3A_2474, %dma_wait3A_2475] : memref<64x1000000xf32, #tpu.memory_space<hbm>> -> memref<64x128xf32, #tpu.memory_space<hbm>>
      %dma_wait3A_2477 = arith.constant 0 : i32
      %dma_wait3A_2478 = arith.constant 0 : i32
      %dma_wait3A_2479 = tpu.memref_slice %arg9[%dma_wait3A_2469, %dma_wait3A_2477, %dma_wait3A_2478] : memref<4x64x128xf32, #tpu.memory_space<vmem>> -> memref<1x64x128xf32, #tpu.memory_space<vmem>>
      %dma_wait3A_2480 = tpu.memref_squeeze %dma_wait3A_2479 : memref<1x64x128xf32, #tpu.memory_space<vmem>> -> memref<64x128xf32, #tpu.memory_space<vmem>>
      %dma_wait3A_2481 = arith.constant 0 : i32
      %dma_wait3A_2482 = arith.constant 0 : i32
      %dma_wait3A_2483 = tpu.memref_slice %arg2[%dma_wait3A_2481, %dma_wait3A_2482] : memref<64x1000000xf32, #tpu.memory_space<hbm>> -> memref<64x128xf32, #tpu.memory_space<hbm>>
      tpu.wait_dma2 semaphore(%arg15 : memref<!tpu.dma_semaphore, #tpu.memory_space<semaphore_mem>>) src(%dma_wait3A_2483 : memref<64x128xf32, #tpu.memory_space<hbm>>) dst(%dma_wait3A_2480 : memref<64x128xf32, #tpu.memory_space<vmem>>)
      %dma_wait3A_2484 = arith.constant 0 : i32
      %dma_wait3A_2485 = arith.constant 0 : i32
      %dma_wait3A_2486 = arith.constant 0 : i32
      %dma_wait3A_2487 = tpu.memref_slice %arg10[%dma_wait3A_2484, %dma_wait3A_2485, %dma_wait3A_2486] : memref<4x64x128xf32, #tpu.memory_space<vmem>> -> memref<1x64x128xf32, #tpu.memory_space<vmem>>
      %dma_wait3A_2488 = tpu.memref_squeeze %dma_wait3A_2487 : memref<1x64x128xf32, #tpu.memory_space<vmem>> -> memref<64x128xf32, #tpu.memory_space<vmem>>
      %dma_wait3A_2489 = arith.constant 0 : i32
      %dma_wait3A_2490 = arith.constant 0 : i32
      %dma_wait3A_2491 = tpu.memref_slice %arg3[%dma_wait3A_2489, %dma_wait3A_2490] : memref<64x1000000xf32, #tpu.memory_space<hbm>> -> memref<64x128xf32, #tpu.memory_space<hbm>>
      %dma_wait3A_2492 = arith.constant 0 : i32
      %dma_wait3A_2493 = arith.constant 0 : i32
      %dma_wait3A_2494 = tpu.memref_slice %arg10[%dma_wait3A_2484, %dma_wait3A_2492, %dma_wait3A_2493] : memref<4x64x128xf32, #tpu.memory_space<vmem>> -> memref<1x64x128xf32, #tpu.memory_space<vmem>>
      %dma_wait3A_2495 = tpu.memref_squeeze %dma_wait3A_2494 : memref<1x64x128xf32, #tpu.memory_space<vmem>> -> memref<64x128xf32, #tpu.memory_space<vmem>>
      %dma_wait3A_2496 = arith.constant 0 : i32
      %dma_wait3A_2497 = arith.constant 0 : i32
      %dma_wait3A_2498 = tpu.memref_slice %arg3[%dma_wait3A_2496, %dma_wait3A_2497] : memref<64x1000000xf32, #tpu.memory_space<hbm>> -> memref<64x128xf32, #tpu.memory_space<hbm>>
      tpu.wait_dma2 semaphore(%arg15 : memref<!tpu.dma_semaphore, #tpu.memory_space<semaphore_mem>>) src(%dma_wait3A_2498 : memref<64x128xf32, #tpu.memory_space<hbm>>) dst(%dma_wait3A_2495 : memref<64x128xf32, #tpu.memory_space<vmem>>)
      %slice3A_2499 = vector.extract_strided_slice %gather3A_304 {offsets = [12], sizes = [1], strides = [1]} : vector<16xi32> to vector<1xi32>
      %squeeze3A_2500 = vector.extract %slice3A_2499[0] : i32 from vector<1xi32>
      %and3A_2501 = arith.constant 127 : i32
      %and3A_2502 = arith.andi %squeeze3A_2500, %and3A_2501 : i32
      %broadcast_in_dim3A_2503 = vector.broadcast %and3A_2502 : i32 to vector<16xi32>
      %slice3A_2504 = vector.extract_strided_slice %gather3A_305 {offsets = [12], sizes = [1], strides = [1]} : vector<16xi32> to vector<1xi32>
      %squeeze3A_2505 = vector.extract %slice3A_2504[0] : i32 from vector<1xi32>
      %and3A_2506 = arith.constant 127 : i32
      %and3A_2507 = arith.andi %squeeze3A_2505, %and3A_2506 : i32
      %broadcast_in_dim3A_2508 = vector.broadcast %and3A_2507 : i32 to vector<16xi32>
      %broadcast_in_dim3A_2509 = arith.constant 0.000000e+00 : f32
      %broadcast_in_dim3A_2510 = vector.broadcast %broadcast_in_dim3A_2509 : f32 to vector<16xf32>
      %broadcast_in_dim3A_2511 = arith.constant 0.000000e+00 : f32
      %broadcast_in_dim3A_2512 = vector.broadcast %broadcast_in_dim3A_2511 : f32 to vector<16xf32>
      %broadcast_in_dim3A_2513 = arith.constant 0.000000e+00 : f32
      %broadcast_in_dim3A_2514 = vector.broadcast %broadcast_in_dim3A_2513 : f32 to vector<16xf32>
      %add3A_2515 = arith.constant 0 : i32
      %add3A_2516 = vector.broadcast %add3A_2515 : i32 to vector<16xi32>
      %add3A_2517 = arith.addi %iota3A, %add3A_2516 : vector<16xi32>
      %gather3A_2518 = arith.constant 0 : i32
      %gather3A_2519 = arith.constant 0 : i32
      %gather3A_2520 = arith.constant 0 : i32
      %gather3A_2521 = tpu.memref_slice %arg9[%gather3A_2518, %gather3A_2519, %gather3A_2520] : memref<4x64x128xf32, #tpu.memory_space<vmem>> -> memref<1x64x128xf32, #tpu.memory_space<vmem>>
      %gather3A_2522 = tpu.memref_squeeze %gather3A_2521 : memref<1x64x128xf32, #tpu.memory_space<vmem>> -> memref<64x128xf32, #tpu.memory_space<vmem>>
      %gather3A_2523 = tpu.vector_load_idx %gather3A_2522[%add3A_2517, %broadcast_in_dim3A_2503] : memref<64x128xf32, #tpu.memory_space<vmem>>[vector<16xi32>, vector<16xi32>], vector<16xf32>,
      %gather3A_2524 = arith.constant 0 : i32
      %gather3A_2525 = arith.constant 0 : i32
      %gather3A_2526 = arith.constant 0 : i32
      %gather3A_2527 = tpu.memref_slice %arg10[%gather3A_2524, %gather3A_2525, %gather3A_2526] : memref<4x64x128xf32, #tpu.memory_space<vmem>> -> memref<1x64x128xf32, #tpu.memory_space<vmem>>
      %gather3A_2528 = tpu.memref_squeeze %gather3A_2527 : memref<1x64x128xf32, #tpu.memory_space<vmem>> -> memref<64x128xf32, #tpu.memory_space<vmem>>
      %gather3A_2529 = tpu.vector_load_idx %gather3A_2528[%add3A_2517, %broadcast_in_dim3A_2508] : memref<64x128xf32, #tpu.memory_space<vmem>>[vector<16xi32>, vector<16xi32>], vector<16xf32>,
      %mul3A_2530 = arith.mulf %gather3A_2523, %gather3A_2529 : vector<16xf32>
      %add3A_2531 = arith.addf %broadcast_in_dim3A_2510, %mul3A_2530 : vector<16xf32>
      %mul3A_2532 = arith.mulf %gather3A_2523, %gather3A_2523 : vector<16xf32>
      %add3A_2533 = arith.addf %broadcast_in_dim3A_2512, %mul3A_2532 : vector<16xf32>
      %mul3A_2534 = arith.mulf %gather3A_2529, %gather3A_2529 : vector<16xf32>
      %add3A_2535 = arith.addf %broadcast_in_dim3A_2514, %mul3A_2534 : vector<16xf32>
      %add3A_2536 = arith.constant 16 : i32
      %add3A_2537 = vector.broadcast %add3A_2536 : i32 to vector<16xi32>
      %add3A_2538 = arith.addi %iota3A, %add3A_2537 : vector<16xi32>
      %gather3A_2539 = arith.constant 0 : i32
      %gather3A_2540 = arith.constant 0 : i32
      %gather3A_2541 = arith.constant 0 : i32
      %gather3A_2542 = tpu.memref_slice %arg9[%gather3A_2539, %gather3A_2540, %gather3A_2541] : memref<4x64x128xf32, #tpu.memory_space<vmem>> -> memref<1x64x128xf32, #tpu.memory_space<vmem>>
      %gather3A_2543 = tpu.memref_squeeze %gather3A_2542 : memref<1x64x128xf32, #tpu.memory_space<vmem>> -> memref<64x128xf32, #tpu.memory_space<vmem>>
      %gather3A_2544 = tpu.vector_load_idx %gather3A_2543[%add3A_2538, %broadcast_in_dim3A_2503] : memref<64x128xf32, #tpu.memory_space<vmem>>[vector<16xi32>, vector<16xi32>], vector<16xf32>,
      %gather3A_2545 = arith.constant 0 : i32
      %gather3A_2546 = arith.constant 0 : i32
      %gather3A_2547 = arith.constant 0 : i32
      %gather3A_2548 = tpu.memref_slice %arg10[%gather3A_2545, %gather3A_2546, %gather3A_2547] : memref<4x64x128xf32, #tpu.memory_space<vmem>> -> memref<1x64x128xf32, #tpu.memory_space<vmem>>
      %gather3A_2549 = tpu.memref_squeeze %gather3A_2548 : memref<1x64x128xf32, #tpu.memory_space<vmem>> -> memref<64x128xf32, #tpu.memory_space<vmem>>
      %gather3A_2550 = tpu.vector_load_idx %gather3A_2549[%add3A_2538, %broadcast_in_dim3A_2508] : memref<64x128xf32, #tpu.memory_space<vmem>>[vector<16xi32>, vector<16xi32>], vector<16xf32>,
      %mul3A_2551 = arith.mulf %gather3A_2544, %gather3A_2550 : vector<16xf32>
      %add3A_2552 = arith.addf %add3A_2531, %mul3A_2551 : vector<16xf32>
      %mul3A_2553 = arith.mulf %gather3A_2544, %gather3A_2544 : vector<16xf32>
      %add3A_2554 = arith.addf %add3A_2533, %mul3A_2553 : vector<16xf32>
      %mul3A_2555 = arith.mulf %gather3A_2550, %gather3A_2550 : vector<16xf32>
      %add3A_2556 = arith.addf %add3A_2535, %mul3A_2555 : vector<16xf32>
      %add3A_2557 = arith.constant 32 : i32
      %add3A_2558 = vector.broadcast %add3A_2557 : i32 to vector<16xi32>
      %add3A_2559 = arith.addi %iota3A, %add3A_2558 : vector<16xi32>
      %gather3A_2560 = arith.constant 0 : i32
      %gather3A_2561 = arith.constant 0 : i32
      %gather3A_2562 = arith.constant 0 : i32
      %gather3A_2563 = tpu.memref_slice %arg9[%gather3A_2560, %gather3A_2561, %gather3A_2562] : memref<4x64x128xf32, #tpu.memory_space<vmem>> -> memref<1x64x128xf32, #tpu.memory_space<vmem>>
      %gather3A_2564 = tpu.memref_squeeze %gather3A_2563 : memref<1x64x128xf32, #tpu.memory_space<vmem>> -> memref<64x128xf32, #tpu.memory_space<vmem>>
      %gather3A_2565 = tpu.vector_load_idx %gather3A_2564[%add3A_2559, %broadcast_in_dim3A_2503] : memref<64x128xf32, #tpu.memory_space<vmem>>[vector<16xi32>, vector<16xi32>], vector<16xf32>,
      %gather3A_2566 = arith.constant 0 : i32
      %gather3A_2567 = arith.constant 0 : i32
      %gather3A_2568 = arith.constant 0 : i32
      %gather3A_2569 = tpu.memref_slice %arg10[%gather3A_2566, %gather3A_2567, %gather3A_2568] : memref<4x64x128xf32, #tpu.memory_space<vmem>> -> memref<1x64x128xf32, #tpu.memory_space<vmem>>
      %gather3A_2570 = tpu.memref_squeeze %gather3A_2569 : memref<1x64x128xf32, #tpu.memory_space<vmem>> -> memref<64x128xf32, #tpu.memory_space<vmem>>
      %gather3A_2571 = tpu.vector_load_idx %gather3A_2570[%add3A_2559, %broadcast_in_dim3A_2508] : memref<64x128xf32, #tpu.memory_space<vmem>>[vector<16xi32>, vector<16xi32>], vector<16xf32>,
      %mul3A_2572 = arith.mulf %gather3A_2565, %gather3A_2571 : vector<16xf32>
      %add3A_2573 = arith.addf %add3A_2552, %mul3A_2572 : vector<16xf32>
      %mul3A_2574 = arith.mulf %gather3A_2565, %gather3A_2565 : vector<16xf32>
      %add3A_2575 = arith.addf %add3A_2554, %mul3A_2574 : vector<16xf32>
      %mul3A_2576 = arith.mulf %gather3A_2571, %gather3A_2571 : vector<16xf32>
      %add3A_2577 = arith.addf %add3A_2556, %mul3A_2576 : vector<16xf32>
      %add3A_2578 = arith.constant 48 : i32
      %add3A_2579 = vector.broadcast %add3A_2578 : i32 to vector<16xi32>
      %add3A_2580 = arith.addi %iota3A, %add3A_2579 : vector<16xi32>
      %gather3A_2581 = arith.constant 0 : i32
      %gather3A_2582 = arith.constant 0 : i32
      %gather3A_2583 = arith.constant 0 : i32
      %gather3A_2584 = tpu.memref_slice %arg9[%gather3A_2581, %gather3A_2582, %gather3A_2583] : memref<4x64x128xf32, #tpu.memory_space<vmem>> -> memref<1x64x128xf32, #tpu.memory_space<vmem>>
      %gather3A_2585 = tpu.memref_squeeze %gather3A_2584 : memref<1x64x128xf32, #tpu.memory_space<vmem>> -> memref<64x128xf32, #tpu.memory_space<vmem>>
      %gather3A_2586 = tpu.vector_load_idx %gather3A_2585[%add3A_2580, %broadcast_in_dim3A_2503] : memref<64x128xf32, #tpu.memory_space<vmem>>[vector<16xi32>, vector<16xi32>], vector<16xf32>,
      %gather3A_2587 = arith.constant 0 : i32
      %gather3A_2588 = arith.constant 0 : i32
      %gather3A_2589 = arith.constant 0 : i32
      %gather3A_2590 = tpu.memref_slice %arg10[%gather3A_2587, %gather3A_2588, %gather3A_2589] : memref<4x64x128xf32, #tpu.memory_space<vmem>> -> memref<1x64x128xf32, #tpu.memory_space<vmem>>
      %gather3A_2591 = tpu.memref_squeeze %gather3A_2590 : memref<1x64x128xf32, #tpu.memory_space<vmem>> -> memref<64x128xf32, #tpu.memory_space<vmem>>
      %gather3A_2592 = tpu.vector_load_idx %gather3A_2591[%add3A_2580, %broadcast_in_dim3A_2508] : memref<64x128xf32, #tpu.memory_space<vmem>>[vector<16xi32>, vector<16xi32>], vector<16xf32>,
      %mul3A_2593 = arith.mulf %gather3A_2586, %gather3A_2592 : vector<16xf32>
      %add3A_2594 = arith.addf %add3A_2573, %mul3A_2593 : vector<16xf32>
      %mul3A_2595 = arith.mulf %gather3A_2586, %gather3A_2586 : vector<16xf32>
      %add3A_2596 = arith.addf %add3A_2575, %mul3A_2595 : vector<16xf32>
      %mul3A_2597 = arith.mulf %gather3A_2592, %gather3A_2592 : vector<16xf32>
      %add3A_2598 = arith.addf %add3A_2577, %mul3A_2597 : vector<16xf32>
      %add3A_2599 = arith.constant 204 : i32
      %add3A_2600 = vector.broadcast %add3A_2599 : i32 to vector<16xi32>
      %add3A_2601 = arith.addi %iota3A, %add3A_2600 : vector<16xi32>
      tpu.vector_store_idx %arg12[%add3A_2601], %add3A_2594 : memref<272xf32, #tpu.memory_space<vmem>>[vector<16xi32>], vector<16xf32>,
      %add3A_2602 = arith.constant 204 : i32
      %add3A_2603 = vector.broadcast %add3A_2602 : i32 to vector<16xi32>
      %add3A_2604 = arith.addi %iota3A, %add3A_2603 : vector<16xi32>
      tpu.vector_store_idx %arg13[%add3A_2604], %add3A_2596 : memref<272xf32, #tpu.memory_space<vmem>>[vector<16xi32>], vector<16xf32>,
      %add3A_2605 = arith.constant 204 : i32
      %add3A_2606 = vector.broadcast %add3A_2605 : i32 to vector<16xi32>
      %add3A_2607 = arith.addi %iota3A, %add3A_2606 : vector<16xi32>
      tpu.vector_store_idx %arg14[%add3A_2607], %add3A_2598 : memref<272xf32, #tpu.memory_space<vmem>>[vector<16xi32>], vector<16xf32>,
      %slice3A_2608 = vector.extract_strided_slice %gather3A_319 {offsets = [0], sizes = [1], strides = [1]} : vector<16xi32> to vector<1xi32>
      %squeeze3A_2609 = vector.extract %slice3A_2608[0] : i32 from vector<1xi32>
      %slice3A_2610 = vector.extract_strided_slice %gather3A_320 {offsets = [0], sizes = [1], strides = [1]} : vector<16xi32> to vector<1xi32>
      %squeeze3A_2611 = vector.extract %slice3A_2610[0] : i32 from vector<1xi32>
      %shift_right_arithmetic3A_2612 = arith.constant 7 : i32
      %shift_right_arithmetic3A_2613 = arith.shrsi %squeeze3A_2609, %shift_right_arithmetic3A_2612 : i32
      %mul3A_2614 = arith.constant 128 : i32
      %mul3A_2615 = arith.muli %shift_right_arithmetic3A_2613, %mul3A_2614 : i32
      %multiple_of3A_2616 = tpu.assume_multiple %mul3A_2615, 128 : i32
      %shift_right_arithmetic3A_2617 = arith.constant 7 : i32
      %shift_right_arithmetic3A_2618 = arith.shrsi %squeeze3A_2611, %shift_right_arithmetic3A_2617 : i32
      %mul3A_2619 = arith.constant 128 : i32
      %mul3A_2620 = arith.muli %shift_right_arithmetic3A_2618, %mul3A_2619 : i32
      %multiple_of3A_2621 = tpu.assume_multiple %mul3A_2620, 128 : i32
      %dma_start3A_2622 = arith.constant 0 : i32
      %dma_start3A_2623 = arith.constant 0 : i32
      %dma_start3A_2624 = arith.constant 0 : i32
      %dma_start3A_2625 = tpu.memref_slice %arg9[%dma_start3A_2622, %dma_start3A_2623, %dma_start3A_2624] : memref<4x64x128xf32, #tpu.memory_space<vmem>> -> memref<1x64x128xf32, #tpu.memory_space<vmem>>
      %dma_start3A_2626 = tpu.memref_squeeze %dma_start3A_2625 : memref<1x64x128xf32, #tpu.memory_space<vmem>> -> memref<64x128xf32, #tpu.memory_space<vmem>>
      %dma_start3A_2627 = arith.constant 0 : i32
      %dma_start3A_2628 = tpu.memref_slice %arg2[%dma_start3A_2627, %multiple_of3A_2616] : memref<64x1000000xf32, #tpu.memory_space<hbm>> -> memref<64x128xf32, #tpu.memory_space<hbm>>
      %dma_start3A_2629 = arith.constant 0 : i32
      %dma_start3A_2630 = arith.constant 0 : i32
      %dma_start3A_2631 = tpu.memref_slice %arg9[%dma_start3A_2622, %dma_start3A_2629, %dma_start3A_2630] : memref<4x64x128xf32, #tpu.memory_space<vmem>> -> memref<1x64x128xf32, #tpu.memory_space<vmem>>
      %dma_start3A_2632 = tpu.memref_squeeze %dma_start3A_2631 : memref<1x64x128xf32, #tpu.memory_space<vmem>> -> memref<64x128xf32, #tpu.memory_space<vmem>>
      %dma_start3A_2633 = arith.constant 0 : i32
      %dma_start3A_2634 = tpu.memref_slice %arg2[%dma_start3A_2633, %multiple_of3A_2616] : memref<64x1000000xf32, #tpu.memory_space<hbm>> -> memref<64x128xf32, #tpu.memory_space<hbm>>
      tpu.enqueue_dma source(%dma_start3A_2634 : memref<64x128xf32, #tpu.memory_space<hbm>>) target(%dma_start3A_2632 : memref<64x128xf32, #tpu.memory_space<vmem>>) target_semaphore(%arg15 : memref<!tpu.dma_semaphore, #tpu.memory_space<semaphore_mem>>)
      %dma_start3A_2635 = arith.constant 0 : i32
      %dma_start3A_2636 = arith.constant 0 : i32
      %dma_start3A_2637 = arith.constant 0 : i32
      %dma_start3A_2638 = tpu.memref_slice %arg10[%dma_start3A_2635, %dma_start3A_2636, %dma_start3A_2637] : memref<4x64x128xf32, #tpu.memory_space<vmem>> -> memref<1x64x128xf32, #tpu.memory_space<vmem>>
      %dma_start3A_2639 = tpu.memref_squeeze %dma_start3A_2638 : memref<1x64x128xf32, #tpu.memory_space<vmem>> -> memref<64x128xf32, #tpu.memory_space<vmem>>
      %dma_start3A_2640 = arith.constant 0 : i32
      %dma_start3A_2641 = tpu.memref_slice %arg3[%dma_start3A_2640, %multiple_of3A_2621] : memref<64x1000000xf32, #tpu.memory_space<hbm>> -> memref<64x128xf32, #tpu.memory_space<hbm>>
      %dma_start3A_2642 = arith.constant 0 : i32
      %dma_start3A_2643 = arith.constant 0 : i32
      %dma_start3A_2644 = tpu.memref_slice %arg10[%dma_start3A_2635, %dma_start3A_2642, %dma_start3A_2643] : memref<4x64x128xf32, #tpu.memory_space<vmem>> -> memref<1x64x128xf32, #tpu.memory_space<vmem>>
      %dma_start3A_2645 = tpu.memref_squeeze %dma_start3A_2644 : memref<1x64x128xf32, #tpu.memory_space<vmem>> -> memref<64x128xf32, #tpu.memory_space<vmem>>
      %dma_start3A_2646 = arith.constant 0 : i32
      %dma_start3A_2647 = tpu.memref_slice %arg3[%dma_start3A_2646, %multiple_of3A_2621] : memref<64x1000000xf32, #tpu.memory_space<hbm>> -> memref<64x128xf32, #tpu.memory_space<hbm>>
      tpu.enqueue_dma source(%dma_start3A_2647 : memref<64x128xf32, #tpu.memory_space<hbm>>) target(%dma_start3A_2645 : memref<64x128xf32, #tpu.memory_space<vmem>>) target_semaphore(%arg15 : memref<!tpu.dma_semaphore, #tpu.memory_space<semaphore_mem>>)
      %dma_wait3A_2648 = arith.constant 0 : i32
      %dma_wait3A_2649 = arith.constant 0 : i32
      %dma_wait3A_2650 = arith.constant 0 : i32
      %dma_wait3A_2651 = tpu.memref_slice %arg9[%dma_wait3A_2648, %dma_wait3A_2649, %dma_wait3A_2650] : memref<4x64x128xf32, #tpu.memory_space<vmem>> -> memref<1x64x128xf32, #tpu.memory_space<vmem>>
      %dma_wait3A_2652 = tpu.memref_squeeze %dma_wait3A_2651 : memref<1x64x128xf32, #tpu.memory_space<vmem>> -> memref<64x128xf32, #tpu.memory_space<vmem>>
      %dma_wait3A_2653 = arith.constant 0 : i32
      %dma_wait3A_2654 = arith.constant 0 : i32
      %dma_wait3A_2655 = tpu.memref_slice %arg2[%dma_wait3A_2653, %dma_wait3A_2654] : memref<64x1000000xf32, #tpu.memory_space<hbm>> -> memref<64x128xf32, #tpu.memory_space<hbm>>
      %dma_wait3A_2656 = arith.constant 0 : i32
      %dma_wait3A_2657 = arith.constant 0 : i32
      %dma_wait3A_2658 = tpu.memref_slice %arg9[%dma_wait3A_2648, %dma_wait3A_2656, %dma_wait3A_2657] : memref<4x64x128xf32, #tpu.memory_space<vmem>> -> memref<1x64x128xf32, #tpu.memory_space<vmem>>
      %dma_wait3A_2659 = tpu.memref_squeeze %dma_wait3A_2658 : memref<1x64x128xf32, #tpu.memory_space<vmem>> -> memref<64x128xf32, #tpu.memory_space<vmem>>
      %dma_wait3A_2660 = arith.constant 0 : i32
      %dma_wait3A_2661 = arith.constant 0 : i32
      %dma_wait3A_2662 = tpu.memref_slice %arg2[%dma_wait3A_2660, %dma_wait3A_2661] : memref<64x1000000xf32, #tpu.memory_space<hbm>> -> memref<64x128xf32, #tpu.memory_space<hbm>>
      tpu.wait_dma2 semaphore(%arg15 : memref<!tpu.dma_semaphore, #tpu.memory_space<semaphore_mem>>) src(%dma_wait3A_2662 : memref<64x128xf32, #tpu.memory_space<hbm>>) dst(%dma_wait3A_2659 : memref<64x128xf32, #tpu.memory_space<vmem>>)
      %dma_wait3A_2663 = arith.constant 0 : i32
      %dma_wait3A_2664 = arith.constant 0 : i32
      %dma_wait3A_2665 = arith.constant 0 : i32
      %dma_wait3A_2666 = tpu.memref_slice %arg10[%dma_wait3A_2663, %dma_wait3A_2664, %dma_wait3A_2665] : memref<4x64x128xf32, #tpu.memory_space<vmem>> -> memref<1x64x128xf32, #tpu.memory_space<vmem>>
      %dma_wait3A_2667 = tpu.memref_squeeze %dma_wait3A_2666 : memref<1x64x128xf32, #tpu.memory_space<vmem>> -> memref<64x128xf32, #tpu.memory_space<vmem>>
      %dma_wait3A_2668 = arith.constant 0 : i32
      %dma_wait3A_2669 = arith.constant 0 : i32
      %dma_wait3A_2670 = tpu.memref_slice %arg3[%dma_wait3A_2668, %dma_wait3A_2669] : memref<64x1000000xf32, #tpu.memory_space<hbm>> -> memref<64x128xf32, #tpu.memory_space<hbm>>
      %dma_wait3A_2671 = arith.constant 0 : i32
      %dma_wait3A_2672 = arith.constant 0 : i32
      %dma_wait3A_2673 = tpu.memref_slice %arg10[%dma_wait3A_2663, %dma_wait3A_2671, %dma_wait3A_2672] : memref<4x64x128xf32, #tpu.memory_space<vmem>> -> memref<1x64x128xf32, #tpu.memory_space<vmem>>
      %dma_wait3A_2674 = tpu.memref_squeeze %dma_wait3A_2673 : memref<1x64x128xf32, #tpu.memory_space<vmem>> -> memref<64x128xf32, #tpu.memory_space<vmem>>
      %dma_wait3A_2675 = arith.constant 0 : i32
      %dma_wait3A_2676 = arith.constant 0 : i32
      %dma_wait3A_2677 = tpu.memref_slice %arg3[%dma_wait3A_2675, %dma_wait3A_2676] : memref<64x1000000xf32, #tpu.memory_space<hbm>> -> memref<64x128xf32, #tpu.memory_space<hbm>>
      tpu.wait_dma2 semaphore(%arg15 : memref<!tpu.dma_semaphore, #tpu.memory_space<semaphore_mem>>) src(%dma_wait3A_2677 : memref<64x128xf32, #tpu.memory_space<hbm>>) dst(%dma_wait3A_2674 : memref<64x128xf32, #tpu.memory_space<vmem>>)
      %slice3A_2678 = vector.extract_strided_slice %gather3A_304 {offsets = [13], sizes = [1], strides = [1]} : vector<16xi32> to vector<1xi32>
      %squeeze3A_2679 = vector.extract %slice3A_2678[0] : i32 from vector<1xi32>
      %and3A_2680 = arith.constant 127 : i32
      %and3A_2681 = arith.andi %squeeze3A_2679, %and3A_2680 : i32
      %broadcast_in_dim3A_2682 = vector.broadcast %and3A_2681 : i32 to vector<16xi32>
      %slice3A_2683 = vector.extract_strided_slice %gather3A_305 {offsets = [13], sizes = [1], strides = [1]} : vector<16xi32> to vector<1xi32>
      %squeeze3A_2684 = vector.extract %slice3A_2683[0] : i32 from vector<1xi32>
      %and3A_2685 = arith.constant 127 : i32
      %and3A_2686 = arith.andi %squeeze3A_2684, %and3A_2685 : i32
      %broadcast_in_dim3A_2687 = vector.broadcast %and3A_2686 : i32 to vector<16xi32>
      %broadcast_in_dim3A_2688 = arith.constant 0.000000e+00 : f32
      %broadcast_in_dim3A_2689 = vector.broadcast %broadcast_in_dim3A_2688 : f32 to vector<16xf32>
      %broadcast_in_dim3A_2690 = arith.constant 0.000000e+00 : f32
      %broadcast_in_dim3A_2691 = vector.broadcast %broadcast_in_dim3A_2690 : f32 to vector<16xf32>
      %broadcast_in_dim3A_2692 = arith.constant 0.000000e+00 : f32
      %broadcast_in_dim3A_2693 = vector.broadcast %broadcast_in_dim3A_2692 : f32 to vector<16xf32>
      %add3A_2694 = arith.constant 0 : i32
      %add3A_2695 = vector.broadcast %add3A_2694 : i32 to vector<16xi32>
      %add3A_2696 = arith.addi %iota3A, %add3A_2695 : vector<16xi32>
      %gather3A_2697 = arith.constant 1 : i32
      %gather3A_2698 = arith.constant 0 : i32
      %gather3A_2699 = arith.constant 0 : i32
      %gather3A_2700 = tpu.memref_slice %arg9[%gather3A_2697, %gather3A_2698, %gather3A_2699] : memref<4x64x128xf32, #tpu.memory_space<vmem>> -> memref<1x64x128xf32, #tpu.memory_space<vmem>>
      %gather3A_2701 = tpu.memref_squeeze %gather3A_2700 : memref<1x64x128xf32, #tpu.memory_space<vmem>> -> memref<64x128xf32, #tpu.memory_space<vmem>>
      %gather3A_2702 = tpu.vector_load_idx %gather3A_2701[%add3A_2696, %broadcast_in_dim3A_2682] : memref<64x128xf32, #tpu.memory_space<vmem>>[vector<16xi32>, vector<16xi32>], vector<16xf32>,
      %gather3A_2703 = arith.constant 1 : i32
      %gather3A_2704 = arith.constant 0 : i32
      %gather3A_2705 = arith.constant 0 : i32
      %gather3A_2706 = tpu.memref_slice %arg10[%gather3A_2703, %gather3A_2704, %gather3A_2705] : memref<4x64x128xf32, #tpu.memory_space<vmem>> -> memref<1x64x128xf32, #tpu.memory_space<vmem>>
      %gather3A_2707 = tpu.memref_squeeze %gather3A_2706 : memref<1x64x128xf32, #tpu.memory_space<vmem>> -> memref<64x128xf32, #tpu.memory_space<vmem>>
      %gather3A_2708 = tpu.vector_load_idx %gather3A_2707[%add3A_2696, %broadcast_in_dim3A_2687] : memref<64x128xf32, #tpu.memory_space<vmem>>[vector<16xi32>, vector<16xi32>], vector<16xf32>,
      %mul3A_2709 = arith.mulf %gather3A_2702, %gather3A_2708 : vector<16xf32>
      %add3A_2710 = arith.addf %broadcast_in_dim3A_2689, %mul3A_2709 : vector<16xf32>
      %mul3A_2711 = arith.mulf %gather3A_2702, %gather3A_2702 : vector<16xf32>
      %add3A_2712 = arith.addf %broadcast_in_dim3A_2691, %mul3A_2711 : vector<16xf32>
      %mul3A_2713 = arith.mulf %gather3A_2708, %gather3A_2708 : vector<16xf32>
      %add3A_2714 = arith.addf %broadcast_in_dim3A_2693, %mul3A_2713 : vector<16xf32>
      %add3A_2715 = arith.constant 16 : i32
      %add3A_2716 = vector.broadcast %add3A_2715 : i32 to vector<16xi32>
      %add3A_2717 = arith.addi %iota3A, %add3A_2716 : vector<16xi32>
      %gather3A_2718 = arith.constant 1 : i32
      %gather3A_2719 = arith.constant 0 : i32
      %gather3A_2720 = arith.constant 0 : i32
      %gather3A_2721 = tpu.memref_slice %arg9[%gather3A_2718, %gather3A_2719, %gather3A_2720] : memref<4x64x128xf32, #tpu.memory_space<vmem>> -> memref<1x64x128xf32, #tpu.memory_space<vmem>>
      %gather3A_2722 = tpu.memref_squeeze %gather3A_2721 : memref<1x64x128xf32, #tpu.memory_space<vmem>> -> memref<64x128xf32, #tpu.memory_space<vmem>>
      %gather3A_2723 = tpu.vector_load_idx %gather3A_2722[%add3A_2717, %broadcast_in_dim3A_2682] : memref<64x128xf32, #tpu.memory_space<vmem>>[vector<16xi32>, vector<16xi32>], vector<16xf32>,
      %gather3A_2724 = arith.constant 1 : i32
      %gather3A_2725 = arith.constant 0 : i32
      %gather3A_2726 = arith.constant 0 : i32
      %gather3A_2727 = tpu.memref_slice %arg10[%gather3A_2724, %gather3A_2725, %gather3A_2726] : memref<4x64x128xf32, #tpu.memory_space<vmem>> -> memref<1x64x128xf32, #tpu.memory_space<vmem>>
      %gather3A_2728 = tpu.memref_squeeze %gather3A_2727 : memref<1x64x128xf32, #tpu.memory_space<vmem>> -> memref<64x128xf32, #tpu.memory_space<vmem>>
      %gather3A_2729 = tpu.vector_load_idx %gather3A_2728[%add3A_2717, %broadcast_in_dim3A_2687] : memref<64x128xf32, #tpu.memory_space<vmem>>[vector<16xi32>, vector<16xi32>], vector<16xf32>,
      %mul3A_2730 = arith.mulf %gather3A_2723, %gather3A_2729 : vector<16xf32>
      %add3A_2731 = arith.addf %add3A_2710, %mul3A_2730 : vector<16xf32>
      %mul3A_2732 = arith.mulf %gather3A_2723, %gather3A_2723 : vector<16xf32>
      %add3A_2733 = arith.addf %add3A_2712, %mul3A_2732 : vector<16xf32>
      %mul3A_2734 = arith.mulf %gather3A_2729, %gather3A_2729 : vector<16xf32>
      %add3A_2735 = arith.addf %add3A_2714, %mul3A_2734 : vector<16xf32>
      %add3A_2736 = arith.constant 32 : i32
      %add3A_2737 = vector.broadcast %add3A_2736 : i32 to vector<16xi32>
      %add3A_2738 = arith.addi %iota3A, %add3A_2737 : vector<16xi32>
      %gather3A_2739 = arith.constant 1 : i32
      %gather3A_2740 = arith.constant 0 : i32
      %gather3A_2741 = arith.constant 0 : i32
      %gather3A_2742 = tpu.memref_slice %arg9[%gather3A_2739, %gather3A_2740, %gather3A_2741] : memref<4x64x128xf32, #tpu.memory_space<vmem>> -> memref<1x64x128xf32, #tpu.memory_space<vmem>>
      %gather3A_2743 = tpu.memref_squeeze %gather3A_2742 : memref<1x64x128xf32, #tpu.memory_space<vmem>> -> memref<64x128xf32, #tpu.memory_space<vmem>>
      %gather3A_2744 = tpu.vector_load_idx %gather3A_2743[%add3A_2738, %broadcast_in_dim3A_2682] : memref<64x128xf32, #tpu.memory_space<vmem>>[vector<16xi32>, vector<16xi32>], vector<16xf32>,
      %gather3A_2745 = arith.constant 1 : i32
      %gather3A_2746 = arith.constant 0 : i32
      %gather3A_2747 = arith.constant 0 : i32
      %gather3A_2748 = tpu.memref_slice %arg10[%gather3A_2745, %gather3A_2746, %gather3A_2747] : memref<4x64x128xf32, #tpu.memory_space<vmem>> -> memref<1x64x128xf32, #tpu.memory_space<vmem>>
      %gather3A_2749 = tpu.memref_squeeze %gather3A_2748 : memref<1x64x128xf32, #tpu.memory_space<vmem>> -> memref<64x128xf32, #tpu.memory_space<vmem>>
      %gather3A_2750 = tpu.vector_load_idx %gather3A_2749[%add3A_2738, %broadcast_in_dim3A_2687] : memref<64x128xf32, #tpu.memory_space<vmem>>[vector<16xi32>, vector<16xi32>], vector<16xf32>,
      %mul3A_2751 = arith.mulf %gather3A_2744, %gather3A_2750 : vector<16xf32>
      %add3A_2752 = arith.addf %add3A_2731, %mul3A_2751 : vector<16xf32>
      %mul3A_2753 = arith.mulf %gather3A_2744, %gather3A_2744 : vector<16xf32>
      %add3A_2754 = arith.addf %add3A_2733, %mul3A_2753 : vector<16xf32>
      %mul3A_2755 = arith.mulf %gather3A_2750, %gather3A_2750 : vector<16xf32>
      %add3A_2756 = arith.addf %add3A_2735, %mul3A_2755 : vector<16xf32>
      %add3A_2757 = arith.constant 48 : i32
      %add3A_2758 = vector.broadcast %add3A_2757 : i32 to vector<16xi32>
      %add3A_2759 = arith.addi %iota3A, %add3A_2758 : vector<16xi32>
      %gather3A_2760 = arith.constant 1 : i32
      %gather3A_2761 = arith.constant 0 : i32
      %gather3A_2762 = arith.constant 0 : i32
      %gather3A_2763 = tpu.memref_slice %arg9[%gather3A_2760, %gather3A_2761, %gather3A_2762] : memref<4x64x128xf32, #tpu.memory_space<vmem>> -> memref<1x64x128xf32, #tpu.memory_space<vmem>>
      %gather3A_2764 = tpu.memref_squeeze %gather3A_2763 : memref<1x64x128xf32, #tpu.memory_space<vmem>> -> memref<64x128xf32, #tpu.memory_space<vmem>>
      %gather3A_2765 = tpu.vector_load_idx %gather3A_2764[%add3A_2759, %broadcast_in_dim3A_2682] : memref<64x128xf32, #tpu.memory_space<vmem>>[vector<16xi32>, vector<16xi32>], vector<16xf32>,
      %gather3A_2766 = arith.constant 1 : i32
      %gather3A_2767 = arith.constant 0 : i32
      %gather3A_2768 = arith.constant 0 : i32
      %gather3A_2769 = tpu.memref_slice %arg10[%gather3A_2766, %gather3A_2767, %gather3A_2768] : memref<4x64x128xf32, #tpu.memory_space<vmem>> -> memref<1x64x128xf32, #tpu.memory_space<vmem>>
      %gather3A_2770 = tpu.memref_squeeze %gather3A_2769 : memref<1x64x128xf32, #tpu.memory_space<vmem>> -> memref<64x128xf32, #tpu.memory_space<vmem>>
      %gather3A_2771 = tpu.vector_load_idx %gather3A_2770[%add3A_2759, %broadcast_in_dim3A_2687] : memref<64x128xf32, #tpu.memory_space<vmem>>[vector<16xi32>, vector<16xi32>], vector<16xf32>,
      %mul3A_2772 = arith.mulf %gather3A_2765, %gather3A_2771 : vector<16xf32>
      %add3A_2773 = arith.addf %add3A_2752, %mul3A_2772 : vector<16xf32>
      %mul3A_2774 = arith.mulf %gather3A_2765, %gather3A_2765 : vector<16xf32>
      %add3A_2775 = arith.addf %add3A_2754, %mul3A_2774 : vector<16xf32>
      %mul3A_2776 = arith.mulf %gather3A_2771, %gather3A_2771 : vector<16xf32>
      %add3A_2777 = arith.addf %add3A_2756, %mul3A_2776 : vector<16xf32>
      %add3A_2778 = arith.constant 221 : i32
      %add3A_2779 = vector.broadcast %add3A_2778 : i32 to vector<16xi32>
      %add3A_2780 = arith.addi %iota3A, %add3A_2779 : vector<16xi32>
      tpu.vector_store_idx %arg12[%add3A_2780], %add3A_2773 : memref<272xf32, #tpu.memory_space<vmem>>[vector<16xi32>], vector<16xf32>,
      %add3A_2781 = arith.constant 221 : i32
      %add3A_2782 = vector.broadcast %add3A_2781 : i32 to vector<16xi32>
      %add3A_2783 = arith.addi %iota3A, %add3A_2782 : vector<16xi32>
      tpu.vector_store_idx %arg13[%add3A_2783], %add3A_2775 : memref<272xf32, #tpu.memory_space<vmem>>[vector<16xi32>], vector<16xf32>,
      %add3A_2784 = arith.constant 221 : i32
      %add3A_2785 = vector.broadcast %add3A_2784 : i32 to vector<16xi32>
      %add3A_2786 = arith.addi %iota3A, %add3A_2785 : vector<16xi32>
      tpu.vector_store_idx %arg14[%add3A_2786], %add3A_2777 : memref<272xf32, #tpu.memory_space<vmem>>[vector<16xi32>], vector<16xf32>,
      %slice3A_2787 = vector.extract_strided_slice %gather3A_319 {offsets = [1], sizes = [1], strides = [1]} : vector<16xi32> to vector<1xi32>
      %squeeze3A_2788 = vector.extract %slice3A_2787[0] : i32 from vector<1xi32>
      %slice3A_2789 = vector.extract_strided_slice %gather3A_320 {offsets = [1], sizes = [1], strides = [1]} : vector<16xi32> to vector<1xi32>
      %squeeze3A_2790 = vector.extract %slice3A_2789[0] : i32 from vector<1xi32>
      %shift_right_arithmetic3A_2791 = arith.constant 7 : i32
      %shift_right_arithmetic3A_2792 = arith.shrsi %squeeze3A_2788, %shift_right_arithmetic3A_2791 : i32
      %mul3A_2793 = arith.constant 128 : i32
      %mul3A_2794 = arith.muli %shift_right_arithmetic3A_2792, %mul3A_2793 : i32
      %multiple_of3A_2795 = tpu.assume_multiple %mul3A_2794, 128 : i32
      %shift_right_arithmetic3A_2796 = arith.constant 7 : i32
      %shift_right_arithmetic3A_2797 = arith.shrsi %squeeze3A_2790, %shift_right_arithmetic3A_2796 : i32
      %mul3A_2798 = arith.constant 128 : i32
      %mul3A_2799 = arith.muli %shift_right_arithmetic3A_2797, %mul3A_2798 : i32
      %multiple_of3A_2800 = tpu.assume_multiple %mul3A_2799, 128 : i32
      %dma_start3A_2801 = arith.constant 1 : i32
      %dma_start3A_2802 = arith.constant 0 : i32
      %dma_start3A_2803 = arith.constant 0 : i32
      %dma_start3A_2804 = tpu.memref_slice %arg9[%dma_start3A_2801, %dma_start3A_2802, %dma_start3A_2803] : memref<4x64x128xf32, #tpu.memory_space<vmem>> -> memref<1x64x128xf32, #tpu.memory_space<vmem>>
      %dma_start3A_2805 = tpu.memref_squeeze %dma_start3A_2804 : memref<1x64x128xf32, #tpu.memory_space<vmem>> -> memref<64x128xf32, #tpu.memory_space<vmem>>
      %dma_start3A_2806 = arith.constant 0 : i32
      %dma_start3A_2807 = tpu.memref_slice %arg2[%dma_start3A_2806, %multiple_of3A_2795] : memref<64x1000000xf32, #tpu.memory_space<hbm>> -> memref<64x128xf32, #tpu.memory_space<hbm>>
      %dma_start3A_2808 = arith.constant 0 : i32
      %dma_start3A_2809 = arith.constant 0 : i32
      %dma_start3A_2810 = tpu.memref_slice %arg9[%dma_start3A_2801, %dma_start3A_2808, %dma_start3A_2809] : memref<4x64x128xf32, #tpu.memory_space<vmem>> -> memref<1x64x128xf32, #tpu.memory_space<vmem>>
      %dma_start3A_2811 = tpu.memref_squeeze %dma_start3A_2810 : memref<1x64x128xf32, #tpu.memory_space<vmem>> -> memref<64x128xf32, #tpu.memory_space<vmem>>
      %dma_start3A_2812 = arith.constant 0 : i32
      %dma_start3A_2813 = tpu.memref_slice %arg2[%dma_start3A_2812, %multiple_of3A_2795] : memref<64x1000000xf32, #tpu.memory_space<hbm>> -> memref<64x128xf32, #tpu.memory_space<hbm>>
      tpu.enqueue_dma source(%dma_start3A_2813 : memref<64x128xf32, #tpu.memory_space<hbm>>) target(%dma_start3A_2811 : memref<64x128xf32, #tpu.memory_space<vmem>>) target_semaphore(%arg15 : memref<!tpu.dma_semaphore, #tpu.memory_space<semaphore_mem>>)
      %dma_start3A_2814 = arith.constant 1 : i32
      %dma_start3A_2815 = arith.constant 0 : i32
      %dma_start3A_2816 = arith.constant 0 : i32
      %dma_start3A_2817 = tpu.memref_slice %arg10[%dma_start3A_2814, %dma_start3A_2815, %dma_start3A_2816] : memref<4x64x128xf32, #tpu.memory_space<vmem>> -> memref<1x64x128xf32, #tpu.memory_space<vmem>>
      %dma_start3A_2818 = tpu.memref_squeeze %dma_start3A_2817 : memref<1x64x128xf32, #tpu.memory_space<vmem>> -> memref<64x128xf32, #tpu.memory_space<vmem>>
      %dma_start3A_2819 = arith.constant 0 : i32
      %dma_start3A_2820 = tpu.memref_slice %arg3[%dma_start3A_2819, %multiple_of3A_2800] : memref<64x1000000xf32, #tpu.memory_space<hbm>> -> memref<64x128xf32, #tpu.memory_space<hbm>>
      %dma_start3A_2821 = arith.constant 0 : i32
      %dma_start3A_2822 = arith.constant 0 : i32
      %dma_start3A_2823 = tpu.memref_slice %arg10[%dma_start3A_2814, %dma_start3A_2821, %dma_start3A_2822] : memref<4x64x128xf32, #tpu.memory_space<vmem>> -> memref<1x64x128xf32, #tpu.memory_space<vmem>>
      %dma_start3A_2824 = tpu.memref_squeeze %dma_start3A_2823 : memref<1x64x128xf32, #tpu.memory_space<vmem>> -> memref<64x128xf32, #tpu.memory_space<vmem>>
      %dma_start3A_2825 = arith.constant 0 : i32
      %dma_start3A_2826 = tpu.memref_slice %arg3[%dma_start3A_2825, %multiple_of3A_2800] : memref<64x1000000xf32, #tpu.memory_space<hbm>> -> memref<64x128xf32, #tpu.memory_space<hbm>>
      tpu.enqueue_dma source(%dma_start3A_2826 : memref<64x128xf32, #tpu.memory_space<hbm>>) target(%dma_start3A_2824 : memref<64x128xf32, #tpu.memory_space<vmem>>) target_semaphore(%arg15 : memref<!tpu.dma_semaphore, #tpu.memory_space<semaphore_mem>>)
      %dma_wait3A_2827 = arith.constant 0 : i32
      %dma_wait3A_2828 = arith.constant 0 : i32
      %dma_wait3A_2829 = arith.constant 0 : i32
      %dma_wait3A_2830 = tpu.memref_slice %arg9[%dma_wait3A_2827, %dma_wait3A_2828, %dma_wait3A_2829] : memref<4x64x128xf32, #tpu.memory_space<vmem>> -> memref<1x64x128xf32, #tpu.memory_space<vmem>>
      %dma_wait3A_2831 = tpu.memref_squeeze %dma_wait3A_2830 : memref<1x64x128xf32, #tpu.memory_space<vmem>> -> memref<64x128xf32, #tpu.memory_space<vmem>>
      %dma_wait3A_2832 = arith.constant 0 : i32
      %dma_wait3A_2833 = arith.constant 0 : i32
      %dma_wait3A_2834 = tpu.memref_slice %arg2[%dma_wait3A_2832, %dma_wait3A_2833] : memref<64x1000000xf32, #tpu.memory_space<hbm>> -> memref<64x128xf32, #tpu.memory_space<hbm>>
      %dma_wait3A_2835 = arith.constant 0 : i32
      %dma_wait3A_2836 = arith.constant 0 : i32
      %dma_wait3A_2837 = tpu.memref_slice %arg9[%dma_wait3A_2827, %dma_wait3A_2835, %dma_wait3A_2836] : memref<4x64x128xf32, #tpu.memory_space<vmem>> -> memref<1x64x128xf32, #tpu.memory_space<vmem>>
      %dma_wait3A_2838 = tpu.memref_squeeze %dma_wait3A_2837 : memref<1x64x128xf32, #tpu.memory_space<vmem>> -> memref<64x128xf32, #tpu.memory_space<vmem>>
      %dma_wait3A_2839 = arith.constant 0 : i32
      %dma_wait3A_2840 = arith.constant 0 : i32
      %dma_wait3A_2841 = tpu.memref_slice %arg2[%dma_wait3A_2839, %dma_wait3A_2840] : memref<64x1000000xf32, #tpu.memory_space<hbm>> -> memref<64x128xf32, #tpu.memory_space<hbm>>
      tpu.wait_dma2 semaphore(%arg15 : memref<!tpu.dma_semaphore, #tpu.memory_space<semaphore_mem>>) src(%dma_wait3A_2841 : memref<64x128xf32, #tpu.memory_space<hbm>>) dst(%dma_wait3A_2838 : memref<64x128xf32, #tpu.memory_space<vmem>>)
      %dma_wait3A_2842 = arith.constant 0 : i32
      %dma_wait3A_2843 = arith.constant 0 : i32
      %dma_wait3A_2844 = arith.constant 0 : i32
      %dma_wait3A_2845 = tpu.memref_slice %arg10[%dma_wait3A_2842, %dma_wait3A_2843, %dma_wait3A_2844] : memref<4x64x128xf32, #tpu.memory_space<vmem>> -> memref<1x64x128xf32, #tpu.memory_space<vmem>>
      %dma_wait3A_2846 = tpu.memref_squeeze %dma_wait3A_2845 : memref<1x64x128xf32, #tpu.memory_space<vmem>> -> memref<64x128xf32, #tpu.memory_space<vmem>>
      %dma_wait3A_2847 = arith.constant 0 : i32
      %dma_wait3A_2848 = arith.constant 0 : i32
      %dma_wait3A_2849 = tpu.memref_slice %arg3[%dma_wait3A_2847, %dma_wait3A_2848] : memref<64x1000000xf32, #tpu.memory_space<hbm>> -> memref<64x128xf32, #tpu.memory_space<hbm>>
      %dma_wait3A_2850 = arith.constant 0 : i32
      %dma_wait3A_2851 = arith.constant 0 : i32
      %dma_wait3A_2852 = tpu.memref_slice %arg10[%dma_wait3A_2842, %dma_wait3A_2850, %dma_wait3A_2851] : memref<4x64x128xf32, #tpu.memory_space<vmem>> -> memref<1x64x128xf32, #tpu.memory_space<vmem>>
      %dma_wait3A_2853 = tpu.memref_squeeze %dma_wait3A_2852 : memref<1x64x128xf32, #tpu.memory_space<vmem>> -> memref<64x128xf32, #tpu.memory_space<vmem>>
      %dma_wait3A_2854 = arith.constant 0 : i32
      %dma_wait3A_2855 = arith.constant 0 : i32
      %dma_wait3A_2856 = tpu.memref_slice %arg3[%dma_wait3A_2854, %dma_wait3A_2855] : memref<64x1000000xf32, #tpu.memory_space<hbm>> -> memref<64x128xf32, #tpu.memory_space<hbm>>
      tpu.wait_dma2 semaphore(%arg15 : memref<!tpu.dma_semaphore, #tpu.memory_space<semaphore_mem>>) src(%dma_wait3A_2856 : memref<64x128xf32, #tpu.memory_space<hbm>>) dst(%dma_wait3A_2853 : memref<64x128xf32, #tpu.memory_space<vmem>>)
      %slice3A_2857 = vector.extract_strided_slice %gather3A_304 {offsets = [14], sizes = [1], strides = [1]} : vector<16xi32> to vector<1xi32>
      %squeeze3A_2858 = vector.extract %slice3A_2857[0] : i32 from vector<1xi32>
      %and3A_2859 = arith.constant 127 : i32
      %and3A_2860 = arith.andi %squeeze3A_2858, %and3A_2859 : i32
      %broadcast_in_dim3A_2861 = vector.broadcast %and3A_2860 : i32 to vector<16xi32>
      %slice3A_2862 = vector.extract_strided_slice %gather3A_305 {offsets = [14], sizes = [1], strides = [1]} : vector<16xi32> to vector<1xi32>
      %squeeze3A_2863 = vector.extract %slice3A_2862[0] : i32 from vector<1xi32>
      %and3A_2864 = arith.constant 127 : i32
      %and3A_2865 = arith.andi %squeeze3A_2863, %and3A_2864 : i32
      %broadcast_in_dim3A_2866 = vector.broadcast %and3A_2865 : i32 to vector<16xi32>
      %broadcast_in_dim3A_2867 = arith.constant 0.000000e+00 : f32
      %broadcast_in_dim3A_2868 = vector.broadcast %broadcast_in_dim3A_2867 : f32 to vector<16xf32>
      %broadcast_in_dim3A_2869 = arith.constant 0.000000e+00 : f32
      %broadcast_in_dim3A_2870 = vector.broadcast %broadcast_in_dim3A_2869 : f32 to vector<16xf32>
      %broadcast_in_dim3A_2871 = arith.constant 0.000000e+00 : f32
      %broadcast_in_dim3A_2872 = vector.broadcast %broadcast_in_dim3A_2871 : f32 to vector<16xf32>
      %add3A_2873 = arith.constant 0 : i32
      %add3A_2874 = vector.broadcast %add3A_2873 : i32 to vector<16xi32>
      %add3A_2875 = arith.addi %iota3A, %add3A_2874 : vector<16xi32>
      %gather3A_2876 = arith.constant 2 : i32
      %gather3A_2877 = arith.constant 0 : i32
      %gather3A_2878 = arith.constant 0 : i32
      %gather3A_2879 = tpu.memref_slice %arg9[%gather3A_2876, %gather3A_2877, %gather3A_2878] : memref<4x64x128xf32, #tpu.memory_space<vmem>> -> memref<1x64x128xf32, #tpu.memory_space<vmem>>
      %gather3A_2880 = tpu.memref_squeeze %gather3A_2879 : memref<1x64x128xf32, #tpu.memory_space<vmem>> -> memref<64x128xf32, #tpu.memory_space<vmem>>
      %gather3A_2881 = tpu.vector_load_idx %gather3A_2880[%add3A_2875, %broadcast_in_dim3A_2861] : memref<64x128xf32, #tpu.memory_space<vmem>>[vector<16xi32>, vector<16xi32>], vector<16xf32>,
      %gather3A_2882 = arith.constant 2 : i32
      %gather3A_2883 = arith.constant 0 : i32
      %gather3A_2884 = arith.constant 0 : i32
      %gather3A_2885 = tpu.memref_slice %arg10[%gather3A_2882, %gather3A_2883, %gather3A_2884] : memref<4x64x128xf32, #tpu.memory_space<vmem>> -> memref<1x64x128xf32, #tpu.memory_space<vmem>>
      %gather3A_2886 = tpu.memref_squeeze %gather3A_2885 : memref<1x64x128xf32, #tpu.memory_space<vmem>> -> memref<64x128xf32, #tpu.memory_space<vmem>>
      %gather3A_2887 = tpu.vector_load_idx %gather3A_2886[%add3A_2875, %broadcast_in_dim3A_2866] : memref<64x128xf32, #tpu.memory_space<vmem>>[vector<16xi32>, vector<16xi32>], vector<16xf32>,
      %mul3A_2888 = arith.mulf %gather3A_2881, %gather3A_2887 : vector<16xf32>
      %add3A_2889 = arith.addf %broadcast_in_dim3A_2868, %mul3A_2888 : vector<16xf32>
      %mul3A_2890 = arith.mulf %gather3A_2881, %gather3A_2881 : vector<16xf32>
      %add3A_2891 = arith.addf %broadcast_in_dim3A_2870, %mul3A_2890 : vector<16xf32>
      %mul3A_2892 = arith.mulf %gather3A_2887, %gather3A_2887 : vector<16xf32>
      %add3A_2893 = arith.addf %broadcast_in_dim3A_2872, %mul3A_2892 : vector<16xf32>
      %add3A_2894 = arith.constant 16 : i32
      %add3A_2895 = vector.broadcast %add3A_2894 : i32 to vector<16xi32>
      %add3A_2896 = arith.addi %iota3A, %add3A_2895 : vector<16xi32>
      %gather3A_2897 = arith.constant 2 : i32
      %gather3A_2898 = arith.constant 0 : i32
      %gather3A_2899 = arith.constant 0 : i32
      %gather3A_2900 = tpu.memref_slice %arg9[%gather3A_2897, %gather3A_2898, %gather3A_2899] : memref<4x64x128xf32, #tpu.memory_space<vmem>> -> memref<1x64x128xf32, #tpu.memory_space<vmem>>
      %gather3A_2901 = tpu.memref_squeeze %gather3A_2900 : memref<1x64x128xf32, #tpu.memory_space<vmem>> -> memref<64x128xf32, #tpu.memory_space<vmem>>
      %gather3A_2902 = tpu.vector_load_idx %gather3A_2901[%add3A_2896, %broadcast_in_dim3A_2861] : memref<64x128xf32, #tpu.memory_space<vmem>>[vector<16xi32>, vector<16xi32>], vector<16xf32>,
      %gather3A_2903 = arith.constant 2 : i32
      %gather3A_2904 = arith.constant 0 : i32
      %gather3A_2905 = arith.constant 0 : i32
      %gather3A_2906 = tpu.memref_slice %arg10[%gather3A_2903, %gather3A_2904, %gather3A_2905] : memref<4x64x128xf32, #tpu.memory_space<vmem>> -> memref<1x64x128xf32, #tpu.memory_space<vmem>>
      %gather3A_2907 = tpu.memref_squeeze %gather3A_2906 : memref<1x64x128xf32, #tpu.memory_space<vmem>> -> memref<64x128xf32, #tpu.memory_space<vmem>>
      %gather3A_2908 = tpu.vector_load_idx %gather3A_2907[%add3A_2896, %broadcast_in_dim3A_2866] : memref<64x128xf32, #tpu.memory_space<vmem>>[vector<16xi32>, vector<16xi32>], vector<16xf32>,
      %mul3A_2909 = arith.mulf %gather3A_2902, %gather3A_2908 : vector<16xf32>
      %add3A_2910 = arith.addf %add3A_2889, %mul3A_2909 : vector<16xf32>
      %mul3A_2911 = arith.mulf %gather3A_2902, %gather3A_2902 : vector<16xf32>
      %add3A_2912 = arith.addf %add3A_2891, %mul3A_2911 : vector<16xf32>
      %mul3A_2913 = arith.mulf %gather3A_2908, %gather3A_2908 : vector<16xf32>
      %add3A_2914 = arith.addf %add3A_2893, %mul3A_2913 : vector<16xf32>
      %add3A_2915 = arith.constant 32 : i32
      %add3A_2916 = vector.broadcast %add3A_2915 : i32 to vector<16xi32>
      %add3A_2917 = arith.addi %iota3A, %add3A_2916 : vector<16xi32>
      %gather3A_2918 = arith.constant 2 : i32
      %gather3A_2919 = arith.constant 0 : i32
      %gather3A_2920 = arith.constant 0 : i32
      %gather3A_2921 = tpu.memref_slice %arg9[%gather3A_2918, %gather3A_2919, %gather3A_2920] : memref<4x64x128xf32, #tpu.memory_space<vmem>> -> memref<1x64x128xf32, #tpu.memory_space<vmem>>
      %gather3A_2922 = tpu.memref_squeeze %gather3A_2921 : memref<1x64x128xf32, #tpu.memory_space<vmem>> -> memref<64x128xf32, #tpu.memory_space<vmem>>
      %gather3A_2923 = tpu.vector_load_idx %gather3A_2922[%add3A_2917, %broadcast_in_dim3A_2861] : memref<64x128xf32, #tpu.memory_space<vmem>>[vector<16xi32>, vector<16xi32>], vector<16xf32>,
      %gather3A_2924 = arith.constant 2 : i32
      %gather3A_2925 = arith.constant 0 : i32
      %gather3A_2926 = arith.constant 0 : i32
      %gather3A_2927 = tpu.memref_slice %arg10[%gather3A_2924, %gather3A_2925, %gather3A_2926] : memref<4x64x128xf32, #tpu.memory_space<vmem>> -> memref<1x64x128xf32, #tpu.memory_space<vmem>>
      %gather3A_2928 = tpu.memref_squeeze %gather3A_2927 : memref<1x64x128xf32, #tpu.memory_space<vmem>> -> memref<64x128xf32, #tpu.memory_space<vmem>>
      %gather3A_2929 = tpu.vector_load_idx %gather3A_2928[%add3A_2917, %broadcast_in_dim3A_2866] : memref<64x128xf32, #tpu.memory_space<vmem>>[vector<16xi32>, vector<16xi32>], vector<16xf32>,
      %mul3A_2930 = arith.mulf %gather3A_2923, %gather3A_2929 : vector<16xf32>
      %add3A_2931 = arith.addf %add3A_2910, %mul3A_2930 : vector<16xf32>
      %mul3A_2932 = arith.mulf %gather3A_2923, %gather3A_2923 : vector<16xf32>
      %add3A_2933 = arith.addf %add3A_2912, %mul3A_2932 : vector<16xf32>
      %mul3A_2934 = arith.mulf %gather3A_2929, %gather3A_2929 : vector<16xf32>
      %add3A_2935 = arith.addf %add3A_2914, %mul3A_2934 : vector<16xf32>
      %add3A_2936 = arith.constant 48 : i32
      %add3A_2937 = vector.broadcast %add3A_2936 : i32 to vector<16xi32>
      %add3A_2938 = arith.addi %iota3A, %add3A_2937 : vector<16xi32>
      %gather3A_2939 = arith.constant 2 : i32
      %gather3A_2940 = arith.constant 0 : i32
      %gather3A_2941 = arith.constant 0 : i32
      %gather3A_2942 = tpu.memref_slice %arg9[%gather3A_2939, %gather3A_2940, %gather3A_2941] : memref<4x64x128xf32, #tpu.memory_space<vmem>> -> memref<1x64x128xf32, #tpu.memory_space<vmem>>
      %gather3A_2943 = tpu.memref_squeeze %gather3A_2942 : memref<1x64x128xf32, #tpu.memory_space<vmem>> -> memref<64x128xf32, #tpu.memory_space<vmem>>
      %gather3A_2944 = tpu.vector_load_idx %gather3A_2943[%add3A_2938, %broadcast_in_dim3A_2861] : memref<64x128xf32, #tpu.memory_space<vmem>>[vector<16xi32>, vector<16xi32>], vector<16xf32>,
      %gather3A_2945 = arith.constant 2 : i32
      %gather3A_2946 = arith.constant 0 : i32
      %gather3A_2947 = arith.constant 0 : i32
      %gather3A_2948 = tpu.memref_slice %arg10[%gather3A_2945, %gather3A_2946, %gather3A_2947] : memref<4x64x128xf32, #tpu.memory_space<vmem>> -> memref<1x64x128xf32, #tpu.memory_space<vmem>>
      %gather3A_2949 = tpu.memref_squeeze %gather3A_2948 : memref<1x64x128xf32, #tpu.memory_space<vmem>> -> memref<64x128xf32, #tpu.memory_space<vmem>>
      %gather3A_2950 = tpu.vector_load_idx %gather3A_2949[%add3A_2938, %broadcast_in_dim3A_2866] : memref<64x128xf32, #tpu.memory_space<vmem>>[vector<16xi32>, vector<16xi32>], vector<16xf32>,
      %mul3A_2951 = arith.mulf %gather3A_2944, %gather3A_2950 : vector<16xf32>
      %add3A_2952 = arith.addf %add3A_2931, %mul3A_2951 : vector<16xf32>
      %mul3A_2953 = arith.mulf %gather3A_2944, %gather3A_2944 : vector<16xf32>
      %add3A_2954 = arith.addf %add3A_2933, %mul3A_2953 : vector<16xf32>
      %mul3A_2955 = arith.mulf %gather3A_2950, %gather3A_2950 : vector<16xf32>
      %add3A_2956 = arith.addf %add3A_2935, %mul3A_2955 : vector<16xf32>
      %add3A_2957 = arith.constant 238 : i32
      %add3A_2958 = vector.broadcast %add3A_2957 : i32 to vector<16xi32>
      %add3A_2959 = arith.addi %iota3A, %add3A_2958 : vector<16xi32>
      tpu.vector_store_idx %arg12[%add3A_2959], %add3A_2952 : memref<272xf32, #tpu.memory_space<vmem>>[vector<16xi32>], vector<16xf32>,
      %add3A_2960 = arith.constant 238 : i32
      %add3A_2961 = vector.broadcast %add3A_2960 : i32 to vector<16xi32>
      %add3A_2962 = arith.addi %iota3A, %add3A_2961 : vector<16xi32>
      tpu.vector_store_idx %arg13[%add3A_2962], %add3A_2954 : memref<272xf32, #tpu.memory_space<vmem>>[vector<16xi32>], vector<16xf32>,
      %add3A_2963 = arith.constant 238 : i32
      %add3A_2964 = vector.broadcast %add3A_2963 : i32 to vector<16xi32>
      %add3A_2965 = arith.addi %iota3A, %add3A_2964 : vector<16xi32>
      tpu.vector_store_idx %arg14[%add3A_2965], %add3A_2956 : memref<272xf32, #tpu.memory_space<vmem>>[vector<16xi32>], vector<16xf32>,
      %slice3A_2966 = vector.extract_strided_slice %gather3A_319 {offsets = [2], sizes = [1], strides = [1]} : vector<16xi32> to vector<1xi32>
      %squeeze3A_2967 = vector.extract %slice3A_2966[0] : i32 from vector<1xi32>
      %slice3A_2968 = vector.extract_strided_slice %gather3A_320 {offsets = [2], sizes = [1], strides = [1]} : vector<16xi32> to vector<1xi32>
      %squeeze3A_2969 = vector.extract %slice3A_2968[0] : i32 from vector<1xi32>
      %shift_right_arithmetic3A_2970 = arith.constant 7 : i32
      %shift_right_arithmetic3A_2971 = arith.shrsi %squeeze3A_2967, %shift_right_arithmetic3A_2970 : i32
      %mul3A_2972 = arith.constant 128 : i32
      %mul3A_2973 = arith.muli %shift_right_arithmetic3A_2971, %mul3A_2972 : i32
      %multiple_of3A_2974 = tpu.assume_multiple %mul3A_2973, 128 : i32
      %shift_right_arithmetic3A_2975 = arith.constant 7 : i32
      %shift_right_arithmetic3A_2976 = arith.shrsi %squeeze3A_2969, %shift_right_arithmetic3A_2975 : i32
      %mul3A_2977 = arith.constant 128 : i32
      %mul3A_2978 = arith.muli %shift_right_arithmetic3A_2976, %mul3A_2977 : i32
      %multiple_of3A_2979 = tpu.assume_multiple %mul3A_2978, 128 : i32
      %dma_start3A_2980 = arith.constant 2 : i32
      %dma_start3A_2981 = arith.constant 0 : i32
      %dma_start3A_2982 = arith.constant 0 : i32
      %dma_start3A_2983 = tpu.memref_slice %arg9[%dma_start3A_2980, %dma_start3A_2981, %dma_start3A_2982] : memref<4x64x128xf32, #tpu.memory_space<vmem>> -> memref<1x64x128xf32, #tpu.memory_space<vmem>>
      %dma_start3A_2984 = tpu.memref_squeeze %dma_start3A_2983 : memref<1x64x128xf32, #tpu.memory_space<vmem>> -> memref<64x128xf32, #tpu.memory_space<vmem>>
      %dma_start3A_2985 = arith.constant 0 : i32
      %dma_start3A_2986 = tpu.memref_slice %arg2[%dma_start3A_2985, %multiple_of3A_2974] : memref<64x1000000xf32, #tpu.memory_space<hbm>> -> memref<64x128xf32, #tpu.memory_space<hbm>>
      %dma_start3A_2987 = arith.constant 0 : i32
      %dma_start3A_2988 = arith.constant 0 : i32
      %dma_start3A_2989 = tpu.memref_slice %arg9[%dma_start3A_2980, %dma_start3A_2987, %dma_start3A_2988] : memref<4x64x128xf32, #tpu.memory_space<vmem>> -> memref<1x64x128xf32, #tpu.memory_space<vmem>>
      %dma_start3A_2990 = tpu.memref_squeeze %dma_start3A_2989 : memref<1x64x128xf32, #tpu.memory_space<vmem>> -> memref<64x128xf32, #tpu.memory_space<vmem>>
      %dma_start3A_2991 = arith.constant 0 : i32
      %dma_start3A_2992 = tpu.memref_slice %arg2[%dma_start3A_2991, %multiple_of3A_2974] : memref<64x1000000xf32, #tpu.memory_space<hbm>> -> memref<64x128xf32, #tpu.memory_space<hbm>>
      tpu.enqueue_dma source(%dma_start3A_2992 : memref<64x128xf32, #tpu.memory_space<hbm>>) target(%dma_start3A_2990 : memref<64x128xf32, #tpu.memory_space<vmem>>) target_semaphore(%arg15 : memref<!tpu.dma_semaphore, #tpu.memory_space<semaphore_mem>>)
      %dma_start3A_2993 = arith.constant 2 : i32
      %dma_start3A_2994 = arith.constant 0 : i32
      %dma_start3A_2995 = arith.constant 0 : i32
      %dma_start3A_2996 = tpu.memref_slice %arg10[%dma_start3A_2993, %dma_start3A_2994, %dma_start3A_2995] : memref<4x64x128xf32, #tpu.memory_space<vmem>> -> memref<1x64x128xf32, #tpu.memory_space<vmem>>
      %dma_start3A_2997 = tpu.memref_squeeze %dma_start3A_2996 : memref<1x64x128xf32, #tpu.memory_space<vmem>> -> memref<64x128xf32, #tpu.memory_space<vmem>>
      %dma_start3A_2998 = arith.constant 0 : i32
      %dma_start3A_2999 = tpu.memref_slice %arg3[%dma_start3A_2998, %multiple_of3A_2979] : memref<64x1000000xf32, #tpu.memory_space<hbm>> -> memref<64x128xf32, #tpu.memory_space<hbm>>
      %dma_start3A_3000 = arith.constant 0 : i32
      %dma_start3A_3001 = arith.constant 0 : i32
      %dma_start3A_3002 = tpu.memref_slice %arg10[%dma_start3A_2993, %dma_start3A_3000, %dma_start3A_3001] : memref<4x64x128xf32, #tpu.memory_space<vmem>> -> memref<1x64x128xf32, #tpu.memory_space<vmem>>
      %dma_start3A_3003 = tpu.memref_squeeze %dma_start3A_3002 : memref<1x64x128xf32, #tpu.memory_space<vmem>> -> memref<64x128xf32, #tpu.memory_space<vmem>>
      %dma_start3A_3004 = arith.constant 0 : i32
      %dma_start3A_3005 = tpu.memref_slice %arg3[%dma_start3A_3004, %multiple_of3A_2979] : memref<64x1000000xf32, #tpu.memory_space<hbm>> -> memref<64x128xf32, #tpu.memory_space<hbm>>
      tpu.enqueue_dma source(%dma_start3A_3005 : memref<64x128xf32, #tpu.memory_space<hbm>>) target(%dma_start3A_3003 : memref<64x128xf32, #tpu.memory_space<vmem>>) target_semaphore(%arg15 : memref<!tpu.dma_semaphore, #tpu.memory_space<semaphore_mem>>)
      %dma_wait3A_3006 = arith.constant 0 : i32
      %dma_wait3A_3007 = arith.constant 0 : i32
      %dma_wait3A_3008 = arith.constant 0 : i32
      %dma_wait3A_3009 = tpu.memref_slice %arg9[%dma_wait3A_3006, %dma_wait3A_3007, %dma_wait3A_3008] : memref<4x64x128xf32, #tpu.memory_space<vmem>> -> memref<1x64x128xf32, #tpu.memory_space<vmem>>
      %dma_wait3A_3010 = tpu.memref_squeeze %dma_wait3A_3009 : memref<1x64x128xf32, #tpu.memory_space<vmem>> -> memref<64x128xf32, #tpu.memory_space<vmem>>
      %dma_wait3A_3011 = arith.constant 0 : i32
      %dma_wait3A_3012 = arith.constant 0 : i32
      %dma_wait3A_3013 = tpu.memref_slice %arg2[%dma_wait3A_3011, %dma_wait3A_3012] : memref<64x1000000xf32, #tpu.memory_space<hbm>> -> memref<64x128xf32, #tpu.memory_space<hbm>>
      %dma_wait3A_3014 = arith.constant 0 : i32
      %dma_wait3A_3015 = arith.constant 0 : i32
      %dma_wait3A_3016 = tpu.memref_slice %arg9[%dma_wait3A_3006, %dma_wait3A_3014, %dma_wait3A_3015] : memref<4x64x128xf32, #tpu.memory_space<vmem>> -> memref<1x64x128xf32, #tpu.memory_space<vmem>>
      %dma_wait3A_3017 = tpu.memref_squeeze %dma_wait3A_3016 : memref<1x64x128xf32, #tpu.memory_space<vmem>> -> memref<64x128xf32, #tpu.memory_space<vmem>>
      %dma_wait3A_3018 = arith.constant 0 : i32
      %dma_wait3A_3019 = arith.constant 0 : i32
      %dma_wait3A_3020 = tpu.memref_slice %arg2[%dma_wait3A_3018, %dma_wait3A_3019] : memref<64x1000000xf32, #tpu.memory_space<hbm>> -> memref<64x128xf32, #tpu.memory_space<hbm>>
      tpu.wait_dma2 semaphore(%arg15 : memref<!tpu.dma_semaphore, #tpu.memory_space<semaphore_mem>>) src(%dma_wait3A_3020 : memref<64x128xf32, #tpu.memory_space<hbm>>) dst(%dma_wait3A_3017 : memref<64x128xf32, #tpu.memory_space<vmem>>)
      %dma_wait3A_3021 = arith.constant 0 : i32
      %dma_wait3A_3022 = arith.constant 0 : i32
      %dma_wait3A_3023 = arith.constant 0 : i32
      %dma_wait3A_3024 = tpu.memref_slice %arg10[%dma_wait3A_3021, %dma_wait3A_3022, %dma_wait3A_3023] : memref<4x64x128xf32, #tpu.memory_space<vmem>> -> memref<1x64x128xf32, #tpu.memory_space<vmem>>
      %dma_wait3A_3025 = tpu.memref_squeeze %dma_wait3A_3024 : memref<1x64x128xf32, #tpu.memory_space<vmem>> -> memref<64x128xf32, #tpu.memory_space<vmem>>
      %dma_wait3A_3026 = arith.constant 0 : i32
      %dma_wait3A_3027 = arith.constant 0 : i32
      %dma_wait3A_3028 = tpu.memref_slice %arg3[%dma_wait3A_3026, %dma_wait3A_3027] : memref<64x1000000xf32, #tpu.memory_space<hbm>> -> memref<64x128xf32, #tpu.memory_space<hbm>>
      %dma_wait3A_3029 = arith.constant 0 : i32
      %dma_wait3A_3030 = arith.constant 0 : i32
      %dma_wait3A_3031 = tpu.memref_slice %arg10[%dma_wait3A_3021, %dma_wait3A_3029, %dma_wait3A_3030] : memref<4x64x128xf32, #tpu.memory_space<vmem>> -> memref<1x64x128xf32, #tpu.memory_space<vmem>>
      %dma_wait3A_3032 = tpu.memref_squeeze %dma_wait3A_3031 : memref<1x64x128xf32, #tpu.memory_space<vmem>> -> memref<64x128xf32, #tpu.memory_space<vmem>>
      %dma_wait3A_3033 = arith.constant 0 : i32
      %dma_wait3A_3034 = arith.constant 0 : i32
      %dma_wait3A_3035 = tpu.memref_slice %arg3[%dma_wait3A_3033, %dma_wait3A_3034] : memref<64x1000000xf32, #tpu.memory_space<hbm>> -> memref<64x128xf32, #tpu.memory_space<hbm>>
      tpu.wait_dma2 semaphore(%arg15 : memref<!tpu.dma_semaphore, #tpu.memory_space<semaphore_mem>>) src(%dma_wait3A_3035 : memref<64x128xf32, #tpu.memory_space<hbm>>) dst(%dma_wait3A_3032 : memref<64x128xf32, #tpu.memory_space<vmem>>)
      %slice3A_3036 = vector.extract_strided_slice %gather3A_304 {offsets = [15], sizes = [1], strides = [1]} : vector<16xi32> to vector<1xi32>
      %squeeze3A_3037 = vector.extract %slice3A_3036[0] : i32 from vector<1xi32>
      %and3A_3038 = arith.constant 127 : i32
      %and3A_3039 = arith.andi %squeeze3A_3037, %and3A_3038 : i32
      %broadcast_in_dim3A_3040 = vector.broadcast %and3A_3039 : i32 to vector<16xi32>
      %slice3A_3041 = vector.extract_strided_slice %gather3A_305 {offsets = [15], sizes = [1], strides = [1]} : vector<16xi32> to vector<1xi32>
      %squeeze3A_3042 = vector.extract %slice3A_3041[0] : i32 from vector<1xi32>
      %and3A_3043 = arith.constant 127 : i32
      %and3A_3044 = arith.andi %squeeze3A_3042, %and3A_3043 : i32
      %broadcast_in_dim3A_3045 = vector.broadcast %and3A_3044 : i32 to vector<16xi32>
      %broadcast_in_dim3A_3046 = arith.constant 0.000000e+00 : f32
      %broadcast_in_dim3A_3047 = vector.broadcast %broadcast_in_dim3A_3046 : f32 to vector<16xf32>
      %broadcast_in_dim3A_3048 = arith.constant 0.000000e+00 : f32
      %broadcast_in_dim3A_3049 = vector.broadcast %broadcast_in_dim3A_3048 : f32 to vector<16xf32>
      %broadcast_in_dim3A_3050 = arith.constant 0.000000e+00 : f32
      %broadcast_in_dim3A_3051 = vector.broadcast %broadcast_in_dim3A_3050 : f32 to vector<16xf32>
      %add3A_3052 = arith.constant 0 : i32
      %add3A_3053 = vector.broadcast %add3A_3052 : i32 to vector<16xi32>
      %add3A_3054 = arith.addi %iota3A, %add3A_3053 : vector<16xi32>
      %gather3A_3055 = arith.constant 3 : i32
      %gather3A_3056 = arith.constant 0 : i32
      %gather3A_3057 = arith.constant 0 : i32
      %gather3A_3058 = tpu.memref_slice %arg9[%gather3A_3055, %gather3A_3056, %gather3A_3057] : memref<4x64x128xf32, #tpu.memory_space<vmem>> -> memref<1x64x128xf32, #tpu.memory_space<vmem>>
      %gather3A_3059 = tpu.memref_squeeze %gather3A_3058 : memref<1x64x128xf32, #tpu.memory_space<vmem>> -> memref<64x128xf32, #tpu.memory_space<vmem>>
      %gather3A_3060 = tpu.vector_load_idx %gather3A_3059[%add3A_3054, %broadcast_in_dim3A_3040] : memref<64x128xf32, #tpu.memory_space<vmem>>[vector<16xi32>, vector<16xi32>], vector<16xf32>,
      %gather3A_3061 = arith.constant 3 : i32
      %gather3A_3062 = arith.constant 0 : i32
      %gather3A_3063 = arith.constant 0 : i32
      %gather3A_3064 = tpu.memref_slice %arg10[%gather3A_3061, %gather3A_3062, %gather3A_3063] : memref<4x64x128xf32, #tpu.memory_space<vmem>> -> memref<1x64x128xf32, #tpu.memory_space<vmem>>
      %gather3A_3065 = tpu.memref_squeeze %gather3A_3064 : memref<1x64x128xf32, #tpu.memory_space<vmem>> -> memref<64x128xf32, #tpu.memory_space<vmem>>
      %gather3A_3066 = tpu.vector_load_idx %gather3A_3065[%add3A_3054, %broadcast_in_dim3A_3045] : memref<64x128xf32, #tpu.memory_space<vmem>>[vector<16xi32>, vector<16xi32>], vector<16xf32>,
      %mul3A_3067 = arith.mulf %gather3A_3060, %gather3A_3066 : vector<16xf32>
      %add3A_3068 = arith.addf %broadcast_in_dim3A_3047, %mul3A_3067 : vector<16xf32>
      %mul3A_3069 = arith.mulf %gather3A_3060, %gather3A_3060 : vector<16xf32>
      %add3A_3070 = arith.addf %broadcast_in_dim3A_3049, %mul3A_3069 : vector<16xf32>
      %mul3A_3071 = arith.mulf %gather3A_3066, %gather3A_3066 : vector<16xf32>
      %add3A_3072 = arith.addf %broadcast_in_dim3A_3051, %mul3A_3071 : vector<16xf32>
      %add3A_3073 = arith.constant 16 : i32
      %add3A_3074 = vector.broadcast %add3A_3073 : i32 to vector<16xi32>
      %add3A_3075 = arith.addi %iota3A, %add3A_3074 : vector<16xi32>
      %gather3A_3076 = arith.constant 3 : i32
      %gather3A_3077 = arith.constant 0 : i32
      %gather3A_3078 = arith.constant 0 : i32
      %gather3A_3079 = tpu.memref_slice %arg9[%gather3A_3076, %gather3A_3077, %gather3A_3078] : memref<4x64x128xf32, #tpu.memory_space<vmem>> -> memref<1x64x128xf32, #tpu.memory_space<vmem>>
      %gather3A_3080 = tpu.memref_squeeze %gather3A_3079 : memref<1x64x128xf32, #tpu.memory_space<vmem>> -> memref<64x128xf32, #tpu.memory_space<vmem>>
      %gather3A_3081 = tpu.vector_load_idx %gather3A_3080[%add3A_3075, %broadcast_in_dim3A_3040] : memref<64x128xf32, #tpu.memory_space<vmem>>[vector<16xi32>, vector<16xi32>], vector<16xf32>,
      %gather3A_3082 = arith.constant 3 : i32
      %gather3A_3083 = arith.constant 0 : i32
      %gather3A_3084 = arith.constant 0 : i32
      %gather3A_3085 = tpu.memref_slice %arg10[%gather3A_3082, %gather3A_3083, %gather3A_3084] : memref<4x64x128xf32, #tpu.memory_space<vmem>> -> memref<1x64x128xf32, #tpu.memory_space<vmem>>
      %gather3A_3086 = tpu.memref_squeeze %gather3A_3085 : memref<1x64x128xf32, #tpu.memory_space<vmem>> -> memref<64x128xf32, #tpu.memory_space<vmem>>
      %gather3A_3087 = tpu.vector_load_idx %gather3A_3086[%add3A_3075, %broadcast_in_dim3A_3045] : memref<64x128xf32, #tpu.memory_space<vmem>>[vector<16xi32>, vector<16xi32>], vector<16xf32>,
      %mul3A_3088 = arith.mulf %gather3A_3081, %gather3A_3087 : vector<16xf32>
      %add3A_3089 = arith.addf %add3A_3068, %mul3A_3088 : vector<16xf32>
      %mul3A_3090 = arith.mulf %gather3A_3081, %gather3A_3081 : vector<16xf32>
      %add3A_3091 = arith.addf %add3A_3070, %mul3A_3090 : vector<16xf32>
      %mul3A_3092 = arith.mulf %gather3A_3087, %gather3A_3087 : vector<16xf32>
      %add3A_3093 = arith.addf %add3A_3072, %mul3A_3092 : vector<16xf32>
      %add3A_3094 = arith.constant 32 : i32
      %add3A_3095 = vector.broadcast %add3A_3094 : i32 to vector<16xi32>
      %add3A_3096 = arith.addi %iota3A, %add3A_3095 : vector<16xi32>
      %gather3A_3097 = arith.constant 3 : i32
      %gather3A_3098 = arith.constant 0 : i32
      %gather3A_3099 = arith.constant 0 : i32
      %gather3A_3100 = tpu.memref_slice %arg9[%gather3A_3097, %gather3A_3098, %gather3A_3099] : memref<4x64x128xf32, #tpu.memory_space<vmem>> -> memref<1x64x128xf32, #tpu.memory_space<vmem>>
      %gather3A_3101 = tpu.memref_squeeze %gather3A_3100 : memref<1x64x128xf32, #tpu.memory_space<vmem>> -> memref<64x128xf32, #tpu.memory_space<vmem>>
      %gather3A_3102 = tpu.vector_load_idx %gather3A_3101[%add3A_3096, %broadcast_in_dim3A_3040] : memref<64x128xf32, #tpu.memory_space<vmem>>[vector<16xi32>, vector<16xi32>], vector<16xf32>,
      %gather3A_3103 = arith.constant 3 : i32
      %gather3A_3104 = arith.constant 0 : i32
      %gather3A_3105 = arith.constant 0 : i32
      %gather3A_3106 = tpu.memref_slice %arg10[%gather3A_3103, %gather3A_3104, %gather3A_3105] : memref<4x64x128xf32, #tpu.memory_space<vmem>> -> memref<1x64x128xf32, #tpu.memory_space<vmem>>
      %gather3A_3107 = tpu.memref_squeeze %gather3A_3106 : memref<1x64x128xf32, #tpu.memory_space<vmem>> -> memref<64x128xf32, #tpu.memory_space<vmem>>
      %gather3A_3108 = tpu.vector_load_idx %gather3A_3107[%add3A_3096, %broadcast_in_dim3A_3045] : memref<64x128xf32, #tpu.memory_space<vmem>>[vector<16xi32>, vector<16xi32>], vector<16xf32>,
      %mul3A_3109 = arith.mulf %gather3A_3102, %gather3A_3108 : vector<16xf32>
      %add3A_3110 = arith.addf %add3A_3089, %mul3A_3109 : vector<16xf32>
      %mul3A_3111 = arith.mulf %gather3A_3102, %gather3A_3102 : vector<16xf32>
      %add3A_3112 = arith.addf %add3A_3091, %mul3A_3111 : vector<16xf32>
      %mul3A_3113 = arith.mulf %gather3A_3108, %gather3A_3108 : vector<16xf32>
      %add3A_3114 = arith.addf %add3A_3093, %mul3A_3113 : vector<16xf32>
      %add3A_3115 = arith.constant 48 : i32
      %add3A_3116 = vector.broadcast %add3A_3115 : i32 to vector<16xi32>
      %add3A_3117 = arith.addi %iota3A, %add3A_3116 : vector<16xi32>
      %gather3A_3118 = arith.constant 3 : i32
      %gather3A_3119 = arith.constant 0 : i32
      %gather3A_3120 = arith.constant 0 : i32
      %gather3A_3121 = tpu.memref_slice %arg9[%gather3A_3118, %gather3A_3119, %gather3A_3120] : memref<4x64x128xf32, #tpu.memory_space<vmem>> -> memref<1x64x128xf32, #tpu.memory_space<vmem>>
      %gather3A_3122 = tpu.memref_squeeze %gather3A_3121 : memref<1x64x128xf32, #tpu.memory_space<vmem>> -> memref<64x128xf32, #tpu.memory_space<vmem>>
      %gather3A_3123 = tpu.vector_load_idx %gather3A_3122[%add3A_3117, %broadcast_in_dim3A_3040] : memref<64x128xf32, #tpu.memory_space<vmem>>[vector<16xi32>, vector<16xi32>], vector<16xf32>,
      %gather3A_3124 = arith.constant 3 : i32
      %gather3A_3125 = arith.constant 0 : i32
      %gather3A_3126 = arith.constant 0 : i32
      %gather3A_3127 = tpu.memref_slice %arg10[%gather3A_3124, %gather3A_3125, %gather3A_3126] : memref<4x64x128xf32, #tpu.memory_space<vmem>> -> memref<1x64x128xf32, #tpu.memory_space<vmem>>
      %gather3A_3128 = tpu.memref_squeeze %gather3A_3127 : memref<1x64x128xf32, #tpu.memory_space<vmem>> -> memref<64x128xf32, #tpu.memory_space<vmem>>
      %gather3A_3129 = tpu.vector_load_idx %gather3A_3128[%add3A_3117, %broadcast_in_dim3A_3045] : memref<64x128xf32, #tpu.memory_space<vmem>>[vector<16xi32>, vector<16xi32>], vector<16xf32>,
      %mul3A_3130 = arith.mulf %gather3A_3123, %gather3A_3129 : vector<16xf32>
      %add3A_3131 = arith.addf %add3A_3110, %mul3A_3130 : vector<16xf32>
      %mul3A_3132 = arith.mulf %gather3A_3123, %gather3A_3123 : vector<16xf32>
      %add3A_3133 = arith.addf %add3A_3112, %mul3A_3132 : vector<16xf32>
      %mul3A_3134 = arith.mulf %gather3A_3129, %gather3A_3129 : vector<16xf32>
      %add3A_3135 = arith.addf %add3A_3114, %mul3A_3134 : vector<16xf32>
      %add3A_3136 = arith.constant 255 : i32
      %add3A_3137 = vector.broadcast %add3A_3136 : i32 to vector<16xi32>
      %add3A_3138 = arith.addi %iota3A, %add3A_3137 : vector<16xi32>
      tpu.vector_store_idx %arg12[%add3A_3138], %add3A_3131 : memref<272xf32, #tpu.memory_space<vmem>>[vector<16xi32>], vector<16xf32>,
      %add3A_3139 = arith.constant 255 : i32
      %add3A_3140 = vector.broadcast %add3A_3139 : i32 to vector<16xi32>
      %add3A_3141 = arith.addi %iota3A, %add3A_3140 : vector<16xi32>
      tpu.vector_store_idx %arg13[%add3A_3141], %add3A_3133 : memref<272xf32, #tpu.memory_space<vmem>>[vector<16xi32>], vector<16xf32>,
      %add3A_3142 = arith.constant 255 : i32
      %add3A_3143 = vector.broadcast %add3A_3142 : i32 to vector<16xi32>
      %add3A_3144 = arith.addi %iota3A, %add3A_3143 : vector<16xi32>
      tpu.vector_store_idx %arg14[%add3A_3144], %add3A_3135 : memref<272xf32, #tpu.memory_space<vmem>>[vector<16xi32>], vector<16xf32>,
      %slice3A_3145 = vector.extract_strided_slice %gather3A_319 {offsets = [3], sizes = [1], strides = [1]} : vector<16xi32> to vector<1xi32>
      %squeeze3A_3146 = vector.extract %slice3A_3145[0] : i32 from vector<1xi32>
      %slice3A_3147 = vector.extract_strided_slice %gather3A_320 {offsets = [3], sizes = [1], strides = [1]} : vector<16xi32> to vector<1xi32>
      %squeeze3A_3148 = vector.extract %slice3A_3147[0] : i32 from vector<1xi32>
      %shift_right_arithmetic3A_3149 = arith.constant 7 : i32
      %shift_right_arithmetic3A_3150 = arith.shrsi %squeeze3A_3146, %shift_right_arithmetic3A_3149 : i32
      %mul3A_3151 = arith.constant 128 : i32
      %mul3A_3152 = arith.muli %shift_right_arithmetic3A_3150, %mul3A_3151 : i32
      %multiple_of3A_3153 = tpu.assume_multiple %mul3A_3152, 128 : i32
      %shift_right_arithmetic3A_3154 = arith.constant 7 : i32
      %shift_right_arithmetic3A_3155 = arith.shrsi %squeeze3A_3148, %shift_right_arithmetic3A_3154 : i32
      %mul3A_3156 = arith.constant 128 : i32
      %mul3A_3157 = arith.muli %shift_right_arithmetic3A_3155, %mul3A_3156 : i32
      %multiple_of3A_3158 = tpu.assume_multiple %mul3A_3157, 128 : i32
      %dma_start3A_3159 = arith.constant 3 : i32
      %dma_start3A_3160 = arith.constant 0 : i32
      %dma_start3A_3161 = arith.constant 0 : i32
      %dma_start3A_3162 = tpu.memref_slice %arg9[%dma_start3A_3159, %dma_start3A_3160, %dma_start3A_3161] : memref<4x64x128xf32, #tpu.memory_space<vmem>> -> memref<1x64x128xf32, #tpu.memory_space<vmem>>
      %dma_start3A_3163 = tpu.memref_squeeze %dma_start3A_3162 : memref<1x64x128xf32, #tpu.memory_space<vmem>> -> memref<64x128xf32, #tpu.memory_space<vmem>>
      %dma_start3A_3164 = arith.constant 0 : i32
      %dma_start3A_3165 = tpu.memref_slice %arg2[%dma_start3A_3164, %multiple_of3A_3153] : memref<64x1000000xf32, #tpu.memory_space<hbm>> -> memref<64x128xf32, #tpu.memory_space<hbm>>
      %dma_start3A_3166 = arith.constant 0 : i32
      %dma_start3A_3167 = arith.constant 0 : i32
      %dma_start3A_3168 = tpu.memref_slice %arg9[%dma_start3A_3159, %dma_start3A_3166, %dma_start3A_3167] : memref<4x64x128xf32, #tpu.memory_space<vmem>> -> memref<1x64x128xf32, #tpu.memory_space<vmem>>
      %dma_start3A_3169 = tpu.memref_squeeze %dma_start3A_3168 : memref<1x64x128xf32, #tpu.memory_space<vmem>> -> memref<64x128xf32, #tpu.memory_space<vmem>>
      %dma_start3A_3170 = arith.constant 0 : i32
      %dma_start3A_3171 = tpu.memref_slice %arg2[%dma_start3A_3170, %multiple_of3A_3153] : memref<64x1000000xf32, #tpu.memory_space<hbm>> -> memref<64x128xf32, #tpu.memory_space<hbm>>
      tpu.enqueue_dma source(%dma_start3A_3171 : memref<64x128xf32, #tpu.memory_space<hbm>>) target(%dma_start3A_3169 : memref<64x128xf32, #tpu.memory_space<vmem>>) target_semaphore(%arg15 : memref<!tpu.dma_semaphore, #tpu.memory_space<semaphore_mem>>)
      %dma_start3A_3172 = arith.constant 3 : i32
      %dma_start3A_3173 = arith.constant 0 : i32
      %dma_start3A_3174 = arith.constant 0 : i32
      %dma_start3A_3175 = tpu.memref_slice %arg10[%dma_start3A_3172, %dma_start3A_3173, %dma_start3A_3174] : memref<4x64x128xf32, #tpu.memory_space<vmem>> -> memref<1x64x128xf32, #tpu.memory_space<vmem>>
      %dma_start3A_3176 = tpu.memref_squeeze %dma_start3A_3175 : memref<1x64x128xf32, #tpu.memory_space<vmem>> -> memref<64x128xf32, #tpu.memory_space<vmem>>
      %dma_start3A_3177 = arith.constant 0 : i32
      %dma_start3A_3178 = tpu.memref_slice %arg3[%dma_start3A_3177, %multiple_of3A_3158] : memref<64x1000000xf32, #tpu.memory_space<hbm>> -> memref<64x128xf32, #tpu.memory_space<hbm>>
      %dma_start3A_3179 = arith.constant 0 : i32
      %dma_start3A_3180 = arith.constant 0 : i32
      %dma_start3A_3181 = tpu.memref_slice %arg10[%dma_start3A_3172, %dma_start3A_3179, %dma_start3A_3180] : memref<4x64x128xf32, #tpu.memory_space<vmem>> -> memref<1x64x128xf32, #tpu.memory_space<vmem>>
      %dma_start3A_3182 = tpu.memref_squeeze %dma_start3A_3181 : memref<1x64x128xf32, #tpu.memory_space<vmem>> -> memref<64x128xf32, #tpu.memory_space<vmem>>
      %dma_start3A_3183 = arith.constant 0 : i32
      %dma_start3A_3184 = tpu.memref_slice %arg3[%dma_start3A_3183, %multiple_of3A_3158] : memref<64x1000000xf32, #tpu.memory_space<hbm>> -> memref<64x128xf32, #tpu.memory_space<hbm>>
      tpu.enqueue_dma source(%dma_start3A_3184 : memref<64x128xf32, #tpu.memory_space<hbm>>) target(%dma_start3A_3182 : memref<64x128xf32, #tpu.memory_space<vmem>>) target_semaphore(%arg15 : memref<!tpu.dma_semaphore, #tpu.memory_space<semaphore_mem>>)
      %mul3A_3185 = arith.constant 17 : i32
      %mul3A_3186 = vector.broadcast %mul3A_3185 : i32 to vector<16xi32>
      %mul3A_3187 = arith.muli %iota3A, %mul3A_3186 : vector<16xi32>
      %broadcast_in_dim3A_3188 = arith.constant 0.000000e+00 : f32
      %broadcast_in_dim3A_3189 = vector.broadcast %broadcast_in_dim3A_3188 : f32 to vector<16xf32>
      %broadcast_in_dim3A_3190 = arith.constant 0.000000e+00 : f32
      %broadcast_in_dim3A_3191 = vector.broadcast %broadcast_in_dim3A_3190 : f32 to vector<16xf32>
      %broadcast_in_dim3A_3192 = arith.constant 0.000000e+00 : f32
      %broadcast_in_dim3A_3193 = vector.broadcast %broadcast_in_dim3A_3192 : f32 to vector<16xf32>
      %broadcast_in_dim3A_3194 = arith.constant 0 : i32
      %broadcast_in_dim3A_3195 = vector.broadcast %broadcast_in_dim3A_3194 : i32 to vector<16xi32>
      %add3A_3196 = arith.addi %mul3A_3187, %broadcast_in_dim3A_3195 : vector<16xi32>
      %gather3A_3197 = tpu.vector_load_idx %arg12[%add3A_3196] : memref<272xf32, #tpu.memory_space<vmem>>[vector<16xi32>], vector<16xf32>,
      %add3A_3198 = arith.addf %broadcast_in_dim3A_3189, %gather3A_3197 : vector<16xf32>
      %gather3A_3199 = tpu.vector_load_idx %arg13[%add3A_3196] : memref<272xf32, #tpu.memory_space<vmem>>[vector<16xi32>], vector<16xf32>,
      %add3A_3200 = arith.addf %broadcast_in_dim3A_3191, %gather3A_3199 : vector<16xf32>
      %gather3A_3201 = tpu.vector_load_idx %arg14[%add3A_3196] : memref<272xf32, #tpu.memory_space<vmem>>[vector<16xi32>], vector<16xf32>,
      %add3A_3202 = arith.addf %broadcast_in_dim3A_3193, %gather3A_3201 : vector<16xf32>
      %broadcast_in_dim3A_3203 = arith.constant 1 : i32
      %broadcast_in_dim3A_3204 = vector.broadcast %broadcast_in_dim3A_3203 : i32 to vector<16xi32>
      %add3A_3205 = arith.addi %mul3A_3187, %broadcast_in_dim3A_3204 : vector<16xi32>
      %gather3A_3206 = tpu.vector_load_idx %arg12[%add3A_3205] : memref<272xf32, #tpu.memory_space<vmem>>[vector<16xi32>], vector<16xf32>,
      %add3A_3207 = arith.addf %add3A_3198, %gather3A_3206 : vector<16xf32>
      %gather3A_3208 = tpu.vector_load_idx %arg13[%add3A_3205] : memref<272xf32, #tpu.memory_space<vmem>>[vector<16xi32>], vector<16xf32>,
      %add3A_3209 = arith.addf %add3A_3200, %gather3A_3208 : vector<16xf32>
      %gather3A_3210 = tpu.vector_load_idx %arg14[%add3A_3205] : memref<272xf32, #tpu.memory_space<vmem>>[vector<16xi32>], vector<16xf32>,
      %add3A_3211 = arith.addf %add3A_3202, %gather3A_3210 : vector<16xf32>
      %broadcast_in_dim3A_3212 = arith.constant 2 : i32
      %broadcast_in_dim3A_3213 = vector.broadcast %broadcast_in_dim3A_3212 : i32 to vector<16xi32>
      %add3A_3214 = arith.addi %mul3A_3187, %broadcast_in_dim3A_3213 : vector<16xi32>
      %gather3A_3215 = tpu.vector_load_idx %arg12[%add3A_3214] : memref<272xf32, #tpu.memory_space<vmem>>[vector<16xi32>], vector<16xf32>,
      %add3A_3216 = arith.addf %add3A_3207, %gather3A_3215 : vector<16xf32>
      %gather3A_3217 = tpu.vector_load_idx %arg13[%add3A_3214] : memref<272xf32, #tpu.memory_space<vmem>>[vector<16xi32>], vector<16xf32>,
      %add3A_3218 = arith.addf %add3A_3209, %gather3A_3217 : vector<16xf32>
      %gather3A_3219 = tpu.vector_load_idx %arg14[%add3A_3214] : memref<272xf32, #tpu.memory_space<vmem>>[vector<16xi32>], vector<16xf32>,
      %add3A_3220 = arith.addf %add3A_3211, %gather3A_3219 : vector<16xf32>
      %broadcast_in_dim3A_3221 = arith.constant 3 : i32
      %broadcast_in_dim3A_3222 = vector.broadcast %broadcast_in_dim3A_3221 : i32 to vector<16xi32>
      %add3A_3223 = arith.addi %mul3A_3187, %broadcast_in_dim3A_3222 : vector<16xi32>
      %gather3A_3224 = tpu.vector_load_idx %arg12[%add3A_3223] : memref<272xf32, #tpu.memory_space<vmem>>[vector<16xi32>], vector<16xf32>,
      %add3A_3225 = arith.addf %add3A_3216, %gather3A_3224 : vector<16xf32>
      %gather3A_3226 = tpu.vector_load_idx %arg13[%add3A_3223] : memref<272xf32, #tpu.memory_space<vmem>>[vector<16xi32>], vector<16xf32>,
      %add3A_3227 = arith.addf %add3A_3218, %gather3A_3226 : vector<16xf32>
      %gather3A_3228 = tpu.vector_load_idx %arg14[%add3A_3223] : memref<272xf32, #tpu.memory_space<vmem>>[vector<16xi32>], vector<16xf32>,
      %add3A_3229 = arith.addf %add3A_3220, %gather3A_3228 : vector<16xf32>
      %broadcast_in_dim3A_3230 = arith.constant 4 : i32
      %broadcast_in_dim3A_3231 = vector.broadcast %broadcast_in_dim3A_3230 : i32 to vector<16xi32>
      %add3A_3232 = arith.addi %mul3A_3187, %broadcast_in_dim3A_3231 : vector<16xi32>
      %gather3A_3233 = tpu.vector_load_idx %arg12[%add3A_3232] : memref<272xf32, #tpu.memory_space<vmem>>[vector<16xi32>], vector<16xf32>,
      %add3A_3234 = arith.addf %add3A_3225, %gather3A_3233 : vector<16xf32>
      %gather3A_3235 = tpu.vector_load_idx %arg13[%add3A_3232] : memref<272xf32, #tpu.memory_space<vmem>>[vector<16xi32>], vector<16xf32>,
      %add3A_3236 = arith.addf %add3A_3227, %gather3A_3235 : vector<16xf32>
      %gather3A_3237 = tpu.vector_load_idx %arg14[%add3A_3232] : memref<272xf32, #tpu.memory_space<vmem>>[vector<16xi32>], vector<16xf32>,
      %add3A_3238 = arith.addf %add3A_3229, %gather3A_3237 : vector<16xf32>
      %broadcast_in_dim3A_3239 = arith.constant 5 : i32
      %broadcast_in_dim3A_3240 = vector.broadcast %broadcast_in_dim3A_3239 : i32 to vector<16xi32>
      %add3A_3241 = arith.addi %mul3A_3187, %broadcast_in_dim3A_3240 : vector<16xi32>
      %gather3A_3242 = tpu.vector_load_idx %arg12[%add3A_3241] : memref<272xf32, #tpu.memory_space<vmem>>[vector<16xi32>], vector<16xf32>,
      %add3A_3243 = arith.addf %add3A_3234, %gather3A_3242 : vector<16xf32>
      %gather3A_3244 = tpu.vector_load_idx %arg13[%add3A_3241] : memref<272xf32, #tpu.memory_space<vmem>>[vector<16xi32>], vector<16xf32>,
      %add3A_3245 = arith.addf %add3A_3236, %gather3A_3244 : vector<16xf32>
      %gather3A_3246 = tpu.vector_load_idx %arg14[%add3A_3241] : memref<272xf32, #tpu.memory_space<vmem>>[vector<16xi32>], vector<16xf32>,
      %add3A_3247 = arith.addf %add3A_3238, %gather3A_3246 : vector<16xf32>
      %broadcast_in_dim3A_3248 = arith.constant 6 : i32
      %broadcast_in_dim3A_3249 = vector.broadcast %broadcast_in_dim3A_3248 : i32 to vector<16xi32>
      %add3A_3250 = arith.addi %mul3A_3187, %broadcast_in_dim3A_3249 : vector<16xi32>
      %gather3A_3251 = tpu.vector_load_idx %arg12[%add3A_3250] : memref<272xf32, #tpu.memory_space<vmem>>[vector<16xi32>], vector<16xf32>,
      %add3A_3252 = arith.addf %add3A_3243, %gather3A_3251 : vector<16xf32>
      %gather3A_3253 = tpu.vector_load_idx %arg13[%add3A_3250] : memref<272xf32, #tpu.memory_space<vmem>>[vector<16xi32>], vector<16xf32>,
      %add3A_3254 = arith.addf %add3A_3245, %gather3A_3253 : vector<16xf32>
      %gather3A_3255 = tpu.vector_load_idx %arg14[%add3A_3250] : memref<272xf32, #tpu.memory_space<vmem>>[vector<16xi32>], vector<16xf32>,
      %add3A_3256 = arith.addf %add3A_3247, %gather3A_3255 : vector<16xf32>
      %broadcast_in_dim3A_3257 = arith.constant 7 : i32
      %broadcast_in_dim3A_3258 = vector.broadcast %broadcast_in_dim3A_3257 : i32 to vector<16xi32>
      %add3A_3259 = arith.addi %mul3A_3187, %broadcast_in_dim3A_3258 : vector<16xi32>
      %gather3A_3260 = tpu.vector_load_idx %arg12[%add3A_3259] : memref<272xf32, #tpu.memory_space<vmem>>[vector<16xi32>], vector<16xf32>,
      %add3A_3261 = arith.addf %add3A_3252, %gather3A_3260 : vector<16xf32>
      %gather3A_3262 = tpu.vector_load_idx %arg13[%add3A_3259] : memref<272xf32, #tpu.memory_space<vmem>>[vector<16xi32>], vector<16xf32>,
      %add3A_3263 = arith.addf %add3A_3254, %gather3A_3262 : vector<16xf32>
      %gather3A_3264 = tpu.vector_load_idx %arg14[%add3A_3259] : memref<272xf32, #tpu.memory_space<vmem>>[vector<16xi32>], vector<16xf32>,
      %add3A_3265 = arith.addf %add3A_3256, %gather3A_3264 : vector<16xf32>
      %broadcast_in_dim3A_3266 = arith.constant 8 : i32
      %broadcast_in_dim3A_3267 = vector.broadcast %broadcast_in_dim3A_3266 : i32 to vector<16xi32>
      %add3A_3268 = arith.addi %mul3A_3187, %broadcast_in_dim3A_3267 : vector<16xi32>
      %gather3A_3269 = tpu.vector_load_idx %arg12[%add3A_3268] : memref<272xf32, #tpu.memory_space<vmem>>[vector<16xi32>], vector<16xf32>,
      %add3A_3270 = arith.addf %add3A_3261, %gather3A_3269 : vector<16xf32>
      %gather3A_3271 = tpu.vector_load_idx %arg13[%add3A_3268] : memref<272xf32, #tpu.memory_space<vmem>>[vector<16xi32>], vector<16xf32>,
      %add3A_3272 = arith.addf %add3A_3263, %gather3A_3271 : vector<16xf32>
      %gather3A_3273 = tpu.vector_load_idx %arg14[%add3A_3268] : memref<272xf32, #tpu.memory_space<vmem>>[vector<16xi32>], vector<16xf32>,
      %add3A_3274 = arith.addf %add3A_3265, %gather3A_3273 : vector<16xf32>
      %broadcast_in_dim3A_3275 = arith.constant 9 : i32
      %broadcast_in_dim3A_3276 = vector.broadcast %broadcast_in_dim3A_3275 : i32 to vector<16xi32>
      %add3A_3277 = arith.addi %mul3A_3187, %broadcast_in_dim3A_3276 : vector<16xi32>
      %gather3A_3278 = tpu.vector_load_idx %arg12[%add3A_3277] : memref<272xf32, #tpu.memory_space<vmem>>[vector<16xi32>], vector<16xf32>,
      %add3A_3279 = arith.addf %add3A_3270, %gather3A_3278 : vector<16xf32>
      %gather3A_3280 = tpu.vector_load_idx %arg13[%add3A_3277] : memref<272xf32, #tpu.memory_space<vmem>>[vector<16xi32>], vector<16xf32>,
      %add3A_3281 = arith.addf %add3A_3272, %gather3A_3280 : vector<16xf32>
      %gather3A_3282 = tpu.vector_load_idx %arg14[%add3A_3277] : memref<272xf32, #tpu.memory_space<vmem>>[vector<16xi32>], vector<16xf32>,
      %add3A_3283 = arith.addf %add3A_3274, %gather3A_3282 : vector<16xf32>
      %broadcast_in_dim3A_3284 = arith.constant 10 : i32
      %broadcast_in_dim3A_3285 = vector.broadcast %broadcast_in_dim3A_3284 : i32 to vector<16xi32>
      %add3A_3286 = arith.addi %mul3A_3187, %broadcast_in_dim3A_3285 : vector<16xi32>
      %gather3A_3287 = tpu.vector_load_idx %arg12[%add3A_3286] : memref<272xf32, #tpu.memory_space<vmem>>[vector<16xi32>], vector<16xf32>,
      %add3A_3288 = arith.addf %add3A_3279, %gather3A_3287 : vector<16xf32>
      %gather3A_3289 = tpu.vector_load_idx %arg13[%add3A_3286] : memref<272xf32, #tpu.memory_space<vmem>>[vector<16xi32>], vector<16xf32>,
      %add3A_3290 = arith.addf %add3A_3281, %gather3A_3289 : vector<16xf32>
      %gather3A_3291 = tpu.vector_load_idx %arg14[%add3A_3286] : memref<272xf32, #tpu.memory_space<vmem>>[vector<16xi32>], vector<16xf32>,
      %add3A_3292 = arith.addf %add3A_3283, %gather3A_3291 : vector<16xf32>
      %broadcast_in_dim3A_3293 = arith.constant 11 : i32
      %broadcast_in_dim3A_3294 = vector.broadcast %broadcast_in_dim3A_3293 : i32 to vector<16xi32>
      %add3A_3295 = arith.addi %mul3A_3187, %broadcast_in_dim3A_3294 : vector<16xi32>
      %gather3A_3296 = tpu.vector_load_idx %arg12[%add3A_3295] : memref<272xf32, #tpu.memory_space<vmem>>[vector<16xi32>], vector<16xf32>,
      %add3A_3297 = arith.addf %add3A_3288, %gather3A_3296 : vector<16xf32>
      %gather3A_3298 = tpu.vector_load_idx %arg13[%add3A_3295] : memref<272xf32, #tpu.memory_space<vmem>>[vector<16xi32>], vector<16xf32>,
      %add3A_3299 = arith.addf %add3A_3290, %gather3A_3298 : vector<16xf32>
      %gather3A_3300 = tpu.vector_load_idx %arg14[%add3A_3295] : memref<272xf32, #tpu.memory_space<vmem>>[vector<16xi32>], vector<16xf32>,
      %add3A_3301 = arith.addf %add3A_3292, %gather3A_3300 : vector<16xf32>
      %broadcast_in_dim3A_3302 = arith.constant 12 : i32
      %broadcast_in_dim3A_3303 = vector.broadcast %broadcast_in_dim3A_3302 : i32 to vector<16xi32>
      %add3A_3304 = arith.addi %mul3A_3187, %broadcast_in_dim3A_3303 : vector<16xi32>
      %gather3A_3305 = tpu.vector_load_idx %arg12[%add3A_3304] : memref<272xf32, #tpu.memory_space<vmem>>[vector<16xi32>], vector<16xf32>,
      %add3A_3306 = arith.addf %add3A_3297, %gather3A_3305 : vector<16xf32>
      %gather3A_3307 = tpu.vector_load_idx %arg13[%add3A_3304] : memref<272xf32, #tpu.memory_space<vmem>>[vector<16xi32>], vector<16xf32>,
      %add3A_3308 = arith.addf %add3A_3299, %gather3A_3307 : vector<16xf32>
      %gather3A_3309 = tpu.vector_load_idx %arg14[%add3A_3304] : memref<272xf32, #tpu.memory_space<vmem>>[vector<16xi32>], vector<16xf32>,
      %add3A_3310 = arith.addf %add3A_3301, %gather3A_3309 : vector<16xf32>
      %broadcast_in_dim3A_3311 = arith.constant 13 : i32
      %broadcast_in_dim3A_3312 = vector.broadcast %broadcast_in_dim3A_3311 : i32 to vector<16xi32>
      %add3A_3313 = arith.addi %mul3A_3187, %broadcast_in_dim3A_3312 : vector<16xi32>
      %gather3A_3314 = tpu.vector_load_idx %arg12[%add3A_3313] : memref<272xf32, #tpu.memory_space<vmem>>[vector<16xi32>], vector<16xf32>,
      %add3A_3315 = arith.addf %add3A_3306, %gather3A_3314 : vector<16xf32>
      %gather3A_3316 = tpu.vector_load_idx %arg13[%add3A_3313] : memref<272xf32, #tpu.memory_space<vmem>>[vector<16xi32>], vector<16xf32>,
      %add3A_3317 = arith.addf %add3A_3308, %gather3A_3316 : vector<16xf32>
      %gather3A_3318 = tpu.vector_load_idx %arg14[%add3A_3313] : memref<272xf32, #tpu.memory_space<vmem>>[vector<16xi32>], vector<16xf32>,
      %add3A_3319 = arith.addf %add3A_3310, %gather3A_3318 : vector<16xf32>
      %broadcast_in_dim3A_3320 = arith.constant 14 : i32
      %broadcast_in_dim3A_3321 = vector.broadcast %broadcast_in_dim3A_3320 : i32 to vector<16xi32>
      %add3A_3322 = arith.addi %mul3A_3187, %broadcast_in_dim3A_3321 : vector<16xi32>
      %gather3A_3323 = tpu.vector_load_idx %arg12[%add3A_3322] : memref<272xf32, #tpu.memory_space<vmem>>[vector<16xi32>], vector<16xf32>,
      %add3A_3324 = arith.addf %add3A_3315, %gather3A_3323 : vector<16xf32>
      %gather3A_3325 = tpu.vector_load_idx %arg13[%add3A_3322] : memref<272xf32, #tpu.memory_space<vmem>>[vector<16xi32>], vector<16xf32>,
      %add3A_3326 = arith.addf %add3A_3317, %gather3A_3325 : vector<16xf32>
      %gather3A_3327 = tpu.vector_load_idx %arg14[%add3A_3322] : memref<272xf32, #tpu.memory_space<vmem>>[vector<16xi32>], vector<16xf32>,
      %add3A_3328 = arith.addf %add3A_3319, %gather3A_3327 : vector<16xf32>
      %broadcast_in_dim3A_3329 = arith.constant 15 : i32
      %broadcast_in_dim3A_3330 = vector.broadcast %broadcast_in_dim3A_3329 : i32 to vector<16xi32>
      %add3A_3331 = arith.addi %mul3A_3187, %broadcast_in_dim3A_3330 : vector<16xi32>
      %gather3A_3332 = tpu.vector_load_idx %arg12[%add3A_3331] : memref<272xf32, #tpu.memory_space<vmem>>[vector<16xi32>], vector<16xf32>,
      %add3A_3333 = arith.addf %add3A_3324, %gather3A_3332 : vector<16xf32>
      %gather3A_3334 = tpu.vector_load_idx %arg13[%add3A_3331] : memref<272xf32, #tpu.memory_space<vmem>>[vector<16xi32>], vector<16xf32>,
      %add3A_3335 = arith.addf %add3A_3326, %gather3A_3334 : vector<16xf32>
      %gather3A_3336 = tpu.vector_load_idx %arg14[%add3A_3331] : memref<272xf32, #tpu.memory_space<vmem>>[vector<16xi32>], vector<16xf32>,
      %add3A_3337 = arith.addf %add3A_3328, %gather3A_3336 : vector<16xf32>
      %mul3A_3338 = arith.mulf %add3A_3335, %add3A_3337 : vector<16xf32>
      %bitcast3A = vector.bitcast %mul3A_3338 : vector<16xf32> to vector<16xi32>
      %shift_right_arithmetic3A_3339 = arith.constant 1 : i32
      %shift_right_arithmetic3A_3340 = vector.broadcast %shift_right_arithmetic3A_3339 : i32 to vector<16xi32>
      %shift_right_arithmetic3A_3341 = arith.shrsi %bitcast3A, %shift_right_arithmetic3A_3340 : vector<16xi32>
      %sub3A = arith.constant 1597463007 : i32
      %sub3A_3342 = vector.broadcast %sub3A : i32 to vector<16xi32>
      %sub3A_3343 = arith.subi %sub3A_3342, %shift_right_arithmetic3A_3341 : vector<16xi32>
      %bitcast3A_3344 = vector.bitcast %sub3A_3343 : vector<16xi32> to vector<16xf32>
      %mul3A_3345 = arith.constant 5.000000e-01 : f32
      %mul3A_3346 = vector.broadcast %mul3A_3345 : f32 to vector<16xf32>
      %mul3A_3347 = arith.mulf %mul3A_3346, %mul3A_3338 : vector<16xf32>
      %mul3A_3348 = arith.mulf %mul3A_3347, %bitcast3A_3344 : vector<16xf32>
      %mul3A_3349 = arith.mulf %mul3A_3348, %bitcast3A_3344 : vector<16xf32>
      %sub3A_3350 = arith.constant 1.500000e+00 : f32
      %sub3A_3351 = vector.broadcast %sub3A_3350 : f32 to vector<16xf32>
      %sub3A_3352 = arith.subf %sub3A_3351, %mul3A_3349 : vector<16xf32>
      %mul3A_3353 = arith.mulf %bitcast3A_3344, %sub3A_3352 : vector<16xf32>
      %mul3A_3354 = arith.constant 5.000000e-01 : f32
      %mul3A_3355 = vector.broadcast %mul3A_3354 : f32 to vector<16xf32>
      %mul3A_3356 = arith.mulf %mul3A_3355, %mul3A_3338 : vector<16xf32>
      %mul3A_3357 = arith.mulf %mul3A_3356, %mul3A_3353 : vector<16xf32>
      %mul3A_3358 = arith.mulf %mul3A_3357, %mul3A_3353 : vector<16xf32>
      %sub3A_3359 = arith.constant 1.500000e+00 : f32
      %sub3A_3360 = vector.broadcast %sub3A_3359 : f32 to vector<16xf32>
      %sub3A_3361 = arith.subf %sub3A_3360, %mul3A_3358 : vector<16xf32>
      %mul3A_3362 = arith.mulf %mul3A_3353, %sub3A_3361 : vector<16xf32>
      %mul3A_3363 = arith.constant 5.000000e-01 : f32
      %mul3A_3364 = vector.broadcast %mul3A_3363 : f32 to vector<16xf32>
      %mul3A_3365 = arith.mulf %mul3A_3364, %mul3A_3338 : vector<16xf32>
      %mul3A_3366 = arith.mulf %mul3A_3365, %mul3A_3362 : vector<16xf32>
      %mul3A_3367 = arith.mulf %mul3A_3366, %mul3A_3362 : vector<16xf32>
      %sub3A_3368 = arith.constant 1.500000e+00 : f32
      %sub3A_3369 = vector.broadcast %sub3A_3368 : f32 to vector<16xf32>
      %sub3A_3370 = arith.subf %sub3A_3369, %mul3A_3367 : vector<16xf32>
      %mul3A_3371 = arith.mulf %mul3A_3362, %sub3A_3370 : vector<16xf32>
      %mul3A_3372 = arith.mulf %add3A_3333, %mul3A_3371 : vector<16xf32>
      %broadcast_in_dim3A_3373 = vector.broadcast %mul3A_292 : i32 to vector<16xi32>
      %add3A_3374 = arith.addi %broadcast_in_dim3A_3373, %iota3A : vector<16xi32>
      %shift_right_arithmetic3A_3375 = arith.constant 7 : i32
      %shift_right_arithmetic3A_3376 = vector.broadcast %shift_right_arithmetic3A_3375 : i32 to vector<16xi32>
      %shift_right_arithmetic3A_3377 = arith.shrsi %add3A_3374, %shift_right_arithmetic3A_3376 : vector<16xi32>
      %and3A_3378 = arith.constant 127 : i32
      %and3A_3379 = vector.broadcast %and3A_3378 : i32 to vector<16xi32>
      %and3A_3380 = arith.andi %add3A_3374, %and3A_3379 : vector<16xi32>
      tpu.vector_store_idx %arg11[%shift_right_arithmetic3A_3377, %and3A_3380], %mul3A_3372 : memref<4x128xf32, #tpu.memory_space<vmem>>[vector<16xi32>, vector<16xi32>], vector<16xf32>,
    }
    %scan3A_170 = arith.constant 32 : i32
    %dma_wait3A = arith.constant 0 : i32
    %dma_wait3A_171 = arith.constant 0 : i32
    %dma_wait3A_172 = arith.constant 0 : i32
    %dma_wait3A_173 = tpu.memref_slice %arg9[%dma_wait3A, %dma_wait3A_171, %dma_wait3A_172] : memref<4x64x128xf32, #tpu.memory_space<vmem>> -> memref<1x64x128xf32, #tpu.memory_space<vmem>>
    %dma_wait3A_174 = tpu.memref_squeeze %dma_wait3A_173 : memref<1x64x128xf32, #tpu.memory_space<vmem>> -> memref<64x128xf32, #tpu.memory_space<vmem>>
    %dma_wait3A_175 = arith.constant 0 : i32
    %dma_wait3A_176 = arith.constant 0 : i32
    %dma_wait3A_177 = tpu.memref_slice %arg2[%dma_wait3A_175, %dma_wait3A_176] : memref<64x1000000xf32, #tpu.memory_space<hbm>> -> memref<64x128xf32, #tpu.memory_space<hbm>>
    %dma_wait3A_178 = arith.constant 0 : i32
    %dma_wait3A_179 = arith.constant 0 : i32
    %dma_wait3A_180 = tpu.memref_slice %arg9[%dma_wait3A, %dma_wait3A_178, %dma_wait3A_179] : memref<4x64x128xf32, #tpu.memory_space<vmem>> -> memref<1x64x128xf32, #tpu.memory_space<vmem>>
    %dma_wait3A_181 = tpu.memref_squeeze %dma_wait3A_180 : memref<1x64x128xf32, #tpu.memory_space<vmem>> -> memref<64x128xf32, #tpu.memory_space<vmem>>
    %dma_wait3A_182 = arith.constant 0 : i32
    %dma_wait3A_183 = arith.constant 0 : i32
    %dma_wait3A_184 = tpu.memref_slice %arg2[%dma_wait3A_182, %dma_wait3A_183] : memref<64x1000000xf32, #tpu.memory_space<hbm>> -> memref<64x128xf32, #tpu.memory_space<hbm>>
    tpu.wait_dma2 semaphore(%arg15 : memref<!tpu.dma_semaphore, #tpu.memory_space<semaphore_mem>>) src(%dma_wait3A_184 : memref<64x128xf32, #tpu.memory_space<hbm>>) dst(%dma_wait3A_181 : memref<64x128xf32, #tpu.memory_space<vmem>>)
    %dma_wait3A_185 = arith.constant 0 : i32
    %dma_wait3A_186 = arith.constant 0 : i32
    %dma_wait3A_187 = arith.constant 0 : i32
    %dma_wait3A_188 = tpu.memref_slice %arg10[%dma_wait3A_185, %dma_wait3A_186, %dma_wait3A_187] : memref<4x64x128xf32, #tpu.memory_space<vmem>> -> memref<1x64x128xf32, #tpu.memory_space<vmem>>
    %dma_wait3A_189 = tpu.memref_squeeze %dma_wait3A_188 : memref<1x64x128xf32, #tpu.memory_space<vmem>> -> memref<64x128xf32, #tpu.memory_space<vmem>>
    %dma_wait3A_190 = arith.constant 0 : i32
    %dma_wait3A_191 = arith.constant 0 : i32
    %dma_wait3A_192 = tpu.memref_slice %arg3[%dma_wait3A_190, %dma_wait3A_191] : memref<64x1000000xf32, #tpu.memory_space<hbm>> -> memref<64x128xf32, #tpu.memory_space<hbm>>
    %dma_wait3A_193 = arith.constant 0 : i32
    %dma_wait3A_194 = arith.constant 0 : i32
    %dma_wait3A_195 = tpu.memref_slice %arg10[%dma_wait3A_185, %dma_wait3A_193, %dma_wait3A_194] : memref<4x64x128xf32, #tpu.memory_space<vmem>> -> memref<1x64x128xf32, #tpu.memory_space<vmem>>
    %dma_wait3A_196 = tpu.memref_squeeze %dma_wait3A_195 : memref<1x64x128xf32, #tpu.memory_space<vmem>> -> memref<64x128xf32, #tpu.memory_space<vmem>>
    %dma_wait3A_197 = arith.constant 0 : i32
    %dma_wait3A_198 = arith.constant 0 : i32
    %dma_wait3A_199 = tpu.memref_slice %arg3[%dma_wait3A_197, %dma_wait3A_198] : memref<64x1000000xf32, #tpu.memory_space<hbm>> -> memref<64x128xf32, #tpu.memory_space<hbm>>
    tpu.wait_dma2 semaphore(%arg15 : memref<!tpu.dma_semaphore, #tpu.memory_space<semaphore_mem>>) src(%dma_wait3A_199 : memref<64x128xf32, #tpu.memory_space<hbm>>) dst(%dma_wait3A_196 : memref<64x128xf32, #tpu.memory_space<vmem>>)
    %dma_wait3A_200 = arith.constant 0 : i32
    %dma_wait3A_201 = arith.constant 0 : i32
    %dma_wait3A_202 = arith.constant 0 : i32
    %dma_wait3A_203 = tpu.memref_slice %arg9[%dma_wait3A_200, %dma_wait3A_201, %dma_wait3A_202] : memref<4x64x128xf32, #tpu.memory_space<vmem>> -> memref<1x64x128xf32, #tpu.memory_space<vmem>>
    %dma_wait3A_204 = tpu.memref_squeeze %dma_wait3A_203 : memref<1x64x128xf32, #tpu.memory_space<vmem>> -> memref<64x128xf32, #tpu.memory_space<vmem>>
    %dma_wait3A_205 = arith.constant 0 : i32
    %dma_wait3A_206 = arith.constant 0 : i32
    %dma_wait3A_207 = tpu.memref_slice %arg2[%dma_wait3A_205, %dma_wait3A_206] : memref<64x1000000xf32, #tpu.memory_space<hbm>> -> memref<64x128xf32, #tpu.memory_space<hbm>>
    %dma_wait3A_208 = arith.constant 0 : i32
    %dma_wait3A_209 = arith.constant 0 : i32
    %dma_wait3A_210 = tpu.memref_slice %arg9[%dma_wait3A_200, %dma_wait3A_208, %dma_wait3A_209] : memref<4x64x128xf32, #tpu.memory_space<vmem>> -> memref<1x64x128xf32, #tpu.memory_space<vmem>>
    %dma_wait3A_211 = tpu.memref_squeeze %dma_wait3A_210 : memref<1x64x128xf32, #tpu.memory_space<vmem>> -> memref<64x128xf32, #tpu.memory_space<vmem>>
    %dma_wait3A_212 = arith.constant 0 : i32
    %dma_wait3A_213 = arith.constant 0 : i32
    %dma_wait3A_214 = tpu.memref_slice %arg2[%dma_wait3A_212, %dma_wait3A_213] : memref<64x1000000xf32, #tpu.memory_space<hbm>> -> memref<64x128xf32, #tpu.memory_space<hbm>>
    tpu.wait_dma2 semaphore(%arg15 : memref<!tpu.dma_semaphore, #tpu.memory_space<semaphore_mem>>) src(%dma_wait3A_214 : memref<64x128xf32, #tpu.memory_space<hbm>>) dst(%dma_wait3A_211 : memref<64x128xf32, #tpu.memory_space<vmem>>)
    %dma_wait3A_215 = arith.constant 0 : i32
    %dma_wait3A_216 = arith.constant 0 : i32
    %dma_wait3A_217 = arith.constant 0 : i32
    %dma_wait3A_218 = tpu.memref_slice %arg10[%dma_wait3A_215, %dma_wait3A_216, %dma_wait3A_217] : memref<4x64x128xf32, #tpu.memory_space<vmem>> -> memref<1x64x128xf32, #tpu.memory_space<vmem>>
    %dma_wait3A_219 = tpu.memref_squeeze %dma_wait3A_218 : memref<1x64x128xf32, #tpu.memory_space<vmem>> -> memref<64x128xf32, #tpu.memory_space<vmem>>
    %dma_wait3A_220 = arith.constant 0 : i32
    %dma_wait3A_221 = arith.constant 0 : i32
    %dma_wait3A_222 = tpu.memref_slice %arg3[%dma_wait3A_220, %dma_wait3A_221] : memref<64x1000000xf32, #tpu.memory_space<hbm>> -> memref<64x128xf32, #tpu.memory_space<hbm>>
    %dma_wait3A_223 = arith.constant 0 : i32
    %dma_wait3A_224 = arith.constant 0 : i32
    %dma_wait3A_225 = tpu.memref_slice %arg10[%dma_wait3A_215, %dma_wait3A_223, %dma_wait3A_224] : memref<4x64x128xf32, #tpu.memory_space<vmem>> -> memref<1x64x128xf32, #tpu.memory_space<vmem>>
    %dma_wait3A_226 = tpu.memref_squeeze %dma_wait3A_225 : memref<1x64x128xf32, #tpu.memory_space<vmem>> -> memref<64x128xf32, #tpu.memory_space<vmem>>
    %dma_wait3A_227 = arith.constant 0 : i32
    %dma_wait3A_228 = arith.constant 0 : i32
    %dma_wait3A_229 = tpu.memref_slice %arg3[%dma_wait3A_227, %dma_wait3A_228] : memref<64x1000000xf32, #tpu.memory_space<hbm>> -> memref<64x128xf32, #tpu.memory_space<hbm>>
    tpu.wait_dma2 semaphore(%arg15 : memref<!tpu.dma_semaphore, #tpu.memory_space<semaphore_mem>>) src(%dma_wait3A_229 : memref<64x128xf32, #tpu.memory_space<hbm>>) dst(%dma_wait3A_226 : memref<64x128xf32, #tpu.memory_space<vmem>>)
    %dma_wait3A_230 = arith.constant 0 : i32
    %dma_wait3A_231 = arith.constant 0 : i32
    %dma_wait3A_232 = arith.constant 0 : i32
    %dma_wait3A_233 = tpu.memref_slice %arg9[%dma_wait3A_230, %dma_wait3A_231, %dma_wait3A_232] : memref<4x64x128xf32, #tpu.memory_space<vmem>> -> memref<1x64x128xf32, #tpu.memory_space<vmem>>
    %dma_wait3A_234 = tpu.memref_squeeze %dma_wait3A_233 : memref<1x64x128xf32, #tpu.memory_space<vmem>> -> memref<64x128xf32, #tpu.memory_space<vmem>>
    %dma_wait3A_235 = arith.constant 0 : i32
    %dma_wait3A_236 = arith.constant 0 : i32
    %dma_wait3A_237 = tpu.memref_slice %arg2[%dma_wait3A_235, %dma_wait3A_236] : memref<64x1000000xf32, #tpu.memory_space<hbm>> -> memref<64x128xf32, #tpu.memory_space<hbm>>
    %dma_wait3A_238 = arith.constant 0 : i32
    %dma_wait3A_239 = arith.constant 0 : i32
    %dma_wait3A_240 = tpu.memref_slice %arg9[%dma_wait3A_230, %dma_wait3A_238, %dma_wait3A_239] : memref<4x64x128xf32, #tpu.memory_space<vmem>> -> memref<1x64x128xf32, #tpu.memory_space<vmem>>
    %dma_wait3A_241 = tpu.memref_squeeze %dma_wait3A_240 : memref<1x64x128xf32, #tpu.memory_space<vmem>> -> memref<64x128xf32, #tpu.memory_space<vmem>>
    %dma_wait3A_242 = arith.constant 0 : i32
    %dma_wait3A_243 = arith.constant 0 : i32
    %dma_wait3A_244 = tpu.memref_slice %arg2[%dma_wait3A_242, %dma_wait3A_243] : memref<64x1000000xf32, #tpu.memory_space<hbm>> -> memref<64x128xf32, #tpu.memory_space<hbm>>
    tpu.wait_dma2 semaphore(%arg15 : memref<!tpu.dma_semaphore, #tpu.memory_space<semaphore_mem>>) src(%dma_wait3A_244 : memref<64x128xf32, #tpu.memory_space<hbm>>) dst(%dma_wait3A_241 : memref<64x128xf32, #tpu.memory_space<vmem>>)
    %dma_wait3A_245 = arith.constant 0 : i32
    %dma_wait3A_246 = arith.constant 0 : i32
    %dma_wait3A_247 = arith.constant 0 : i32
    %dma_wait3A_248 = tpu.memref_slice %arg10[%dma_wait3A_245, %dma_wait3A_246, %dma_wait3A_247] : memref<4x64x128xf32, #tpu.memory_space<vmem>> -> memref<1x64x128xf32, #tpu.memory_space<vmem>>
    %dma_wait3A_249 = tpu.memref_squeeze %dma_wait3A_248 : memref<1x64x128xf32, #tpu.memory_space<vmem>> -> memref<64x128xf32, #tpu.memory_space<vmem>>
    %dma_wait3A_250 = arith.constant 0 : i32
    %dma_wait3A_251 = arith.constant 0 : i32
    %dma_wait3A_252 = tpu.memref_slice %arg3[%dma_wait3A_250, %dma_wait3A_251] : memref<64x1000000xf32, #tpu.memory_space<hbm>> -> memref<64x128xf32, #tpu.memory_space<hbm>>
    %dma_wait3A_253 = arith.constant 0 : i32
    %dma_wait3A_254 = arith.constant 0 : i32
    %dma_wait3A_255 = tpu.memref_slice %arg10[%dma_wait3A_245, %dma_wait3A_253, %dma_wait3A_254] : memref<4x64x128xf32, #tpu.memory_space<vmem>> -> memref<1x64x128xf32, #tpu.memory_space<vmem>>
    %dma_wait3A_256 = tpu.memref_squeeze %dma_wait3A_255 : memref<1x64x128xf32, #tpu.memory_space<vmem>> -> memref<64x128xf32, #tpu.memory_space<vmem>>
    %dma_wait3A_257 = arith.constant 0 : i32
    %dma_wait3A_258 = arith.constant 0 : i32
    %dma_wait3A_259 = tpu.memref_slice %arg3[%dma_wait3A_257, %dma_wait3A_258] : memref<64x1000000xf32, #tpu.memory_space<hbm>> -> memref<64x128xf32, #tpu.memory_space<hbm>>
    tpu.wait_dma2 semaphore(%arg15 : memref<!tpu.dma_semaphore, #tpu.memory_space<semaphore_mem>>) src(%dma_wait3A_259 : memref<64x128xf32, #tpu.memory_space<hbm>>) dst(%dma_wait3A_256 : memref<64x128xf32, #tpu.memory_space<vmem>>)
    %dma_wait3A_260 = arith.constant 0 : i32
    %dma_wait3A_261 = arith.constant 0 : i32
    %dma_wait3A_262 = arith.constant 0 : i32
    %dma_wait3A_263 = tpu.memref_slice %arg9[%dma_wait3A_260, %dma_wait3A_261, %dma_wait3A_262] : memref<4x64x128xf32, #tpu.memory_space<vmem>> -> memref<1x64x128xf32, #tpu.memory_space<vmem>>
    %dma_wait3A_264 = tpu.memref_squeeze %dma_wait3A_263 : memref<1x64x128xf32, #tpu.memory_space<vmem>> -> memref<64x128xf32, #tpu.memory_space<vmem>>
    %dma_wait3A_265 = arith.constant 0 : i32
    %dma_wait3A_266 = arith.constant 0 : i32
    %dma_wait3A_267 = tpu.memref_slice %arg2[%dma_wait3A_265, %dma_wait3A_266] : memref<64x1000000xf32, #tpu.memory_space<hbm>> -> memref<64x128xf32, #tpu.memory_space<hbm>>
    %dma_wait3A_268 = arith.constant 0 : i32
    %dma_wait3A_269 = arith.constant 0 : i32
    %dma_wait3A_270 = tpu.memref_slice %arg9[%dma_wait3A_260, %dma_wait3A_268, %dma_wait3A_269] : memref<4x64x128xf32, #tpu.memory_space<vmem>> -> memref<1x64x128xf32, #tpu.memory_space<vmem>>
    %dma_wait3A_271 = tpu.memref_squeeze %dma_wait3A_270 : memref<1x64x128xf32, #tpu.memory_space<vmem>> -> memref<64x128xf32, #tpu.memory_space<vmem>>
    %dma_wait3A_272 = arith.constant 0 : i32
    %dma_wait3A_273 = arith.constant 0 : i32
    %dma_wait3A_274 = tpu.memref_slice %arg2[%dma_wait3A_272, %dma_wait3A_273] : memref<64x1000000xf32, #tpu.memory_space<hbm>> -> memref<64x128xf32, #tpu.memory_space<hbm>>
    tpu.wait_dma2 semaphore(%arg15 : memref<!tpu.dma_semaphore, #tpu.memory_space<semaphore_mem>>) src(%dma_wait3A_274 : memref<64x128xf32, #tpu.memory_space<hbm>>) dst(%dma_wait3A_271 : memref<64x128xf32, #tpu.memory_space<vmem>>)
    %dma_wait3A_275 = arith.constant 0 : i32
    %dma_wait3A_276 = arith.constant 0 : i32
    %dma_wait3A_277 = arith.constant 0 : i32
    %dma_wait3A_278 = tpu.memref_slice %arg10[%dma_wait3A_275, %dma_wait3A_276, %dma_wait3A_277] : memref<4x64x128xf32, #tpu.memory_space<vmem>> -> memref<1x64x128xf32, #tpu.memory_space<vmem>>
    %dma_wait3A_279 = tpu.memref_squeeze %dma_wait3A_278 : memref<1x64x128xf32, #tpu.memory_space<vmem>> -> memref<64x128xf32, #tpu.memory_space<vmem>>
    %dma_wait3A_280 = arith.constant 0 : i32
    %dma_wait3A_281 = arith.constant 0 : i32
    %dma_wait3A_282 = tpu.memref_slice %arg3[%dma_wait3A_280, %dma_wait3A_281] : memref<64x1000000xf32, #tpu.memory_space<hbm>> -> memref<64x128xf32, #tpu.memory_space<hbm>>
    %dma_wait3A_283 = arith.constant 0 : i32
    %dma_wait3A_284 = arith.constant 0 : i32
    %dma_wait3A_285 = tpu.memref_slice %arg10[%dma_wait3A_275, %dma_wait3A_283, %dma_wait3A_284] : memref<4x64x128xf32, #tpu.memory_space<vmem>> -> memref<1x64x128xf32, #tpu.memory_space<vmem>>
    %dma_wait3A_286 = tpu.memref_squeeze %dma_wait3A_285 : memref<1x64x128xf32, #tpu.memory_space<vmem>> -> memref<64x128xf32, #tpu.memory_space<vmem>>
    %dma_wait3A_287 = arith.constant 0 : i32
    %dma_wait3A_288 = arith.constant 0 : i32
    %dma_wait3A_289 = tpu.memref_slice %arg3[%dma_wait3A_287, %dma_wait3A_288] : memref<64x1000000xf32, #tpu.memory_space<hbm>> -> memref<64x128xf32, #tpu.memory_space<hbm>>
    tpu.wait_dma2 semaphore(%arg15 : memref<!tpu.dma_semaphore, #tpu.memory_space<semaphore_mem>>) src(%dma_wait3A_289 : memref<64x128xf32, #tpu.memory_space<hbm>>) dst(%dma_wait3A_286 : memref<64x128xf32, #tpu.memory_space<vmem>>)
    "tpu.region"() ({
      %run_scoped3A = tpu.sem_alloc : memref<!tpu.dma_semaphore, #tpu.memory_space<semaphore_mem>>
      %dma_start3A_290 = arith.constant 0 : i32
      %dma_start3A_291 = arith.constant 0 : i32
      %dma_start3A_292 = tpu.memref_slice %arg6[%add3A, %dma_start3A_290, %dma_start3A_291] : memref<32x4x128xf32, #tpu.memory_space<hbm>> -> memref<1x4x128xf32, #tpu.memory_space<hbm>>
      %dma_start3A_293 = tpu.memref_squeeze %dma_start3A_292 : memref<1x4x128xf32, #tpu.memory_space<hbm>> -> memref<4x128xf32, #tpu.memory_space<hbm>>
      %dma_start3A_294 = arith.constant 0 : i32
      %dma_start3A_295 = arith.constant 0 : i32
      %dma_start3A_296 = tpu.memref_slice %arg6[%add3A, %dma_start3A_294, %dma_start3A_295] : memref<32x4x128xf32, #tpu.memory_space<hbm>> -> memref<1x4x128xf32, #tpu.memory_space<hbm>>
      %dma_start3A_297 = tpu.memref_squeeze %dma_start3A_296 : memref<1x4x128xf32, #tpu.memory_space<hbm>> -> memref<4x128xf32, #tpu.memory_space<hbm>>
      tpu.enqueue_dma source(%arg11 : memref<4x128xf32, #tpu.memory_space<vmem>>) target(%dma_start3A_297 : memref<4x128xf32, #tpu.memory_space<hbm>>) target_semaphore(%run_scoped3A : memref<!tpu.dma_semaphore, #tpu.memory_space<semaphore_mem>>)
      %dma_wait3A_298 = arith.constant 0 : i32
      %dma_wait3A_299 = arith.constant 0 : i32
      %dma_wait3A_300 = tpu.memref_slice %arg6[%add3A, %dma_wait3A_298, %dma_wait3A_299] : memref<32x4x128xf32, #tpu.memory_space<hbm>> -> memref<1x4x128xf32, #tpu.memory_space<hbm>>
      %dma_wait3A_301 = tpu.memref_squeeze %dma_wait3A_300 : memref<1x4x128xf32, #tpu.memory_space<hbm>> -> memref<4x128xf32, #tpu.memory_space<hbm>>
      %dma_wait3A_302 = arith.constant 0 : i32
      %dma_wait3A_303 = arith.constant 0 : i32
      %dma_wait3A_304 = tpu.memref_slice %arg6[%add3A, %dma_wait3A_302, %dma_wait3A_303] : memref<32x4x128xf32, #tpu.memory_space<hbm>> -> memref<1x4x128xf32, #tpu.memory_space<hbm>>
      %dma_wait3A_305 = tpu.memref_squeeze %dma_wait3A_304 : memref<1x4x128xf32, #tpu.memory_space<hbm>> -> memref<4x128xf32, #tpu.memory_space<hbm>>
      tpu.wait_dma2 semaphore(%run_scoped3A : memref<!tpu.dma_semaphore, #tpu.memory_space<semaphore_mem>>) src(%arg11 : memref<4x128xf32, #tpu.memory_space<vmem>>) dst(%dma_wait3A_305 : memref<4x128xf32, #tpu.memory_space<hbm>>)
      tpu.yield
    }) : () -> ()
    return
  }
}

</mosaic_0001>

<sc_bundles>
// kernel: kernel.3.cloned.1.call-start
scs
__scs_entry_jumppad:
0x0: {  	(pc) =	sbr.rel $0x88, $3  }
0x1: {  	(tag) =	ssettag $0x0;
	lr =	simm.s32 $0x1  }
0x2: {  	[smem:$0x3F9D] =	sst lr;
	_ =	strace $0xD0000000  }
0x3: {  	_ = 	snop  }
0x4: {  	_ = 	snop  }
0x5: {  	_ = 	snop  }
0x6: {  	_ = 	snop  }
0x7: {  	_ = 	snop  }
__scs_overlays_trampoline_lowered:
0x8: {  	[smem:$0x3FAC] =	sst s0  }
0x9: {  	[smem:$0x3FAD] =	sst s1  }
0xa: {  	[smem:$0x3FAE] =	sst s2  }
0xb: {  	[smem:$0x3FAF] =	sst s3  }
0xc: {  	[smem:$0x3FB0] =	sst s4  }
0xd: {  	[smem:$0x3FB1] =	sst s5  }
0xe: {  	[smem:$0x3FB2] =	sst s6  }
0xf: {  	[smem:$0x3FB3] =	sst s7  }
0x10: {  	[smem:$0x3FB4] =	sst s8  }
0x11: {  	[smem:$0x3FB5] =	sst s9;
	s0 =	simm.s32 @!p0 $0x0  }
0x12: {  	s1 =	sld [smem:$0x3F9B];
	s0 =	simm.s32 @p0 $0x1  }
0x13: {  	[smem:$0x3FB6] =	sst s0;
	s0 =	simm.s32 @!p1 $0x0  }
0x14: {  	s2 =	sld [smem:$0x3F9A];
	s0 =	simm.s32 @p1 $0x1  }
0x15: {  	[smem:$0x3FB7] =	sst s0;
	s0 =	simm.s32 @!p2 $0x0  }
0x16: {  	s3 =	sld [smem:$0x3FDB];
	s0 =	simm.s32 @p2 $0x1  }
0x17: {  	s4 =	simm.s32 $0x1BF5;
	[smem:$0x3FB9] =	sst s0  }
0x18: {  	s0 =	sld [smem:$0x3F9C];
	_ =	swait.ge [sflag:s4], $0x0  }
0x19: {  	s7 =	sld [smem:$0x3F9D]  }
0x1a: {  	s8 =	sadd.s32 $0xFFFFE003, lr  }
0x1b: {  	s9 =	sadd.s32 $0xFFFFFEF7, lr;
	s5 =	simm.s32 $0xFFFFFFFF;
	p2 =	slt.u32 s8, $0xFFFFF086  }
0x1c: {  	p1 =	slt.u32 s9, $0xF7A;
	s5 =	simm.s32 @!p2 $0x0  }
0x1d: {  	s5 =	simm.s32 @p1 $0x1;
	p0 =	seq.s32 s7, s2  }
0x1e: {  	s7 =	smul.u32 @!p0 $0xF7A, s2;
	p2 =	seq.s32 @!p0 s5, $0x0  }
0x1f: {  	s9 =	smul.u32 $0xF7A, s1;
	s8 =	simm.s32 @!p0 $0x1BF5;
	p2 =	por !p2, p0  }
0x20: {  	[sflag:s8] =	ssyncset.s32 @!p0 $0xFFFFF086;
	s6 =	sadd.s32 @!p0 s3, s7;
	s7 =	simm.s32 @!p0 $0x108  }
0x21: {  	s3 =	sadd.s32 s3, s9;
	s6 =	sadd.s32 @!p0 $0x88, s6;
	s7 =	simm.s32 @p2 $0x1082  }
0x22: {  	[simem:s7], [sflag:s8] =	dma.local @!p0 [hbm:s6], $0xF7A  }
0x23: {  	s9 =	sor.u32 $0xD0000000, s2;
	s6 =	simm.s32 $0x108;
	_ =	swait.ge @!p0 [sflag:s8], $0x0  }
0x24: {  	s3 =	sadd.s32 $0x88, s3;
	s6 =	simm.s32 @!p1 $0x1082;
	[sflag:s4] =	ssyncset.s32 $0xFFFFF086  }
0x25: {  	[simem:s6], [sflag:s4] =	dma.local [hbm:s3], $0xF7A  }
0x26: {  	[smem:$0x3F9D] =	sst s1;
	(tag) =	ssettag s2;
	_ =	strace s9  }
0x27: {  	s1 =	sld [smem:$0x3FAD]  }
0x28: {  	s2 =	sld [smem:$0x3FAE]  }
0x29: {  	s4 =	sld [smem:$0x3FB0]  }
0x2a: {  	p0 =	seq.s32 s5, $0x0;
	s5 =	sld [smem:$0x3FB1]  }
0x2b: {  	s6 =	sld [smem:$0x3FB2]  }
0x2c: {  	s7 =	sld [smem:$0x3FB3]  }
0x2d: {  	s3 =	simm.s32 $0x108;
	s8 =	sld [smem:$0x3FB4]  }
0x2e: {  	s3 =	simm.s32 @!p0 $0x1082;
	s9 =	sld [smem:$0x3FB5]  }
0x2f: {  	lr =	sadd.s32 s0, s3;
	s0 =	sld [smem:$0x3FAC]  }
0x30: {  	s3 =	sld [smem:$0x3FAF]  }
0x31: {  	[smem:$0x3FB8] =	sst s10  }
0x32: {  	s10 =	sld [smem:$0x3FB6];
	_ =	sdelay $0x3  }
0x33: {  	p0 =	seq.s32 s10, $0x1;
	s10 =	sld [smem:$0x3FB8];
	_ =	sdelay $0x3  }
0x34: {  	[smem:$0x3FB8] =	sst s10  }
0x35: {  	s10 =	sld [smem:$0x3FB7];
	_ =	sdelay $0x3  }
0x36: {  	p1 =	seq.s32 s10, $0x1;
	s10 =	sld [smem:$0x3FB8];
	_ =	sdelay $0x3  }
0x37: {  	[smem:$0x3FB8] =	sst s10  }
0x38: {  	s10 =	sld [smem:$0x3FB9]  }
0x39: {  	_ = 	snop;
	(pc) =	sbr.ind lr, $3  }
0x3a: {  	_ = 	snop  }
0x3b: {  	_ = 	snop  }
0x3c: {  	p2 =	seq.s32 s10, $0x1;
	s10 =	sld [smem:$0x3FB8]  }
0x3d: {  	_ =	shalt  }
0x3e: {  	_ =	shalt  }
0x3f: {  	_ =	shalt  }
0x40: {  	_ =	shalt  }
0x41: {  	_ =	shalt  }
0x42: {  	_ =	shalt  }
0x43: {  	_ =	shalt  }
0x44: {  	_ =	shalt  }
0x45: {  	_ =	shalt  }
0x46: {  	_ =	shalt  }
0x47: {  	_ =	shalt  }
0x48: {  	_ =	shalt  }
0x49: {  	_ =	shalt  }
0x4a: {  	_ =	shalt  }
0x4b: {  	_ =	shalt  }
0x4c: {  	_ =	shalt  }
0x4d: {  	_ =	shalt  }
0x4e: {  	_ =	shalt  }
0x4f: {  	_ =	shalt  }
0x50: {  	_ =	shalt  }
0x51: {  	_ =	shalt  }
0x52: {  	_ =	shalt  }
0x53: {  	_ =	shalt  }
0x54: {  	_ =	shalt  }
0x55: {  	_ =	shalt  }
0x56: {  	_ =	shalt  }
0x57: {  	_ =	shalt  }
0x58: {  	_ =	shalt  }
0x59: {  	_ =	shalt  }
0x5a: {  	_ =	shalt  }
0x5b: {  	_ =	shalt  }
0x5c: {  	_ =	shalt  }
0x5d: {  	_ =	shalt  }
0x5e: {  	_ =	shalt  }
0x5f: {  	_ =	shalt  }
0x60: {  	_ =	shalt  }
0x61: {  	_ =	shalt  }
0x62: {  	_ =	shalt  }
0x63: {  	_ =	shalt  }
0x64: {  	_ =	shalt  }
0x65: {  	_ =	shalt  }
0x66: {  	_ =	shalt  }
0x67: {  	_ =	shalt  }
0x68: {  	_ =	shalt  }
0x69: {  	_ =	shalt  }
0x6a: {  	_ =	shalt  }
0x6b: {  	_ =	shalt  }
0x6c: {  	_ =	shalt  }
0x6d: {  	_ =	shalt  }
0x6e: {  	_ =	shalt  }
0x6f: {  	_ =	shalt  }
0x70: {  	_ =	shalt  }
0x71: {  	_ =	shalt  }
0x72: {  	_ =	shalt  }
0x73: {  	_ =	shalt  }
0x74: {  	_ =	shalt  }
0x75: {  	_ =	shalt  }
0x76: {  	_ =	shalt  }
0x77: {  	_ =	shalt  }
0x78: {  	_ =	shalt  }
0x79: {  	_ =	shalt  }
0x7a: {  	_ =	shalt  }
0x7b: {  	_ =	shalt  }
0x7c: {  	_ =	shalt  }
0x7d: {  	_ =	shalt  }
0x7e: {  	_ =	shalt  }
0x7f: {  	_ =	shalt  }
0x80: {  	_ =	shalt  }
0x81: {  	_ =	shalt  }
0x82: {  	_ =	shalt  }
0x83: {  	_ =	shalt  }
0x84: {  	_ =	shalt  }
0x85: {  	_ =	shalt  }
0x86: {  	_ =	shalt  }
0x87: {  	_ =	shalt  }
.Lfunc_end0:
.L_simem_size_0:
called_computation_lowered:
.L_overlay_start_0:
0x88: {  	s2 =	sld [smem:$0x3FD9]  }
0x89: {  	s3 =	sld [smem:$0x3FFE];
	_ =	sdelay $0x1  }
0x8a: {  	s1 =	srdreg.scid  }
0x8b: {  	s0 =	sand.u32 $0x1, s1  }
0x8c: {  	s18 =	sshll.u32 s0, $0xA;
	s2 =	sadd.s32 s3, s2  }
0x8d: {  	s2 =	sadd.s32 s2, s18  }
0x8e: {  	[smem:$0x3FC4] =	sst s2  }
0x8f: {  	_ = 	snop  }
0x90: {  	s2 =	sld [smem:$0x3FC9]  }
0x91: {  	s19 =	sld [smem:$0x3FC8]  }
0x92: {  	s4 =	sld [smem:$0x3FC7]  }
0x93: {  	s5 =	sld [smem:$0x3FC6]  }
0x94: {  	s6 =	sld [smem:$0x3FD0];
	(tm) =	ssettm $0x1  }
0x95: {  	s7 =	sld [smem:$0x3FFB];
	_ =	sdelay $0x3  }
0x96: {  	_ =	strace s7  }
0x97: {  	s7 =	sld [smem:$0x3FFC];
	_ =	sdelay $0x3  }
0x98: {  	_ =	strace s7  }
0x99: {  	s7 =	sld [smem:$0x3FFD];
	_ =	sdelay $0x3  }
0x9a: {  	_ =	strace s7  }
0x9b: {  	_ =	strace $0x8FFFFFFF  }
0x9c: {  	s20 =	sld [smem:$0x3FDB];
	_ =	sdelay $0x1  }
0x9d: {  	s8 =	simm.s32 $_scs_section_size  }
0x9e: {  	s9 =	simm.s32 $_size__tile_overlayer_lowered;
	s10 =	simm.s32 $_tile_overlayer_lowered  }
0x9f: {  	s23 =	simm.s32 $0x1BFF;
	s22 =	sshll.u32 s10, $0x1;
	s7 =	sadd.s32 s8, s20  }
0xa0: {  	s11 =	simm.s32 $0x0;
	s21 =	sshll.u32 s9, $0x1;
	s9 =	sadd.s32 s22, s7  }
0xa1: {  	[timem:s11], [sflag:s23] =	dma.local [hbm:s9], s21  }
0xa2: {  	_ =	swait.ge [sflag:s23], s21  }
0xa3: {  	s8 =	ssub.s32 $0x0, s21;
	[sflag:s23] =	ssyncset.done $0x0  }
0xa4: {  	[sflag:s23] =	ssyncadd.s32 s8;
	_ =	sdelay $0x1  }
0xa5: {  	s24 =	simm.s32 $0x1B8B  }
0xa6: {  	_ =	swait.ge [sflag:s24], $0x1  }
0xa7: {  	[sflag:s24] =	ssyncset.done $0x0  }
0xa8: {  	s25 =	simm.s32 $0x1B8E;
	[sflag:s24] =	ssyncadd.s32 $0xFFFFFFFF  }
0xa9: {  	s26 =	simm.s32 $execute0_lowered;
	[smem:$0x3FD2] =	sst s25  }
0xaa: {  	s8 =	sshll.u32 s26, $0x1;
	_ =	strace $0x80000046;
	[dreg:$0x1] =	wrdreg $0xFFFFFFFF  }
0xab: {  	s28 =	simm.s32 $_size_execute0_lowered;
	s7 =	sadd.s32 s7, s8;
	[dreg:$0x0] =	wrdreg $0x0  }
0xac: {  	s8 =	sshll.u32 s28, $0x1;
	[dreg:$0x2] =	wrdreg s7  }
0xad: {  	[dreg:$0x3] =	wrdreg s8  }
0xae: {  	[dreg:$0x4] =	wrdreg $0xC0  }
0xaf: {  	_ =	task [dreg:s11], $0x5FFFF  }
0xb0: {  	[dreg:$0x1] =	wrdreg $0xFFFFFFFF  }
0xb1: {  	[dreg:$0x0] =	wrdreg $0x60  }
0xb2: {  	[dreg:$0x2] =	wrdreg s4  }
0xb3: {  	[dreg:$0x3] =	wrdreg s5  }
0xb4: {  	[dreg:$0x4] =	wrdreg s2  }
0xb5: {  	[dreg:$0x5] =	wrdreg s19  }
0xb6: {  	[dreg:$0x6] =	wrdreg s6  }
0xb7: {  	[dreg:$0x7] =	wrdreg $0x9  }
0xb8: {  	_ =	task.clear_ibuf [dreg:s11], $0x8FFFF;
	_ =	strace $0x90000046  }
0xb9: {  	s29 =	simm.s32 $0x9;
	_ =	strace $0x80000048  }
0xba: {  	_ =	swait.ge [sflag:s29], $0x1  }
0xbb: {  	[sflag:s29] =	ssyncadd.s32 $0xFFFFFFFF  }
0xbc: {  	_ =	strace $0x90000048  }
0xbd: {  	_ =	sfence  }
0xbe: {  	s30 =	sld [smem:$0x0];
	_ =	sdelay $0x2  }
0xbf: {  	s31 =	sshll.u32 s1, $0xD;
	s1 =	sshrl.u32 s1, $0x2  }
0xc0: {  	s3 =	sand.u32 $0x4000, s31;
	s1 =	sadd.s32 s1, s30  }
0xc1: {  	s0 =	sor.u32 s3, s0;
	s1 =	sshll.u32 s1, $0x11  }
0xc2: {  	s0 =	sor.u32 s1, s0  }
0xc3: {  	s0 =	sadd.s32 $0x8F2B, s0  }
0xc4: {  	[sflag:s0] =	ssyncadd.remote.s32 $0x1  }
0xc5: {  	_ =	sfence.sel $0xFFFF  }
0xc6: {  	[dreg:$0x0] =	wrdreg $0xFFFFFFFF;
	(pc) =	sbr.abs _section_cstart, $3  }
0xc7: {  	[dreg:$0x1] =	wrdreg $0xFFFFFFFF  }
0xc8: {  	_ =	task.clear_ibuf [dreg:s11], $0x2FFFF;
	_ =	strace $0x9FFFFFFF  }
0xc9: {  	(tm) =	ssettm $0x7FFFFFFF  }
tec
execute0_lowered:
.L_overlay_start_1:
0x0: {  	(tag) =	ssettag $0x1  }
0x1: {  	s0 =	rddreg [dreg:$0x0]  }
0x2: {  	s1 =	rddreg [dreg:$0x1]  }
0x3: {  	s2 =	rddreg [dreg:$0x2]  }
0x4: {  	s4 =	rddreg [dreg:$0x3]  }
0x5: {  	v0 =	vlaneseq.u32;
	s5 =	rddreg [dreg:$0x4];
	s6 =	srdreg.scid  }
0x6: {  	s3 =	simm.s32 $0x0;
	s9 =	stileid.u32;
	s11 =	simm.s32 $0x7A1400;
	v1 =	vmul.u32 $0x80, v0;
	v5 =	vadd.s32 $0x11, v0  }
0x7: {  	s10 =	simm.s32 $0x200;
	s12 =	simm.s32 $0x400;
	s13 =	simm.s32 $0x8400;
	v6 =	vadd.s32 $0x22, v0;
	v7 =	vadd.s32 $0x33, v0;
	v8 =	vadd.s32 $0x44, v0  }
0x8: {  	s14 =	simm.s32 $0x2400;
	s15 =	simm.s32 $0xA400;
	s16 =	simm.s32 $0x4400;
	v9 =	vadd.s32 $0x55, v0;
	v10 =	vadd.s32 $0x66, v0;
	v11 =	vadd.s32 $0x77, v0  }
0x9: {  	s17 =	simm.s32 $0xC400;
	s18 =	simm.s32 $0x6400;
	s19 =	simm.s32 $0xE400;
	v12 =	vadd.s32 $0x88, v0;
	v13 =	vadd.s32 $0x99, v0;
	v14 =	vadd.s32 $0xAA, v0  }
0xa: {  	s20 =	simm.s32 $0x1;
	s21 =	simm.s32 $0x10600;
	s6 =	sand.u32 $0x1, s6;
	v15 =	vadd.s32 $0xBB, v0;
	v16 =	vadd.s32 $0xCC, v0;
	v17 =	vmul.u32 $0x11, v0  }
0xb: {  	s9 =	sshll.u32 s9, $0x7;
	v18 =	vadd.s32 $0xDD, v0;
	v19 =	vadd.s32 $0xEE, v0;
	v20 =	vadd.s32 $0xFF, v0;
	s7 =	ssub.s32 $0x2, s6;
	s6 =	sshll.u32 s6, $0x6  }
0xc: {  	s22 =	simm.s32 $0x10780;
	[smem:$0x7FF] =	sst s3;
	v2 =	vor.u32 $0x800, v1;
	v3 =	vor.u32 $0x1000, v1;
	v4 =	vor.u32 $0x1800, v1;
	s6 =	sor.u32 s6, s9  }
0xd: {  	s23 =	simm.s32 $0x10900;
	_ =	strace $0x80000047;
	v21 =	vadd.s32 $0x1, v17;
	v22 =	vadd.s32 $0x2, v17;
	v23 =	vadd.s32 $0x3, v17;
	s2 =	sadd.s32 s2, s6  }
0xe: {  	s8 =	sshrl.u32 s7, $0x1;
	v24 =	vadd.s32 $0x4, v17;
	v25 =	vadd.s32 $0x5, v17;
	v26 =	vadd.s32 $0x6, v17;
	s29 =	sadd.s32 s4, s6;
	[dreg:$0x6] =	wrdreg s2  }
0xf: {  	v27 =	vadd.s32 $0x7, v17;
	v28 =	vadd.s32 $0x8, v17;
	v29 =	vadd.s32 $0x9, v17;
	s7 =	ssub.s32 s7, s8;
	s30 =	sadd.s32 s5, s6;
	[dreg:$0x7] =	wrdreg s29  }
0x10: {  	s24 =	simm.s32 $0x10400;
	v30 =	vadd.s32 $0xA, v17;
	v31 =	vadd.s32 $0xB, v17;
	v32 =	vadd.s32 $0xC, v17;
	[dreg:$0x8] =	wrdreg s30;
	s31 =	smax.u32 s7, $0x1  }
0x11: {  	s25 =	simm.s32 $0x0;
	s9 =	simm.s32 $0x2;
	v33 =	vadd.s32 $0xD, v17;
	v34 =	vadd.s32 $0xE, v17;
	v35 =	vadd.s32 $0xF, v17;
	[dreg:$0x9] =	wrdreg s31  }
.LBB2_1:
0x12: {  	s2 =	rddreg [dreg:$0x6]  }
0x13: {  	[tilespmem:s3], [sflag:$0x2] =	stream.linear.gather [hbm4b:s2+s3], $0x200, $0x38;
	[tilespmem:$0x10A80] =	vst v63  }
0x14: {  	_ =	swait.ge [sflag:s9], $0x200  }
0x15: {  	[sflag:s9] =	ssyncset.done $0x0  }
0x16: {  	s5 =	rddreg [dreg:$0x7];
	[sflag:s9] =	ssyncadd.s32 $0xFFFFFE00  }
0x17: {  	[tilespmem:s10], [sflag:$0x2] =	stream.linear.gather [hbm4b:s5+s3], $0x200, $0x38;
	[tilespmem:$0x10A80] =	vst v63  }
0x18: {  	_ =	swait.ge [sflag:s9], $0x200  }
0x19: {  	[sflag:s9] =	ssyncset.done $0x0  }
0x1a: {  	[sflag:s9] =	ssyncadd.s32 $0xFFFFFE00  }
0x1b: {  	v36 =	vld.idx.msk [tilespmem:v0+s3+$0x0], $0xffff;
	_ =	sdelay $0x1  }
0x1c: {  	v37 =	vld.idx.msk [tilespmem:v0+s10+$0x0], $0xffff;
	_ =	sdelay $0x2  }
0x1d: {  	(v2sf) =	vpush v36, $0x0;
	_ =	sdelay $0x1  }
0x1e: {  	(v2sf) =	vpush v37, $0x0;
	_ =	sdelay $0x1  }
0x1f: {  	(v2sf) =	vpush v36, $0x1;
	_ =	sdelay $0x2  }
0x20: {  	(v2sf) =	vpush v37, $0x1;
	_ =	sdelay $0x7  }
0x21: {  	s6 =	spop (v2sf);
	(v2sf) =	vpush v36, $0x2;
	_ =	sdelay $0x1  }
0x22: {  	s7 =	spop (v2sf);
	(v2sf) =	vpush v37, $0x2  }
0x23: {  	s2 =	sand.u32 $0xFFFFF80, s6  }
0x24: {  	s2 =	sadd.s32 s0, s2;
	s8 =	spop (v2sf)  }
0x25: {  	(v2sf) =	vpush v36, $0x3;
	[tilespmem:s12], [sflag:$0x1] =	stream.strided.gather [hbm4b:s2+s12], $0x2000, s11, s12, $0x38;
	[tilespmem:$0x10A80] =	vst v63  }
0x26: {  	s2 =	sand.u32 $0xFFFFF80, s7  }
0x27: {  	s26 =	spop (v2sf);
	s2 =	sadd.s32 s1, s2  }
0x28: {  	(v2sf) =	vpush v37, $0x3;
	[tilespmem:s13], [sflag:$0x1] =	stream.strided.gather [hbm4b:s2+s12], $0x2000, s11, s12, $0x38;
	[tilespmem:$0x10A80] =	vst v63  }
0x29: {  	s2 =	sand.u32 $0xFFFFF80, s8  }
0x2a: {  	s2 =	sadd.s32 s0, s2  }
0x2b: {  	[tilespmem:s14], [sflag:$0x1] =	stream.strided.gather [hbm4b:s2+s12], $0x2000, s11, s12, $0x38;
	[tilespmem:$0x10A80] =	vst v63  }
0x2c: {  	s2 =	sand.u32 $0xFFFFF80, s26  }
0x2d: {  	s2 =	sadd.s32 s1, s2  }
0x2e: {  	[tilespmem:s15], [sflag:$0x1] =	stream.strided.gather [hbm4b:s2+s12], $0x2000, s11, s12, $0x38;
	[tilespmem:$0x10A80] =	vst v63  }
0x2f: {  	s28 =	spop (v2sf)  }
0x30: {  	s2 =	sand.u32 $0xFFFFF80, s28  }
0x31: {  	s29 =	spop (v2sf);
	s2 =	sadd.s32 s0, s2  }
0x32: {  	[tilespmem:s16], [sflag:$0x1] =	stream.strided.gather [hbm4b:s2+s12], $0x2000, s11, s12, $0x38;
	[tilespmem:$0x10A80] =	vst v63  }
0x33: {  	s2 =	sand.u32 $0xFFFFF80, s29  }
0x34: {  	s30 =	spop (v2sf);
	s2 =	sadd.s32 s1, s2  }
0x35: {  	[tilespmem:s17], [sflag:$0x1] =	stream.strided.gather [hbm4b:s2+s12], $0x2000, s11, s12, $0x38;
	[tilespmem:$0x10A80] =	vst v63  }
0x36: {  	s2 =	sand.u32 $0xFFFFF80, s30  }
0x37: {  	s31 =	spop (v2sf);
	s2 =	sadd.s32 s0, s2  }
0x38: {  	[tilespmem:s18], [sflag:$0x1] =	stream.strided.gather [hbm4b:s2+s12], $0x2000, s11, s12, $0x38;
	[tilespmem:$0x10A80] =	vst v63  }
0x39: {  	s2 =	sand.u32 $0xFFFFF80, s31  }
0x3a: {  	s26 =	simm.s32 $0x0;
	s2 =	sadd.s32 s1, s2  }
0x3b: {  	[tilespmem:s19], [sflag:$0x1] =	stream.strided.gather [hbm4b:s2+s12], $0x2000, s11, s12, $0x38;
	[tilespmem:$0x10A80] =	vst v63  }
.LBB2_2:
0x3c: {  	v36 =	vor.u32 s26, v0;
	s28 =	sadd.s32 $0x10, s26  }
0x3d: {  	v37 =	vor.u32 s28, v0  }
0x3e: {  	v37 =	vand.u32 $0x1FF, v37;
	_ =	sdelay $0x2  }
0x3f: {  	v40 =	vld.idx.msk [tilespmem:v36+s3+$0x0], $0xffff  }
0x40: {  	v39 =	vld.idx.msk [tilespmem:v36+s10+$0x0], $0xffff  }
0x41: {  	v38 =	vld.idx.msk [tilespmem:v37+s3+$0x0], $0xffff  }
0x42: {  	v37 =	vld.idx.msk [tilespmem:v37+s10+$0x0], $0xffff;
	_ =	swait.ge [sflag:s20], $0x2000  }
0x43: {  	[sflag:s20] =	ssyncset.done $0x0  }
0x44: {  	[sflag:s20] =	ssyncadd.s32 $0xFFFFE000  }
0x45: {  	_ =	swait.ge [sflag:s20], $0x2000  }
0x46: {  	(v2sf) =	vpush v40, $0x0  }
0x47: {  	(v2sf) =	vpush v39, $0x0;
	_ =	sdelay $0xd  }
0x48: {  	s2 =	spop (v2sf)  }
0x49: {  	s2 =	sand.u32 $0x7F, s2;
	s4 =	spop (v2sf)  }
0x4a: {  	s4 =	sand.u32 $0x7F, s4;
	v41 =	vor.u32 s2, v1  }
0x4b: {  	v42 =	vor.u32 s4, v1  }
0x4c: {  	v43 =	vor.u32 s2, v2  }
0x4d: {  	[sflag:s20] =	ssyncset.done $0x0;
	v44 =	vor.u32 s4, v2  }
0x4e: {  	[sflag:s20] =	ssyncadd.s32 $0xFFFFE000;
	v45 =	vor.u32 s2, v3  }
0x4f: {  	v46 =	vor.u32 s4, v3;
	v41 =	vld.idx.msk [tilespmem:v41+s12+$0x0], $0xffff  }
0x50: {  	(v2sf) =	vpush v40, $0x4;
	v47 =	vor.u32 s2, v4;
	v42 =	vld.idx.msk [tilespmem:v42+s13+$0x0], $0xffff  }
0x51: {  	(v2sf) =	vpush v39, $0x4;
	v48 =	vor.u32 s4, v4;
	v43 =	vld.idx.msk [tilespmem:v43+s12+$0x0], $0xffff  }
0x52: {  	v44 =	vld.idx.msk [tilespmem:v44+s13+$0x0], $0xffff  }
0x53: {  	v45 =	vld.idx.msk [tilespmem:v45+s12+$0x0], $0xffff  }
0x54: {  	v46 =	vld.idx.msk [tilespmem:v46+s13+$0x0], $0xffff  }
0x55: {  	v47 =	vld.idx.msk [tilespmem:v47+s12+$0x0], $0xffff;
	v49 =	vmul.f32 v42, v41  }
0x56: {  	v48 =	vld.idx.msk [tilespmem:v48+s13+$0x0], $0xffff  }
0x57: {  	v41 =	vmul.f32 v41, v41;
	v50 =	vmul.f32 v44, v43;
	v49 =	vadd.f32 $0.0e+00, v49  }
0x58: {  	v42 =	vmul.f32 v42, v42;
	v43 =	vmul.f32 v43, v43  }
0x59: {  	v44 =	vmul.f32 v44, v44;
	v62 =	vmul.f32 v46, v45;
	v49 =	vadd.f32 v50, v49  }
0x5a: {  	v63 =	vmul.f32 v45, v45;
	v51 =	vmul.f32 v46, v46;
	v41 =	vadd.f32 v43, v41  }
0x5b: {  	v52 =	vmul.f32 v48, v47;
	v42 =	vadd.f32 v44, v42;
	v50 =	vadd.f32 v62, v49  }
0x5c: {  	v53 =	vmul.f32 v47, v47;
	v41 =	vadd.f32 v63, v41  }
0x5d: {  	v54 =	vmul.f32 v48, v48;
	v42 =	vadd.f32 v51, v42;
	v44 =	vadd.f32 v52, v50  }
0x5e: {  	v41 =	vadd.f32 v53, v41  }
0x5f: {  	s29 =	spop (v2sf);
	v42 =	vadd.f32 v54, v42;
	[tilespmem:v0+s21+$0x0] =	vst.idx.msk $0xffff, v44  }
0x60: {  	s4 =	sand.u32 $0xFFFFF80, s29;
	s30 =	spop (v2sf);
	[tilespmem:v0+s22+$0x0] =	vst.idx.msk $0xffff, v41  }
0x61: {  	s2 =	sadd.s32 s0, s4;
	s5 =	sand.u32 $0xFFFFF80, s30;
	[tilespmem:v0+s23+$0x0] =	vst.idx.msk $0xffff, v42  }
0x62: {  	[tilespmem:s12], [sflag:$0x1] =	stream.strided.gather [hbm4b:s2+s12], $0x2000, s11, s12, $0x38;
	[tilespmem:$0x10A80] =	vst v63  }
0x63: {  	s2 =	sadd.s32 s1, s5  }
0x64: {  	[tilespmem:s13], [sflag:$0x1] =	stream.strided.gather [hbm4b:s2+s12], $0x2000, s11, s12, $0x38;
	[tilespmem:$0x10A80] =	vst v63  }
0x65: {  	_ =	swait.ge [sflag:s20], $0x2000  }
0x66: {  	[sflag:s20] =	ssyncset.done $0x0  }
0x67: {  	[sflag:s20] =	ssyncadd.s32 $0xFFFFE000  }
0x68: {  	_ =	swait.ge [sflag:s20], $0x2000  }
0x69: {  	(v2sf) =	vpush v40, $0x1  }
0x6a: {  	(v2sf) =	vpush v39, $0x1;
	_ =	sdelay $0xd  }
0x6b: {  	s6 =	spop (v2sf)  }
0x6c: {  	s2 =	sand.u32 $0x7F, s6;
	s7 =	spop (v2sf)  }
0x6d: {  	s4 =	sand.u32 $0x7F, s7;
	v55 =	vor.u32 s2, v1  }
0x6e: {  	v56 =	vor.u32 s4, v1  }
0x6f: {  	v57 =	vor.u32 s2, v2  }
0x70: {  	[sflag:s20] =	ssyncset.done $0x0;
	v58 =	vor.u32 s4, v2  }
0x71: {  	[sflag:s20] =	ssyncadd.s32 $0xFFFFE000;
	v59 =	vor.u32 s2, v3  }
0x72: {  	v60 =	vor.u32 s4, v3;
	v41 =	vld.idx.msk [tilespmem:v55+s14+$0x0], $0xffff  }
0x73: {  	(v2sf) =	vpush v40, $0x5;
	v61 =	vor.u32 s2, v4;
	v42 =	vld.idx.msk [tilespmem:v56+s15+$0x0], $0xffff  }
0x74: {  	(v2sf) =	vpush v39, $0x5;
	v62 =	vor.u32 s4, v4;
	v43 =	vld.idx.msk [tilespmem:v57+s14+$0x0], $0xffff  }
0x75: {  	v44 =	vld.idx.msk [tilespmem:v58+s15+$0x0], $0xffff  }
0x76: {  	v45 =	vld.idx.msk [tilespmem:v59+s14+$0x0], $0xffff  }
0x77: {  	v46 =	vld.idx.msk [tilespmem:v60+s15+$0x0], $0xffff  }
0x78: {  	v47 =	vld.idx.msk [tilespmem:v61+s14+$0x0], $0xffff;
	v63 =	vmul.f32 v42, v41  }
0x79: {  	v48 =	vld.idx.msk [tilespmem:v62+s15+$0x0], $0xffff  }
0x7a: {  	v41 =	vmul.f32 v41, v41;
	v52 =	vmul.f32 v44, v43;
	v49 =	vadd.f32 $0.0e+00, v63  }
0x7b: {  	v42 =	vmul.f32 v42, v42;
	v43 =	vmul.f32 v43, v43  }
0x7c: {  	v44 =	vmul.f32 v44, v44;
	v53 =	vmul.f32 v46, v45;
	v49 =	vadd.f32 v52, v49  }
0x7d: {  	v54 =	vmul.f32 v45, v45;
	v56 =	vmul.f32 v46, v46;
	v41 =	vadd.f32 v43, v41  }
0x7e: {  	v57 =	vmul.f32 v48, v47;
	v42 =	vadd.f32 v44, v42;
	v55 =	vadd.f32 v53, v49  }
0x7f: {  	v58 =	vmul.f32 v47, v47;
	v41 =	vadd.f32 v54, v41  }
0x80: {  	v59 =	vmul.f32 v48, v48;
	v42 =	vadd.f32 v56, v42;
	v44 =	vadd.f32 v57, v55  }
0x81: {  	v41 =	vadd.f32 v58, v41  }
0x82: {  	s31 =	spop (v2sf);
	v42 =	vadd.f32 v59, v42;
	[tilespmem:v5+s21+$0x0] =	vst.idx.msk $0xffff, v44  }
0x83: {  	s8 =	sand.u32 $0xFFFFF80, s31;
	s2 =	spop (v2sf);
	[tilespmem:v5+s22+$0x0] =	vst.idx.msk $0xffff, v41  }
0x84: {  	s4 =	sadd.s32 s0, s8;
	s5 =	sand.u32 $0xFFFFF80, s2;
	[tilespmem:v5+s23+$0x0] =	vst.idx.msk $0xffff, v42  }
0x85: {  	[tilespmem:s14], [sflag:$0x1] =	stream.strided.gather [hbm4b:s4+s12], $0x2000, s11, s12, $0x38;
	[tilespmem:$0x10A80] =	vst v63  }
0x86: {  	s4 =	sadd.s32 s1, s5  }
0x87: {  	[tilespmem:s15], [sflag:$0x1] =	stream.strided.gather [hbm4b:s4+s12], $0x2000, s11, s12, $0x38;
	[tilespmem:$0x10A80] =	vst v63  }
0x88: {  	_ =	swait.ge [sflag:s20], $0x2000  }
0x89: {  	[sflag:s20] =	ssyncset.done $0x0  }
0x8a: {  	[sflag:s20] =	ssyncadd.s32 $0xFFFFE000  }
0x8b: {  	_ =	swait.ge [sflag:s20], $0x2000  }
0x8c: {  	(v2sf) =	vpush v40, $0x2  }
0x8d: {  	(v2sf) =	vpush v39, $0x2;
	_ =	sdelay $0xd  }
0x8e: {  	s6 =	spop (v2sf)  }
0x8f: {  	s4 =	sand.u32 $0x7F, s6;
	s5 =	spop (v2sf)  }
0x90: {  	s5 =	sand.u32 $0x7F, s5;
	v60 =	vor.u32 s4, v1  }
0x91: {  	v61 =	vor.u32 s5, v1  }
0x92: {  	v62 =	vor.u32 s4, v2  }
0x93: {  	[sflag:s20] =	ssyncset.done $0x0;
	v63 =	vor.u32 s5, v2  }
0x94: {  	[sflag:s20] =	ssyncadd.s32 $0xFFFFE000;
	v52 =	vor.u32 s4, v3  }
0x95: {  	v53 =	vor.u32 s5, v3;
	v41 =	vld.idx.msk [tilespmem:v60+s16+$0x0], $0xffff  }
0x96: {  	(v2sf) =	vpush v40, $0x6;
	v54 =	vor.u32 s4, v4;
	v42 =	vld.idx.msk [tilespmem:v61+s17+$0x0], $0xffff  }
0x97: {  	(v2sf) =	vpush v39, $0x6;
	v55 =	vor.u32 s5, v4;
	v43 =	vld.idx.msk [tilespmem:v62+s16+$0x0], $0xffff  }
0x98: {  	v44 =	vld.idx.msk [tilespmem:v63+s17+$0x0], $0xffff  }
0x99: {  	v45 =	vld.idx.msk [tilespmem:v52+s16+$0x0], $0xffff  }
0x9a: {  	v46 =	vld.idx.msk [tilespmem:v53+s17+$0x0], $0xffff  }
0x9b: {  	v47 =	vld.idx.msk [tilespmem:v54+s16+$0x0], $0xffff;
	v56 =	vmul.f32 v42, v41  }
0x9c: {  	v48 =	vld.idx.msk [tilespmem:v55+s17+$0x0], $0xffff  }
0x9d: {  	v41 =	vmul.f32 v41, v41;
	v57 =	vmul.f32 v44, v43;
	v49 =	vadd.f32 $0.0e+00, v56  }
0x9e: {  	v42 =	vmul.f32 v42, v42;
	v43 =	vmul.f32 v43, v43  }
0x9f: {  	v44 =	vmul.f32 v44, v44;
	v58 =	vmul.f32 v46, v45;
	v49 =	vadd.f32 v57, v49  }
0xa0: {  	v59 =	vmul.f32 v45, v45;
	v61 =	vmul.f32 v46, v46;
	v41 =	vadd.f32 v43, v41  }
0xa1: {  	v62 =	vmul.f32 v48, v47;
	v42 =	vadd.f32 v44, v42;
	v60 =	vadd.f32 v58, v49  }
0xa2: {  	v63 =	vmul.f32 v47, v47;
	v41 =	vadd.f32 v59, v41  }
0xa3: {  	v42 =	vadd.f32 v61, v42;
	v49 =	vmul.f32 v48, v48;
	v44 =	vadd.f32 v62, v60  }
0xa4: {  	v41 =	vadd.f32 v63, v41  }
0xa5: {  	s4 =	spop (v2sf);
	v42 =	vadd.f32 v49, v42;
	[tilespmem:v6+s21+$0x0] =	vst.idx.msk $0xffff, v44  }
0xa6: {  	s6 =	sand.u32 $0xFFFFF80, s4;
	s5 =	spop (v2sf);
	[tilespmem:v6+s22+$0x0] =	vst.idx.msk $0xffff, v41  }
0xa7: {  	s6 =	sadd.s32 s0, s6;
	s7 =	sand.u32 $0xFFFFF80, s5;
	[tilespmem:v6+s23+$0x0] =	vst.idx.msk $0xffff, v42  }
0xa8: {  	[tilespmem:s16], [sflag:$0x1] =	stream.strided.gather [hbm4b:s6+s12], $0x2000, s11, s12, $0x38;
	[tilespmem:$0x10A80] =	vst v63  }
0xa9: {  	s6 =	sadd.s32 s1, s7  }
0xaa: {  	[tilespmem:s17], [sflag:$0x1] =	stream.strided.gather [hbm4b:s6+s12], $0x2000, s11, s12, $0x38;
	[tilespmem:$0x10A80] =	vst v63  }
0xab: {  	_ =	swait.ge [sflag:s20], $0x2000  }
0xac: {  	[sflag:s20] =	ssyncset.done $0x0  }
0xad: {  	[sflag:s20] =	ssyncadd.s32 $0xFFFFE000  }
0xae: {  	_ =	swait.ge [sflag:s20], $0x2000  }
0xaf: {  	(v2sf) =	vpush v40, $0x3  }
0xb0: {  	(v2sf) =	vpush v39, $0x3;
	_ =	sdelay $0xd  }
0xb1: {  	s8 =	spop (v2sf)  }
0xb2: {  	s6 =	sand.u32 $0x7F, s8;
	s7 =	spop (v2sf)  }
0xb3: {  	s7 =	sand.u32 $0x7F, s7;
	v50 =	vor.u32 s6, v1  }
0xb4: {  	v51 =	vor.u32 s7, v1  }
0xb5: {  	v52 =	vor.u32 s6, v2  }
0xb6: {  	[sflag:s20] =	ssyncset.done $0x0;
	v53 =	vor.u32 s7, v2  }
0xb7: {  	[sflag:s20] =	ssyncadd.s32 $0xFFFFE000;
	v54 =	vor.u32 s6, v3  }
0xb8: {  	v55 =	vor.u32 s7, v3;
	v41 =	vld.idx.msk [tilespmem:v50+s18+$0x0], $0xffff  }
0xb9: {  	(v2sf) =	vpush v40, $0x7;
	v56 =	vor.u32 s6, v4;
	v42 =	vld.idx.msk [tilespmem:v51+s19+$0x0], $0xffff  }
0xba: {  	v57 =	vor.u32 s7, v4;
	v43 =	vld.idx.msk [tilespmem:v52+s18+$0x0], $0xffff  }
0xbb: {  	(v2sf) =	vpush v39, $0x7;
	v44 =	vld.idx.msk [tilespmem:v53+s19+$0x0], $0xffff  }
0xbc: {  	v45 =	vld.idx.msk [tilespmem:v54+s18+$0x0], $0xffff  }
0xbd: {  	v46 =	vld.idx.msk [tilespmem:v55+s19+$0x0], $0xffff  }
0xbe: {  	v47 =	vld.idx.msk [tilespmem:v56+s18+$0x0], $0xffff;
	v58 =	vmul.f32 v42, v41  }
0xbf: {  	v48 =	vld.idx.msk [tilespmem:v57+s19+$0x0], $0xffff  }
0xc0: {  	v41 =	vmul.f32 v41, v41;
	v59 =	vmul.f32 v44, v43;
	v49 =	vadd.f32 $0.0e+00, v58  }
0xc1: {  	v42 =	vmul.f32 v42, v42;
	v43 =	vmul.f32 v43, v43  }
0xc2: {  	v44 =	vmul.f32 v44, v44;
	v60 =	vmul.f32 v46, v45;
	v49 =	vadd.f32 v59, v49  }
0xc3: {  	v61 =	vmul.f32 v45, v45;
	v63 =	vmul.f32 v46, v46;
	v41 =	vadd.f32 v43, v41  }
0xc4: {  	v42 =	vadd.f32 v44, v42;
	v62 =	vadd.f32 v60, v49;
	v49 =	vmul.f32 v48, v47  }
0xc5: {  	v50 =	vmul.f32 v47, v47;
	v41 =	vadd.f32 v61, v41  }
0xc6: {  	v51 =	vmul.f32 v48, v48;
	v42 =	vadd.f32 v63, v42;
	v44 =	vadd.f32 v49, v62  }
0xc7: {  	v41 =	vadd.f32 v50, v41  }
0xc8: {  	s6 =	spop (v2sf);
	v42 =	vadd.f32 v51, v42;
	[tilespmem:v7+s21+$0x0] =	vst.idx.msk $0xffff, v44  }
0xc9: {  	s8 =	sand.u32 $0xFFFFF80, s6;
	[tilespmem:v7+s22+$0x0] =	vst.idx.msk $0xffff, v41  }
0xca: {  	s7 =	spop (v2sf);
	s8 =	sadd.s32 s0, s8;
	[tilespmem:v7+s23+$0x0] =	vst.idx.msk $0xffff, v42  }
0xcb: {  	[tilespmem:s18], [sflag:$0x1] =	stream.strided.gather [hbm4b:s8+s12], $0x2000, s11, s12, $0x38;
	[tilespmem:$0x10A80] =	vst v63  }
0xcc: {  	s8 =	sand.u32 $0xFFFFF80, s7  }
0xcd: {  	s8 =	sadd.s32 s1, s8  }
0xce: {  	[tilespmem:s19], [sflag:$0x1] =	stream.strided.gather [hbm4b:s8+s12], $0x2000, s11, s12, $0x38;
	[tilespmem:$0x10A80] =	vst v63  }
0xcf: {  	s8 =	sand.u32 $0x7F, s29;
	_ =	swait.ge [sflag:s20], $0x2000  }
0xd0: {  	s30 =	sand.u32 $0x7F, s30;
	v52 =	vor.u32 s8, v1;
	[sflag:s20] =	ssyncset.done $0x0  }
0xd1: {  	v53 =	vor.u32 s30, v1;
	[sflag:s20] =	ssyncadd.s32 $0xFFFFE000  }
0xd2: {  	v54 =	vor.u32 s8, v2;
	_ =	swait.ge [sflag:s20], $0x2000  }
0xd3: {  	v55 =	vor.u32 s30, v2;
	[sflag:s20] =	ssyncset.done $0x0  }
0xd4: {  	v56 =	vor.u32 s8, v3;
	[sflag:s20] =	ssyncadd.s32 $0xFFFFE000  }
0xd5: {  	v57 =	vor.u32 s30, v3;
	v41 =	vld.idx.msk [tilespmem:v52+s12+$0x0], $0xffff  }
0xd6: {  	v58 =	vor.u32 s8, v4;
	(v2sf) =	vpush v40, $0x8;
	v42 =	vld.idx.msk [tilespmem:v53+s13+$0x0], $0xffff  }
0xd7: {  	v59 =	vor.u32 s30, v4;
	v43 =	vld.idx.msk [tilespmem:v54+s12+$0x0], $0xffff  }
0xd8: {  	(v2sf) =	vpush v39, $0x8;
	v44 =	vld.idx.msk [tilespmem:v55+s13+$0x0], $0xffff  }
0xd9: {  	v45 =	vld.idx.msk [tilespmem:v56+s12+$0x0], $0xffff  }
0xda: {  	v46 =	vld.idx.msk [tilespmem:v57+s13+$0x0], $0xffff  }
0xdb: {  	v47 =	vld.idx.msk [tilespmem:v58+s12+$0x0], $0xffff;
	v60 =	vmul.f32 v42, v41  }
0xdc: {  	v48 =	vld.idx.msk [tilespmem:v59+s13+$0x0], $0xffff  }
0xdd: {  	v41 =	vmul.f32 v41, v41;
	v61 =	vmul.f32 v44, v43;
	v49 =	vadd.f32 $0.0e+00, v60  }
0xde: {  	v42 =	vmul.f32 v42, v42;
	v43 =	vmul.f32 v43, v43  }
0xdf: {  	v44 =	vmul.f32 v44, v44;
	v62 =	vmul.f32 v46, v45;
	v49 =	vadd.f32 v61, v49  }
0xe0: {  	v63 =	vmul.f32 v45, v45;
	v51 =	vmul.f32 v46, v46;
	v41 =	vadd.f32 v43, v41  }
0xe1: {  	v52 =	vmul.f32 v48, v47;
	v42 =	vadd.f32 v44, v42;
	v50 =	vadd.f32 v62, v49  }
0xe2: {  	v53 =	vmul.f32 v47, v47;
	v41 =	vadd.f32 v63, v41  }
0xe3: {  	v54 =	vmul.f32 v48, v48;
	v42 =	vadd.f32 v51, v42;
	v44 =	vadd.f32 v52, v50  }
0xe4: {  	v41 =	vadd.f32 v53, v41  }
0xe5: {  	v42 =	vadd.f32 v54, v42;
	s29 =	spop (v2sf);
	[tilespmem:v8+s21+$0x0] =	vst.idx.msk $0xffff, v44  }
0xe6: {  	s8 =	sand.u32 $0xFFFFF80, s29;
	[tilespmem:v8+s22+$0x0] =	vst.idx.msk $0xffff, v41  }
0xe7: {  	s30 =	spop (v2sf);
	s8 =	sadd.s32 s0, s8;
	[tilespmem:v8+s23+$0x0] =	vst.idx.msk $0xffff, v42  }
0xe8: {  	[tilespmem:s12], [sflag:$0x1] =	stream.strided.gather [hbm4b:s8+s12], $0x2000, s11, s12, $0x38;
	[tilespmem:$0x10A80] =	vst v63  }
0xe9: {  	s8 =	sand.u32 $0xFFFFF80, s30  }
0xea: {  	s8 =	sadd.s32 s1, s8  }
0xeb: {  	[tilespmem:s13], [sflag:$0x1] =	stream.strided.gather [hbm4b:s8+s12], $0x2000, s11, s12, $0x38;
	[tilespmem:$0x10A80] =	vst v63  }
0xec: {  	s31 =	sand.u32 $0x7F, s31;
	_ =	swait.ge [sflag:s20], $0x2000  }
0xed: {  	s2 =	sand.u32 $0x7F, s2;
	v55 =	vor.u32 s31, v1;
	[sflag:s20] =	ssyncset.done $0x0  }
0xee: {  	v56 =	vor.u32 s2, v1;
	[sflag:s20] =	ssyncadd.s32 $0xFFFFE000  }
0xef: {  	v57 =	vor.u32 s31, v2;
	_ =	swait.ge [sflag:s20], $0x2000  }
0xf0: {  	v58 =	vor.u32 s2, v2;
	[sflag:s20] =	ssyncset.done $0x0  }
0xf1: {  	v59 =	vor.u32 s31, v3;
	[sflag:s20] =	ssyncadd.s32 $0xFFFFE000  }
0xf2: {  	v60 =	vor.u32 s2, v3;
	v41 =	vld.idx.msk [tilespmem:v55+s14+$0x0], $0xffff  }
0xf3: {  	v61 =	vor.u32 s31, v4;
	(v2sf) =	vpush v40, $0x9;
	v42 =	vld.idx.msk [tilespmem:v56+s15+$0x0], $0xffff  }
0xf4: {  	v62 =	vor.u32 s2, v4;
	v43 =	vld.idx.msk [tilespmem:v57+s14+$0x0], $0xffff  }
0xf5: {  	(v2sf) =	vpush v39, $0x9;
	v44 =	vld.idx.msk [tilespmem:v58+s15+$0x0], $0xffff  }
0xf6: {  	v45 =	vld.idx.msk [tilespmem:v59+s14+$0x0], $0xffff  }
0xf7: {  	v46 =	vld.idx.msk [tilespmem:v60+s15+$0x0], $0xffff  }
0xf8: {  	v47 =	vld.idx.msk [tilespmem:v61+s14+$0x0], $0xffff;
	v63 =	vmul.f32 v42, v41  }
0xf9: {  	v48 =	vld.idx.msk [tilespmem:v62+s15+$0x0], $0xffff  }
0xfa: {  	v41 =	vmul.f32 v41, v41;
	v52 =	vmul.f32 v44, v43;
	v49 =	vadd.f32 $0.0e+00, v63  }
0xfb: {  	v42 =	vmul.f32 v42, v42;
	v43 =	vmul.f32 v43, v43  }
0xfc: {  	v44 =	vmul.f32 v44, v44;
	v53 =	vmul.f32 v46, v45;
	v49 =	vadd.f32 v52, v49  }
0xfd: {  	v54 =	vmul.f32 v45, v45;
	v56 =	vmul.f32 v46, v46;
	v41 =	vadd.f32 v43, v41  }
0xfe: {  	v57 =	vmul.f32 v48, v47;
	v42 =	vadd.f32 v44, v42;
	v55 =	vadd.f32 v53, v49  }
0xff: {  	v58 =	vmul.f32 v47, v47;
	v41 =	vadd.f32 v54, v41  }
0x100: {  	v59 =	vmul.f32 v48, v48;
	v42 =	vadd.f32 v56, v42;
	v44 =	vadd.f32 v57, v55  }
0x101: {  	v41 =	vadd.f32 v58, v41  }
0x102: {  	v42 =	vadd.f32 v59, v42;
	s2 =	spop (v2sf);
	[tilespmem:v9+s21+$0x0] =	vst.idx.msk $0xffff, v44  }
0x103: {  	s8 =	sand.u32 $0xFFFFF80, s2;
	[tilespmem:v9+s22+$0x0] =	vst.idx.msk $0xffff, v41  }
0x104: {  	s31 =	spop (v2sf);
	s8 =	sadd.s32 s0, s8;
	[tilespmem:v9+s23+$0x0] =	vst.idx.msk $0xffff, v42  }
0x105: {  	[tilespmem:s14], [sflag:$0x1] =	stream.strided.gather [hbm4b:s8+s12], $0x2000, s11, s12, $0x38;
	[tilespmem:$0x10A80] =	vst v63  }
0x106: {  	s8 =	sand.u32 $0xFFFFF80, s31  }
0x107: {  	s8 =	sadd.s32 s1, s8  }
0x108: {  	[tilespmem:s15], [sflag:$0x1] =	stream.strided.gather [hbm4b:s8+s12], $0x2000, s11, s12, $0x38;
	[tilespmem:$0x10A80] =	vst v63  }
0x109: {  	s4 =	sand.u32 $0x7F, s4;
	_ =	swait.ge [sflag:s20], $0x2000  }
0x10a: {  	s5 =	sand.u32 $0x7F, s5;
	v60 =	vor.u32 s4, v1;
	[sflag:s20] =	ssyncset.done $0x0  }
0x10b: {  	v61 =	vor.u32 s5, v1;
	[sflag:s20] =	ssyncadd.s32 $0xFFFFE000  }
0x10c: {  	v62 =	vor.u32 s4, v2;
	_ =	swait.ge [sflag:s20], $0x2000  }
0x10d: {  	v63 =	vor.u32 s5, v2;
	[sflag:s20] =	ssyncset.done $0x0  }
0x10e: {  	v52 =	vor.u32 s4, v3;
	[sflag:s20] =	ssyncadd.s32 $0xFFFFE000  }
0x10f: {  	v53 =	vor.u32 s5, v3;
	v41 =	vld.idx.msk [tilespmem:v60+s16+$0x0], $0xffff  }
0x110: {  	v54 =	vor.u32 s4, v4;
	(v2sf) =	vpush v40, $0xA;
	v42 =	vld.idx.msk [tilespmem:v61+s17+$0x0], $0xffff  }
0x111: {  	v55 =	vor.u32 s5, v4;
	v43 =	vld.idx.msk [tilespmem:v62+s16+$0x0], $0xffff  }
0x112: {  	(v2sf) =	vpush v39, $0xA;
	v44 =	vld.idx.msk [tilespmem:v63+s17+$0x0], $0xffff  }
0x113: {  	v45 =	vld.idx.msk [tilespmem:v52+s16+$0x0], $0xffff  }
0x114: {  	v46 =	vld.idx.msk [tilespmem:v53+s17+$0x0], $0xffff  }
0x115: {  	v47 =	vld.idx.msk [tilespmem:v54+s16+$0x0], $0xffff;
	v56 =	vmul.f32 v42, v41  }
0x116: {  	v48 =	vld.idx.msk [tilespmem:v55+s17+$0x0], $0xffff  }
0x117: {  	v41 =	vmul.f32 v41, v41;
	v57 =	vmul.f32 v44, v43;
	v49 =	vadd.f32 $0.0e+00, v56  }
0x118: {  	v42 =	vmul.f32 v42, v42;
	v43 =	vmul.f32 v43, v43  }
0x119: {  	v44 =	vmul.f32 v44, v44;
	v58 =	vmul.f32 v46, v45;
	v49 =	vadd.f32 v57, v49  }
0x11a: {  	v59 =	vmul.f32 v45, v45;
	v61 =	vmul.f32 v46, v46;
	v41 =	vadd.f32 v43, v41  }
0x11b: {  	v62 =	vmul.f32 v48, v47;
	v42 =	vadd.f32 v44, v42;
	v60 =	vadd.f32 v58, v49  }
0x11c: {  	v63 =	vmul.f32 v47, v47;
	v41 =	vadd.f32 v59, v41  }
0x11d: {  	v48 =	vmul.f32 v48, v48;
	v42 =	vadd.f32 v61, v42;
	v44 =	vadd.f32 v62, v60  }
0x11e: {  	v41 =	vadd.f32 v63, v41  }
0x11f: {  	v42 =	vadd.f32 v48, v42;
	s4 =	spop (v2sf);
	[tilespmem:v10+s21+$0x0] =	vst.idx.msk $0xffff, v44  }
0x120: {  	s5 =	sand.u32 $0xFFFFF80, s4;
	[tilespmem:v10+s22+$0x0] =	vst.idx.msk $0xffff, v41  }
0x121: {  	s8 =	spop (v2sf);
	s5 =	sadd.s32 s0, s5;
	[tilespmem:v10+s23+$0x0] =	vst.idx.msk $0xffff, v42  }
0x122: {  	[tilespmem:s16], [sflag:$0x1] =	stream.strided.gather [hbm4b:s5+s12], $0x2000, s11, s12, $0x38;
	[tilespmem:$0x10A80] =	vst v63  }
0x123: {  	s5 =	sand.u32 $0xFFFFF80, s8  }
0x124: {  	s5 =	sadd.s32 s1, s5  }
0x125: {  	[tilespmem:s17], [sflag:$0x1] =	stream.strided.gather [hbm4b:s5+s12], $0x2000, s11, s12, $0x38;
	[tilespmem:$0x10A80] =	vst v63  }
0x126: {  	s6 =	sand.u32 $0x7F, s6;
	_ =	swait.ge [sflag:s20], $0x2000  }
0x127: {  	s7 =	sand.u32 $0x7F, s7;
	v49 =	vor.u32 s6, v1;
	[sflag:s20] =	ssyncset.done $0x0  }
0x128: {  	v50 =	vor.u32 s7, v1;
	[sflag:s20] =	ssyncadd.s32 $0xFFFFE000  }
0x129: {  	v51 =	vor.u32 s6, v2;
	_ =	swait.ge [sflag:s20], $0x2000  }
0x12a: {  	v52 =	vor.u32 s7, v2;
	[sflag:s20] =	ssyncset.done $0x0  }
0x12b: {  	v53 =	vor.u32 s6, v3;
	[sflag:s20] =	ssyncadd.s32 $0xFFFFE000  }
0x12c: {  	v54 =	vor.u32 s7, v3;
	v41 =	vld.idx.msk [tilespmem:v49+s18+$0x0], $0xffff  }
0x12d: {  	v55 =	vor.u32 s6, v4;
	(v2sf) =	vpush v40, $0xB;
	v42 =	vld.idx.msk [tilespmem:v50+s19+$0x0], $0xffff  }
0x12e: {  	v56 =	vor.u32 s7, v4;
	v43 =	vld.idx.msk [tilespmem:v51+s18+$0x0], $0xffff  }
0x12f: {  	(v2sf) =	vpush v39, $0xB;
	v44 =	vld.idx.msk [tilespmem:v52+s19+$0x0], $0xffff  }
0x130: {  	v45 =	vld.idx.msk [tilespmem:v53+s18+$0x0], $0xffff  }
0x131: {  	v46 =	vld.idx.msk [tilespmem:v54+s19+$0x0], $0xffff  }
0x132: {  	v47 =	vld.idx.msk [tilespmem:v55+s18+$0x0], $0xffff;
	v57 =	vmul.f32 v42, v41  }
0x133: {  	v48 =	vld.idx.msk [tilespmem:v56+s19+$0x0], $0xffff  }
0x134: {  	v41 =	vmul.f32 v41, v41;
	v58 =	vmul.f32 v44, v43;
	v49 =	vadd.f32 $0.0e+00, v57  }
0x135: {  	v42 =	vmul.f32 v42, v42;
	v43 =	vmul.f32 v43, v43  }
0x136: {  	v44 =	vmul.f32 v44, v44;
	v59 =	vmul.f32 v46, v45;
	v49 =	vadd.f32 v58, v49  }
0x137: {  	v60 =	vmul.f32 v45, v45;
	v62 =	vmul.f32 v46, v46;
	v41 =	vadd.f32 v43, v41  }
0x138: {  	v63 =	vmul.f32 v48, v47;
	v42 =	vadd.f32 v44, v42;
	v61 =	vadd.f32 v59, v49  }
0x139: {  	v41 =	vadd.f32 v60, v41;
	v49 =	vmul.f32 v47, v47  }
0x13a: {  	v50 =	vmul.f32 v48, v48;
	v42 =	vadd.f32 v62, v42;
	v44 =	vadd.f32 v63, v61  }
0x13b: {  	v41 =	vadd.f32 v49, v41  }
0x13c: {  	v42 =	vadd.f32 v50, v42;
	s5 =	spop (v2sf);
	[tilespmem:v11+s21+$0x0] =	vst.idx.msk $0xffff, v44  }
0x13d: {  	s6 =	sand.u32 $0xFFFFF80, s5;
	[tilespmem:v11+s22+$0x0] =	vst.idx.msk $0xffff, v41  }
0x13e: {  	s7 =	spop (v2sf);
	s6 =	sadd.s32 s0, s6;
	[tilespmem:v11+s23+$0x0] =	vst.idx.msk $0xffff, v42  }
0x13f: {  	[tilespmem:s18], [sflag:$0x1] =	stream.strided.gather [hbm4b:s6+s12], $0x2000, s11, s12, $0x38;
	[tilespmem:$0x10A80] =	vst v63  }
0x140: {  	s6 =	sand.u32 $0xFFFFF80, s7  }
0x141: {  	s6 =	sadd.s32 s1, s6  }
0x142: {  	[tilespmem:s19], [sflag:$0x1] =	stream.strided.gather [hbm4b:s6+s12], $0x2000, s11, s12, $0x38;
	[tilespmem:$0x10A80] =	vst v63  }
0x143: {  	s6 =	sand.u32 $0x7F, s29;
	_ =	swait.ge [sflag:s20], $0x2000  }
0x144: {  	s30 =	sand.u32 $0x7F, s30;
	v51 =	vor.u32 s6, v1;
	[sflag:s20] =	ssyncset.done $0x0  }
0x145: {  	v52 =	vor.u32 s30, v1;
	[sflag:s20] =	ssyncadd.s32 $0xFFFFE000  }
0x146: {  	v53 =	vor.u32 s6, v2;
	_ =	swait.ge [sflag:s20], $0x2000  }
0x147: {  	v54 =	vor.u32 s30, v2;
	[sflag:s20] =	ssyncset.done $0x0  }
0x148: {  	v55 =	vor.u32 s6, v3;
	[sflag:s20] =	ssyncadd.s32 $0xFFFFE000  }
0x149: {  	v56 =	vor.u32 s30, v3;
	v41 =	vld.idx.msk [tilespmem:v51+s12+$0x0], $0xffff  }
0x14a: {  	v57 =	vor.u32 s6, v4;
	v42 =	vld.idx.msk [tilespmem:v52+s13+$0x0], $0xffff  }
0x14b: {  	v58 =	vor.u32 s30, v4;
	(v2sf) =	vpush v40, $0xC;
	v43 =	vld.idx.msk [tilespmem:v53+s12+$0x0], $0xffff  }
0x14c: {  	v44 =	vld.idx.msk [tilespmem:v54+s13+$0x0], $0xffff  }
0x14d: {  	(v2sf) =	vpush v39, $0xC;
	v45 =	vld.idx.msk [tilespmem:v55+s12+$0x0], $0xffff  }
0x14e: {  	v46 =	vld.idx.msk [tilespmem:v56+s13+$0x0], $0xffff  }
0x14f: {  	v47 =	vld.idx.msk [tilespmem:v57+s12+$0x0], $0xffff  }
0x150: {  	v48 =	vld.idx.msk [tilespmem:v58+s13+$0x0], $0xffff;
	v59 =	vmul.f32 v42, v41;
	_ =	sdelay $0x1  }
0x151: {  	v41 =	vmul.f32 v41, v41;
	v60 =	vmul.f32 v44, v43;
	v49 =	vadd.f32 $0.0e+00, v59  }
0x152: {  	v42 =	vmul.f32 v42, v42;
	v43 =	vmul.f32 v43, v43  }
0x153: {  	v44 =	vmul.f32 v44, v44;
	v61 =	vmul.f32 v46, v45;
	v49 =	vadd.f32 v60, v49  }
0x154: {  	v62 =	vmul.f32 v45, v45;
	v50 =	vmul.f32 v48, v47;
	v41 =	vadd.f32 v43, v41  }
0x155: {  	v42 =	vadd.f32 v44, v42;
	v63 =	vadd.f32 v61, v49;
	v49 =	vmul.f32 v46, v46  }
0x156: {  	v51 =	vmul.f32 v47, v47;
	v41 =	vadd.f32 v62, v41  }
0x157: {  	v52 =	vmul.f32 v48, v48;
	v42 =	vadd.f32 v49, v42;
	v44 =	vadd.f32 v50, v63  }
0x158: {  	v41 =	vadd.f32 v51, v41  }
0x159: {  	s6 =	spop (v2sf);
	v42 =	vadd.f32 v52, v42;
	[tilespmem:v12+s21+$0x0] =	vst.idx.msk $0xffff, v44  }
0x15a: {  	s30 =	sand.u32 $0xFFFFF80, s6;
	[tilespmem:v12+s22+$0x0] =	vst.idx.msk $0xffff, v41  }
0x15b: {  	s29 =	spop (v2sf);
	s30 =	sadd.s32 s0, s30;
	[tilespmem:v12+s23+$0x0] =	vst.idx.msk $0xffff, v42  }
0x15c: {  	[tilespmem:s12], [sflag:$0x1] =	stream.strided.gather [hbm4b:s30+s12], $0x2000, s11, s12, $0x38;
	[tilespmem:$0x10A80] =	vst v63  }
0x15d: {  	s30 =	sand.u32 $0xFFFFF80, s29  }
0x15e: {  	s30 =	sadd.s32 s1, s30  }
0x15f: {  	[tilespmem:s13], [sflag:$0x1] =	stream.strided.gather [hbm4b:s30+s12], $0x2000, s11, s12, $0x38;
	[tilespmem:$0x10A80] =	vst v63  }
0x160: {  	s2 =	sand.u32 $0x7F, s2;
	_ =	swait.ge [sflag:s20], $0x2000  }
0x161: {  	s31 =	sand.u32 $0x7F, s31;
	v53 =	vor.u32 s2, v1;
	[sflag:s20] =	ssyncset.done $0x0  }
0x162: {  	v54 =	vor.u32 s31, v1;
	[sflag:s20] =	ssyncadd.s32 $0xFFFFE000  }
0x163: {  	v55 =	vor.u32 s2, v2;
	_ =	swait.ge [sflag:s20], $0x2000  }
0x164: {  	v56 =	vor.u32 s31, v2;
	[sflag:s20] =	ssyncset.done $0x0  }
0x165: {  	v57 =	vor.u32 s2, v3;
	[sflag:s20] =	ssyncadd.s32 $0xFFFFE000  }
0x166: {  	v58 =	vor.u32 s31, v3;
	v41 =	vld.idx.msk [tilespmem:v53+s14+$0x0], $0xffff  }
0x167: {  	v59 =	vor.u32 s2, v4;
	(v2sf) =	vpush v40, $0xD;
	v42 =	vld.idx.msk [tilespmem:v54+s15+$0x0], $0xffff  }
0x168: {  	v60 =	vor.u32 s31, v4;
	v43 =	vld.idx.msk [tilespmem:v55+s14+$0x0], $0xffff  }
0x169: {  	(v2sf) =	vpush v39, $0xD;
	v44 =	vld.idx.msk [tilespmem:v56+s15+$0x0], $0xffff  }
0x16a: {  	v45 =	vld.idx.msk [tilespmem:v57+s14+$0x0], $0xffff  }
0x16b: {  	v46 =	vld.idx.msk [tilespmem:v58+s15+$0x0], $0xffff  }
0x16c: {  	v47 =	vld.idx.msk [tilespmem:v59+s14+$0x0], $0xffff;
	v61 =	vmul.f32 v42, v41  }
0x16d: {  	v48 =	vld.idx.msk [tilespmem:v60+s15+$0x0], $0xffff  }
0x16e: {  	v41 =	vmul.f32 v41, v41;
	v62 =	vmul.f32 v44, v43;
	v49 =	vadd.f32 $0.0e+00, v61  }
0x16f: {  	v42 =	vmul.f32 v42, v42;
	v43 =	vmul.f32 v43, v43  }
0x170: {  	v44 =	vmul.f32 v44, v44;
	v63 =	vmul.f32 v46, v45;
	v49 =	vadd.f32 v62, v49  }
0x171: {  	v51 =	vmul.f32 v45, v45;
	v53 =	vmul.f32 v46, v46;
	v41 =	vadd.f32 v43, v41  }
0x172: {  	v54 =	vmul.f32 v48, v47;
	v42 =	vadd.f32 v44, v42;
	v52 =	vadd.f32 v63, v49  }
0x173: {  	v55 =	vmul.f32 v47, v47;
	v41 =	vadd.f32 v51, v41  }
0x174: {  	v56 =	vmul.f32 v48, v48;
	v42 =	vadd.f32 v53, v42;
	v44 =	vadd.f32 v54, v52  }
0x175: {  	v41 =	vadd.f32 v55, v41  }
0x176: {  	v42 =	vadd.f32 v56, v42;
	s2 =	spop (v2sf);
	[tilespmem:v13+s21+$0x0] =	vst.idx.msk $0xffff, v44  }
0x177: {  	s31 =	sand.u32 $0xFFFFF80, s2;
	[tilespmem:v13+s22+$0x0] =	vst.idx.msk $0xffff, v41  }
0x178: {  	s30 =	spop (v2sf);
	s31 =	sadd.s32 s0, s31;
	[tilespmem:v13+s23+$0x0] =	vst.idx.msk $0xffff, v42  }
0x179: {  	[tilespmem:s14], [sflag:$0x1] =	stream.strided.gather [hbm4b:s31+s12], $0x2000, s11, s12, $0x38;
	[tilespmem:$0x10A80] =	vst v63  }
0x17a: {  	s31 =	sand.u32 $0xFFFFF80, s30  }
0x17b: {  	s31 =	sadd.s32 s1, s31  }
0x17c: {  	[tilespmem:s15], [sflag:$0x1] =	stream.strided.gather [hbm4b:s31+s12], $0x2000, s11, s12, $0x38;
	[tilespmem:$0x10A80] =	vst v63  }
0x17d: {  	s4 =	sand.u32 $0x7F, s4;
	_ =	swait.ge [sflag:s20], $0x2000  }
0x17e: {  	s8 =	sand.u32 $0x7F, s8;
	v57 =	vor.u32 s4, v1;
	[sflag:s20] =	ssyncset.done $0x0  }
0x17f: {  	v58 =	vor.u32 s8, v1;
	[sflag:s20] =	ssyncadd.s32 $0xFFFFE000  }
0x180: {  	v59 =	vor.u32 s4, v2;
	_ =	swait.ge [sflag:s20], $0x2000  }
0x181: {  	v60 =	vor.u32 s8, v2;
	[sflag:s20] =	ssyncset.done $0x0  }
0x182: {  	v61 =	vor.u32 s4, v3;
	[sflag:s20] =	ssyncadd.s32 $0xFFFFE000  }
0x183: {  	v62 =	vor.u32 s8, v3;
	v41 =	vld.idx.msk [tilespmem:v57+s16+$0x0], $0xffff  }
0x184: {  	v63 =	vor.u32 s4, v4;
	(v2sf) =	vpush v40, $0xE;
	v42 =	vld.idx.msk [tilespmem:v58+s17+$0x0], $0xffff  }
0x185: {  	v52 =	vor.u32 s8, v4;
	v43 =	vld.idx.msk [tilespmem:v59+s16+$0x0], $0xffff  }
0x186: {  	(v2sf) =	vpush v39, $0xE;
	v44 =	vld.idx.msk [tilespmem:v60+s17+$0x0], $0xffff  }
0x187: {  	v45 =	vld.idx.msk [tilespmem:v61+s16+$0x0], $0xffff  }
0x188: {  	v46 =	vld.idx.msk [tilespmem:v62+s17+$0x0], $0xffff  }
0x189: {  	v47 =	vld.idx.msk [tilespmem:v63+s16+$0x0], $0xffff;
	v53 =	vmul.f32 v42, v41  }
0x18a: {  	v48 =	vld.idx.msk [tilespmem:v52+s17+$0x0], $0xffff  }
0x18b: {  	v41 =	vmul.f32 v41, v41;
	v54 =	vmul.f32 v44, v43;
	v49 =	vadd.f32 $0.0e+00, v53  }
0x18c: {  	v42 =	vmul.f32 v42, v42;
	v43 =	vmul.f32 v43, v43  }
0x18d: {  	v44 =	vmul.f32 v44, v44;
	v55 =	vmul.f32 v46, v45;
	v49 =	vadd.f32 v54, v49  }
0x18e: {  	v56 =	vmul.f32 v45, v45;
	v58 =	vmul.f32 v46, v46;
	v41 =	vadd.f32 v43, v41  }
0x18f: {  	v59 =	vmul.f32 v48, v47;
	v42 =	vadd.f32 v44, v42;
	v57 =	vadd.f32 v55, v49  }
0x190: {  	v60 =	vmul.f32 v47, v47;
	v41 =	vadd.f32 v56, v41  }
0x191: {  	v61 =	vmul.f32 v48, v48;
	v42 =	vadd.f32 v58, v42;
	v44 =	vadd.f32 v59, v57  }
0x192: {  	v41 =	vadd.f32 v60, v41  }
0x193: {  	v42 =	vadd.f32 v61, v42;
	s4 =	spop (v2sf);
	[tilespmem:v14+s21+$0x0] =	vst.idx.msk $0xffff, v44  }
0x194: {  	s31 =	sand.u32 $0xFFFFF80, s4;
	[tilespmem:v14+s22+$0x0] =	vst.idx.msk $0xffff, v41  }
0x195: {  	s8 =	spop (v2sf);
	s31 =	sadd.s32 s0, s31;
	[tilespmem:v14+s23+$0x0] =	vst.idx.msk $0xffff, v42  }
0x196: {  	[tilespmem:s16], [sflag:$0x1] =	stream.strided.gather [hbm4b:s31+s12], $0x2000, s11, s12, $0x38;
	[tilespmem:$0x10A80] =	vst v63  }
0x197: {  	s31 =	sand.u32 $0xFFFFF80, s8  }
0x198: {  	s31 =	sadd.s32 s1, s31  }
0x199: {  	[tilespmem:s17], [sflag:$0x1] =	stream.strided.gather [hbm4b:s31+s12], $0x2000, s11, s12, $0x38;
	[tilespmem:$0x10A80] =	vst v63  }
0x19a: {  	s5 =	sand.u32 $0x7F, s5;
	_ =	swait.ge [sflag:s20], $0x2000  }
0x19b: {  	s7 =	sand.u32 $0x7F, s7;
	v62 =	vor.u32 s5, v1;
	[sflag:s20] =	ssyncset.done $0x0  }
0x19c: {  	v63 =	vor.u32 s7, v1;
	[sflag:s20] =	ssyncadd.s32 $0xFFFFE000  }
0x19d: {  	v48 =	vor.u32 s5, v2;
	_ =	swait.ge [sflag:s20], $0x2000  }
0x19e: {  	v49 =	vor.u32 s7, v2;
	[sflag:s20] =	ssyncset.done $0x0  }
0x19f: {  	v50 =	vor.u32 s5, v3;
	[sflag:s20] =	ssyncadd.s32 $0xFFFFE000  }
0x1a0: {  	v51 =	vor.u32 s7, v3;
	v41 =	vld.idx.msk [tilespmem:v62+s18+$0x0], $0xffff  }
0x1a1: {  	v52 =	vor.u32 s5, v4;
	(v2sf) =	vpush v40, $0xF;
	v42 =	vld.idx.msk [tilespmem:v63+s19+$0x0], $0xffff  }
0x1a2: {  	v54 =	vor.u32 s7, v4;
	v53 =	vld.idx.msk [tilespmem:v48+s18+$0x0], $0xffff  }
0x1a3: {  	(v2sf) =	vpush v39, $0xF;
	v44 =	vld.idx.msk [tilespmem:v49+s19+$0x0], $0xffff  }
0x1a4: {  	v55 =	vld.idx.msk [tilespmem:v50+s18+$0x0], $0xffff  }
0x1a5: {  	v56 =	vld.idx.msk [tilespmem:v51+s19+$0x0], $0xffff  }
0x1a6: {  	v47 =	vld.idx.msk [tilespmem:v52+s18+$0x0], $0xffff;
	v57 =	vmul.f32 v42, v41  }
0x1a7: {  	v43 =	vld.idx.msk [tilespmem:v54+s19+$0x0], $0xffff  }
0x1a8: {  	v41 =	vmul.f32 v41, v41;
	v58 =	vmul.f32 v44, v53;
	v46 =	vadd.f32 $0.0e+00, v57  }
0x1a9: {  	v42 =	vmul.f32 v42, v42;
	v40 =	vmul.f32 v53, v53  }
0x1aa: {  	v44 =	vmul.f32 v44, v44;
	v59 =	vmul.f32 v56, v55;
	v46 =	vadd.f32 v58, v46  }
0x1ab: {  	v39 =	vmul.f32 v55, v55;
	v62 =	vmul.f32 v56, v56;
	v40 =	vadd.f32 v40, v41  }
0x1ac: {  	v63 =	vmul.f32 v43, v47;
	v60 =	vadd.f32 v44, v42;
	v61 =	vadd.f32 v59, v46  }
0x1ad: {  	v47 =	vmul.f32 v47, v47;
	v39 =	vadd.f32 v39, v40  }
0x1ae: {  	v43 =	vmul.f32 v43, v43;
	v41 =	vadd.f32 v62, v60;
	v42 =	vadd.f32 v63, v61  }
0x1af: {  	v39 =	vadd.f32 v47, v39  }
0x1b0: {  	v48 =	vadd.f32 v43, v41;
	s5 =	spop (v2sf);
	[tilespmem:v15+s21+$0x0] =	vst.idx.msk $0xffff, v42  }
0x1b1: {  	s31 =	sand.u32 $0xFFFFF80, s5;
	[tilespmem:v15+s22+$0x0] =	vst.idx.msk $0xffff, v39  }
0x1b2: {  	s7 =	spop (v2sf);
	s31 =	sadd.s32 s0, s31;
	[tilespmem:v15+s23+$0x0] =	vst.idx.msk $0xffff, v48  }
0x1b3: {  	[tilespmem:s18], [sflag:$0x1] =	stream.strided.gather [hbm4b:s31+s12], $0x2000, s11, s12, $0x38;
	[tilespmem:$0x10A80] =	vst v63  }
0x1b4: {  	s31 =	sand.u32 $0xFFFFF80, s7  }
0x1b5: {  	s31 =	sadd.s32 s1, s31  }
0x1b6: {  	[tilespmem:s19], [sflag:$0x1] =	stream.strided.gather [hbm4b:s31+s12], $0x2000, s11, s12, $0x38;
	[tilespmem:$0x10A80] =	vst v63  }
0x1b7: {  	s6 =	sand.u32 $0x7F, s6;
	_ =	swait.ge [sflag:s20], $0x2000  }
0x1b8: {  	s29 =	sand.u32 $0x7F, s29;
	v49 =	vor.u32 s6, v1;
	[sflag:s20] =	ssyncset.done $0x0  }
0x1b9: {  	v50 =	vor.u32 s29, v1;
	[sflag:s20] =	ssyncadd.s32 $0xFFFFE000  }
0x1ba: {  	v51 =	vor.u32 s6, v2;
	_ =	swait.ge [sflag:s20], $0x2000  }
0x1bb: {  	v52 =	vor.u32 s29, v2;
	[sflag:s20] =	ssyncset.done $0x0  }
0x1bc: {  	v53 =	vor.u32 s6, v3;
	[sflag:s20] =	ssyncadd.s32 $0xFFFFE000  }
0x1bd: {  	v54 =	vor.u32 s29, v3;
	v39 =	vld.idx.msk [tilespmem:v49+s12+$0x0], $0xffff  }
0x1be: {  	v55 =	vor.u32 s6, v4;
	(v2sf) =	vpush v38, $0x0;
	v40 =	vld.idx.msk [tilespmem:v50+s13+$0x0], $0xffff  }
0x1bf: {  	v56 =	vor.u32 s29, v4;
	v41 =	vld.idx.msk [tilespmem:v51+s12+$0x0], $0xffff  }
0x1c0: {  	(v2sf) =	vpush v37, $0x0;
	v42 =	vld.idx.msk [tilespmem:v52+s13+$0x0], $0xffff  }
0x1c1: {  	v43 =	vld.idx.msk [tilespmem:v53+s12+$0x0], $0xffff  }
0x1c2: {  	v44 =	vld.idx.msk [tilespmem:v54+s13+$0x0], $0xffff  }
0x1c3: {  	v45 =	vld.idx.msk [tilespmem:v55+s12+$0x0], $0xffff;
	v57 =	vmul.f32 v40, v39  }
0x1c4: {  	v46 =	vld.idx.msk [tilespmem:v56+s13+$0x0], $0xffff  }
0x1c5: {  	v39 =	vmul.f32 v39, v39;
	v58 =	vmul.f32 v42, v41;
	v47 =	vadd.f32 $0.0e+00, v57  }
0x1c6: {  	v40 =	vmul.f32 v40, v40;
	v41 =	vmul.f32 v41, v41  }
0x1c7: {  	v42 =	vmul.f32 v42, v42;
	v59 =	vmul.f32 v44, v43;
	v47 =	vadd.f32 v58, v47  }
0x1c8: {  	v60 =	vmul.f32 v43, v43;
	v62 =	vmul.f32 v44, v44;
	v39 =	vadd.f32 v41, v39  }
0x1c9: {  	v63 =	vmul.f32 v46, v45;
	v40 =	vadd.f32 v42, v40;
	v61 =	vadd.f32 v59, v47  }
0x1ca: {  	v39 =	vadd.f32 v60, v39;
	v47 =	vmul.f32 v45, v45  }
0x1cb: {  	v48 =	vmul.f32 v46, v46;
	v40 =	vadd.f32 v62, v40;
	v42 =	vadd.f32 v63, v61  }
0x1cc: {  	v39 =	vadd.f32 v47, v39  }
0x1cd: {  	v40 =	vadd.f32 v48, v40;
	s31 =	spop (v2sf);
	[tilespmem:v16+s21+$0x0] =	vst.idx.msk $0xffff, v42  }
0x1ce: {  	s6 =	sand.u32 $0xFFFFF80, s31;
	[tilespmem:v16+s22+$0x0] =	vst.idx.msk $0xffff, v39  }
0x1cf: {  	s29 =	spop (v2sf);
	s6 =	sadd.s32 s0, s6;
	[tilespmem:v16+s23+$0x0] =	vst.idx.msk $0xffff, v40  }
0x1d0: {  	[tilespmem:s12], [sflag:$0x1] =	stream.strided.gather [hbm4b:s6+s12], $0x2000, s11, s12, $0x38;
	[tilespmem:$0x10A80] =	vst v63  }
0x1d1: {  	s6 =	sand.u32 $0xFFFFF80, s29  }
0x1d2: {  	s6 =	sadd.s32 s1, s6  }
0x1d3: {  	[tilespmem:s13], [sflag:$0x1] =	stream.strided.gather [hbm4b:s6+s12], $0x2000, s11, s12, $0x38;
	[tilespmem:$0x10A80] =	vst v63  }
0x1d4: {  	s2 =	sand.u32 $0x7F, s2;
	_ =	swait.ge [sflag:s20], $0x2000  }
0x1d5: {  	v49 =	vor.u32 s2, v1;
	s31 =	sand.u32 $0x7F, s30;
	[sflag:s20] =	ssyncset.done $0x0  }
0x1d6: {  	v50 =	vor.u32 s31, v1;
	[sflag:s20] =	ssyncadd.s32 $0xFFFFE000  }
0x1d7: {  	v51 =	vor.u32 s2, v2;
	_ =	swait.ge [sflag:s20], $0x2000  }
0x1d8: {  	v52 =	vor.u32 s31, v2;
	[sflag:s20] =	ssyncset.done $0x0  }
0x1d9: {  	v53 =	vor.u32 s2, v3;
	[sflag:s20] =	ssyncadd.s32 $0xFFFFE000  }
0x1da: {  	v54 =	vor.u32 s31, v3;
	v39 =	vld.idx.msk [tilespmem:v49+s14+$0x0], $0xffff  }
0x1db: {  	v55 =	vor.u32 s2, v4;
	(v2sf) =	vpush v38, $0x1;
	v40 =	vld.idx.msk [tilespmem:v50+s15+$0x0], $0xffff  }
0x1dc: {  	v56 =	vor.u32 s31, v4;
	v41 =	vld.idx.msk [tilespmem:v51+s14+$0x0], $0xffff  }
0x1dd: {  	(v2sf) =	vpush v37, $0x1;
	v42 =	vld.idx.msk [tilespmem:v52+s15+$0x0], $0xffff  }
0x1de: {  	v43 =	vld.idx.msk [tilespmem:v53+s14+$0x0], $0xffff  }
0x1df: {  	v44 =	vld.idx.msk [tilespmem:v54+s15+$0x0], $0xffff  }
0x1e0: {  	v45 =	vld.idx.msk [tilespmem:v55+s14+$0x0], $0xffff;
	v57 =	vmul.f32 v40, v39  }
0x1e1: {  	v46 =	vld.idx.msk [tilespmem:v56+s15+$0x0], $0xffff  }
0x1e2: {  	v39 =	vmul.f32 v39, v39;
	v58 =	vmul.f32 v42, v41;
	v47 =	vadd.f32 $0.0e+00, v57  }
0x1e3: {  	v40 =	vmul.f32 v40, v40;
	v41 =	vmul.f32 v41, v41  }
0x1e4: {  	v42 =	vmul.f32 v42, v42;
	v59 =	vmul.f32 v44, v43;
	v47 =	vadd.f32 v58, v47  }
0x1e5: {  	v60 =	vmul.f32 v43, v43;
	v62 =	vmul.f32 v44, v44;
	v39 =	vadd.f32 v41, v39  }
0x1e6: {  	v63 =	vmul.f32 v46, v45;
	v40 =	vadd.f32 v42, v40;
	v61 =	vadd.f32 v59, v47  }
0x1e7: {  	v39 =	vadd.f32 v60, v39;
	v47 =	vmul.f32 v45, v45  }
0x1e8: {  	v48 =	vmul.f32 v46, v46;
	v40 =	vadd.f32 v62, v40;
	v42 =	vadd.f32 v63, v61  }
0x1e9: {  	v39 =	vadd.f32 v47, v39  }
0x1ea: {  	v40 =	vadd.f32 v48, v40;
	s6 =	spop (v2sf);
	[tilespmem:v18+s21+$0x0] =	vst.idx.msk $0xffff, v42  }
0x1eb: {  	s2 =	sand.u32 $0xFFFFF80, s6;
	[tilespmem:v18+s22+$0x0] =	vst.idx.msk $0xffff, v39  }
0x1ec: {  	s29 =	spop (v2sf);
	s2 =	sadd.s32 s0, s2;
	[tilespmem:v18+s23+$0x0] =	vst.idx.msk $0xffff, v40  }
0x1ed: {  	[tilespmem:s14], [sflag:$0x1] =	stream.strided.gather [hbm4b:s2+s12], $0x2000, s11, s12, $0x38;
	[tilespmem:$0x10A80] =	vst v63  }
0x1ee: {  	s2 =	sand.u32 $0xFFFFF80, s29  }
0x1ef: {  	s2 =	sadd.s32 s1, s2  }
0x1f0: {  	[tilespmem:s15], [sflag:$0x1] =	stream.strided.gather [hbm4b:s2+s12], $0x2000, s11, s12, $0x38;
	[tilespmem:$0x10A80] =	vst v63  }
0x1f1: {  	s30 =	sand.u32 $0x7F, s4;
	_ =	swait.ge [sflag:s20], $0x2000  }
0x1f2: {  	s31 =	sand.u32 $0x7F, s8;
	v49 =	vor.u32 s30, v1;
	[sflag:s20] =	ssyncset.done $0x0  }
0x1f3: {  	v50 =	vor.u32 s31, v1;
	[sflag:s20] =	ssyncadd.s32 $0xFFFFE000  }
0x1f4: {  	v51 =	vor.u32 s30, v2;
	_ =	swait.ge [sflag:s20], $0x2000  }
0x1f5: {  	v52 =	vor.u32 s31, v2;
	[sflag:s20] =	ssyncset.done $0x0  }
0x1f6: {  	v53 =	vor.u32 s30, v3;
	[sflag:s20] =	ssyncadd.s32 $0xFFFFE000  }
0x1f7: {  	v54 =	vor.u32 s31, v3;
	v39 =	vld.idx.msk [tilespmem:v49+s16+$0x0], $0xffff  }
0x1f8: {  	v55 =	vor.u32 s30, v4;
	(v2sf) =	vpush v38, $0x2;
	v40 =	vld.idx.msk [tilespmem:v50+s17+$0x0], $0xffff  }
0x1f9: {  	v56 =	vor.u32 s31, v4;
	v41 =	vld.idx.msk [tilespmem:v51+s16+$0x0], $0xffff  }
0x1fa: {  	(v2sf) =	vpush v37, $0x2;
	v42 =	vld.idx.msk [tilespmem:v52+s17+$0x0], $0xffff  }
0x1fb: {  	v43 =	vld.idx.msk [tilespmem:v53+s16+$0x0], $0xffff  }
0x1fc: {  	v44 =	vld.idx.msk [tilespmem:v54+s17+$0x0], $0xffff  }
0x1fd: {  	v45 =	vld.idx.msk [tilespmem:v55+s16+$0x0], $0xffff;
	v57 =	vmul.f32 v40, v39  }
0x1fe: {  	v46 =	vld.idx.msk [tilespmem:v56+s17+$0x0], $0xffff  }
0x1ff: {  	v39 =	vmul.f32 v39, v39;
	v58 =	vmul.f32 v42, v41;
	v47 =	vadd.f32 $0.0e+00, v57  }
0x200: {  	v40 =	vmul.f32 v40, v40;
	v41 =	vmul.f32 v41, v41  }
0x201: {  	v42 =	vmul.f32 v42, v42;
	v59 =	vmul.f32 v44, v43;
	v47 =	vadd.f32 v58, v47  }
0x202: {  	v60 =	vmul.f32 v43, v43;
	v62 =	vmul.f32 v44, v44;
	v39 =	vadd.f32 v41, v39  }
0x203: {  	v63 =	vmul.f32 v46, v45;
	v40 =	vadd.f32 v42, v40;
	v61 =	vadd.f32 v59, v47  }
0x204: {  	v39 =	vadd.f32 v60, v39;
	v47 =	vmul.f32 v45, v45  }
0x205: {  	v48 =	vmul.f32 v46, v46;
	v40 =	vadd.f32 v62, v40;
	v42 =	vadd.f32 v63, v61  }
0x206: {  	v39 =	vadd.f32 v47, v39  }
0x207: {  	v40 =	vadd.f32 v48, v40;
	s4 =	spop (v2sf);
	[tilespmem:v19+s21+$0x0] =	vst.idx.msk $0xffff, v42  }
0x208: {  	s2 =	sand.u32 $0xFFFFF80, s4;
	[tilespmem:v19+s22+$0x0] =	vst.idx.msk $0xffff, v39  }
0x209: {  	s6 =	spop (v2sf);
	s2 =	sadd.s32 s0, s2;
	[tilespmem:v19+s23+$0x0] =	vst.idx.msk $0xffff, v40  }
0x20a: {  	[tilespmem:s16], [sflag:$0x1] =	stream.strided.gather [hbm4b:s2+s12], $0x2000, s11, s12, $0x38;
	[tilespmem:$0x10A80] =	vst v63  }
0x20b: {  	s2 =	sand.u32 $0xFFFFF80, s6  }
0x20c: {  	s2 =	sadd.s32 s1, s2  }
0x20d: {  	[tilespmem:s17], [sflag:$0x1] =	stream.strided.gather [hbm4b:s2+s12], $0x2000, s11, s12, $0x38;
	[tilespmem:$0x10A80] =	vst v63  }
0x20e: {  	s8 =	sand.u32 $0x7F, s5;
	_ =	swait.ge [sflag:s20], $0x2000  }
0x20f: {  	s29 =	sand.u32 $0x7F, s7;
	v49 =	vor.u32 s8, v1;
	[sflag:s20] =	ssyncset.done $0x0  }
0x210: {  	v50 =	vor.u32 s29, v1;
	[sflag:s20] =	ssyncadd.s32 $0xFFFFE000  }
0x211: {  	v51 =	vor.u32 s8, v2;
	_ =	swait.ge [sflag:s20], $0x2000  }
0x212: {  	v52 =	vor.u32 s29, v2;
	[sflag:s20] =	ssyncset.done $0x0  }
0x213: {  	v53 =	vor.u32 s8, v3;
	[sflag:s20] =	ssyncadd.s32 $0xFFFFE000  }
0x214: {  	v54 =	vor.u32 s29, v3;
	v39 =	vld.idx.msk [tilespmem:v49+s18+$0x0], $0xffff  }
0x215: {  	v55 =	vor.u32 s8, v4;
	(v2sf) =	vpush v38, $0x3;
	v40 =	vld.idx.msk [tilespmem:v50+s19+$0x0], $0xffff  }
0x216: {  	v57 =	vor.u32 s29, v4;
	v56 =	vld.idx.msk [tilespmem:v51+s18+$0x0], $0xffff  }
0x217: {  	(v2sf) =	vpush v37, $0x3;
	v42 =	vld.idx.msk [tilespmem:v52+s19+$0x0], $0xffff  }
0x218: {  	v43 =	vld.idx.msk [tilespmem:v53+s18+$0x0], $0xffff  }
0x219: {  	v44 =	vld.idx.msk [tilespmem:v54+s19+$0x0], $0xffff  }
0x21a: {  	v45 =	vld.idx.msk [tilespmem:v55+s18+$0x0], $0xffff;
	v58 =	vmul.f32 v40, v39  }
0x21b: {  	v41 =	vld.idx.msk [tilespmem:v57+s19+$0x0], $0xffff  }
0x21c: {  	v39 =	vmul.f32 v39, v39;
	v59 =	vmul.f32 v42, v56;
	v37 =	vadd.f32 $0.0e+00, v58  }
0x21d: {  	v40 =	vmul.f32 v40, v40;
	v38 =	vmul.f32 v56, v56  }
0x21e: {  	v42 =	vmul.f32 v42, v42;
	v60 =	vmul.f32 v44, v43;
	v37 =	vadd.f32 v59, v37  }
0x21f: {  	v62 =	vmul.f32 v43, v43;
	v63 =	vmul.f32 v44, v44;
	v38 =	vadd.f32 v38, v39  }
0x220: {  	v46 =	vmul.f32 v41, v45;
	v61 =	vadd.f32 v42, v40;
	v37 =	vadd.f32 v60, v37  }
0x221: {  	v47 =	vmul.f32 v45, v45;
	v38 =	vadd.f32 v62, v38  }
0x222: {  	v41 =	vmul.f32 v41, v41;
	v39 =	vadd.f32 v63, v61;
	v37 =	vadd.f32 v46, v37  }
0x223: {  	v38 =	vadd.f32 v47, v38  }
0x224: {  	v39 =	vadd.f32 v41, v39;
	s30 =	spop (v2sf);
	[tilespmem:v20+s21+$0x0] =	vst.idx.msk $0xffff, v37  }
0x225: {  	s2 =	sand.u32 $0xFFFFF80, s30;
	[tilespmem:v20+s22+$0x0] =	vst.idx.msk $0xffff, v38  }
0x226: {  	s31 =	spop (v2sf);
	s2 =	sadd.s32 s0, s2;
	[tilespmem:v20+s23+$0x0] =	vst.idx.msk $0xffff, v39  }
0x227: {  	[tilespmem:s18], [sflag:$0x1] =	stream.strided.gather [hbm4b:s2+s12], $0x2000, s11, s12, $0x38;
	[tilespmem:$0x10A80] =	vst v63  }
0x228: {  	s2 =	sand.u32 $0xFFFFF80, s31  }
0x229: {  	s2 =	sadd.s32 s1, s2  }
0x22a: {  	[tilespmem:s19], [sflag:$0x1] =	stream.strided.gather [hbm4b:s2+s12], $0x2000, s11, s12, $0x38;
	[tilespmem:$0x10A80] =	vst v63  }
0x22b: {  	v37 =	vld.idx.msk [tilespmem:v17+s21+$0x0], $0xffff  }
0x22c: {  	v38 =	vld.idx.msk [tilespmem:v17+s22+$0x0], $0xffff  }
0x22d: {  	v39 =	vld.idx.msk [tilespmem:v17+s23+$0x0], $0xffff  }
0x22e: {  	v40 =	vld.idx.msk [tilespmem:v21+s21+$0x0], $0xffff  }
0x22f: {  	v48 =	vld.idx.msk [tilespmem:v21+s22+$0x0], $0xffff  }
0x230: {  	v49 =	vld.idx.msk [tilespmem:v21+s23+$0x0], $0xffff  }
0x231: {  	v50 =	vld.idx.msk [tilespmem:v22+s22+$0x0], $0xffff  }
0x232: {  	v51 =	vld.idx.msk [tilespmem:v22+s23+$0x0], $0xffff  }
0x233: {  	v52 =	vld.idx.msk [tilespmem:v23+s22+$0x0], $0xffff;
	v38 =	vadd.f32 $0.0e+00, v38;
	v39 =	vadd.f32 $0.0e+00, v39  }
0x234: {  	v53 =	vld.idx.msk [tilespmem:v23+s23+$0x0], $0xffff  }
0x235: {  	v54 =	vld.idx.msk [tilespmem:v24+s22+$0x0], $0xffff;
	v38 =	vadd.f32 v48, v38;
	v39 =	vadd.f32 v49, v39  }
0x236: {  	v55 =	vld.idx.msk [tilespmem:v24+s23+$0x0], $0xffff  }
0x237: {  	v56 =	vld.idx.msk [tilespmem:v25+s22+$0x0], $0xffff;
	v38 =	vadd.f32 v50, v38;
	v39 =	vadd.f32 v51, v39  }
0x238: {  	v57 =	vld.idx.msk [tilespmem:v25+s23+$0x0], $0xffff  }
0x239: {  	v58 =	vld.idx.msk [tilespmem:v26+s22+$0x0], $0xffff;
	v38 =	vadd.f32 v52, v38;
	v39 =	vadd.f32 v53, v39  }
0x23a: {  	v59 =	vld.idx.msk [tilespmem:v26+s23+$0x0], $0xffff  }
0x23b: {  	v60 =	vld.idx.msk [tilespmem:v27+s22+$0x0], $0xffff;
	v38 =	vadd.f32 v54, v38;
	v39 =	vadd.f32 v55, v39  }
0x23c: {  	v61 =	vld.idx.msk [tilespmem:v27+s23+$0x0], $0xffff  }
0x23d: {  	v62 =	vld.idx.msk [tilespmem:v28+s22+$0x0], $0xffff;
	v38 =	vadd.f32 v56, v38;
	v39 =	vadd.f32 v57, v39  }
0x23e: {  	v63 =	vld.idx.msk [tilespmem:v28+s23+$0x0], $0xffff  }
0x23f: {  	v48 =	vld.idx.msk [tilespmem:v29+s22+$0x0], $0xffff;
	v38 =	vadd.f32 v58, v38;
	v39 =	vadd.f32 v59, v39  }
0x240: {  	v49 =	vld.idx.msk [tilespmem:v29+s23+$0x0], $0xffff  }
0x241: {  	v50 =	vld.idx.msk [tilespmem:v30+s22+$0x0], $0xffff;
	v38 =	vadd.f32 v60, v38;
	v39 =	vadd.f32 v61, v39  }
0x242: {  	v51 =	vld.idx.msk [tilespmem:v30+s23+$0x0], $0xffff  }
0x243: {  	v52 =	vld.idx.msk [tilespmem:v31+s22+$0x0], $0xffff;
	v38 =	vadd.f32 v62, v38;
	v39 =	vadd.f32 v63, v39  }
0x244: {  	v53 =	vld.idx.msk [tilespmem:v31+s23+$0x0], $0xffff  }
0x245: {  	v54 =	vld.idx.msk [tilespmem:v32+s22+$0x0], $0xffff;
	v38 =	vadd.f32 v48, v38;
	v39 =	vadd.f32 v49, v39  }
0x246: {  	v55 =	vld.idx.msk [tilespmem:v32+s23+$0x0], $0xffff  }
0x247: {  	v56 =	vld.idx.msk [tilespmem:v33+s22+$0x0], $0xffff;
	v38 =	vadd.f32 v50, v38;
	v39 =	vadd.f32 v51, v39  }
0x248: {  	v57 =	vld.idx.msk [tilespmem:v33+s23+$0x0], $0xffff  }
0x249: {  	v58 =	vld.idx.msk [tilespmem:v34+s22+$0x0], $0xffff;
	v38 =	vadd.f32 v52, v38;
	v39 =	vadd.f32 v53, v39  }
0x24a: {  	v59 =	vld.idx.msk [tilespmem:v34+s23+$0x0], $0xffff  }
0x24b: {  	v60 =	vld.idx.msk [tilespmem:v35+s22+$0x0], $0xffff;
	v38 =	vadd.f32 v54, v38;
	v39 =	vadd.f32 v55, v39  }
0x24c: {  	v61 =	vld.idx.msk [tilespmem:v35+s23+$0x0], $0xffff  }
0x24d: {  	v38 =	vadd.f32 v56, v38;
	v39 =	vadd.f32 v57, v39  }
0x24e: {  	v37 =	vadd.f32 $0.0e+00, v37;
	v62 =	vld.idx.msk [tilespmem:v22+s21+$0x0], $0xffff  }
0x24f: {  	v38 =	vadd.f32 v58, v38;
	v39 =	vadd.f32 v59, v39  }
0x250: {  	v37 =	vadd.f32 v40, v37;
	v63 =	vld.idx.msk [tilespmem:v23+s21+$0x0], $0xffff  }
0x251: {  	v38 =	vadd.f32 v60, v38;
	v39 =	vadd.f32 v61, v39  }
0x252: {  	v46 =	vld.idx.msk [tilespmem:v24+s21+$0x0], $0xffff  }
0x253: {  	v37 =	vadd.f32 v62, v37;
	v38 =	vmul.f32 v39, v38  }
0x254: {  	v47 =	vld.idx.msk [tilespmem:v25+s21+$0x0], $0xffff  }
0x255: {  	v37 =	vadd.f32 v63, v37;
	v48 =	vshra.s32 v38, $0x1;
	v38 =	vmul.f32 $5.000000000e-01, v38  }
0x256: {  	v49 =	vld.idx.msk [tilespmem:v26+s21+$0x0], $0xffff;
	v40 =	vsub.s32 $0x5F3759DF, v48  }
0x257: {  	v37 =	vadd.f32 v46, v37;
	v50 =	vmul.f32 v40, v38  }
0x258: {  	v51 =	vld.idx.msk [tilespmem:v27+s21+$0x0], $0xffff  }
0x259: {  	v37 =	vadd.f32 v47, v37;
	v52 =	vmul.f32 v40, v50  }
0x25a: {  	v53 =	vld.idx.msk [tilespmem:v28+s21+$0x0], $0xffff  }
0x25b: {  	v37 =	vadd.f32 v49, v37;
	v39 =	vsub.f32 $1.500000000e+00, v52  }
0x25c: {  	v54 =	vld.idx.msk [tilespmem:v29+s21+$0x0], $0xffff  }
0x25d: {  	v37 =	vadd.f32 v51, v37;
	v39 =	vmul.f32 v40, v39  }
0x25e: {  	v55 =	vld.idx.msk [tilespmem:v30+s21+$0x0], $0xffff  }
0x25f: {  	v37 =	vadd.f32 v53, v37;
	v56 =	vmul.f32 v39, v38  }
0x260: {  	v57 =	vld.idx.msk [tilespmem:v31+s21+$0x0], $0xffff  }
0x261: {  	v37 =	vadd.f32 v54, v37;
	v58 =	vmul.f32 v56, v39  }
0x262: {  	v59 =	vld.idx.msk [tilespmem:v32+s21+$0x0], $0xffff  }
0x263: {  	v37 =	vadd.f32 v55, v37;
	v60 =	vsub.f32 $1.500000000e+00, v58  }
0x264: {  	v61 =	vld.idx.msk [tilespmem:v33+s21+$0x0], $0xffff  }
0x265: {  	v37 =	vadd.f32 v57, v37;
	v39 =	vmul.f32 v60, v39  }
0x266: {  	v62 =	vld.idx.msk [tilespmem:v34+s21+$0x0], $0xffff  }
0x267: {  	v37 =	vadd.f32 v59, v37;
	v38 =	vmul.f32 v39, v38  }
0x268: {  	v63 =	vld.idx.msk [tilespmem:v35+s21+$0x0], $0xffff  }
0x269: {  	v37 =	vadd.f32 v61, v37;
	v38 =	vmul.f32 v38, v39;
	_ =	sdelay $0x1  }
0x26a: {  	v37 =	vadd.f32 v62, v37;
	v38 =	vsub.f32 $1.500000000e+00, v38  }
0x26b: {  	p0 =	sne.s32 s26, $0x1F0  }
.Ltmp0:
0x26c: {  	v37 =	vadd.f32 v63, v37;
	v38 =	vmul.f32 v38, v39;
	(pc) =	sbr.rel @p0 .LBB2_2-.Ltmp0, $3  }
0x26d: {  	_ = 	snop  }
0x26e: {  	v37 =	vmul.f32 v38, v37;
	_ =	sdelay $0x1  }
0x26f: {  	s26 =	smov.u32 s28;
	[tilespmem:v36+s24+$0x0] =	vst.idx.msk $0xffff, v37  }
0x270: {  	_ =	swait.ge [sflag:s20], $0x2000  }
0x271: {  	[sflag:s20] =	ssyncset.done $0x0  }
0x272: {  	[sflag:s20] =	ssyncadd.s32 $0xFFFFE000  }
0x273: {  	_ =	swait.ge [sflag:s20], $0x2000  }
0x274: {  	[sflag:s20] =	ssyncset.done $0x0  }
0x275: {  	[sflag:s20] =	ssyncadd.s32 $0xFFFFE000  }
0x276: {  	_ =	swait.ge [sflag:s20], $0x2000  }
0x277: {  	[sflag:s20] =	ssyncset.done $0x0  }
0x278: {  	[sflag:s20] =	ssyncadd.s32 $0xFFFFE000  }
0x279: {  	_ =	swait.ge [sflag:s20], $0x2000  }
0x27a: {  	[sflag:s20] =	ssyncset.done $0x0  }
0x27b: {  	[sflag:s20] =	ssyncadd.s32 $0xFFFFE000  }
0x27c: {  	_ =	swait.ge [sflag:s20], $0x2000  }
0x27d: {  	[sflag:s20] =	ssyncset.done $0x0  }
0x27e: {  	[sflag:s20] =	ssyncadd.s32 $0xFFFFE000  }
0x27f: {  	_ =	swait.ge [sflag:s20], $0x2000  }
0x280: {  	[sflag:s20] =	ssyncset.done $0x0  }
0x281: {  	[sflag:s20] =	ssyncadd.s32 $0xFFFFE000  }
0x282: {  	_ =	swait.ge [sflag:s20], $0x2000  }
0x283: {  	[sflag:s20] =	ssyncset.done $0x0  }
0x284: {  	[sflag:s20] =	ssyncadd.s32 $0xFFFFE000  }
0x285: {  	_ =	swait.ge [sflag:s20], $0x2000  }
0x286: {  	[sflag:s20] =	ssyncset.done $0x0  }
0x287: {  	s2 =	rddreg [dreg:$0x8];
	[sflag:s20] =	ssyncadd.s32 $0xFFFFE000  }
0x288: {  	[hbm4b:s2+s3] =	stream.linear.scatter [tilespmem:s24], [sflag:$0x2], $0x200, $0x38;
	[tilespmem:$0x10A80] =	vst v63  }
0x289: {  	_ =	swait.ge [sflag:s9], $0x200  }
0x28a: {  	s25 =	sadd.s32 $0x1, s25;
	s31 =	rddreg [dreg:$0x9]  }
0x28b: {  	p0 =	sne.s32 s25, s31  }
.Ltmp1:
0x28c: {  	_ = 	snop;
	(pc) =	sbr.rel @p0 .LBB2_1-.Ltmp1, $3  }
0x28d: {  	_ =	sdelay $0x1  }
0x28e: {  	[sflag:s9] =	ssyncset.done $0x0  }
0x28f: {  	[sflag:s9] =	ssyncadd.s32 $0xFFFFFE00  }
0x290: {  	_ =	sfence.sel $0x180000  }
0x291: {  	[bflag:$0x0] =	sbarrier.arrive $0xFFFF  }
0x292: {  	_ =	strace $0x90000047  }
0x293: {  	s0 =	stileid.u32;
	[bflag:$0x2] =	sbarrier.arrive $0xFFFF  }
0x294: {  	p0 =	sne.s32 s0, $0x0;
	s0 =	rddreg [dreg:$0x5]  }
0x295: {  	s0 =	sadd.s32 @!p0 $0x100000, s0  }
0x296: {  	[sflag:s0] =	ssyncadd.tile.s32 @!p0 $0x1;
	_ =	shalt  }
.Lfunc_end2:
_tile_overlayer_lowered:
.L_overlay_start_2:
0x297: {  	(tag) =	ssettag $0x2  }
0x298: {  	s0 =	rddreg [dreg:$0x0];
	s2 =	stileid.u32  }
0x299: {  	s1 =	rddreg [dreg:$0x1];
	p0 =	sne.s32 s2, $0x0  }
0x29a: {  	s3 =	rddreg [dreg:$0x2];
	[bflag:$0x3] =	sbarrier.arrive $0xFFFF;
	s2 =	simm.s32 @!p0 $0x1C02  }
0x29b: {  	[timem:s3], [sflag:s2] =	dma.local @!p0 [hbm:s0], s1  }
0x29c: {  	s0 =	simm.s32 @!p0 $0x2  }
0x29d: {  	_ =	swait.ge @!p0 [sflag:s0], s1  }
0x29e: {  	s1 =	ssub.s32 @!p0 $0x0, s1;
	[sflag:s0] =	ssyncset.done @!p0 $0x0  }
0x29f: {  	[sflag:s0] =	ssyncadd.s32 @!p0 s1  }
0x2a0: {  	[bflag:$0x3] =	sbarrier.arrive $0xFFFF  }
0x2a1: {  	_ =	shalt  }

</sc_bundles>
